<compile_context>
chip_gen: v7x
topology: tpu7x:2x2x1
jax: 0.10.2.dev20260603
libtpu: 0.0.44.dev20260713+nightly
codegen_flags: <defaults>
</compile_context>

<pallas_src>
import functools

import jax
import jax.numpy as jnp
from jax import lax
from jax.experimental import pallas as pl
from jax.experimental.pallas import tpu as pltpu
from jax.experimental.pallas import tpu_sc as plsc

N = 16384
C = 20
NBINS = 8
NMC = 4
NSC = 10
NT = 32
CHS = N // NT
NV = CHS // 16

_AAT = 0
_MCP = _AAT + C
_MCL = _MCP + 3 * NMC
_SCP = _MCL + 3 * NMC
_SCL = _SCP + 3 * NSC
_MSK = _SCL + 3 * NSC
_CAP = _MSK + NSC
_CAL = _CAP + 3
_NROWS = _CAL + 3

_F32 = jnp.float32
_I32 = jnp.int32
_LN2 = 0.6931471805599453


def _rsqrt(x):
    i = lax.bitcast_convert_type(x, _I32)
    i = jnp.int32(0x5F3759DF) - lax.shift_right_arithmetic(i, 1)
    y = lax.bitcast_convert_type(i, _F32)
    for _ in range(3):
        y = y * (1.5 - 0.5 * x * y * y)
    return y


def _sqrt(x):
    xs = jnp.maximum(x, 1e-30)
    return x * _rsqrt(xs)


def _log(x):
    xi = lax.bitcast_convert_type(x, _I32)
    e = lax.shift_right_arithmetic(xi, 23) - 127
    mi = lax.bitwise_or(lax.bitwise_and(xi, jnp.int32(0x007FFFFF)),
                        jnp.int32(0x3F800000))
    m = lax.bitcast_convert_type(mi, _F32)
    big = m > 1.4142135
    m = jnp.where(big, m * 0.5, m)
    e = jnp.where(big, e + 1, e)
    t = (m - 1.0) / (m + 1.0)
    t2 = t * t
    p = 2.0 * t * (1.0 + t2 * (1.0 / 3.0 + t2 * (0.2 + t2 * (1.0 / 7.0))))
    return p + e.astype(_F32) * _LN2


def _tree_max(vs):
    while len(vs) > 1:
        nxt = [jnp.maximum(vs[i], vs[i + 1]) for i in range(0, len(vs) - 1, 2)]
        if len(vs) % 2:
            nxt.append(vs[-1])
        vs = nxt
    return vs[0]


def _tree_sum(vs):
    while len(vs) > 1:
        nxt = [vs[i] + vs[i + 1] for i in range(0, len(vs) - 1, 2)]
        if len(vs) % 2:
            nxt.append(vs[-1])
        vs = nxt
    return vs[0]


def _zeros8():
    return tuple(jnp.zeros((16,), _F32) for _ in range(8))


def _accum(accs, cnts, b, val):
    na, nc = [], []
    for k in range(8):
        msk = b == k
        na.append(accs[k] + jnp.where(msk, val, 0.0))
        nc.append(cnts[k] + jnp.where(msk, 1.0, 0.0))
    return tuple(na), tuple(nc)


def _halves(iota, lo_list, hi_list):
    vec = jnp.zeros((16,), _F32)
    for k in range(8):
        vec = jnp.where(iota == k, jnp.sum(lo_list[k]), vec)
        vec = jnp.where(iota == (k + 8), jnp.sum(hi_list[k]), vec)
    return vec


def _sc_body(aat_h, mcp_h, mcl_h, scp_h, scl_h, msk_h, cap_h, cal_h,
             lab_h, ia_h, im_h, isc_h, ic_h, out_h,
             aat_v, mcp_v, mcl_v, scp_v, scl_v, msk_v, cap_v, cal_v,
             lab_v, ia_v, im_v, isc_v, ic_v, part_v, sem):
    wid = lax.axis_index("s") * 2 + lax.axis_index("c")
    iota = lax.iota(_I32, 16)
    tok0 = wid * CHS

    d_a = [pltpu.async_copy(aat_h.at[:, pl.ds(tok0, CHS)], aat_v, sem),
           pltpu.async_copy(lab_h.at[pl.ds(tok0, CHS)], lab_v, sem),
           pltpu.async_copy(ia_h.at[pl.ds(tok0, CHS)], ia_v, sem)]
    d_m = [pltpu.async_copy(mcp_h.at[:, :, pl.ds(tok0, CHS)], mcp_v, sem),
           pltpu.async_copy(mcl_h.at[:, :, pl.ds(tok0, CHS)], mcl_v, sem),
           pltpu.async_copy(im_h.at[pl.ds(tok0, CHS)], im_v, sem)]
    d_s = [pltpu.async_copy(scp_h.at[:, :, pl.ds(tok0, CHS)], scp_v, sem),
           pltpu.async_copy(scl_h.at[:, :, pl.ds(tok0, CHS)], scl_v, sem),
           pltpu.async_copy(msk_h.at[:, pl.ds(tok0, CHS)], msk_v, sem),
           pltpu.async_copy(isc_h.at[pl.ds(tok0, CHS)], isc_v, sem)]
    d_c = [pltpu.async_copy(cap_h.at[:, pl.ds(tok0, CHS)], cap_v, sem),
           pltpu.async_copy(cal_h.at[:, pl.ds(tok0, CHS)], cal_v, sem),
           pltpu.async_copy(ic_h.at[pl.ds(tok0, CHS)], ic_v, sem)]
    for d in d_a:
        d.wait()

    def aat_body(i, carry):
        accs, cnts = carry
        base = i * 16
        b = ia_v[pl.ds(base, 16)]
        lbl = lab_v[pl.ds(base, 16)]
        vals = [aat_v[c, pl.ds(base, 16)] for c in range(C)]
        mx = _tree_max(vals)
        ssum = _tree_sum([jnp.exp(v - mx) for v in vals])
        g = plsc.load_gather(aat_v, [lbl, iota + base])
        ce = mx + _log(ssum) - g
        pt = jnp.exp(-ce)
        loss = 0.25 * (1.0 - pt) * (1.0 - pt) * ce
        return _accum(accs, cnts, b, loss)

    aat_accs, aat_cnts = lax.fori_loop(0, NV, aat_body, (_zeros8(), _zeros8()))
    for d in d_m:
        d.wait()

    def mc_body(i, carry):
        accs, cnts = carry
        base = i * 16
        b = im_v[pl.ds(base, 16)]
        dists = []
        for a in range(NMC):
            dx = (mcp_v[0, a, pl.ds(base, 16)]
                  - mcl_v[0, a, pl.ds(base, 16)])
            dy = (mcp_v[1, a, pl.ds(base, 16)]
                  - mcl_v[1, a, pl.ds(base, 16)])
            dz = (mcp_v[2, a, pl.ds(base, 16)]
                  - mcl_v[2, a, pl.ds(base, 16)])
            dists.append(_sqrt(dx * dx + dy * dy + dz * dz))
        return _accum(accs, cnts, b, _tree_sum(dists))

    mc_accs, mc_cnts = lax.fori_loop(0, NV, mc_body, (_zeros8(), _zeros8()))
    for d in d_s:
        d.wait()

    def sc_body(i, carry):
        accs, cnts = carry
        base = i * 16
        b = isc_v[pl.ds(base, 16)]
        dists = []
        for a in range(NSC):
            dx = (scp_v[a, 0, pl.ds(base, 16)]
                  - scl_v[a, 0, pl.ds(base, 16)])
            dy = (scp_v[a, 1, pl.ds(base, 16)]
                  - scl_v[a, 1, pl.ds(base, 16)])
            dz = (scp_v[a, 2, pl.ds(base, 16)]
                  - scl_v[a, 2, pl.ds(base, 16)])
            mv = msk_v[a, pl.ds(base, 16)]
            dists.append(_sqrt(dx * dx + dy * dy + dz * dz) * mv)
        return _accum(accs, cnts, b, _tree_sum(dists))

    sc_accs, sc_cnts = lax.fori_loop(0, NV, sc_body, (_zeros8(), _zeros8()))
    for d in d_c:
        d.wait()

    def ca_body(i, carry):
        accs, cnts = carry
        base = i * 16
        b = ic_v[pl.ds(base, 16)]
        dx = cap_v[0, pl.ds(base, 16)] - cal_v[0, pl.ds(base, 16)]
        dy = cap_v[1, pl.ds(base, 16)] - cal_v[1, pl.ds(base, 16)]
        dz = cap_v[2, pl.ds(base, 16)] - cal_v[2, pl.ds(base, 16)]
        tot = _sqrt(dx * dx + dy * dy + dz * dz)
        return _accum(accs, cnts, b, tot)

    ca_accs, ca_cnts = lax.fori_loop(0, NV, ca_body, (_zeros8(), _zeros8()))

    part_v[pl.ds(0, 16)] = _halves(iota, aat_accs, mc_accs)
    part_v[pl.ds(16, 16)] = _halves(iota, sc_accs, ca_accs)
    part_v[pl.ds(32, 16)] = _halves(iota, aat_cnts, mc_cnts)
    part_v[pl.ds(48, 16)] = _halves(iota, sc_cnts, ca_cnts)
    z = jnp.zeros((16,), _F32)
    part_v[pl.ds(64, 16)] = z
    part_v[pl.ds(80, 16)] = z
    part_v[pl.ds(96, 16)] = z
    part_v[pl.ds(112, 16)] = z
    pltpu.sync_copy(part_v, out_h.at[wid])


_mesh = plsc.VectorSubcoreMesh(core_axis_name="c", subcore_axis_name="s",
                               num_cores=2)

_sc_call = functools.partial(
    pl.kernel,
    out_type=jax.ShapeDtypeStruct((NT, 128), _F32),
    mesh=_mesh,
    compiler_params=pltpu.CompilerParams(needs_layout_passes=False),
    scratch_types=[
        pltpu.VMEM((C, CHS), _F32),
        pltpu.VMEM((3, NMC, CHS), _F32),
        pltpu.VMEM((3, NMC, CHS), _F32),
        pltpu.VMEM((NSC, 3, CHS), _F32),
        pltpu.VMEM((NSC, 3, CHS), _F32),
        pltpu.VMEM((NSC, CHS), _F32),
        pltpu.VMEM((3, CHS), _F32),
        pltpu.VMEM((3, CHS), _F32),
        pltpu.VMEM((CHS,), _I32),
        pltpu.VMEM((CHS,), _I32),
        pltpu.VMEM((CHS,), _I32),
        pltpu.VMEM((CHS,), _I32),
        pltpu.VMEM((CHS,), _I32),
        pltpu.VMEM((128,), _F32),
        pltpu.SemaphoreType.DMA,
    ],
)(_sc_body)


def _tc_combine(p_ref, o_grad, o_aat, o_mc, o_sc, o_ca):
    x = p_ref[...]
    tot = jnp.sum(x, axis=0, keepdims=True)
    sums = tot[:, 0:32]
    cnts = tot[:, 32:64]
    means = sums / jnp.maximum(cnts, 1.0)
    aat = jnp.sum(means[:, 0:8]) * (1.0 / NBINS)
    mc = jnp.sum(means[:, 8:16]) * (1.0 / (NBINS * NMC))
    sc = jnp.sum(means[:, 16:24]) * (1.0 / (NBINS * NSC))
    ca = jnp.sum(means[:, 24:32]) * (1.0 / NBINS)
    grad = aat + ca + mc + 0.5 * sc
    o_grad[0, 0] = grad
    o_aat[0, 0] = aat
    o_mc[0, 0] = mc
    o_sc[0, 0] = sc
    o_ca[0, 0] = ca


_tc_call = pl.pallas_call(
    _tc_combine,
    out_shape=[jax.ShapeDtypeStruct((1, 1), _F32)] * 5,
    out_specs=[pl.BlockSpec(memory_space=pltpu.SMEM)] * 5,
)


def kernel(AAtype_pred, MCcoor_pred, SCcoor_pred, CAnoise_pred, AAtype_label,
           MCcoor_label, SCcoor_label, SCcoor_mask, CAnoise_label,
           AAtype_scatter, MCcoor_scatter, SCcoor_scatter, CAnoise_scatter):
    part = _sc_call(
        AAtype_pred.T,
        jnp.transpose(MCcoor_pred, (2, 1, 0)),
        jnp.transpose(MCcoor_label, (2, 1, 0)),
        jnp.transpose(SCcoor_pred, (1, 2, 0)),
        jnp.transpose(SCcoor_label, (1, 2, 0)),
        SCcoor_mask.T,
        CAnoise_pred.T,
        CAnoise_label.T,
        AAtype_label.astype(jnp.int32),
        AAtype_scatter.astype(jnp.int32),
        MCcoor_scatter.astype(jnp.int32),
        SCcoor_scatter.astype(jnp.int32),
        CAnoise_scatter.astype(jnp.int32),
    )
    grad, aat, mc, sc, ca = _tc_call(part)
    return (grad.reshape(()), aat.reshape(()), mc.reshape(()),
            sc.reshape(()), ca.reshape(()))

# --- scband reference (transcript-rebuilt; emitter-appended) ---
"""Pipeline reference for scband-pocket-loss-function-48576080118663 (READ-ONLY COPY).

The authoritative reference and input builder live on the scoring server;
editing this copy changes nothing except your own understanding.
"""

import jax, jax.numpy as jnp
import numpy as np

N = 16384
C = 20
B = 8
NMC = 4
NSC = 10

GAMMA_AATYPE = 1.0
GAMMA_CANOISE = 1.0
GAMMA_MCCOOR = 1.0
GAMMA_SCCOOR = 0.5


def scatter_mean(x, idx, num_segments):
    s = jax.ops.segment_sum(x, idx, num_segments=num_segments)
    cnt = jax.ops.segment_sum(jnp.ones((idx.shape[0],), x.dtype), idx, num_segments=num_segments)
    cnt = jnp.maximum(cnt, 1.0).reshape((num_segments,) + (1,) * (x.ndim - 1))
    return s / cnt


def focal_loss(logits, labels, gamma=2.0, alpha=0.25):
    logp = jax.nn.log_softmax(logits, axis=-1)
    ce = -jnp.take_along_axis(logp, labels[:, None], axis=-1)[:, 0]
    pt = jnp.exp(-ce)
    return alpha * (1.0 - pt) ** gamma * ce


def setup_inputs(seed: int = 0):
    key = jax.random.key(seed)
    ks = jax.random.split(key, 13)
    inp = {}
    inp['AAtype_pred'] = jax.random.normal(ks[0], (N, C), dtype=jnp.float32)
    inp['MCcoor_pred'] = jax.random.normal(ks[1], (N, NMC, 3), dtype=jnp.float32)
    inp['SCcoor_pred'] = jax.random.normal(ks[2], (N, NSC, 3), dtype=jnp.float32)
    inp['CAnoise_pred'] = jax.random.normal(ks[3], (N, 3), dtype=jnp.float32)
    inp['AAtype_label'] = jax.random.randint(ks[4], (N,), 0, C)
    inp['MCcoor_label'] = jax.random.normal(ks[5], (N, NMC, 3), dtype=jnp.float32)
    inp['SCcoor_label'] = jax.random.normal(ks[6], (N, NSC, 3), dtype=jnp.float32)
    inp['SCcoor_mask'] = jax.random.uniform(ks[7], (N, NSC), dtype=jnp.float32)
    inp['CAnoise_label'] = jax.random.normal(ks[8], (N, 3), dtype=jnp.float32)
    inp['AAtype_scatter'] = jnp.sort(jax.random.randint(ks[9], (N,), 0, B))
    inp['MCcoor_scatter'] = jnp.sort(jax.random.randint(ks[10], (N,), 0, B))
    inp['SCcoor_scatter'] = jnp.sort(jax.random.randint(ks[11], (N,), 0, B))
    inp['CAnoise_scatter'] = jnp.sort(jax.random.randint(ks[12], (N,), 0, B))
    return inp


def reference(AAtype_pred, MCcoor_pred, SCcoor_pred, CAnoise_pred,
              AAtype_label, MCcoor_label, SCcoor_label, SCcoor_mask,
              CAnoise_label, AAtype_scatter, MCcoor_scatter, SCcoor_scatter,
              CAnoise_scatter):
    AAtype_loss = focal_loss(AAtype_pred, AAtype_label)
    AAtype_loss = scatter_mean(AAtype_loss, AAtype_scatter, B).mean()

    MCcoor_loss = jnp.sqrt(jnp.sum((MCcoor_pred - MCcoor_label) ** 2, axis=-1))
    MCcoor_loss = scatter_mean(MCcoor_loss, MCcoor_scatter, B).mean()

    SCcoor_loss = jnp.sqrt(jnp.sum((SCcoor_pred - SCcoor_label) ** 2, axis=-1)) * SCcoor_mask
    SCcoor_loss = scatter_mean(SCcoor_loss, SCcoor_scatter, B).mean()

    CAnoise_loss = jnp.sqrt(jnp.sum((CAnoise_pred - CAnoise_label) ** 2, axis=-1))
    CAnoise_loss = scatter_mean(CAnoise_loss, CAnoise_scatter, B).mean()

    grad_loss = (GAMMA_AATYPE * AAtype_loss + GAMMA_CANOISE * CAnoise_loss
                 + GAMMA_MCCOOR * MCcoor_loss + GAMMA_SCCOOR * SCcoor_loss)
    return (grad_loss, AAtype_loss, MCcoor_loss, SCcoor_loss, CAnoise_loss)

if __name__ == "__main__":
    import jax
    _d = setup_inputs()
    print(jax.jit(kernel)(*tuple(_d.values())))

</pallas_src>

<mosaic_0001>
#map = affine_map<(d0, d1) -> (0, 0)>
#map1 = affine_map<(d0, d1) -> (0, 0, 0)>
#map2 = affine_map<(d0, d1) -> (0)>
module attributes {stable_mosaic.version = 14 : i64} {
  func.func @_sc_body(%arg0: i32, %arg1: i32, %arg2: memref<20x16384xf32, #tpu.memory_space<hbm>>, %arg3: memref<3x4x16384xf32, #tpu.memory_space<hbm>>, %arg4: memref<3x4x16384xf32, #tpu.memory_space<hbm>>, %arg5: memref<10x3x16384xf32, #tpu.memory_space<hbm>>, %arg6: memref<10x3x16384xf32, #tpu.memory_space<hbm>>, %arg7: memref<10x16384xf32, #tpu.memory_space<hbm>>, %arg8: memref<3x16384xf32, #tpu.memory_space<hbm>>, %arg9: memref<3x16384xf32, #tpu.memory_space<hbm>>, %arg10: memref<16384xi32, #tpu.memory_space<hbm>>, %arg11: memref<16384xi32, #tpu.memory_space<hbm>>, %arg12: memref<16384xi32, #tpu.memory_space<hbm>>, %arg13: memref<16384xi32, #tpu.memory_space<hbm>>, %arg14: memref<16384xi32, #tpu.memory_space<hbm>>, %arg15: memref<32x128xf32, #tpu.memory_space<hbm>>, %arg16: memref<20x512xf32, #tpu.memory_space<vmem>>, %arg17: memref<3x4x512xf32, #tpu.memory_space<vmem>>, %arg18: memref<3x4x512xf32, #tpu.memory_space<vmem>>, %arg19: memref<10x3x512xf32, #tpu.memory_space<vmem>>, %arg20: memref<10x3x512xf32, #tpu.memory_space<vmem>>, %arg21: memref<10x512xf32, #tpu.memory_space<vmem>>, %arg22: memref<3x512xf32, #tpu.memory_space<vmem>>, %arg23: memref<3x512xf32, #tpu.memory_space<vmem>>, %arg24: memref<512xi32, #tpu.memory_space<vmem>>, %arg25: memref<512xi32, #tpu.memory_space<vmem>>, %arg26: memref<512xi32, #tpu.memory_space<vmem>>, %arg27: memref<512xi32, #tpu.memory_space<vmem>>, %arg28: memref<512xi32, #tpu.memory_space<vmem>>, %arg29: memref<128xf32, #tpu.memory_space<vmem>>, %arg30: memref<!tpu.dma_semaphore, #tpu.memory_space<semaphore_mem>>) attributes {dimension_semantics = [#tpu.dimension_semantics<core_parallel>, #tpu.dimension_semantics<subcore_parallel>], iteration_bounds = array<i64: 2, 16>, scalar_prefetch = 0 : i64, scratch_operands = 15 : i64, tpu.core_type = #tpu.core_type<sc_vector_subcore>, window_params = [{transform_indices = #map}, {transform_indices = #map1}, {transform_indices = #map1}, {transform_indices = #map1}, {transform_indices = #map1}, {transform_indices = #map}, {transform_indices = #map}, {transform_indices = #map}, {transform_indices = #map2}, {transform_indices = #map2}, {transform_indices = #map2}, {transform_indices = #map2}, {transform_indices = #map2}, {transform_indices = #map}]} {
    %mul3A = arith.constant 2 : i32
    %mul3A_0 = arith.muli %arg1, %mul3A : i32
    %add3A = arith.addi %mul3A_0, %arg0 : i32
    %iota3A = tpu.iota {dimensions = array<i32: 0>} : vector<16xi32>
    %mul3A_1 = arith.constant 512 : i32
    %mul3A_2 = arith.muli %add3A, %mul3A_1 : i32
    %dma_start3A = arith.constant 0 : i32
    %dma_start3A_3 = tpu.memref_slice %arg2[%dma_start3A, %mul3A_2] : memref<20x16384xf32, #tpu.memory_space<hbm>> -> memref<20x512xf32, #tpu.memory_space<hbm>>
    %dma_start3A_4 = arith.constant 0 : i32
    %dma_start3A_5 = tpu.memref_slice %arg2[%dma_start3A_4, %mul3A_2] : memref<20x16384xf32, #tpu.memory_space<hbm>> -> memref<20x512xf32, #tpu.memory_space<hbm>>
    tpu.enqueue_dma source(%dma_start3A_5 : memref<20x512xf32, #tpu.memory_space<hbm>>) target(%arg16 : memref<20x512xf32, #tpu.memory_space<vmem>>) target_semaphore(%arg30 : memref<!tpu.dma_semaphore, #tpu.memory_space<semaphore_mem>>)
    %dma_start3A_6 = tpu.memref_slice %arg10[%mul3A_2] : memref<16384xi32, #tpu.memory_space<hbm>> -> memref<512xi32, #tpu.memory_space<hbm>>
    %dma_start3A_7 = tpu.memref_slice %arg10[%mul3A_2] : memref<16384xi32, #tpu.memory_space<hbm>> -> memref<512xi32, #tpu.memory_space<hbm>>
    tpu.enqueue_dma source(%dma_start3A_7 : memref<512xi32, #tpu.memory_space<hbm>>) target(%arg24 : memref<512xi32, #tpu.memory_space<vmem>>) target_semaphore(%arg30 : memref<!tpu.dma_semaphore, #tpu.memory_space<semaphore_mem>>)
    %dma_start3A_8 = tpu.memref_slice %arg11[%mul3A_2] : memref<16384xi32, #tpu.memory_space<hbm>> -> memref<512xi32, #tpu.memory_space<hbm>>
    %dma_start3A_9 = tpu.memref_slice %arg11[%mul3A_2] : memref<16384xi32, #tpu.memory_space<hbm>> -> memref<512xi32, #tpu.memory_space<hbm>>
    tpu.enqueue_dma source(%dma_start3A_9 : memref<512xi32, #tpu.memory_space<hbm>>) target(%arg25 : memref<512xi32, #tpu.memory_space<vmem>>) target_semaphore(%arg30 : memref<!tpu.dma_semaphore, #tpu.memory_space<semaphore_mem>>)
    %dma_start3A_10 = arith.constant 0 : i32
    %dma_start3A_11 = arith.constant 0 : i32
    %dma_start3A_12 = tpu.memref_slice %arg3[%dma_start3A_10, %dma_start3A_11, %mul3A_2] : memref<3x4x16384xf32, #tpu.memory_space<hbm>> -> memref<3x4x512xf32, #tpu.memory_space<hbm>>
    %dma_start3A_13 = arith.constant 0 : i32
    %dma_start3A_14 = arith.constant 0 : i32
    %dma_start3A_15 = tpu.memref_slice %arg3[%dma_start3A_13, %dma_start3A_14, %mul3A_2] : memref<3x4x16384xf32, #tpu.memory_space<hbm>> -> memref<3x4x512xf32, #tpu.memory_space<hbm>>
    tpu.enqueue_dma source(%dma_start3A_15 : memref<3x4x512xf32, #tpu.memory_space<hbm>>) target(%arg17 : memref<3x4x512xf32, #tpu.memory_space<vmem>>) target_semaphore(%arg30 : memref<!tpu.dma_semaphore, #tpu.memory_space<semaphore_mem>>)
    %dma_start3A_16 = arith.constant 0 : i32
    %dma_start3A_17 = arith.constant 0 : i32
    %dma_start3A_18 = tpu.memref_slice %arg4[%dma_start3A_16, %dma_start3A_17, %mul3A_2] : memref<3x4x16384xf32, #tpu.memory_space<hbm>> -> memref<3x4x512xf32, #tpu.memory_space<hbm>>
    %dma_start3A_19 = arith.constant 0 : i32
    %dma_start3A_20 = arith.constant 0 : i32
    %dma_start3A_21 = tpu.memref_slice %arg4[%dma_start3A_19, %dma_start3A_20, %mul3A_2] : memref<3x4x16384xf32, #tpu.memory_space<hbm>> -> memref<3x4x512xf32, #tpu.memory_space<hbm>>
    tpu.enqueue_dma source(%dma_start3A_21 : memref<3x4x512xf32, #tpu.memory_space<hbm>>) target(%arg18 : memref<3x4x512xf32, #tpu.memory_space<vmem>>) target_semaphore(%arg30 : memref<!tpu.dma_semaphore, #tpu.memory_space<semaphore_mem>>)
    %dma_start3A_22 = tpu.memref_slice %arg12[%mul3A_2] : memref<16384xi32, #tpu.memory_space<hbm>> -> memref<512xi32, #tpu.memory_space<hbm>>
    %dma_start3A_23 = tpu.memref_slice %arg12[%mul3A_2] : memref<16384xi32, #tpu.memory_space<hbm>> -> memref<512xi32, #tpu.memory_space<hbm>>
    tpu.enqueue_dma source(%dma_start3A_23 : memref<512xi32, #tpu.memory_space<hbm>>) target(%arg26 : memref<512xi32, #tpu.memory_space<vmem>>) target_semaphore(%arg30 : memref<!tpu.dma_semaphore, #tpu.memory_space<semaphore_mem>>)
    %dma_start3A_24 = arith.constant 0 : i32
    %dma_start3A_25 = arith.constant 0 : i32
    %dma_start3A_26 = tpu.memref_slice %arg5[%dma_start3A_24, %dma_start3A_25, %mul3A_2] : memref<10x3x16384xf32, #tpu.memory_space<hbm>> -> memref<10x3x512xf32, #tpu.memory_space<hbm>>
    %dma_start3A_27 = arith.constant 0 : i32
    %dma_start3A_28 = arith.constant 0 : i32
    %dma_start3A_29 = tpu.memref_slice %arg5[%dma_start3A_27, %dma_start3A_28, %mul3A_2] : memref<10x3x16384xf32, #tpu.memory_space<hbm>> -> memref<10x3x512xf32, #tpu.memory_space<hbm>>
    tpu.enqueue_dma source(%dma_start3A_29 : memref<10x3x512xf32, #tpu.memory_space<hbm>>) target(%arg19 : memref<10x3x512xf32, #tpu.memory_space<vmem>>) target_semaphore(%arg30 : memref<!tpu.dma_semaphore, #tpu.memory_space<semaphore_mem>>)
    %dma_start3A_30 = arith.constant 0 : i32
    %dma_start3A_31 = arith.constant 0 : i32
    %dma_start3A_32 = tpu.memref_slice %arg6[%dma_start3A_30, %dma_start3A_31, %mul3A_2] : memref<10x3x16384xf32, #tpu.memory_space<hbm>> -> memref<10x3x512xf32, #tpu.memory_space<hbm>>
    %dma_start3A_33 = arith.constant 0 : i32
    %dma_start3A_34 = arith.constant 0 : i32
    %dma_start3A_35 = tpu.memref_slice %arg6[%dma_start3A_33, %dma_start3A_34, %mul3A_2] : memref<10x3x16384xf32, #tpu.memory_space<hbm>> -> memref<10x3x512xf32, #tpu.memory_space<hbm>>
    tpu.enqueue_dma source(%dma_start3A_35 : memref<10x3x512xf32, #tpu.memory_space<hbm>>) target(%arg20 : memref<10x3x512xf32, #tpu.memory_space<vmem>>) target_semaphore(%arg30 : memref<!tpu.dma_semaphore, #tpu.memory_space<semaphore_mem>>)
    %dma_start3A_36 = arith.constant 0 : i32
    %dma_start3A_37 = tpu.memref_slice %arg7[%dma_start3A_36, %mul3A_2] : memref<10x16384xf32, #tpu.memory_space<hbm>> -> memref<10x512xf32, #tpu.memory_space<hbm>>
    %dma_start3A_38 = arith.constant 0 : i32
    %dma_start3A_39 = tpu.memref_slice %arg7[%dma_start3A_38, %mul3A_2] : memref<10x16384xf32, #tpu.memory_space<hbm>> -> memref<10x512xf32, #tpu.memory_space<hbm>>
    tpu.enqueue_dma source(%dma_start3A_39 : memref<10x512xf32, #tpu.memory_space<hbm>>) target(%arg21 : memref<10x512xf32, #tpu.memory_space<vmem>>) target_semaphore(%arg30 : memref<!tpu.dma_semaphore, #tpu.memory_space<semaphore_mem>>)
    %dma_start3A_40 = tpu.memref_slice %arg13[%mul3A_2] : memref<16384xi32, #tpu.memory_space<hbm>> -> memref<512xi32, #tpu.memory_space<hbm>>
    %dma_start3A_41 = tpu.memref_slice %arg13[%mul3A_2] : memref<16384xi32, #tpu.memory_space<hbm>> -> memref<512xi32, #tpu.memory_space<hbm>>
    tpu.enqueue_dma source(%dma_start3A_41 : memref<512xi32, #tpu.memory_space<hbm>>) target(%arg27 : memref<512xi32, #tpu.memory_space<vmem>>) target_semaphore(%arg30 : memref<!tpu.dma_semaphore, #tpu.memory_space<semaphore_mem>>)
    %dma_start3A_42 = arith.constant 0 : i32
    %dma_start3A_43 = tpu.memref_slice %arg8[%dma_start3A_42, %mul3A_2] : memref<3x16384xf32, #tpu.memory_space<hbm>> -> memref<3x512xf32, #tpu.memory_space<hbm>>
    %dma_start3A_44 = arith.constant 0 : i32
    %dma_start3A_45 = tpu.memref_slice %arg8[%dma_start3A_44, %mul3A_2] : memref<3x16384xf32, #tpu.memory_space<hbm>> -> memref<3x512xf32, #tpu.memory_space<hbm>>
    tpu.enqueue_dma source(%dma_start3A_45 : memref<3x512xf32, #tpu.memory_space<hbm>>) target(%arg22 : memref<3x512xf32, #tpu.memory_space<vmem>>) target_semaphore(%arg30 : memref<!tpu.dma_semaphore, #tpu.memory_space<semaphore_mem>>)
    %dma_start3A_46 = arith.constant 0 : i32
    %dma_start3A_47 = tpu.memref_slice %arg9[%dma_start3A_46, %mul3A_2] : memref<3x16384xf32, #tpu.memory_space<hbm>> -> memref<3x512xf32, #tpu.memory_space<hbm>>
    %dma_start3A_48 = arith.constant 0 : i32
    %dma_start3A_49 = tpu.memref_slice %arg9[%dma_start3A_48, %mul3A_2] : memref<3x16384xf32, #tpu.memory_space<hbm>> -> memref<3x512xf32, #tpu.memory_space<hbm>>
    tpu.enqueue_dma source(%dma_start3A_49 : memref<3x512xf32, #tpu.memory_space<hbm>>) target(%arg23 : memref<3x512xf32, #tpu.memory_space<vmem>>) target_semaphore(%arg30 : memref<!tpu.dma_semaphore, #tpu.memory_space<semaphore_mem>>)
    %dma_start3A_50 = tpu.memref_slice %arg14[%mul3A_2] : memref<16384xi32, #tpu.memory_space<hbm>> -> memref<512xi32, #tpu.memory_space<hbm>>
    %dma_start3A_51 = tpu.memref_slice %arg14[%mul3A_2] : memref<16384xi32, #tpu.memory_space<hbm>> -> memref<512xi32, #tpu.memory_space<hbm>>
    tpu.enqueue_dma source(%dma_start3A_51 : memref<512xi32, #tpu.memory_space<hbm>>) target(%arg28 : memref<512xi32, #tpu.memory_space<vmem>>) target_semaphore(%arg30 : memref<!tpu.dma_semaphore, #tpu.memory_space<semaphore_mem>>)
    %dma_wait3A = arith.constant 0 : i32
    %dma_wait3A_52 = tpu.memref_slice %arg2[%dma_wait3A, %mul3A_2] : memref<20x16384xf32, #tpu.memory_space<hbm>> -> memref<20x512xf32, #tpu.memory_space<hbm>>
    %dma_wait3A_53 = arith.constant 0 : i32
    %dma_wait3A_54 = tpu.memref_slice %arg2[%dma_wait3A_53, %mul3A_2] : memref<20x16384xf32, #tpu.memory_space<hbm>> -> memref<20x512xf32, #tpu.memory_space<hbm>>
    tpu.wait_dma2 semaphore(%arg30 : memref<!tpu.dma_semaphore, #tpu.memory_space<semaphore_mem>>) src(%dma_wait3A_54 : memref<20x512xf32, #tpu.memory_space<hbm>>) dst(%arg16 : memref<20x512xf32, #tpu.memory_space<vmem>>)
    %dma_wait3A_55 = tpu.memref_slice %arg10[%mul3A_2] : memref<16384xi32, #tpu.memory_space<hbm>> -> memref<512xi32, #tpu.memory_space<hbm>>
    %dma_wait3A_56 = tpu.memref_slice %arg10[%mul3A_2] : memref<16384xi32, #tpu.memory_space<hbm>> -> memref<512xi32, #tpu.memory_space<hbm>>
    tpu.wait_dma2 semaphore(%arg30 : memref<!tpu.dma_semaphore, #tpu.memory_space<semaphore_mem>>) src(%dma_wait3A_56 : memref<512xi32, #tpu.memory_space<hbm>>) dst(%arg24 : memref<512xi32, #tpu.memory_space<vmem>>)
    %dma_wait3A_57 = tpu.memref_slice %arg11[%mul3A_2] : memref<16384xi32, #tpu.memory_space<hbm>> -> memref<512xi32, #tpu.memory_space<hbm>>
    %dma_wait3A_58 = tpu.memref_slice %arg11[%mul3A_2] : memref<16384xi32, #tpu.memory_space<hbm>> -> memref<512xi32, #tpu.memory_space<hbm>>
    tpu.wait_dma2 semaphore(%arg30 : memref<!tpu.dma_semaphore, #tpu.memory_space<semaphore_mem>>) src(%dma_wait3A_58 : memref<512xi32, #tpu.memory_space<hbm>>) dst(%arg25 : memref<512xi32, #tpu.memory_space<vmem>>)
    %broadcast_in_dim3A = arith.constant 0.000000e+00 : f32
    %broadcast_in_dim3A_59 = vector.broadcast %broadcast_in_dim3A : f32 to vector<16xf32>
    %broadcast_in_dim3A_60 = arith.constant 0.000000e+00 : f32
    %broadcast_in_dim3A_61 = vector.broadcast %broadcast_in_dim3A_60 : f32 to vector<16xf32>
    %broadcast_in_dim3A_62 = arith.constant 0.000000e+00 : f32
    %broadcast_in_dim3A_63 = vector.broadcast %broadcast_in_dim3A_62 : f32 to vector<16xf32>
    %broadcast_in_dim3A_64 = arith.constant 0.000000e+00 : f32
    %broadcast_in_dim3A_65 = vector.broadcast %broadcast_in_dim3A_64 : f32 to vector<16xf32>
    %broadcast_in_dim3A_66 = arith.constant 0.000000e+00 : f32
    %broadcast_in_dim3A_67 = vector.broadcast %broadcast_in_dim3A_66 : f32 to vector<16xf32>
    %broadcast_in_dim3A_68 = arith.constant 0.000000e+00 : f32
    %broadcast_in_dim3A_69 = vector.broadcast %broadcast_in_dim3A_68 : f32 to vector<16xf32>
    %broadcast_in_dim3A_70 = arith.constant 0.000000e+00 : f32
    %broadcast_in_dim3A_71 = vector.broadcast %broadcast_in_dim3A_70 : f32 to vector<16xf32>
    %broadcast_in_dim3A_72 = arith.constant 0.000000e+00 : f32
    %broadcast_in_dim3A_73 = vector.broadcast %broadcast_in_dim3A_72 : f32 to vector<16xf32>
    %broadcast_in_dim3A_74 = arith.constant 0.000000e+00 : f32
    %broadcast_in_dim3A_75 = vector.broadcast %broadcast_in_dim3A_74 : f32 to vector<16xf32>
    %broadcast_in_dim3A_76 = arith.constant 0.000000e+00 : f32
    %broadcast_in_dim3A_77 = vector.broadcast %broadcast_in_dim3A_76 : f32 to vector<16xf32>
    %broadcast_in_dim3A_78 = arith.constant 0.000000e+00 : f32
    %broadcast_in_dim3A_79 = vector.broadcast %broadcast_in_dim3A_78 : f32 to vector<16xf32>
    %broadcast_in_dim3A_80 = arith.constant 0.000000e+00 : f32
    %broadcast_in_dim3A_81 = vector.broadcast %broadcast_in_dim3A_80 : f32 to vector<16xf32>
    %broadcast_in_dim3A_82 = arith.constant 0.000000e+00 : f32
    %broadcast_in_dim3A_83 = vector.broadcast %broadcast_in_dim3A_82 : f32 to vector<16xf32>
    %broadcast_in_dim3A_84 = arith.constant 0.000000e+00 : f32
    %broadcast_in_dim3A_85 = vector.broadcast %broadcast_in_dim3A_84 : f32 to vector<16xf32>
    %broadcast_in_dim3A_86 = arith.constant 0.000000e+00 : f32
    %broadcast_in_dim3A_87 = vector.broadcast %broadcast_in_dim3A_86 : f32 to vector<16xf32>
    %broadcast_in_dim3A_88 = arith.constant 0.000000e+00 : f32
    %broadcast_in_dim3A_89 = vector.broadcast %broadcast_in_dim3A_88 : f32 to vector<16xf32>
    %scan3A = arith.constant 0 : i32
    %scan3A_90 = arith.constant 32 : i32
    %scan3A_91 = arith.addi %scan3A, %scan3A_90 : i32
    %scan3A_92 = arith.constant 1 : i32
    %scan3A_93:16 = scf.for %scan3A_849 = %scan3A to %scan3A_91 step %scan3A_92 iter_args(%scan3A_850 = %broadcast_in_dim3A_59, %scan3A_851 = %broadcast_in_dim3A_61, %scan3A_852 = %broadcast_in_dim3A_63, %scan3A_853 = %broadcast_in_dim3A_65, %scan3A_854 = %broadcast_in_dim3A_67, %scan3A_855 = %broadcast_in_dim3A_69, %scan3A_856 = %broadcast_in_dim3A_71, %scan3A_857 = %broadcast_in_dim3A_73, %scan3A_858 = %broadcast_in_dim3A_75, %scan3A_859 = %broadcast_in_dim3A_77, %scan3A_860 = %broadcast_in_dim3A_79, %scan3A_861 = %broadcast_in_dim3A_81, %scan3A_862 = %broadcast_in_dim3A_83, %scan3A_863 = %broadcast_in_dim3A_85, %scan3A_864 = %broadcast_in_dim3A_87, %scan3A_865 = %broadcast_in_dim3A_89) -> (vector<16xf32>, vector<16xf32>, vector<16xf32>, vector<16xf32>, vector<16xf32>, vector<16xf32>, vector<16xf32>, vector<16xf32>, vector<16xf32>, vector<16xf32>, vector<16xf32>, vector<16xf32>, vector<16xf32>, vector<16xf32>, vector<16xf32>, vector<16xf32>)  : i32 {
      %mul3A_866 = arith.constant 16 : i32
      %mul3A_867 = arith.muli %scan3A_849, %mul3A_866 : i32
      %get3A = arith.index_cast %mul3A_867 : i32 to index
      %get3A_868 = tpu.vector_load %arg25[%get3A] {strides = array<i32>} : memref<512xi32, #tpu.memory_space<vmem>>, vector<16xi32>,
      %get3A_869 = arith.index_cast %mul3A_867 : i32 to index
      %get3A_870 = tpu.vector_load %arg24[%get3A_869] {strides = array<i32>} : memref<512xi32, #tpu.memory_space<vmem>>, vector<16xi32>,
      %get3A_871 = arith.constant 0 : i32
      %get3A_872 = arith.index_cast %get3A_871 : i32 to index
      %get3A_873 = arith.index_cast %mul3A_867 : i32 to index
      %get3A_874 = tpu.vector_load %arg16[%get3A_872, %get3A_873] {strides = array<i32>} : memref<20x512xf32, #tpu.memory_space<vmem>>, vector<16xf32>,
      %get3A_875 = arith.constant 1 : i32
      %get3A_876 = arith.index_cast %get3A_875 : i32 to index
      %get3A_877 = arith.index_cast %mul3A_867 : i32 to index
      %get3A_878 = tpu.vector_load %arg16[%get3A_876, %get3A_877] {strides = array<i32>} : memref<20x512xf32, #tpu.memory_space<vmem>>, vector<16xf32>,
      %get3A_879 = arith.constant 2 : i32
      %get3A_880 = arith.index_cast %get3A_879 : i32 to index
      %get3A_881 = arith.index_cast %mul3A_867 : i32 to index
      %get3A_882 = tpu.vector_load %arg16[%get3A_880, %get3A_881] {strides = array<i32>} : memref<20x512xf32, #tpu.memory_space<vmem>>, vector<16xf32>,
      %get3A_883 = arith.constant 3 : i32
      %get3A_884 = arith.index_cast %get3A_883 : i32 to index
      %get3A_885 = arith.index_cast %mul3A_867 : i32 to index
      %get3A_886 = tpu.vector_load %arg16[%get3A_884, %get3A_885] {strides = array<i32>} : memref<20x512xf32, #tpu.memory_space<vmem>>, vector<16xf32>,
      %get3A_887 = arith.constant 4 : i32
      %get3A_888 = arith.index_cast %get3A_887 : i32 to index
      %get3A_889 = arith.index_cast %mul3A_867 : i32 to index
      %get3A_890 = tpu.vector_load %arg16[%get3A_888, %get3A_889] {strides = array<i32>} : memref<20x512xf32, #tpu.memory_space<vmem>>, vector<16xf32>,
      %get3A_891 = arith.constant 5 : i32
      %get3A_892 = arith.index_cast %get3A_891 : i32 to index
      %get3A_893 = arith.index_cast %mul3A_867 : i32 to index
      %get3A_894 = tpu.vector_load %arg16[%get3A_892, %get3A_893] {strides = array<i32>} : memref<20x512xf32, #tpu.memory_space<vmem>>, vector<16xf32>,
      %get3A_895 = arith.constant 6 : i32
      %get3A_896 = arith.index_cast %get3A_895 : i32 to index
      %get3A_897 = arith.index_cast %mul3A_867 : i32 to index
      %get3A_898 = tpu.vector_load %arg16[%get3A_896, %get3A_897] {strides = array<i32>} : memref<20x512xf32, #tpu.memory_space<vmem>>, vector<16xf32>,
      %get3A_899 = arith.constant 7 : i32
      %get3A_900 = arith.index_cast %get3A_899 : i32 to index
      %get3A_901 = arith.index_cast %mul3A_867 : i32 to index
      %get3A_902 = tpu.vector_load %arg16[%get3A_900, %get3A_901] {strides = array<i32>} : memref<20x512xf32, #tpu.memory_space<vmem>>, vector<16xf32>,
      %get3A_903 = arith.constant 8 : i32
      %get3A_904 = arith.index_cast %get3A_903 : i32 to index
      %get3A_905 = arith.index_cast %mul3A_867 : i32 to index
      %get3A_906 = tpu.vector_load %arg16[%get3A_904, %get3A_905] {strides = array<i32>} : memref<20x512xf32, #tpu.memory_space<vmem>>, vector<16xf32>,
      %get3A_907 = arith.constant 9 : i32
      %get3A_908 = arith.index_cast %get3A_907 : i32 to index
      %get3A_909 = arith.index_cast %mul3A_867 : i32 to index
      %get3A_910 = tpu.vector_load %arg16[%get3A_908, %get3A_909] {strides = array<i32>} : memref<20x512xf32, #tpu.memory_space<vmem>>, vector<16xf32>,
      %get3A_911 = arith.constant 10 : i32
      %get3A_912 = arith.index_cast %get3A_911 : i32 to index
      %get3A_913 = arith.index_cast %mul3A_867 : i32 to index
      %get3A_914 = tpu.vector_load %arg16[%get3A_912, %get3A_913] {strides = array<i32>} : memref<20x512xf32, #tpu.memory_space<vmem>>, vector<16xf32>,
      %get3A_915 = arith.constant 11 : i32
      %get3A_916 = arith.index_cast %get3A_915 : i32 to index
      %get3A_917 = arith.index_cast %mul3A_867 : i32 to index
      %get3A_918 = tpu.vector_load %arg16[%get3A_916, %get3A_917] {strides = array<i32>} : memref<20x512xf32, #tpu.memory_space<vmem>>, vector<16xf32>,
      %get3A_919 = arith.constant 12 : i32
      %get3A_920 = arith.index_cast %get3A_919 : i32 to index
      %get3A_921 = arith.index_cast %mul3A_867 : i32 to index
      %get3A_922 = tpu.vector_load %arg16[%get3A_920, %get3A_921] {strides = array<i32>} : memref<20x512xf32, #tpu.memory_space<vmem>>, vector<16xf32>,
      %get3A_923 = arith.constant 13 : i32
      %get3A_924 = arith.index_cast %get3A_923 : i32 to index
      %get3A_925 = arith.index_cast %mul3A_867 : i32 to index
      %get3A_926 = tpu.vector_load %arg16[%get3A_924, %get3A_925] {strides = array<i32>} : memref<20x512xf32, #tpu.memory_space<vmem>>, vector<16xf32>,
      %get3A_927 = arith.constant 14 : i32
      %get3A_928 = arith.index_cast %get3A_927 : i32 to index
      %get3A_929 = arith.index_cast %mul3A_867 : i32 to index
      %get3A_930 = tpu.vector_load %arg16[%get3A_928, %get3A_929] {strides = array<i32>} : memref<20x512xf32, #tpu.memory_space<vmem>>, vector<16xf32>,
      %get3A_931 = arith.constant 15 : i32
      %get3A_932 = arith.index_cast %get3A_931 : i32 to index
      %get3A_933 = arith.index_cast %mul3A_867 : i32 to index
      %get3A_934 = tpu.vector_load %arg16[%get3A_932, %get3A_933] {strides = array<i32>} : memref<20x512xf32, #tpu.memory_space<vmem>>, vector<16xf32>,
      %get3A_935 = arith.constant 16 : i32
      %get3A_936 = arith.index_cast %get3A_935 : i32 to index
      %get3A_937 = arith.index_cast %mul3A_867 : i32 to index
      %get3A_938 = tpu.vector_load %arg16[%get3A_936, %get3A_937] {strides = array<i32>} : memref<20x512xf32, #tpu.memory_space<vmem>>, vector<16xf32>,
      %get3A_939 = arith.constant 17 : i32
      %get3A_940 = arith.index_cast %get3A_939 : i32 to index
      %get3A_941 = arith.index_cast %mul3A_867 : i32 to index
      %get3A_942 = tpu.vector_load %arg16[%get3A_940, %get3A_941] {strides = array<i32>} : memref<20x512xf32, #tpu.memory_space<vmem>>, vector<16xf32>,
      %get3A_943 = arith.constant 18 : i32
      %get3A_944 = arith.index_cast %get3A_943 : i32 to index
      %get3A_945 = arith.index_cast %mul3A_867 : i32 to index
      %get3A_946 = tpu.vector_load %arg16[%get3A_944, %get3A_945] {strides = array<i32>} : memref<20x512xf32, #tpu.memory_space<vmem>>, vector<16xf32>,
      %get3A_947 = arith.constant 19 : i32
      %get3A_948 = arith.index_cast %get3A_947 : i32 to index
      %get3A_949 = arith.index_cast %mul3A_867 : i32 to index
      %get3A_950 = tpu.vector_load %arg16[%get3A_948, %get3A_949] {strides = array<i32>} : memref<20x512xf32, #tpu.memory_space<vmem>>, vector<16xf32>,
      %max3A = arith.maximumf %get3A_874, %get3A_878 : vector<16xf32>
      %max3A_951 = arith.maximumf %get3A_882, %get3A_886 : vector<16xf32>
      %max3A_952 = arith.maximumf %get3A_890, %get3A_894 : vector<16xf32>
      %max3A_953 = arith.maximumf %get3A_898, %get3A_902 : vector<16xf32>
      %max3A_954 = arith.maximumf %get3A_906, %get3A_910 : vector<16xf32>
      %max3A_955 = arith.maximumf %get3A_914, %get3A_918 : vector<16xf32>
      %max3A_956 = arith.maximumf %get3A_922, %get3A_926 : vector<16xf32>
      %max3A_957 = arith.maximumf %get3A_930, %get3A_934 : vector<16xf32>
      %max3A_958 = arith.maximumf %get3A_938, %get3A_942 : vector<16xf32>
      %max3A_959 = arith.maximumf %get3A_946, %get3A_950 : vector<16xf32>
      %max3A_960 = arith.maximumf %max3A, %max3A_951 : vector<16xf32>
      %max3A_961 = arith.maximumf %max3A_952, %max3A_953 : vector<16xf32>
      %max3A_962 = arith.maximumf %max3A_954, %max3A_955 : vector<16xf32>
      %max3A_963 = arith.maximumf %max3A_956, %max3A_957 : vector<16xf32>
      %max3A_964 = arith.maximumf %max3A_958, %max3A_959 : vector<16xf32>
      %max3A_965 = arith.maximumf %max3A_960, %max3A_961 : vector<16xf32>
      %max3A_966 = arith.maximumf %max3A_962, %max3A_963 : vector<16xf32>
      %max3A_967 = arith.maximumf %max3A_965, %max3A_966 : vector<16xf32>
      %max3A_968 = arith.maximumf %max3A_967, %max3A_964 : vector<16xf32>
      %sub3A = arith.subf %get3A_874, %max3A_968 : vector<16xf32>
      %exp3A = math.exp %sub3A : vector<16xf32>
      %sub3A_969 = arith.subf %get3A_878, %max3A_968 : vector<16xf32>
      %exp3A_970 = math.exp %sub3A_969 : vector<16xf32>
      %sub3A_971 = arith.subf %get3A_882, %max3A_968 : vector<16xf32>
      %exp3A_972 = math.exp %sub3A_971 : vector<16xf32>
      %sub3A_973 = arith.subf %get3A_886, %max3A_968 : vector<16xf32>
      %exp3A_974 = math.exp %sub3A_973 : vector<16xf32>
      %sub3A_975 = arith.subf %get3A_890, %max3A_968 : vector<16xf32>
      %exp3A_976 = math.exp %sub3A_975 : vector<16xf32>
      %sub3A_977 = arith.subf %get3A_894, %max3A_968 : vector<16xf32>
      %exp3A_978 = math.exp %sub3A_977 : vector<16xf32>
      %sub3A_979 = arith.subf %get3A_898, %max3A_968 : vector<16xf32>
      %exp3A_980 = math.exp %sub3A_979 : vector<16xf32>
      %sub3A_981 = arith.subf %get3A_902, %max3A_968 : vector<16xf32>
      %exp3A_982 = math.exp %sub3A_981 : vector<16xf32>
      %sub3A_983 = arith.subf %get3A_906, %max3A_968 : vector<16xf32>
      %exp3A_984 = math.exp %sub3A_983 : vector<16xf32>
      %sub3A_985 = arith.subf %get3A_910, %max3A_968 : vector<16xf32>
      %exp3A_986 = math.exp %sub3A_985 : vector<16xf32>
      %sub3A_987 = arith.subf %get3A_914, %max3A_968 : vector<16xf32>
      %exp3A_988 = math.exp %sub3A_987 : vector<16xf32>
      %sub3A_989 = arith.subf %get3A_918, %max3A_968 : vector<16xf32>
      %exp3A_990 = math.exp %sub3A_989 : vector<16xf32>
      %sub3A_991 = arith.subf %get3A_922, %max3A_968 : vector<16xf32>
      %exp3A_992 = math.exp %sub3A_991 : vector<16xf32>
      %sub3A_993 = arith.subf %get3A_926, %max3A_968 : vector<16xf32>
      %exp3A_994 = math.exp %sub3A_993 : vector<16xf32>
      %sub3A_995 = arith.subf %get3A_930, %max3A_968 : vector<16xf32>
      %exp3A_996 = math.exp %sub3A_995 : vector<16xf32>
      %sub3A_997 = arith.subf %get3A_934, %max3A_968 : vector<16xf32>
      %exp3A_998 = math.exp %sub3A_997 : vector<16xf32>
      %sub3A_999 = arith.subf %get3A_938, %max3A_968 : vector<16xf32>
      %exp3A_1000 = math.exp %sub3A_999 : vector<16xf32>
      %sub3A_1001 = arith.subf %get3A_942, %max3A_968 : vector<16xf32>
      %exp3A_1002 = math.exp %sub3A_1001 : vector<16xf32>
      %sub3A_1003 = arith.subf %get3A_946, %max3A_968 : vector<16xf32>
      %exp3A_1004 = math.exp %sub3A_1003 : vector<16xf32>
      %sub3A_1005 = arith.subf %get3A_950, %max3A_968 : vector<16xf32>
      %exp3A_1006 = math.exp %sub3A_1005 : vector<16xf32>
      %add3A_1007 = arith.addf %exp3A, %exp3A_970 : vector<16xf32>
      %add3A_1008 = arith.addf %exp3A_972, %exp3A_974 : vector<16xf32>
      %add3A_1009 = arith.addf %exp3A_976, %exp3A_978 : vector<16xf32>
      %add3A_1010 = arith.addf %exp3A_980, %exp3A_982 : vector<16xf32>
      %add3A_1011 = arith.addf %exp3A_984, %exp3A_986 : vector<16xf32>
      %add3A_1012 = arith.addf %exp3A_988, %exp3A_990 : vector<16xf32>
      %add3A_1013 = arith.addf %exp3A_992, %exp3A_994 : vector<16xf32>
      %add3A_1014 = arith.addf %exp3A_996, %exp3A_998 : vector<16xf32>
      %add3A_1015 = arith.addf %exp3A_1000, %exp3A_1002 : vector<16xf32>
      %add3A_1016 = arith.addf %exp3A_1004, %exp3A_1006 : vector<16xf32>
      %add3A_1017 = arith.addf %add3A_1007, %add3A_1008 : vector<16xf32>
      %add3A_1018 = arith.addf %add3A_1009, %add3A_1010 : vector<16xf32>
      %add3A_1019 = arith.addf %add3A_1011, %add3A_1012 : vector<16xf32>
      %add3A_1020 = arith.addf %add3A_1013, %add3A_1014 : vector<16xf32>
      %add3A_1021 = arith.addf %add3A_1015, %add3A_1016 : vector<16xf32>
      %add3A_1022 = arith.addf %add3A_1017, %add3A_1018 : vector<16xf32>
      %add3A_1023 = arith.addf %add3A_1019, %add3A_1020 : vector<16xf32>
      %add3A_1024 = arith.addf %add3A_1022, %add3A_1023 : vector<16xf32>
      %add3A_1025 = arith.addf %add3A_1024, %add3A_1021 : vector<16xf32>
      %add3A_1026 = vector.broadcast %mul3A_867 : i32 to vector<16xi32>
      %add3A_1027 = arith.addi %iota3A, %add3A_1026 : vector<16xi32>
      %gather3A = tpu.vector_load_idx %arg16[%get3A_870, %add3A_1027] : memref<20x512xf32, #tpu.memory_space<vmem>>[vector<16xi32>, vector<16xi32>], vector<16xf32>,
      %bitcast_convert_type3A = tpu.bitcast %add3A_1025 : vector<16xf32> -> vector<16xi32>
      %shift_right_arithmetic3A = arith.constant 23 : i32
      %shift_right_arithmetic3A_1028 = vector.broadcast %shift_right_arithmetic3A : i32 to vector<16xi32>
      %shift_right_arithmetic3A_1029 = arith.shrsi %bitcast_convert_type3A, %shift_right_arithmetic3A_1028 : vector<16xi32>
      %sub3A_1030 = arith.constant 127 : i32
      %sub3A_1031 = vector.broadcast %sub3A_1030 : i32 to vector<16xi32>
      %sub3A_1032 = arith.subi %shift_right_arithmetic3A_1029, %sub3A_1031 : vector<16xi32>
      %and3A = arith.constant 8388607 : i32
      %and3A_1033 = vector.broadcast %and3A : i32 to vector<16xi32>
      %and3A_1034 = arith.andi %bitcast_convert_type3A, %and3A_1033 : vector<16xi32>
      %or3A = arith.constant 1065353216 : i32
      %or3A_1035 = vector.broadcast %or3A : i32 to vector<16xi32>
      %or3A_1036 = arith.ori %and3A_1034, %or3A_1035 : vector<16xi32>
      %bitcast_convert_type3A_1037 = tpu.bitcast %or3A_1036 : vector<16xi32> -> vector<16xf32>
      %gt3A = arith.constant 1.41421354 : f32
      %gt3A_1038 = vector.broadcast %gt3A : f32 to vector<16xf32>
      %gt3A_1039 = arith.cmpf ogt, %bitcast_convert_type3A_1037, %gt3A_1038 : vector<16xf32>
      %mul3A_1040 = arith.constant 5.000000e-01 : f32
      %mul3A_1041 = vector.broadcast %mul3A_1040 : f32 to vector<16xf32>
      %mul3A_1042 = arith.mulf %bitcast_convert_type3A_1037, %mul3A_1041 : vector<16xf32>
      %select_n3A_1043 = arith.select %gt3A_1039, %mul3A_1042, %bitcast_convert_type3A_1037 : vector<16xi1>, vector<16xf32>
      %add3A_1044 = arith.constant 1 : i32
      %add3A_1045 = vector.broadcast %add3A_1044 : i32 to vector<16xi32>
      %add3A_1046 = arith.addi %sub3A_1032, %add3A_1045 : vector<16xi32>
      %select_n3A_1047 = arith.select %gt3A_1039, %add3A_1046, %sub3A_1032 : vector<16xi1>, vector<16xi32>
      %sub3A_1048 = arith.constant 1.000000e+00 : f32
      %sub3A_1049 = vector.broadcast %sub3A_1048 : f32 to vector<16xf32>
      %sub3A_1050 = arith.subf %select_n3A_1043, %sub3A_1049 : vector<16xf32>
      %add3A_1051 = arith.constant 1.000000e+00 : f32
      %add3A_1052 = vector.broadcast %add3A_1051 : f32 to vector<16xf32>
      %add3A_1053 = arith.addf %select_n3A_1043, %add3A_1052 : vector<16xf32>
      %div3A = arith.divf %sub3A_1050, %add3A_1053 : vector<16xf32>
      %mul3A_1054 = arith.mulf %div3A, %div3A : vector<16xf32>
      %mul3A_1055 = arith.constant 2.000000e+00 : f32
      %mul3A_1056 = vector.broadcast %mul3A_1055 : f32 to vector<16xf32>
      %mul3A_1057 = arith.mulf %mul3A_1056, %div3A : vector<16xf32>
      %mul3A_1058 = arith.constant 0.142857149 : f32
      %mul3A_1059 = vector.broadcast %mul3A_1058 : f32 to vector<16xf32>
      %mul3A_1060 = arith.mulf %mul3A_1054, %mul3A_1059 : vector<16xf32>
      %add3A_1061 = arith.constant 2.000000e-01 : f32
      %add3A_1062 = vector.broadcast %add3A_1061 : f32 to vector<16xf32>
      %add3A_1063 = arith.addf %add3A_1062, %mul3A_1060 : vector<16xf32>
      %mul3A_1064 = arith.mulf %mul3A_1054, %add3A_1063 : vector<16xf32>
      %add3A_1065 = arith.constant 0.333333343 : f32
      %add3A_1066 = vector.broadcast %add3A_1065 : f32 to vector<16xf32>
      %add3A_1067 = arith.addf %add3A_1066, %mul3A_1064 : vector<16xf32>
      %mul3A_1068 = arith.mulf %mul3A_1054, %add3A_1067 : vector<16xf32>
      %add3A_1069 = arith.constant 1.000000e+00 : f32
      %add3A_1070 = vector.broadcast %add3A_1069 : f32 to vector<16xf32>
      %add3A_1071 = arith.addf %add3A_1070, %mul3A_1068 : vector<16xf32>
      %mul3A_1072 = arith.mulf %mul3A_1057, %add3A_1071 : vector<16xf32>
      %convert_element_type3A = arith.sitofp %select_n3A_1047 : vector<16xi32> to vector<16xf32>
      %mul3A_1073 = arith.constant 0.693147182 : f32
      %mul3A_1074 = vector.broadcast %mul3A_1073 : f32 to vector<16xf32>
      %mul3A_1075 = arith.mulf %convert_element_type3A, %mul3A_1074 : vector<16xf32>
      %add3A_1076 = arith.addf %mul3A_1072, %mul3A_1075 : vector<16xf32>
      %add3A_1077 = arith.addf %max3A_968, %add3A_1076 : vector<16xf32>
      %sub3A_1078 = arith.subf %add3A_1077, %gather3A : vector<16xf32>
      %neg3A = arith.constant 0.000000e+00 : f32
      %neg3A_1079 = vector.broadcast %neg3A : f32 to vector<16xf32>
      %neg3A_1080 = arith.subf %neg3A_1079, %sub3A_1078 : vector<16xf32>
      %exp3A_1081 = math.exp %neg3A_1080 : vector<16xf32>
      %sub3A_1082 = arith.constant 1.000000e+00 : f32
      %sub3A_1083 = vector.broadcast %sub3A_1082 : f32 to vector<16xf32>
      %sub3A_1084 = arith.subf %sub3A_1083, %exp3A_1081 : vector<16xf32>
      %mul3A_1085 = arith.constant 2.500000e-01 : f32
      %mul3A_1086 = vector.broadcast %mul3A_1085 : f32 to vector<16xf32>
      %mul3A_1087 = arith.mulf %mul3A_1086, %sub3A_1084 : vector<16xf32>
      %sub3A_1088 = arith.constant 1.000000e+00 : f32
      %sub3A_1089 = vector.broadcast %sub3A_1088 : f32 to vector<16xf32>
      %sub3A_1090 = arith.subf %sub3A_1089, %exp3A_1081 : vector<16xf32>
      %mul3A_1091 = arith.mulf %mul3A_1087, %sub3A_1090 : vector<16xf32>
      %mul3A_1092 = arith.mulf %mul3A_1091, %sub3A_1078 : vector<16xf32>
      %eq3A_1093 = arith.constant 0 : i32
      %eq3A_1094 = vector.broadcast %eq3A_1093 : i32 to vector<16xi32>
      %eq3A_1095 = arith.cmpi eq, %get3A_868, %eq3A_1094 : vector<16xi32>
      %jit3A = arith.constant 0.000000e+00 : f32
      %broadcast_in_dim3A_1096 = vector.broadcast %jit3A : f32 to vector<16xf32>
      %select_n3A_1097 = arith.select %eq3A_1095, %mul3A_1092, %broadcast_in_dim3A_1096 : vector<16xi1>, vector<16xf32>
      %add3A_1098 = arith.addf %scan3A_850, %select_n3A_1097 : vector<16xf32>
      %jit3A_1099 = arith.constant 1.000000e+00 : f32
      %jit3A_1100 = arith.constant 0.000000e+00 : f32
      %broadcast_in_dim3A_1101 = vector.broadcast %jit3A_1099 : f32 to vector<16xf32>
      %broadcast_in_dim3A_1102 = vector.broadcast %jit3A_1100 : f32 to vector<16xf32>
      %select_n3A_1103 = arith.select %eq3A_1095, %broadcast_in_dim3A_1101, %broadcast_in_dim3A_1102 : vector<16xi1>, vector<16xf32>
      %add3A_1104 = arith.addf %scan3A_858, %select_n3A_1103 : vector<16xf32>
      %eq3A_1105 = arith.constant 1 : i32
      %eq3A_1106 = vector.broadcast %eq3A_1105 : i32 to vector<16xi32>
      %eq3A_1107 = arith.cmpi eq, %get3A_868, %eq3A_1106 : vector<16xi32>
      %jit3A_1108 = arith.constant 0.000000e+00 : f32
      %broadcast_in_dim3A_1109 = vector.broadcast %jit3A_1108 : f32 to vector<16xf32>
      %select_n3A_1110 = arith.select %eq3A_1107, %mul3A_1092, %broadcast_in_dim3A_1109 : vector<16xi1>, vector<16xf32>
      %add3A_1111 = arith.addf %scan3A_851, %select_n3A_1110 : vector<16xf32>
      %jit3A_1112 = arith.constant 1.000000e+00 : f32
      %jit3A_1113 = arith.constant 0.000000e+00 : f32
      %broadcast_in_dim3A_1114 = vector.broadcast %jit3A_1112 : f32 to vector<16xf32>
      %broadcast_in_dim3A_1115 = vector.broadcast %jit3A_1113 : f32 to vector<16xf32>
      %select_n3A_1116 = arith.select %eq3A_1107, %broadcast_in_dim3A_1114, %broadcast_in_dim3A_1115 : vector<16xi1>, vector<16xf32>
      %add3A_1117 = arith.addf %scan3A_859, %select_n3A_1116 : vector<16xf32>
      %eq3A_1118 = arith.constant 2 : i32
      %eq3A_1119 = vector.broadcast %eq3A_1118 : i32 to vector<16xi32>
      %eq3A_1120 = arith.cmpi eq, %get3A_868, %eq3A_1119 : vector<16xi32>
      %jit3A_1121 = arith.constant 0.000000e+00 : f32
      %broadcast_in_dim3A_1122 = vector.broadcast %jit3A_1121 : f32 to vector<16xf32>
      %select_n3A_1123 = arith.select %eq3A_1120, %mul3A_1092, %broadcast_in_dim3A_1122 : vector<16xi1>, vector<16xf32>
      %add3A_1124 = arith.addf %scan3A_852, %select_n3A_1123 : vector<16xf32>
      %jit3A_1125 = arith.constant 1.000000e+00 : f32
      %jit3A_1126 = arith.constant 0.000000e+00 : f32
      %broadcast_in_dim3A_1127 = vector.broadcast %jit3A_1125 : f32 to vector<16xf32>
      %broadcast_in_dim3A_1128 = vector.broadcast %jit3A_1126 : f32 to vector<16xf32>
      %select_n3A_1129 = arith.select %eq3A_1120, %broadcast_in_dim3A_1127, %broadcast_in_dim3A_1128 : vector<16xi1>, vector<16xf32>
      %add3A_1130 = arith.addf %scan3A_860, %select_n3A_1129 : vector<16xf32>
      %eq3A_1131 = arith.constant 3 : i32
      %eq3A_1132 = vector.broadcast %eq3A_1131 : i32 to vector<16xi32>
      %eq3A_1133 = arith.cmpi eq, %get3A_868, %eq3A_1132 : vector<16xi32>
      %jit3A_1134 = arith.constant 0.000000e+00 : f32
      %broadcast_in_dim3A_1135 = vector.broadcast %jit3A_1134 : f32 to vector<16xf32>
      %select_n3A_1136 = arith.select %eq3A_1133, %mul3A_1092, %broadcast_in_dim3A_1135 : vector<16xi1>, vector<16xf32>
      %add3A_1137 = arith.addf %scan3A_853, %select_n3A_1136 : vector<16xf32>
      %jit3A_1138 = arith.constant 1.000000e+00 : f32
      %jit3A_1139 = arith.constant 0.000000e+00 : f32
      %broadcast_in_dim3A_1140 = vector.broadcast %jit3A_1138 : f32 to vector<16xf32>
      %broadcast_in_dim3A_1141 = vector.broadcast %jit3A_1139 : f32 to vector<16xf32>
      %select_n3A_1142 = arith.select %eq3A_1133, %broadcast_in_dim3A_1140, %broadcast_in_dim3A_1141 : vector<16xi1>, vector<16xf32>
      %add3A_1143 = arith.addf %scan3A_861, %select_n3A_1142 : vector<16xf32>
      %eq3A_1144 = arith.constant 4 : i32
      %eq3A_1145 = vector.broadcast %eq3A_1144 : i32 to vector<16xi32>
      %eq3A_1146 = arith.cmpi eq, %get3A_868, %eq3A_1145 : vector<16xi32>
      %jit3A_1147 = arith.constant 0.000000e+00 : f32
      %broadcast_in_dim3A_1148 = vector.broadcast %jit3A_1147 : f32 to vector<16xf32>
      %select_n3A_1149 = arith.select %eq3A_1146, %mul3A_1092, %broadcast_in_dim3A_1148 : vector<16xi1>, vector<16xf32>
      %add3A_1150 = arith.addf %scan3A_854, %select_n3A_1149 : vector<16xf32>
      %jit3A_1151 = arith.constant 1.000000e+00 : f32
      %jit3A_1152 = arith.constant 0.000000e+00 : f32
      %broadcast_in_dim3A_1153 = vector.broadcast %jit3A_1151 : f32 to vector<16xf32>
      %broadcast_in_dim3A_1154 = vector.broadcast %jit3A_1152 : f32 to vector<16xf32>
      %select_n3A_1155 = arith.select %eq3A_1146, %broadcast_in_dim3A_1153, %broadcast_in_dim3A_1154 : vector<16xi1>, vector<16xf32>
      %add3A_1156 = arith.addf %scan3A_862, %select_n3A_1155 : vector<16xf32>
      %eq3A_1157 = arith.constant 5 : i32
      %eq3A_1158 = vector.broadcast %eq3A_1157 : i32 to vector<16xi32>
      %eq3A_1159 = arith.cmpi eq, %get3A_868, %eq3A_1158 : vector<16xi32>
      %jit3A_1160 = arith.constant 0.000000e+00 : f32
      %broadcast_in_dim3A_1161 = vector.broadcast %jit3A_1160 : f32 to vector<16xf32>
      %select_n3A_1162 = arith.select %eq3A_1159, %mul3A_1092, %broadcast_in_dim3A_1161 : vector<16xi1>, vector<16xf32>
      %add3A_1163 = arith.addf %scan3A_855, %select_n3A_1162 : vector<16xf32>
      %jit3A_1164 = arith.constant 1.000000e+00 : f32
      %jit3A_1165 = arith.constant 0.000000e+00 : f32
      %broadcast_in_dim3A_1166 = vector.broadcast %jit3A_1164 : f32 to vector<16xf32>
      %broadcast_in_dim3A_1167 = vector.broadcast %jit3A_1165 : f32 to vector<16xf32>
      %select_n3A_1168 = arith.select %eq3A_1159, %broadcast_in_dim3A_1166, %broadcast_in_dim3A_1167 : vector<16xi1>, vector<16xf32>
      %add3A_1169 = arith.addf %scan3A_863, %select_n3A_1168 : vector<16xf32>
      %eq3A_1170 = arith.constant 6 : i32
      %eq3A_1171 = vector.broadcast %eq3A_1170 : i32 to vector<16xi32>
      %eq3A_1172 = arith.cmpi eq, %get3A_868, %eq3A_1171 : vector<16xi32>
      %jit3A_1173 = arith.constant 0.000000e+00 : f32
      %broadcast_in_dim3A_1174 = vector.broadcast %jit3A_1173 : f32 to vector<16xf32>
      %select_n3A_1175 = arith.select %eq3A_1172, %mul3A_1092, %broadcast_in_dim3A_1174 : vector<16xi1>, vector<16xf32>
      %add3A_1176 = arith.addf %scan3A_856, %select_n3A_1175 : vector<16xf32>
      %jit3A_1177 = arith.constant 1.000000e+00 : f32
      %jit3A_1178 = arith.constant 0.000000e+00 : f32
      %broadcast_in_dim3A_1179 = vector.broadcast %jit3A_1177 : f32 to vector<16xf32>
      %broadcast_in_dim3A_1180 = vector.broadcast %jit3A_1178 : f32 to vector<16xf32>
      %select_n3A_1181 = arith.select %eq3A_1172, %broadcast_in_dim3A_1179, %broadcast_in_dim3A_1180 : vector<16xi1>, vector<16xf32>
      %add3A_1182 = arith.addf %scan3A_864, %select_n3A_1181 : vector<16xf32>
      %eq3A_1183 = arith.constant 7 : i32
      %eq3A_1184 = vector.broadcast %eq3A_1183 : i32 to vector<16xi32>
      %eq3A_1185 = arith.cmpi eq, %get3A_868, %eq3A_1184 : vector<16xi32>
      %jit3A_1186 = arith.constant 0.000000e+00 : f32
      %broadcast_in_dim3A_1187 = vector.broadcast %jit3A_1186 : f32 to vector<16xf32>
      %select_n3A_1188 = arith.select %eq3A_1185, %mul3A_1092, %broadcast_in_dim3A_1187 : vector<16xi1>, vector<16xf32>
      %add3A_1189 = arith.addf %scan3A_857, %select_n3A_1188 : vector<16xf32>
      %jit3A_1190 = arith.constant 1.000000e+00 : f32
      %jit3A_1191 = arith.constant 0.000000e+00 : f32
      %broadcast_in_dim3A_1192 = vector.broadcast %jit3A_1190 : f32 to vector<16xf32>
      %broadcast_in_dim3A_1193 = vector.broadcast %jit3A_1191 : f32 to vector<16xf32>
      %select_n3A_1194 = arith.select %eq3A_1185, %broadcast_in_dim3A_1192, %broadcast_in_dim3A_1193 : vector<16xi1>, vector<16xf32>
      %add3A_1195 = arith.addf %scan3A_865, %select_n3A_1194 : vector<16xf32>
      scf.yield %add3A_1098, %add3A_1111, %add3A_1124, %add3A_1137, %add3A_1150, %add3A_1163, %add3A_1176, %add3A_1189, %add3A_1104, %add3A_1117, %add3A_1130, %add3A_1143, %add3A_1156, %add3A_1169, %add3A_1182, %add3A_1195 : vector<16xf32>, vector<16xf32>, vector<16xf32>, vector<16xf32>, vector<16xf32>, vector<16xf32>, vector<16xf32>, vector<16xf32>, vector<16xf32>, vector<16xf32>, vector<16xf32>, vector<16xf32>, vector<16xf32>, vector<16xf32>, vector<16xf32>, vector<16xf32>
    }
    %scan3A_94 = arith.constant 32 : i32
    %dma_wait3A_95 = arith.constant 0 : i32
    %dma_wait3A_96 = arith.constant 0 : i32
    %dma_wait3A_97 = tpu.memref_slice %arg3[%dma_wait3A_95, %dma_wait3A_96, %mul3A_2] : memref<3x4x16384xf32, #tpu.memory_space<hbm>> -> memref<3x4x512xf32, #tpu.memory_space<hbm>>
    %dma_wait3A_98 = arith.constant 0 : i32
    %dma_wait3A_99 = arith.constant 0 : i32
    %dma_wait3A_100 = tpu.memref_slice %arg3[%dma_wait3A_98, %dma_wait3A_99, %mul3A_2] : memref<3x4x16384xf32, #tpu.memory_space<hbm>> -> memref<3x4x512xf32, #tpu.memory_space<hbm>>
    tpu.wait_dma2 semaphore(%arg30 : memref<!tpu.dma_semaphore, #tpu.memory_space<semaphore_mem>>) src(%dma_wait3A_100 : memref<3x4x512xf32, #tpu.memory_space<hbm>>) dst(%arg17 : memref<3x4x512xf32, #tpu.memory_space<vmem>>)
    %dma_wait3A_101 = arith.constant 0 : i32
    %dma_wait3A_102 = arith.constant 0 : i32
    %dma_wait3A_103 = tpu.memref_slice %arg4[%dma_wait3A_101, %dma_wait3A_102, %mul3A_2] : memref<3x4x16384xf32, #tpu.memory_space<hbm>> -> memref<3x4x512xf32, #tpu.memory_space<hbm>>
    %dma_wait3A_104 = arith.constant 0 : i32
    %dma_wait3A_105 = arith.constant 0 : i32
    %dma_wait3A_106 = tpu.memref_slice %arg4[%dma_wait3A_104, %dma_wait3A_105, %mul3A_2] : memref<3x4x16384xf32, #tpu.memory_space<hbm>> -> memref<3x4x512xf32, #tpu.memory_space<hbm>>
    tpu.wait_dma2 semaphore(%arg30 : memref<!tpu.dma_semaphore, #tpu.memory_space<semaphore_mem>>) src(%dma_wait3A_106 : memref<3x4x512xf32, #tpu.memory_space<hbm>>) dst(%arg18 : memref<3x4x512xf32, #tpu.memory_space<vmem>>)
    %dma_wait3A_107 = tpu.memref_slice %arg12[%mul3A_2] : memref<16384xi32, #tpu.memory_space<hbm>> -> memref<512xi32, #tpu.memory_space<hbm>>
    %dma_wait3A_108 = tpu.memref_slice %arg12[%mul3A_2] : memref<16384xi32, #tpu.memory_space<hbm>> -> memref<512xi32, #tpu.memory_space<hbm>>
    tpu.wait_dma2 semaphore(%arg30 : memref<!tpu.dma_semaphore, #tpu.memory_space<semaphore_mem>>) src(%dma_wait3A_108 : memref<512xi32, #tpu.memory_space<hbm>>) dst(%arg26 : memref<512xi32, #tpu.memory_space<vmem>>)
    %broadcast_in_dim3A_109 = arith.constant 0.000000e+00 : f32
    %broadcast_in_dim3A_110 = vector.broadcast %broadcast_in_dim3A_109 : f32 to vector<16xf32>
    %broadcast_in_dim3A_111 = arith.constant 0.000000e+00 : f32
    %broadcast_in_dim3A_112 = vector.broadcast %broadcast_in_dim3A_111 : f32 to vector<16xf32>
    %broadcast_in_dim3A_113 = arith.constant 0.000000e+00 : f32
    %broadcast_in_dim3A_114 = vector.broadcast %broadcast_in_dim3A_113 : f32 to vector<16xf32>
    %broadcast_in_dim3A_115 = arith.constant 0.000000e+00 : f32
    %broadcast_in_dim3A_116 = vector.broadcast %broadcast_in_dim3A_115 : f32 to vector<16xf32>
    %broadcast_in_dim3A_117 = arith.constant 0.000000e+00 : f32
    %broadcast_in_dim3A_118 = vector.broadcast %broadcast_in_dim3A_117 : f32 to vector<16xf32>
    %broadcast_in_dim3A_119 = arith.constant 0.000000e+00 : f32
    %broadcast_in_dim3A_120 = vector.broadcast %broadcast_in_dim3A_119 : f32 to vector<16xf32>
    %broadcast_in_dim3A_121 = arith.constant 0.000000e+00 : f32
    %broadcast_in_dim3A_122 = vector.broadcast %broadcast_in_dim3A_121 : f32 to vector<16xf32>
    %broadcast_in_dim3A_123 = arith.constant 0.000000e+00 : f32
    %broadcast_in_dim3A_124 = vector.broadcast %broadcast_in_dim3A_123 : f32 to vector<16xf32>
    %broadcast_in_dim3A_125 = arith.constant 0.000000e+00 : f32
    %broadcast_in_dim3A_126 = vector.broadcast %broadcast_in_dim3A_125 : f32 to vector<16xf32>
    %broadcast_in_dim3A_127 = arith.constant 0.000000e+00 : f32
    %broadcast_in_dim3A_128 = vector.broadcast %broadcast_in_dim3A_127 : f32 to vector<16xf32>
    %broadcast_in_dim3A_129 = arith.constant 0.000000e+00 : f32
    %broadcast_in_dim3A_130 = vector.broadcast %broadcast_in_dim3A_129 : f32 to vector<16xf32>
    %broadcast_in_dim3A_131 = arith.constant 0.000000e+00 : f32
    %broadcast_in_dim3A_132 = vector.broadcast %broadcast_in_dim3A_131 : f32 to vector<16xf32>
    %broadcast_in_dim3A_133 = arith.constant 0.000000e+00 : f32
    %broadcast_in_dim3A_134 = vector.broadcast %broadcast_in_dim3A_133 : f32 to vector<16xf32>
    %broadcast_in_dim3A_135 = arith.constant 0.000000e+00 : f32
    %broadcast_in_dim3A_136 = vector.broadcast %broadcast_in_dim3A_135 : f32 to vector<16xf32>
    %broadcast_in_dim3A_137 = arith.constant 0.000000e+00 : f32
    %broadcast_in_dim3A_138 = vector.broadcast %broadcast_in_dim3A_137 : f32 to vector<16xf32>
    %broadcast_in_dim3A_139 = arith.constant 0.000000e+00 : f32
    %broadcast_in_dim3A_140 = vector.broadcast %broadcast_in_dim3A_139 : f32 to vector<16xf32>
    %scan3A_141 = arith.constant 0 : i32
    %scan3A_142 = arith.constant 32 : i32
    %scan3A_143 = arith.addi %scan3A_141, %scan3A_142 : i32
    %scan3A_144 = arith.constant 1 : i32
    %scan3A_145:16 = scf.for %scan3A_849 = %scan3A_141 to %scan3A_143 step %scan3A_144 iter_args(%scan3A_850 = %broadcast_in_dim3A_110, %scan3A_851 = %broadcast_in_dim3A_112, %scan3A_852 = %broadcast_in_dim3A_114, %scan3A_853 = %broadcast_in_dim3A_116, %scan3A_854 = %broadcast_in_dim3A_118, %scan3A_855 = %broadcast_in_dim3A_120, %scan3A_856 = %broadcast_in_dim3A_122, %scan3A_857 = %broadcast_in_dim3A_124, %scan3A_858 = %broadcast_in_dim3A_126, %scan3A_859 = %broadcast_in_dim3A_128, %scan3A_860 = %broadcast_in_dim3A_130, %scan3A_861 = %broadcast_in_dim3A_132, %scan3A_862 = %broadcast_in_dim3A_134, %scan3A_863 = %broadcast_in_dim3A_136, %scan3A_864 = %broadcast_in_dim3A_138, %scan3A_865 = %broadcast_in_dim3A_140) -> (vector<16xf32>, vector<16xf32>, vector<16xf32>, vector<16xf32>, vector<16xf32>, vector<16xf32>, vector<16xf32>, vector<16xf32>, vector<16xf32>, vector<16xf32>, vector<16xf32>, vector<16xf32>, vector<16xf32>, vector<16xf32>, vector<16xf32>, vector<16xf32>)  : i32 {
      %mul3A_866 = arith.constant 16 : i32
      %mul3A_867 = arith.muli %scan3A_849, %mul3A_866 : i32
      %get3A = arith.index_cast %mul3A_867 : i32 to index
      %get3A_868 = tpu.vector_load %arg26[%get3A] {strides = array<i32>} : memref<512xi32, #tpu.memory_space<vmem>>, vector<16xi32>,
      %get3A_869 = arith.constant 0 : i32
      %get3A_870 = arith.constant 0 : i32
      %get3A_871 = arith.index_cast %get3A_869 : i32 to index
      %get3A_872 = arith.index_cast %get3A_870 : i32 to index
      %get3A_873 = arith.index_cast %mul3A_867 : i32 to index
      %get3A_874 = tpu.vector_load %arg17[%get3A_871, %get3A_872, %get3A_873] {strides = array<i32>} : memref<3x4x512xf32, #tpu.memory_space<vmem>>, vector<16xf32>,
      %get3A_875 = arith.constant 0 : i32
      %get3A_876 = arith.constant 0 : i32
      %get3A_877 = arith.index_cast %get3A_875 : i32 to index
      %get3A_878 = arith.index_cast %get3A_876 : i32 to index
      %get3A_879 = arith.index_cast %mul3A_867 : i32 to index
      %get3A_880 = tpu.vector_load %arg18[%get3A_877, %get3A_878, %get3A_879] {strides = array<i32>} : memref<3x4x512xf32, #tpu.memory_space<vmem>>, vector<16xf32>,
      %sub3A = arith.subf %get3A_874, %get3A_880 : vector<16xf32>
      %get3A_881 = arith.constant 1 : i32
      %get3A_882 = arith.constant 0 : i32
      %get3A_883 = arith.index_cast %get3A_881 : i32 to index
      %get3A_884 = arith.index_cast %get3A_882 : i32 to index
      %get3A_885 = arith.index_cast %mul3A_867 : i32 to index
      %get3A_886 = tpu.vector_load %arg17[%get3A_883, %get3A_884, %get3A_885] {strides = array<i32>} : memref<3x4x512xf32, #tpu.memory_space<vmem>>, vector<16xf32>,
      %get3A_887 = arith.constant 1 : i32
      %get3A_888 = arith.constant 0 : i32
      %get3A_889 = arith.index_cast %get3A_887 : i32 to index
      %get3A_890 = arith.index_cast %get3A_888 : i32 to index
      %get3A_891 = arith.index_cast %mul3A_867 : i32 to index
      %get3A_892 = tpu.vector_load %arg18[%get3A_889, %get3A_890, %get3A_891] {strides = array<i32>} : memref<3x4x512xf32, #tpu.memory_space<vmem>>, vector<16xf32>,
      %sub3A_893 = arith.subf %get3A_886, %get3A_892 : vector<16xf32>
      %get3A_894 = arith.constant 2 : i32
      %get3A_895 = arith.constant 0 : i32
      %get3A_896 = arith.index_cast %get3A_894 : i32 to index
      %get3A_897 = arith.index_cast %get3A_895 : i32 to index
      %get3A_898 = arith.index_cast %mul3A_867 : i32 to index
      %get3A_899 = tpu.vector_load %arg17[%get3A_896, %get3A_897, %get3A_898] {strides = array<i32>} : memref<3x4x512xf32, #tpu.memory_space<vmem>>, vector<16xf32>,
      %get3A_900 = arith.constant 2 : i32
      %get3A_901 = arith.constant 0 : i32
      %get3A_902 = arith.index_cast %get3A_900 : i32 to index
      %get3A_903 = arith.index_cast %get3A_901 : i32 to index
      %get3A_904 = arith.index_cast %mul3A_867 : i32 to index
      %get3A_905 = tpu.vector_load %arg18[%get3A_902, %get3A_903, %get3A_904] {strides = array<i32>} : memref<3x4x512xf32, #tpu.memory_space<vmem>>, vector<16xf32>,
      %sub3A_906 = arith.subf %get3A_899, %get3A_905 : vector<16xf32>
      %mul3A_907 = arith.mulf %sub3A, %sub3A : vector<16xf32>
      %mul3A_908 = arith.mulf %sub3A_893, %sub3A_893 : vector<16xf32>
      %add3A_909 = arith.addf %mul3A_907, %mul3A_908 : vector<16xf32>
      %mul3A_910 = arith.mulf %sub3A_906, %sub3A_906 : vector<16xf32>
      %add3A_911 = arith.addf %add3A_909, %mul3A_910 : vector<16xf32>
      %max3A = arith.constant 1.000000e-30 : f32
      %max3A_912 = vector.broadcast %max3A : f32 to vector<16xf32>
      %max3A_913 = arith.maximumf %add3A_911, %max3A_912 : vector<16xf32>
      %bitcast_convert_type3A = tpu.bitcast %max3A_913 : vector<16xf32> -> vector<16xi32>
      %shift_right_arithmetic3A = arith.constant 1 : i32
      %shift_right_arithmetic3A_914 = vector.broadcast %shift_right_arithmetic3A : i32 to vector<16xi32>
      %shift_right_arithmetic3A_915 = arith.shrsi %bitcast_convert_type3A, %shift_right_arithmetic3A_914 : vector<16xi32>
      %sub3A_916 = arith.constant 1597463007 : i32
      %sub3A_917 = vector.broadcast %sub3A_916 : i32 to vector<16xi32>
      %sub3A_918 = arith.subi %sub3A_917, %shift_right_arithmetic3A_915 : vector<16xi32>
      %bitcast_convert_type3A_919 = tpu.bitcast %sub3A_918 : vector<16xi32> -> vector<16xf32>
      %mul3A_920 = arith.constant 5.000000e-01 : f32
      %mul3A_921 = vector.broadcast %mul3A_920 : f32 to vector<16xf32>
      %mul3A_922 = arith.mulf %mul3A_921, %max3A_913 : vector<16xf32>
      %mul3A_923 = arith.mulf %mul3A_922, %bitcast_convert_type3A_919 : vector<16xf32>
      %mul3A_924 = arith.mulf %mul3A_923, %bitcast_convert_type3A_919 : vector<16xf32>
      %sub3A_925 = arith.constant 1.500000e+00 : f32
      %sub3A_926 = vector.broadcast %sub3A_925 : f32 to vector<16xf32>
      %sub3A_927 = arith.subf %sub3A_926, %mul3A_924 : vector<16xf32>
      %mul3A_928 = arith.mulf %bitcast_convert_type3A_919, %sub3A_927 : vector<16xf32>
      %mul3A_929 = arith.constant 5.000000e-01 : f32
      %mul3A_930 = vector.broadcast %mul3A_929 : f32 to vector<16xf32>
      %mul3A_931 = arith.mulf %mul3A_930, %max3A_913 : vector<16xf32>
      %mul3A_932 = arith.mulf %mul3A_931, %mul3A_928 : vector<16xf32>
      %mul3A_933 = arith.mulf %mul3A_932, %mul3A_928 : vector<16xf32>
      %sub3A_934 = arith.constant 1.500000e+00 : f32
      %sub3A_935 = vector.broadcast %sub3A_934 : f32 to vector<16xf32>
      %sub3A_936 = arith.subf %sub3A_935, %mul3A_933 : vector<16xf32>
      %mul3A_937 = arith.mulf %mul3A_928, %sub3A_936 : vector<16xf32>
      %mul3A_938 = arith.constant 5.000000e-01 : f32
      %mul3A_939 = vector.broadcast %mul3A_938 : f32 to vector<16xf32>
      %mul3A_940 = arith.mulf %mul3A_939, %max3A_913 : vector<16xf32>
      %mul3A_941 = arith.mulf %mul3A_940, %mul3A_937 : vector<16xf32>
      %mul3A_942 = arith.mulf %mul3A_941, %mul3A_937 : vector<16xf32>
      %sub3A_943 = arith.constant 1.500000e+00 : f32
      %sub3A_944 = vector.broadcast %sub3A_943 : f32 to vector<16xf32>
      %sub3A_945 = arith.subf %sub3A_944, %mul3A_942 : vector<16xf32>
      %mul3A_946 = arith.mulf %mul3A_937, %sub3A_945 : vector<16xf32>
      %mul3A_947 = arith.mulf %add3A_911, %mul3A_946 : vector<16xf32>
      %get3A_948 = arith.constant 0 : i32
      %get3A_949 = arith.constant 1 : i32
      %get3A_950 = arith.index_cast %get3A_948 : i32 to index
      %get3A_951 = arith.index_cast %get3A_949 : i32 to index
      %get3A_952 = arith.index_cast %mul3A_867 : i32 to index
      %get3A_953 = tpu.vector_load %arg17[%get3A_950, %get3A_951, %get3A_952] {strides = array<i32>} : memref<3x4x512xf32, #tpu.memory_space<vmem>>, vector<16xf32>,
      %get3A_954 = arith.constant 0 : i32
      %get3A_955 = arith.constant 1 : i32
      %get3A_956 = arith.index_cast %get3A_954 : i32 to index
      %get3A_957 = arith.index_cast %get3A_955 : i32 to index
      %get3A_958 = arith.index_cast %mul3A_867 : i32 to index
      %get3A_959 = tpu.vector_load %arg18[%get3A_956, %get3A_957, %get3A_958] {strides = array<i32>} : memref<3x4x512xf32, #tpu.memory_space<vmem>>, vector<16xf32>,
      %sub3A_960 = arith.subf %get3A_953, %get3A_959 : vector<16xf32>
      %get3A_961 = arith.constant 1 : i32
      %get3A_962 = arith.constant 1 : i32
      %get3A_963 = arith.index_cast %get3A_961 : i32 to index
      %get3A_964 = arith.index_cast %get3A_962 : i32 to index
      %get3A_965 = arith.index_cast %mul3A_867 : i32 to index
      %get3A_966 = tpu.vector_load %arg17[%get3A_963, %get3A_964, %get3A_965] {strides = array<i32>} : memref<3x4x512xf32, #tpu.memory_space<vmem>>, vector<16xf32>,
      %get3A_967 = arith.constant 1 : i32
      %get3A_968 = arith.constant 1 : i32
      %get3A_969 = arith.index_cast %get3A_967 : i32 to index
      %get3A_970 = arith.index_cast %get3A_968 : i32 to index
      %get3A_971 = arith.index_cast %mul3A_867 : i32 to index
      %get3A_972 = tpu.vector_load %arg18[%get3A_969, %get3A_970, %get3A_971] {strides = array<i32>} : memref<3x4x512xf32, #tpu.memory_space<vmem>>, vector<16xf32>,
      %sub3A_973 = arith.subf %get3A_966, %get3A_972 : vector<16xf32>
      %get3A_974 = arith.constant 2 : i32
      %get3A_975 = arith.constant 1 : i32
      %get3A_976 = arith.index_cast %get3A_974 : i32 to index
      %get3A_977 = arith.index_cast %get3A_975 : i32 to index
      %get3A_978 = arith.index_cast %mul3A_867 : i32 to index
      %get3A_979 = tpu.vector_load %arg17[%get3A_976, %get3A_977, %get3A_978] {strides = array<i32>} : memref<3x4x512xf32, #tpu.memory_space<vmem>>, vector<16xf32>,
      %get3A_980 = arith.constant 2 : i32
      %get3A_981 = arith.constant 1 : i32
      %get3A_982 = arith.index_cast %get3A_980 : i32 to index
      %get3A_983 = arith.index_cast %get3A_981 : i32 to index
      %get3A_984 = arith.index_cast %mul3A_867 : i32 to index
      %get3A_985 = tpu.vector_load %arg18[%get3A_982, %get3A_983, %get3A_984] {strides = array<i32>} : memref<3x4x512xf32, #tpu.memory_space<vmem>>, vector<16xf32>,
      %sub3A_986 = arith.subf %get3A_979, %get3A_985 : vector<16xf32>
      %mul3A_987 = arith.mulf %sub3A_960, %sub3A_960 : vector<16xf32>
      %mul3A_988 = arith.mulf %sub3A_973, %sub3A_973 : vector<16xf32>
      %add3A_989 = arith.addf %mul3A_987, %mul3A_988 : vector<16xf32>
      %mul3A_990 = arith.mulf %sub3A_986, %sub3A_986 : vector<16xf32>
      %add3A_991 = arith.addf %add3A_989, %mul3A_990 : vector<16xf32>
      %max3A_992 = arith.constant 1.000000e-30 : f32
      %max3A_993 = vector.broadcast %max3A_992 : f32 to vector<16xf32>
      %max3A_994 = arith.maximumf %add3A_991, %max3A_993 : vector<16xf32>
      %bitcast_convert_type3A_995 = tpu.bitcast %max3A_994 : vector<16xf32> -> vector<16xi32>
      %shift_right_arithmetic3A_996 = arith.constant 1 : i32
      %shift_right_arithmetic3A_997 = vector.broadcast %shift_right_arithmetic3A_996 : i32 to vector<16xi32>
      %shift_right_arithmetic3A_998 = arith.shrsi %bitcast_convert_type3A_995, %shift_right_arithmetic3A_997 : vector<16xi32>
      %sub3A_999 = arith.constant 1597463007 : i32
      %sub3A_1000 = vector.broadcast %sub3A_999 : i32 to vector<16xi32>
      %sub3A_1001 = arith.subi %sub3A_1000, %shift_right_arithmetic3A_998 : vector<16xi32>
      %bitcast_convert_type3A_1002 = tpu.bitcast %sub3A_1001 : vector<16xi32> -> vector<16xf32>
      %mul3A_1003 = arith.constant 5.000000e-01 : f32
      %mul3A_1004 = vector.broadcast %mul3A_1003 : f32 to vector<16xf32>
      %mul3A_1005 = arith.mulf %mul3A_1004, %max3A_994 : vector<16xf32>
      %mul3A_1006 = arith.mulf %mul3A_1005, %bitcast_convert_type3A_1002 : vector<16xf32>
      %mul3A_1007 = arith.mulf %mul3A_1006, %bitcast_convert_type3A_1002 : vector<16xf32>
      %sub3A_1008 = arith.constant 1.500000e+00 : f32
      %sub3A_1009 = vector.broadcast %sub3A_1008 : f32 to vector<16xf32>
      %sub3A_1010 = arith.subf %sub3A_1009, %mul3A_1007 : vector<16xf32>
      %mul3A_1011 = arith.mulf %bitcast_convert_type3A_1002, %sub3A_1010 : vector<16xf32>
      %mul3A_1012 = arith.constant 5.000000e-01 : f32
      %mul3A_1013 = vector.broadcast %mul3A_1012 : f32 to vector<16xf32>
      %mul3A_1014 = arith.mulf %mul3A_1013, %max3A_994 : vector<16xf32>
      %mul3A_1015 = arith.mulf %mul3A_1014, %mul3A_1011 : vector<16xf32>
      %mul3A_1016 = arith.mulf %mul3A_1015, %mul3A_1011 : vector<16xf32>
      %sub3A_1017 = arith.constant 1.500000e+00 : f32
      %sub3A_1018 = vector.broadcast %sub3A_1017 : f32 to vector<16xf32>
      %sub3A_1019 = arith.subf %sub3A_1018, %mul3A_1016 : vector<16xf32>
      %mul3A_1020 = arith.mulf %mul3A_1011, %sub3A_1019 : vector<16xf32>
      %mul3A_1021 = arith.constant 5.000000e-01 : f32
      %mul3A_1022 = vector.broadcast %mul3A_1021 : f32 to vector<16xf32>
      %mul3A_1023 = arith.mulf %mul3A_1022, %max3A_994 : vector<16xf32>
      %mul3A_1024 = arith.mulf %mul3A_1023, %mul3A_1020 : vector<16xf32>
      %mul3A_1025 = arith.mulf %mul3A_1024, %mul3A_1020 : vector<16xf32>
      %sub3A_1026 = arith.constant 1.500000e+00 : f32
      %sub3A_1027 = vector.broadcast %sub3A_1026 : f32 to vector<16xf32>
      %sub3A_1028 = arith.subf %sub3A_1027, %mul3A_1025 : vector<16xf32>
      %mul3A_1029 = arith.mulf %mul3A_1020, %sub3A_1028 : vector<16xf32>
      %mul3A_1030 = arith.mulf %add3A_991, %mul3A_1029 : vector<16xf32>
      %get3A_1031 = arith.constant 0 : i32
      %get3A_1032 = arith.constant 2 : i32
      %get3A_1033 = arith.index_cast %get3A_1031 : i32 to index
      %get3A_1034 = arith.index_cast %get3A_1032 : i32 to index
      %get3A_1035 = arith.index_cast %mul3A_867 : i32 to index
      %get3A_1036 = tpu.vector_load %arg17[%get3A_1033, %get3A_1034, %get3A_1035] {strides = array<i32>} : memref<3x4x512xf32, #tpu.memory_space<vmem>>, vector<16xf32>,
      %get3A_1037 = arith.constant 0 : i32
      %get3A_1038 = arith.constant 2 : i32
      %get3A_1039 = arith.index_cast %get3A_1037 : i32 to index
      %get3A_1040 = arith.index_cast %get3A_1038 : i32 to index
      %get3A_1041 = arith.index_cast %mul3A_867 : i32 to index
      %get3A_1042 = tpu.vector_load %arg18[%get3A_1039, %get3A_1040, %get3A_1041] {strides = array<i32>} : memref<3x4x512xf32, #tpu.memory_space<vmem>>, vector<16xf32>,
      %sub3A_1043 = arith.subf %get3A_1036, %get3A_1042 : vector<16xf32>
      %get3A_1044 = arith.constant 1 : i32
      %get3A_1045 = arith.constant 2 : i32
      %get3A_1046 = arith.index_cast %get3A_1044 : i32 to index
      %get3A_1047 = arith.index_cast %get3A_1045 : i32 to index
      %get3A_1048 = arith.index_cast %mul3A_867 : i32 to index
      %get3A_1049 = tpu.vector_load %arg17[%get3A_1046, %get3A_1047, %get3A_1048] {strides = array<i32>} : memref<3x4x512xf32, #tpu.memory_space<vmem>>, vector<16xf32>,
      %get3A_1050 = arith.constant 1 : i32
      %get3A_1051 = arith.constant 2 : i32
      %get3A_1052 = arith.index_cast %get3A_1050 : i32 to index
      %get3A_1053 = arith.index_cast %get3A_1051 : i32 to index
      %get3A_1054 = arith.index_cast %mul3A_867 : i32 to index
      %get3A_1055 = tpu.vector_load %arg18[%get3A_1052, %get3A_1053, %get3A_1054] {strides = array<i32>} : memref<3x4x512xf32, #tpu.memory_space<vmem>>, vector<16xf32>,
      %sub3A_1056 = arith.subf %get3A_1049, %get3A_1055 : vector<16xf32>
      %get3A_1057 = arith.constant 2 : i32
      %get3A_1058 = arith.constant 2 : i32
      %get3A_1059 = arith.index_cast %get3A_1057 : i32 to index
      %get3A_1060 = arith.index_cast %get3A_1058 : i32 to index
      %get3A_1061 = arith.index_cast %mul3A_867 : i32 to index
      %get3A_1062 = tpu.vector_load %arg17[%get3A_1059, %get3A_1060, %get3A_1061] {strides = array<i32>} : memref<3x4x512xf32, #tpu.memory_space<vmem>>, vector<16xf32>,
      %get3A_1063 = arith.constant 2 : i32
      %get3A_1064 = arith.constant 2 : i32
      %get3A_1065 = arith.index_cast %get3A_1063 : i32 to index
      %get3A_1066 = arith.index_cast %get3A_1064 : i32 to index
      %get3A_1067 = arith.index_cast %mul3A_867 : i32 to index
      %get3A_1068 = tpu.vector_load %arg18[%get3A_1065, %get3A_1066, %get3A_1067] {strides = array<i32>} : memref<3x4x512xf32, #tpu.memory_space<vmem>>, vector<16xf32>,
      %sub3A_1069 = arith.subf %get3A_1062, %get3A_1068 : vector<16xf32>
      %mul3A_1070 = arith.mulf %sub3A_1043, %sub3A_1043 : vector<16xf32>
      %mul3A_1071 = arith.mulf %sub3A_1056, %sub3A_1056 : vector<16xf32>
      %add3A_1072 = arith.addf %mul3A_1070, %mul3A_1071 : vector<16xf32>
      %mul3A_1073 = arith.mulf %sub3A_1069, %sub3A_1069 : vector<16xf32>
      %add3A_1074 = arith.addf %add3A_1072, %mul3A_1073 : vector<16xf32>
      %max3A_1075 = arith.constant 1.000000e-30 : f32
      %max3A_1076 = vector.broadcast %max3A_1075 : f32 to vector<16xf32>
      %max3A_1077 = arith.maximumf %add3A_1074, %max3A_1076 : vector<16xf32>
      %bitcast_convert_type3A_1078 = tpu.bitcast %max3A_1077 : vector<16xf32> -> vector<16xi32>
      %shift_right_arithmetic3A_1079 = arith.constant 1 : i32
      %shift_right_arithmetic3A_1080 = vector.broadcast %shift_right_arithmetic3A_1079 : i32 to vector<16xi32>
      %shift_right_arithmetic3A_1081 = arith.shrsi %bitcast_convert_type3A_1078, %shift_right_arithmetic3A_1080 : vector<16xi32>
      %sub3A_1082 = arith.constant 1597463007 : i32
      %sub3A_1083 = vector.broadcast %sub3A_1082 : i32 to vector<16xi32>
      %sub3A_1084 = arith.subi %sub3A_1083, %shift_right_arithmetic3A_1081 : vector<16xi32>
      %bitcast_convert_type3A_1085 = tpu.bitcast %sub3A_1084 : vector<16xi32> -> vector<16xf32>
      %mul3A_1086 = arith.constant 5.000000e-01 : f32
      %mul3A_1087 = vector.broadcast %mul3A_1086 : f32 to vector<16xf32>
      %mul3A_1088 = arith.mulf %mul3A_1087, %max3A_1077 : vector<16xf32>
      %mul3A_1089 = arith.mulf %mul3A_1088, %bitcast_convert_type3A_1085 : vector<16xf32>
      %mul3A_1090 = arith.mulf %mul3A_1089, %bitcast_convert_type3A_1085 : vector<16xf32>
      %sub3A_1091 = arith.constant 1.500000e+00 : f32
      %sub3A_1092 = vector.broadcast %sub3A_1091 : f32 to vector<16xf32>
      %sub3A_1093 = arith.subf %sub3A_1092, %mul3A_1090 : vector<16xf32>
      %mul3A_1094 = arith.mulf %bitcast_convert_type3A_1085, %sub3A_1093 : vector<16xf32>
      %mul3A_1095 = arith.constant 5.000000e-01 : f32
      %mul3A_1096 = vector.broadcast %mul3A_1095 : f32 to vector<16xf32>
      %mul3A_1097 = arith.mulf %mul3A_1096, %max3A_1077 : vector<16xf32>
      %mul3A_1098 = arith.mulf %mul3A_1097, %mul3A_1094 : vector<16xf32>
      %mul3A_1099 = arith.mulf %mul3A_1098, %mul3A_1094 : vector<16xf32>
      %sub3A_1100 = arith.constant 1.500000e+00 : f32
      %sub3A_1101 = vector.broadcast %sub3A_1100 : f32 to vector<16xf32>
      %sub3A_1102 = arith.subf %sub3A_1101, %mul3A_1099 : vector<16xf32>
      %mul3A_1103 = arith.mulf %mul3A_1094, %sub3A_1102 : vector<16xf32>
      %mul3A_1104 = arith.constant 5.000000e-01 : f32
      %mul3A_1105 = vector.broadcast %mul3A_1104 : f32 to vector<16xf32>
      %mul3A_1106 = arith.mulf %mul3A_1105, %max3A_1077 : vector<16xf32>
      %mul3A_1107 = arith.mulf %mul3A_1106, %mul3A_1103 : vector<16xf32>
      %mul3A_1108 = arith.mulf %mul3A_1107, %mul3A_1103 : vector<16xf32>
      %sub3A_1109 = arith.constant 1.500000e+00 : f32
      %sub3A_1110 = vector.broadcast %sub3A_1109 : f32 to vector<16xf32>
      %sub3A_1111 = arith.subf %sub3A_1110, %mul3A_1108 : vector<16xf32>
      %mul3A_1112 = arith.mulf %mul3A_1103, %sub3A_1111 : vector<16xf32>
      %mul3A_1113 = arith.mulf %add3A_1074, %mul3A_1112 : vector<16xf32>
      %get3A_1114 = arith.constant 0 : i32
      %get3A_1115 = arith.constant 3 : i32
      %get3A_1116 = arith.index_cast %get3A_1114 : i32 to index
      %get3A_1117 = arith.index_cast %get3A_1115 : i32 to index
      %get3A_1118 = arith.index_cast %mul3A_867 : i32 to index
      %get3A_1119 = tpu.vector_load %arg17[%get3A_1116, %get3A_1117, %get3A_1118] {strides = array<i32>} : memref<3x4x512xf32, #tpu.memory_space<vmem>>, vector<16xf32>,
      %get3A_1120 = arith.constant 0 : i32
      %get3A_1121 = arith.constant 3 : i32
      %get3A_1122 = arith.index_cast %get3A_1120 : i32 to index
      %get3A_1123 = arith.index_cast %get3A_1121 : i32 to index
      %get3A_1124 = arith.index_cast %mul3A_867 : i32 to index
      %get3A_1125 = tpu.vector_load %arg18[%get3A_1122, %get3A_1123, %get3A_1124] {strides = array<i32>} : memref<3x4x512xf32, #tpu.memory_space<vmem>>, vector<16xf32>,
      %sub3A_1126 = arith.subf %get3A_1119, %get3A_1125 : vector<16xf32>
      %get3A_1127 = arith.constant 1 : i32
      %get3A_1128 = arith.constant 3 : i32
      %get3A_1129 = arith.index_cast %get3A_1127 : i32 to index
      %get3A_1130 = arith.index_cast %get3A_1128 : i32 to index
      %get3A_1131 = arith.index_cast %mul3A_867 : i32 to index
      %get3A_1132 = tpu.vector_load %arg17[%get3A_1129, %get3A_1130, %get3A_1131] {strides = array<i32>} : memref<3x4x512xf32, #tpu.memory_space<vmem>>, vector<16xf32>,
      %get3A_1133 = arith.constant 1 : i32
      %get3A_1134 = arith.constant 3 : i32
      %get3A_1135 = arith.index_cast %get3A_1133 : i32 to index
      %get3A_1136 = arith.index_cast %get3A_1134 : i32 to index
      %get3A_1137 = arith.index_cast %mul3A_867 : i32 to index
      %get3A_1138 = tpu.vector_load %arg18[%get3A_1135, %get3A_1136, %get3A_1137] {strides = array<i32>} : memref<3x4x512xf32, #tpu.memory_space<vmem>>, vector<16xf32>,
      %sub3A_1139 = arith.subf %get3A_1132, %get3A_1138 : vector<16xf32>
      %get3A_1140 = arith.constant 2 : i32
      %get3A_1141 = arith.constant 3 : i32
      %get3A_1142 = arith.index_cast %get3A_1140 : i32 to index
      %get3A_1143 = arith.index_cast %get3A_1141 : i32 to index
      %get3A_1144 = arith.index_cast %mul3A_867 : i32 to index
      %get3A_1145 = tpu.vector_load %arg17[%get3A_1142, %get3A_1143, %get3A_1144] {strides = array<i32>} : memref<3x4x512xf32, #tpu.memory_space<vmem>>, vector<16xf32>,
      %get3A_1146 = arith.constant 2 : i32
      %get3A_1147 = arith.constant 3 : i32
      %get3A_1148 = arith.index_cast %get3A_1146 : i32 to index
      %get3A_1149 = arith.index_cast %get3A_1147 : i32 to index
      %get3A_1150 = arith.index_cast %mul3A_867 : i32 to index
      %get3A_1151 = tpu.vector_load %arg18[%get3A_1148, %get3A_1149, %get3A_1150] {strides = array<i32>} : memref<3x4x512xf32, #tpu.memory_space<vmem>>, vector<16xf32>,
      %sub3A_1152 = arith.subf %get3A_1145, %get3A_1151 : vector<16xf32>
      %mul3A_1153 = arith.mulf %sub3A_1126, %sub3A_1126 : vector<16xf32>
      %mul3A_1154 = arith.mulf %sub3A_1139, %sub3A_1139 : vector<16xf32>
      %add3A_1155 = arith.addf %mul3A_1153, %mul3A_1154 : vector<16xf32>
      %mul3A_1156 = arith.mulf %sub3A_1152, %sub3A_1152 : vector<16xf32>
      %add3A_1157 = arith.addf %add3A_1155, %mul3A_1156 : vector<16xf32>
      %max3A_1158 = arith.constant 1.000000e-30 : f32
      %max3A_1159 = vector.broadcast %max3A_1158 : f32 to vector<16xf32>
      %max3A_1160 = arith.maximumf %add3A_1157, %max3A_1159 : vector<16xf32>
      %bitcast_convert_type3A_1161 = tpu.bitcast %max3A_1160 : vector<16xf32> -> vector<16xi32>
      %shift_right_arithmetic3A_1162 = arith.constant 1 : i32
      %shift_right_arithmetic3A_1163 = vector.broadcast %shift_right_arithmetic3A_1162 : i32 to vector<16xi32>
      %shift_right_arithmetic3A_1164 = arith.shrsi %bitcast_convert_type3A_1161, %shift_right_arithmetic3A_1163 : vector<16xi32>
      %sub3A_1165 = arith.constant 1597463007 : i32
      %sub3A_1166 = vector.broadcast %sub3A_1165 : i32 to vector<16xi32>
      %sub3A_1167 = arith.subi %sub3A_1166, %shift_right_arithmetic3A_1164 : vector<16xi32>
      %bitcast_convert_type3A_1168 = tpu.bitcast %sub3A_1167 : vector<16xi32> -> vector<16xf32>
      %mul3A_1169 = arith.constant 5.000000e-01 : f32
      %mul3A_1170 = vector.broadcast %mul3A_1169 : f32 to vector<16xf32>
      %mul3A_1171 = arith.mulf %mul3A_1170, %max3A_1160 : vector<16xf32>
      %mul3A_1172 = arith.mulf %mul3A_1171, %bitcast_convert_type3A_1168 : vector<16xf32>
      %mul3A_1173 = arith.mulf %mul3A_1172, %bitcast_convert_type3A_1168 : vector<16xf32>
      %sub3A_1174 = arith.constant 1.500000e+00 : f32
      %sub3A_1175 = vector.broadcast %sub3A_1174 : f32 to vector<16xf32>
      %sub3A_1176 = arith.subf %sub3A_1175, %mul3A_1173 : vector<16xf32>
      %mul3A_1177 = arith.mulf %bitcast_convert_type3A_1168, %sub3A_1176 : vector<16xf32>
      %mul3A_1178 = arith.constant 5.000000e-01 : f32
      %mul3A_1179 = vector.broadcast %mul3A_1178 : f32 to vector<16xf32>
      %mul3A_1180 = arith.mulf %mul3A_1179, %max3A_1160 : vector<16xf32>
      %mul3A_1181 = arith.mulf %mul3A_1180, %mul3A_1177 : vector<16xf32>
      %mul3A_1182 = arith.mulf %mul3A_1181, %mul3A_1177 : vector<16xf32>
      %sub3A_1183 = arith.constant 1.500000e+00 : f32
      %sub3A_1184 = vector.broadcast %sub3A_1183 : f32 to vector<16xf32>
      %sub3A_1185 = arith.subf %sub3A_1184, %mul3A_1182 : vector<16xf32>
      %mul3A_1186 = arith.mulf %mul3A_1177, %sub3A_1185 : vector<16xf32>
      %mul3A_1187 = arith.constant 5.000000e-01 : f32
      %mul3A_1188 = vector.broadcast %mul3A_1187 : f32 to vector<16xf32>
      %mul3A_1189 = arith.mulf %mul3A_1188, %max3A_1160 : vector<16xf32>
      %mul3A_1190 = arith.mulf %mul3A_1189, %mul3A_1186 : vector<16xf32>
      %mul3A_1191 = arith.mulf %mul3A_1190, %mul3A_1186 : vector<16xf32>
      %sub3A_1192 = arith.constant 1.500000e+00 : f32
      %sub3A_1193 = vector.broadcast %sub3A_1192 : f32 to vector<16xf32>
      %sub3A_1194 = arith.subf %sub3A_1193, %mul3A_1191 : vector<16xf32>
      %mul3A_1195 = arith.mulf %mul3A_1186, %sub3A_1194 : vector<16xf32>
      %mul3A_1196 = arith.mulf %add3A_1157, %mul3A_1195 : vector<16xf32>
      %add3A_1197 = arith.addf %mul3A_947, %mul3A_1030 : vector<16xf32>
      %add3A_1198 = arith.addf %mul3A_1113, %mul3A_1196 : vector<16xf32>
      %add3A_1199 = arith.addf %add3A_1197, %add3A_1198 : vector<16xf32>
      %eq3A_1200 = arith.constant 0 : i32
      %eq3A_1201 = vector.broadcast %eq3A_1200 : i32 to vector<16xi32>
      %eq3A_1202 = arith.cmpi eq, %get3A_868, %eq3A_1201 : vector<16xi32>
      %jit3A = arith.constant 0.000000e+00 : f32
      %broadcast_in_dim3A_1203 = vector.broadcast %jit3A : f32 to vector<16xf32>
      %select_n3A_1204 = arith.select %eq3A_1202, %add3A_1199, %broadcast_in_dim3A_1203 : vector<16xi1>, vector<16xf32>
      %add3A_1205 = arith.addf %scan3A_850, %select_n3A_1204 : vector<16xf32>
      %jit3A_1206 = arith.constant 1.000000e+00 : f32
      %jit3A_1207 = arith.constant 0.000000e+00 : f32
      %broadcast_in_dim3A_1208 = vector.broadcast %jit3A_1206 : f32 to vector<16xf32>
      %broadcast_in_dim3A_1209 = vector.broadcast %jit3A_1207 : f32 to vector<16xf32>
      %select_n3A_1210 = arith.select %eq3A_1202, %broadcast_in_dim3A_1208, %broadcast_in_dim3A_1209 : vector<16xi1>, vector<16xf32>
      %add3A_1211 = arith.addf %scan3A_858, %select_n3A_1210 : vector<16xf32>
      %eq3A_1212 = arith.constant 1 : i32
      %eq3A_1213 = vector.broadcast %eq3A_1212 : i32 to vector<16xi32>
      %eq3A_1214 = arith.cmpi eq, %get3A_868, %eq3A_1213 : vector<16xi32>
      %jit3A_1215 = arith.constant 0.000000e+00 : f32
      %broadcast_in_dim3A_1216 = vector.broadcast %jit3A_1215 : f32 to vector<16xf32>
      %select_n3A_1217 = arith.select %eq3A_1214, %add3A_1199, %broadcast_in_dim3A_1216 : vector<16xi1>, vector<16xf32>
      %add3A_1218 = arith.addf %scan3A_851, %select_n3A_1217 : vector<16xf32>
      %jit3A_1219 = arith.constant 1.000000e+00 : f32
      %jit3A_1220 = arith.constant 0.000000e+00 : f32
      %broadcast_in_dim3A_1221 = vector.broadcast %jit3A_1219 : f32 to vector<16xf32>
      %broadcast_in_dim3A_1222 = vector.broadcast %jit3A_1220 : f32 to vector<16xf32>
      %select_n3A_1223 = arith.select %eq3A_1214, %broadcast_in_dim3A_1221, %broadcast_in_dim3A_1222 : vector<16xi1>, vector<16xf32>
      %add3A_1224 = arith.addf %scan3A_859, %select_n3A_1223 : vector<16xf32>
      %eq3A_1225 = arith.constant 2 : i32
      %eq3A_1226 = vector.broadcast %eq3A_1225 : i32 to vector<16xi32>
      %eq3A_1227 = arith.cmpi eq, %get3A_868, %eq3A_1226 : vector<16xi32>
      %jit3A_1228 = arith.constant 0.000000e+00 : f32
      %broadcast_in_dim3A_1229 = vector.broadcast %jit3A_1228 : f32 to vector<16xf32>
      %select_n3A_1230 = arith.select %eq3A_1227, %add3A_1199, %broadcast_in_dim3A_1229 : vector<16xi1>, vector<16xf32>
      %add3A_1231 = arith.addf %scan3A_852, %select_n3A_1230 : vector<16xf32>
      %jit3A_1232 = arith.constant 1.000000e+00 : f32
      %jit3A_1233 = arith.constant 0.000000e+00 : f32
      %broadcast_in_dim3A_1234 = vector.broadcast %jit3A_1232 : f32 to vector<16xf32>
      %broadcast_in_dim3A_1235 = vector.broadcast %jit3A_1233 : f32 to vector<16xf32>
      %select_n3A_1236 = arith.select %eq3A_1227, %broadcast_in_dim3A_1234, %broadcast_in_dim3A_1235 : vector<16xi1>, vector<16xf32>
      %add3A_1237 = arith.addf %scan3A_860, %select_n3A_1236 : vector<16xf32>
      %eq3A_1238 = arith.constant 3 : i32
      %eq3A_1239 = vector.broadcast %eq3A_1238 : i32 to vector<16xi32>
      %eq3A_1240 = arith.cmpi eq, %get3A_868, %eq3A_1239 : vector<16xi32>
      %jit3A_1241 = arith.constant 0.000000e+00 : f32
      %broadcast_in_dim3A_1242 = vector.broadcast %jit3A_1241 : f32 to vector<16xf32>
      %select_n3A_1243 = arith.select %eq3A_1240, %add3A_1199, %broadcast_in_dim3A_1242 : vector<16xi1>, vector<16xf32>
      %add3A_1244 = arith.addf %scan3A_853, %select_n3A_1243 : vector<16xf32>
      %jit3A_1245 = arith.constant 1.000000e+00 : f32
      %jit3A_1246 = arith.constant 0.000000e+00 : f32
      %broadcast_in_dim3A_1247 = vector.broadcast %jit3A_1245 : f32 to vector<16xf32>
      %broadcast_in_dim3A_1248 = vector.broadcast %jit3A_1246 : f32 to vector<16xf32>
      %select_n3A_1249 = arith.select %eq3A_1240, %broadcast_in_dim3A_1247, %broadcast_in_dim3A_1248 : vector<16xi1>, vector<16xf32>
      %add3A_1250 = arith.addf %scan3A_861, %select_n3A_1249 : vector<16xf32>
      %eq3A_1251 = arith.constant 4 : i32
      %eq3A_1252 = vector.broadcast %eq3A_1251 : i32 to vector<16xi32>
      %eq3A_1253 = arith.cmpi eq, %get3A_868, %eq3A_1252 : vector<16xi32>
      %jit3A_1254 = arith.constant 0.000000e+00 : f32
      %broadcast_in_dim3A_1255 = vector.broadcast %jit3A_1254 : f32 to vector<16xf32>
      %select_n3A_1256 = arith.select %eq3A_1253, %add3A_1199, %broadcast_in_dim3A_1255 : vector<16xi1>, vector<16xf32>
      %add3A_1257 = arith.addf %scan3A_854, %select_n3A_1256 : vector<16xf32>
      %jit3A_1258 = arith.constant 1.000000e+00 : f32
      %jit3A_1259 = arith.constant 0.000000e+00 : f32
      %broadcast_in_dim3A_1260 = vector.broadcast %jit3A_1258 : f32 to vector<16xf32>
      %broadcast_in_dim3A_1261 = vector.broadcast %jit3A_1259 : f32 to vector<16xf32>
      %select_n3A_1262 = arith.select %eq3A_1253, %broadcast_in_dim3A_1260, %broadcast_in_dim3A_1261 : vector<16xi1>, vector<16xf32>
      %add3A_1263 = arith.addf %scan3A_862, %select_n3A_1262 : vector<16xf32>
      %eq3A_1264 = arith.constant 5 : i32
      %eq3A_1265 = vector.broadcast %eq3A_1264 : i32 to vector<16xi32>
      %eq3A_1266 = arith.cmpi eq, %get3A_868, %eq3A_1265 : vector<16xi32>
      %jit3A_1267 = arith.constant 0.000000e+00 : f32
      %broadcast_in_dim3A_1268 = vector.broadcast %jit3A_1267 : f32 to vector<16xf32>
      %select_n3A_1269 = arith.select %eq3A_1266, %add3A_1199, %broadcast_in_dim3A_1268 : vector<16xi1>, vector<16xf32>
      %add3A_1270 = arith.addf %scan3A_855, %select_n3A_1269 : vector<16xf32>
      %jit3A_1271 = arith.constant 1.000000e+00 : f32
      %jit3A_1272 = arith.constant 0.000000e+00 : f32
      %broadcast_in_dim3A_1273 = vector.broadcast %jit3A_1271 : f32 to vector<16xf32>
      %broadcast_in_dim3A_1274 = vector.broadcast %jit3A_1272 : f32 to vector<16xf32>
      %select_n3A_1275 = arith.select %eq3A_1266, %broadcast_in_dim3A_1273, %broadcast_in_dim3A_1274 : vector<16xi1>, vector<16xf32>
      %add3A_1276 = arith.addf %scan3A_863, %select_n3A_1275 : vector<16xf32>
      %eq3A_1277 = arith.constant 6 : i32
      %eq3A_1278 = vector.broadcast %eq3A_1277 : i32 to vector<16xi32>
      %eq3A_1279 = arith.cmpi eq, %get3A_868, %eq3A_1278 : vector<16xi32>
      %jit3A_1280 = arith.constant 0.000000e+00 : f32
      %broadcast_in_dim3A_1281 = vector.broadcast %jit3A_1280 : f32 to vector<16xf32>
      %select_n3A_1282 = arith.select %eq3A_1279, %add3A_1199, %broadcast_in_dim3A_1281 : vector<16xi1>, vector<16xf32>
      %add3A_1283 = arith.addf %scan3A_856, %select_n3A_1282 : vector<16xf32>
      %jit3A_1284 = arith.constant 1.000000e+00 : f32
      %jit3A_1285 = arith.constant 0.000000e+00 : f32
      %broadcast_in_dim3A_1286 = vector.broadcast %jit3A_1284 : f32 to vector<16xf32>
      %broadcast_in_dim3A_1287 = vector.broadcast %jit3A_1285 : f32 to vector<16xf32>
      %select_n3A_1288 = arith.select %eq3A_1279, %broadcast_in_dim3A_1286, %broadcast_in_dim3A_1287 : vector<16xi1>, vector<16xf32>
      %add3A_1289 = arith.addf %scan3A_864, %select_n3A_1288 : vector<16xf32>
      %eq3A_1290 = arith.constant 7 : i32
      %eq3A_1291 = vector.broadcast %eq3A_1290 : i32 to vector<16xi32>
      %eq3A_1292 = arith.cmpi eq, %get3A_868, %eq3A_1291 : vector<16xi32>
      %jit3A_1293 = arith.constant 0.000000e+00 : f32
      %broadcast_in_dim3A_1294 = vector.broadcast %jit3A_1293 : f32 to vector<16xf32>
      %select_n3A_1295 = arith.select %eq3A_1292, %add3A_1199, %broadcast_in_dim3A_1294 : vector<16xi1>, vector<16xf32>
      %add3A_1296 = arith.addf %scan3A_857, %select_n3A_1295 : vector<16xf32>
      %jit3A_1297 = arith.constant 1.000000e+00 : f32
      %jit3A_1298 = arith.constant 0.000000e+00 : f32
      %broadcast_in_dim3A_1299 = vector.broadcast %jit3A_1297 : f32 to vector<16xf32>
      %broadcast_in_dim3A_1300 = vector.broadcast %jit3A_1298 : f32 to vector<16xf32>
      %select_n3A_1301 = arith.select %eq3A_1292, %broadcast_in_dim3A_1299, %broadcast_in_dim3A_1300 : vector<16xi1>, vector<16xf32>
      %add3A_1302 = arith.addf %scan3A_865, %select_n3A_1301 : vector<16xf32>
      scf.yield %add3A_1205, %add3A_1218, %add3A_1231, %add3A_1244, %add3A_1257, %add3A_1270, %add3A_1283, %add3A_1296, %add3A_1211, %add3A_1224, %add3A_1237, %add3A_1250, %add3A_1263, %add3A_1276, %add3A_1289, %add3A_1302 : vector<16xf32>, vector<16xf32>, vector<16xf32>, vector<16xf32>, vector<16xf32>, vector<16xf32>, vector<16xf32>, vector<16xf32>, vector<16xf32>, vector<16xf32>, vector<16xf32>, vector<16xf32>, vector<16xf32>, vector<16xf32>, vector<16xf32>, vector<16xf32>
    }
    %scan3A_146 = arith.constant 32 : i32
    %dma_wait3A_147 = arith.constant 0 : i32
    %dma_wait3A_148 = arith.constant 0 : i32
    %dma_wait3A_149 = tpu.memref_slice %arg5[%dma_wait3A_147, %dma_wait3A_148, %mul3A_2] : memref<10x3x16384xf32, #tpu.memory_space<hbm>> -> memref<10x3x512xf32, #tpu.memory_space<hbm>>
    %dma_wait3A_150 = arith.constant 0 : i32
    %dma_wait3A_151 = arith.constant 0 : i32
    %dma_wait3A_152 = tpu.memref_slice %arg5[%dma_wait3A_150, %dma_wait3A_151, %mul3A_2] : memref<10x3x16384xf32, #tpu.memory_space<hbm>> -> memref<10x3x512xf32, #tpu.memory_space<hbm>>
    tpu.wait_dma2 semaphore(%arg30 : memref<!tpu.dma_semaphore, #tpu.memory_space<semaphore_mem>>) src(%dma_wait3A_152 : memref<10x3x512xf32, #tpu.memory_space<hbm>>) dst(%arg19 : memref<10x3x512xf32, #tpu.memory_space<vmem>>)
    %dma_wait3A_153 = arith.constant 0 : i32
    %dma_wait3A_154 = arith.constant 0 : i32
    %dma_wait3A_155 = tpu.memref_slice %arg6[%dma_wait3A_153, %dma_wait3A_154, %mul3A_2] : memref<10x3x16384xf32, #tpu.memory_space<hbm>> -> memref<10x3x512xf32, #tpu.memory_space<hbm>>
    %dma_wait3A_156 = arith.constant 0 : i32
    %dma_wait3A_157 = arith.constant 0 : i32
    %dma_wait3A_158 = tpu.memref_slice %arg6[%dma_wait3A_156, %dma_wait3A_157, %mul3A_2] : memref<10x3x16384xf32, #tpu.memory_space<hbm>> -> memref<10x3x512xf32, #tpu.memory_space<hbm>>
    tpu.wait_dma2 semaphore(%arg30 : memref<!tpu.dma_semaphore, #tpu.memory_space<semaphore_mem>>) src(%dma_wait3A_158 : memref<10x3x512xf32, #tpu.memory_space<hbm>>) dst(%arg20 : memref<10x3x512xf32, #tpu.memory_space<vmem>>)
    %dma_wait3A_159 = arith.constant 0 : i32
    %dma_wait3A_160 = tpu.memref_slice %arg7[%dma_wait3A_159, %mul3A_2] : memref<10x16384xf32, #tpu.memory_space<hbm>> -> memref<10x512xf32, #tpu.memory_space<hbm>>
    %dma_wait3A_161 = arith.constant 0 : i32
    %dma_wait3A_162 = tpu.memref_slice %arg7[%dma_wait3A_161, %mul3A_2] : memref<10x16384xf32, #tpu.memory_space<hbm>> -> memref<10x512xf32, #tpu.memory_space<hbm>>
    tpu.wait_dma2 semaphore(%arg30 : memref<!tpu.dma_semaphore, #tpu.memory_space<semaphore_mem>>) src(%dma_wait3A_162 : memref<10x512xf32, #tpu.memory_space<hbm>>) dst(%arg21 : memref<10x512xf32, #tpu.memory_space<vmem>>)
    %dma_wait3A_163 = tpu.memref_slice %arg13[%mul3A_2] : memref<16384xi32, #tpu.memory_space<hbm>> -> memref<512xi32, #tpu.memory_space<hbm>>
    %dma_wait3A_164 = tpu.memref_slice %arg13[%mul3A_2] : memref<16384xi32, #tpu.memory_space<hbm>> -> memref<512xi32, #tpu.memory_space<hbm>>
    tpu.wait_dma2 semaphore(%arg30 : memref<!tpu.dma_semaphore, #tpu.memory_space<semaphore_mem>>) src(%dma_wait3A_164 : memref<512xi32, #tpu.memory_space<hbm>>) dst(%arg27 : memref<512xi32, #tpu.memory_space<vmem>>)
    %broadcast_in_dim3A_165 = arith.constant 0.000000e+00 : f32
    %broadcast_in_dim3A_166 = vector.broadcast %broadcast_in_dim3A_165 : f32 to vector<16xf32>
    %broadcast_in_dim3A_167 = arith.constant 0.000000e+00 : f32
    %broadcast_in_dim3A_168 = vector.broadcast %broadcast_in_dim3A_167 : f32 to vector<16xf32>
    %broadcast_in_dim3A_169 = arith.constant 0.000000e+00 : f32
    %broadcast_in_dim3A_170 = vector.broadcast %broadcast_in_dim3A_169 : f32 to vector<16xf32>
    %broadcast_in_dim3A_171 = arith.constant 0.000000e+00 : f32
    %broadcast_in_dim3A_172 = vector.broadcast %broadcast_in_dim3A_171 : f32 to vector<16xf32>
    %broadcast_in_dim3A_173 = arith.constant 0.000000e+00 : f32
    %broadcast_in_dim3A_174 = vector.broadcast %broadcast_in_dim3A_173 : f32 to vector<16xf32>
    %broadcast_in_dim3A_175 = arith.constant 0.000000e+00 : f32
    %broadcast_in_dim3A_176 = vector.broadcast %broadcast_in_dim3A_175 : f32 to vector<16xf32>
    %broadcast_in_dim3A_177 = arith.constant 0.000000e+00 : f32
    %broadcast_in_dim3A_178 = vector.broadcast %broadcast_in_dim3A_177 : f32 to vector<16xf32>
    %broadcast_in_dim3A_179 = arith.constant 0.000000e+00 : f32
    %broadcast_in_dim3A_180 = vector.broadcast %broadcast_in_dim3A_179 : f32 to vector<16xf32>
    %broadcast_in_dim3A_181 = arith.constant 0.000000e+00 : f32
    %broadcast_in_dim3A_182 = vector.broadcast %broadcast_in_dim3A_181 : f32 to vector<16xf32>
    %broadcast_in_dim3A_183 = arith.constant 0.000000e+00 : f32
    %broadcast_in_dim3A_184 = vector.broadcast %broadcast_in_dim3A_183 : f32 to vector<16xf32>
    %broadcast_in_dim3A_185 = arith.constant 0.000000e+00 : f32
    %broadcast_in_dim3A_186 = vector.broadcast %broadcast_in_dim3A_185 : f32 to vector<16xf32>
    %broadcast_in_dim3A_187 = arith.constant 0.000000e+00 : f32
    %broadcast_in_dim3A_188 = vector.broadcast %broadcast_in_dim3A_187 : f32 to vector<16xf32>
    %broadcast_in_dim3A_189 = arith.constant 0.000000e+00 : f32
    %broadcast_in_dim3A_190 = vector.broadcast %broadcast_in_dim3A_189 : f32 to vector<16xf32>
    %broadcast_in_dim3A_191 = arith.constant 0.000000e+00 : f32
    %broadcast_in_dim3A_192 = vector.broadcast %broadcast_in_dim3A_191 : f32 to vector<16xf32>
    %broadcast_in_dim3A_193 = arith.constant 0.000000e+00 : f32
    %broadcast_in_dim3A_194 = vector.broadcast %broadcast_in_dim3A_193 : f32 to vector<16xf32>
    %broadcast_in_dim3A_195 = arith.constant 0.000000e+00 : f32
    %broadcast_in_dim3A_196 = vector.broadcast %broadcast_in_dim3A_195 : f32 to vector<16xf32>
    %scan3A_197 = arith.constant 0 : i32
    %scan3A_198 = arith.constant 32 : i32
    %scan3A_199 = arith.addi %scan3A_197, %scan3A_198 : i32
    %scan3A_200 = arith.constant 1 : i32
    %scan3A_201:16 = scf.for %scan3A_849 = %scan3A_197 to %scan3A_199 step %scan3A_200 iter_args(%scan3A_850 = %broadcast_in_dim3A_166, %scan3A_851 = %broadcast_in_dim3A_168, %scan3A_852 = %broadcast_in_dim3A_170, %scan3A_853 = %broadcast_in_dim3A_172, %scan3A_854 = %broadcast_in_dim3A_174, %scan3A_855 = %broadcast_in_dim3A_176, %scan3A_856 = %broadcast_in_dim3A_178, %scan3A_857 = %broadcast_in_dim3A_180, %scan3A_858 = %broadcast_in_dim3A_182, %scan3A_859 = %broadcast_in_dim3A_184, %scan3A_860 = %broadcast_in_dim3A_186, %scan3A_861 = %broadcast_in_dim3A_188, %scan3A_862 = %broadcast_in_dim3A_190, %scan3A_863 = %broadcast_in_dim3A_192, %scan3A_864 = %broadcast_in_dim3A_194, %scan3A_865 = %broadcast_in_dim3A_196) -> (vector<16xf32>, vector<16xf32>, vector<16xf32>, vector<16xf32>, vector<16xf32>, vector<16xf32>, vector<16xf32>, vector<16xf32>, vector<16xf32>, vector<16xf32>, vector<16xf32>, vector<16xf32>, vector<16xf32>, vector<16xf32>, vector<16xf32>, vector<16xf32>)  : i32 {
      %mul3A_866 = arith.constant 16 : i32
      %mul3A_867 = arith.muli %scan3A_849, %mul3A_866 : i32
      %get3A = arith.index_cast %mul3A_867 : i32 to index
      %get3A_868 = tpu.vector_load %arg27[%get3A] {strides = array<i32>} : memref<512xi32, #tpu.memory_space<vmem>>, vector<16xi32>,
      %get3A_869 = arith.constant 0 : i32
      %get3A_870 = arith.constant 0 : i32
      %get3A_871 = arith.index_cast %get3A_869 : i32 to index
      %get3A_872 = arith.index_cast %get3A_870 : i32 to index
      %get3A_873 = arith.index_cast %mul3A_867 : i32 to index
      %get3A_874 = tpu.vector_load %arg19[%get3A_871, %get3A_872, %get3A_873] {strides = array<i32>} : memref<10x3x512xf32, #tpu.memory_space<vmem>>, vector<16xf32>,
      %get3A_875 = arith.constant 0 : i32
      %get3A_876 = arith.constant 0 : i32
      %get3A_877 = arith.index_cast %get3A_875 : i32 to index
      %get3A_878 = arith.index_cast %get3A_876 : i32 to index
      %get3A_879 = arith.index_cast %mul3A_867 : i32 to index
      %get3A_880 = tpu.vector_load %arg20[%get3A_877, %get3A_878, %get3A_879] {strides = array<i32>} : memref<10x3x512xf32, #tpu.memory_space<vmem>>, vector<16xf32>,
      %sub3A = arith.subf %get3A_874, %get3A_880 : vector<16xf32>
      %get3A_881 = arith.constant 0 : i32
      %get3A_882 = arith.constant 1 : i32
      %get3A_883 = arith.index_cast %get3A_881 : i32 to index
      %get3A_884 = arith.index_cast %get3A_882 : i32 to index
      %get3A_885 = arith.index_cast %mul3A_867 : i32 to index
      %get3A_886 = tpu.vector_load %arg19[%get3A_883, %get3A_884, %get3A_885] {strides = array<i32>} : memref<10x3x512xf32, #tpu.memory_space<vmem>>, vector<16xf32>,
      %get3A_887 = arith.constant 0 : i32
      %get3A_888 = arith.constant 1 : i32
      %get3A_889 = arith.index_cast %get3A_887 : i32 to index
      %get3A_890 = arith.index_cast %get3A_888 : i32 to index
      %get3A_891 = arith.index_cast %mul3A_867 : i32 to index
      %get3A_892 = tpu.vector_load %arg20[%get3A_889, %get3A_890, %get3A_891] {strides = array<i32>} : memref<10x3x512xf32, #tpu.memory_space<vmem>>, vector<16xf32>,
      %sub3A_893 = arith.subf %get3A_886, %get3A_892 : vector<16xf32>
      %get3A_894 = arith.constant 0 : i32
      %get3A_895 = arith.constant 2 : i32
      %get3A_896 = arith.index_cast %get3A_894 : i32 to index
      %get3A_897 = arith.index_cast %get3A_895 : i32 to index
      %get3A_898 = arith.index_cast %mul3A_867 : i32 to index
      %get3A_899 = tpu.vector_load %arg19[%get3A_896, %get3A_897, %get3A_898] {strides = array<i32>} : memref<10x3x512xf32, #tpu.memory_space<vmem>>, vector<16xf32>,
      %get3A_900 = arith.constant 0 : i32
      %get3A_901 = arith.constant 2 : i32
      %get3A_902 = arith.index_cast %get3A_900 : i32 to index
      %get3A_903 = arith.index_cast %get3A_901 : i32 to index
      %get3A_904 = arith.index_cast %mul3A_867 : i32 to index
      %get3A_905 = tpu.vector_load %arg20[%get3A_902, %get3A_903, %get3A_904] {strides = array<i32>} : memref<10x3x512xf32, #tpu.memory_space<vmem>>, vector<16xf32>,
      %sub3A_906 = arith.subf %get3A_899, %get3A_905 : vector<16xf32>
      %get3A_907 = arith.constant 0 : i32
      %get3A_908 = arith.index_cast %get3A_907 : i32 to index
      %get3A_909 = arith.index_cast %mul3A_867 : i32 to index
      %get3A_910 = tpu.vector_load %arg21[%get3A_908, %get3A_909] {strides = array<i32>} : memref<10x512xf32, #tpu.memory_space<vmem>>, vector<16xf32>,
      %mul3A_911 = arith.mulf %sub3A, %sub3A : vector<16xf32>
      %mul3A_912 = arith.mulf %sub3A_893, %sub3A_893 : vector<16xf32>
      %add3A_913 = arith.addf %mul3A_911, %mul3A_912 : vector<16xf32>
      %mul3A_914 = arith.mulf %sub3A_906, %sub3A_906 : vector<16xf32>
      %add3A_915 = arith.addf %add3A_913, %mul3A_914 : vector<16xf32>
      %max3A = arith.constant 1.000000e-30 : f32
      %max3A_916 = vector.broadcast %max3A : f32 to vector<16xf32>
      %max3A_917 = arith.maximumf %add3A_915, %max3A_916 : vector<16xf32>
      %bitcast_convert_type3A = tpu.bitcast %max3A_917 : vector<16xf32> -> vector<16xi32>
      %shift_right_arithmetic3A = arith.constant 1 : i32
      %shift_right_arithmetic3A_918 = vector.broadcast %shift_right_arithmetic3A : i32 to vector<16xi32>
      %shift_right_arithmetic3A_919 = arith.shrsi %bitcast_convert_type3A, %shift_right_arithmetic3A_918 : vector<16xi32>
      %sub3A_920 = arith.constant 1597463007 : i32
      %sub3A_921 = vector.broadcast %sub3A_920 : i32 to vector<16xi32>
      %sub3A_922 = arith.subi %sub3A_921, %shift_right_arithmetic3A_919 : vector<16xi32>
      %bitcast_convert_type3A_923 = tpu.bitcast %sub3A_922 : vector<16xi32> -> vector<16xf32>
      %mul3A_924 = arith.constant 5.000000e-01 : f32
      %mul3A_925 = vector.broadcast %mul3A_924 : f32 to vector<16xf32>
      %mul3A_926 = arith.mulf %mul3A_925, %max3A_917 : vector<16xf32>
      %mul3A_927 = arith.mulf %mul3A_926, %bitcast_convert_type3A_923 : vector<16xf32>
      %mul3A_928 = arith.mulf %mul3A_927, %bitcast_convert_type3A_923 : vector<16xf32>
      %sub3A_929 = arith.constant 1.500000e+00 : f32
      %sub3A_930 = vector.broadcast %sub3A_929 : f32 to vector<16xf32>
      %sub3A_931 = arith.subf %sub3A_930, %mul3A_928 : vector<16xf32>
      %mul3A_932 = arith.mulf %bitcast_convert_type3A_923, %sub3A_931 : vector<16xf32>
      %mul3A_933 = arith.constant 5.000000e-01 : f32
      %mul3A_934 = vector.broadcast %mul3A_933 : f32 to vector<16xf32>
      %mul3A_935 = arith.mulf %mul3A_934, %max3A_917 : vector<16xf32>
      %mul3A_936 = arith.mulf %mul3A_935, %mul3A_932 : vector<16xf32>
      %mul3A_937 = arith.mulf %mul3A_936, %mul3A_932 : vector<16xf32>
      %sub3A_938 = arith.constant 1.500000e+00 : f32
      %sub3A_939 = vector.broadcast %sub3A_938 : f32 to vector<16xf32>
      %sub3A_940 = arith.subf %sub3A_939, %mul3A_937 : vector<16xf32>
      %mul3A_941 = arith.mulf %mul3A_932, %sub3A_940 : vector<16xf32>
      %mul3A_942 = arith.constant 5.000000e-01 : f32
      %mul3A_943 = vector.broadcast %mul3A_942 : f32 to vector<16xf32>
      %mul3A_944 = arith.mulf %mul3A_943, %max3A_917 : vector<16xf32>
      %mul3A_945 = arith.mulf %mul3A_944, %mul3A_941 : vector<16xf32>
      %mul3A_946 = arith.mulf %mul3A_945, %mul3A_941 : vector<16xf32>
      %sub3A_947 = arith.constant 1.500000e+00 : f32
      %sub3A_948 = vector.broadcast %sub3A_947 : f32 to vector<16xf32>
      %sub3A_949 = arith.subf %sub3A_948, %mul3A_946 : vector<16xf32>
      %mul3A_950 = arith.mulf %mul3A_941, %sub3A_949 : vector<16xf32>
      %mul3A_951 = arith.mulf %add3A_915, %mul3A_950 : vector<16xf32>
      %mul3A_952 = arith.mulf %mul3A_951, %get3A_910 : vector<16xf32>
      %get3A_953 = arith.constant 1 : i32
      %get3A_954 = arith.constant 0 : i32
      %get3A_955 = arith.index_cast %get3A_953 : i32 to index
      %get3A_956 = arith.index_cast %get3A_954 : i32 to index
      %get3A_957 = arith.index_cast %mul3A_867 : i32 to index
      %get3A_958 = tpu.vector_load %arg19[%get3A_955, %get3A_956, %get3A_957] {strides = array<i32>} : memref<10x3x512xf32, #tpu.memory_space<vmem>>, vector<16xf32>,
      %get3A_959 = arith.constant 1 : i32
      %get3A_960 = arith.constant 0 : i32
      %get3A_961 = arith.index_cast %get3A_959 : i32 to index
      %get3A_962 = arith.index_cast %get3A_960 : i32 to index
      %get3A_963 = arith.index_cast %mul3A_867 : i32 to index
      %get3A_964 = tpu.vector_load %arg20[%get3A_961, %get3A_962, %get3A_963] {strides = array<i32>} : memref<10x3x512xf32, #tpu.memory_space<vmem>>, vector<16xf32>,
      %sub3A_965 = arith.subf %get3A_958, %get3A_964 : vector<16xf32>
      %get3A_966 = arith.constant 1 : i32
      %get3A_967 = arith.constant 1 : i32
      %get3A_968 = arith.index_cast %get3A_966 : i32 to index
      %get3A_969 = arith.index_cast %get3A_967 : i32 to index
      %get3A_970 = arith.index_cast %mul3A_867 : i32 to index
      %get3A_971 = tpu.vector_load %arg19[%get3A_968, %get3A_969, %get3A_970] {strides = array<i32>} : memref<10x3x512xf32, #tpu.memory_space<vmem>>, vector<16xf32>,
      %get3A_972 = arith.constant 1 : i32
      %get3A_973 = arith.constant 1 : i32
      %get3A_974 = arith.index_cast %get3A_972 : i32 to index
      %get3A_975 = arith.index_cast %get3A_973 : i32 to index
      %get3A_976 = arith.index_cast %mul3A_867 : i32 to index
      %get3A_977 = tpu.vector_load %arg20[%get3A_974, %get3A_975, %get3A_976] {strides = array<i32>} : memref<10x3x512xf32, #tpu.memory_space<vmem>>, vector<16xf32>,
      %sub3A_978 = arith.subf %get3A_971, %get3A_977 : vector<16xf32>
      %get3A_979 = arith.constant 1 : i32
      %get3A_980 = arith.constant 2 : i32
      %get3A_981 = arith.index_cast %get3A_979 : i32 to index
      %get3A_982 = arith.index_cast %get3A_980 : i32 to index
      %get3A_983 = arith.index_cast %mul3A_867 : i32 to index
      %get3A_984 = tpu.vector_load %arg19[%get3A_981, %get3A_982, %get3A_983] {strides = array<i32>} : memref<10x3x512xf32, #tpu.memory_space<vmem>>, vector<16xf32>,
      %get3A_985 = arith.constant 1 : i32
      %get3A_986 = arith.constant 2 : i32
      %get3A_987 = arith.index_cast %get3A_985 : i32 to index
      %get3A_988 = arith.index_cast %get3A_986 : i32 to index
      %get3A_989 = arith.index_cast %mul3A_867 : i32 to index
      %get3A_990 = tpu.vector_load %arg20[%get3A_987, %get3A_988, %get3A_989] {strides = array<i32>} : memref<10x3x512xf32, #tpu.memory_space<vmem>>, vector<16xf32>,
      %sub3A_991 = arith.subf %get3A_984, %get3A_990 : vector<16xf32>
      %get3A_992 = arith.constant 1 : i32
      %get3A_993 = arith.index_cast %get3A_992 : i32 to index
      %get3A_994 = arith.index_cast %mul3A_867 : i32 to index
      %get3A_995 = tpu.vector_load %arg21[%get3A_993, %get3A_994] {strides = array<i32>} : memref<10x512xf32, #tpu.memory_space<vmem>>, vector<16xf32>,
      %mul3A_996 = arith.mulf %sub3A_965, %sub3A_965 : vector<16xf32>
      %mul3A_997 = arith.mulf %sub3A_978, %sub3A_978 : vector<16xf32>
      %add3A_998 = arith.addf %mul3A_996, %mul3A_997 : vector<16xf32>
      %mul3A_999 = arith.mulf %sub3A_991, %sub3A_991 : vector<16xf32>
      %add3A_1000 = arith.addf %add3A_998, %mul3A_999 : vector<16xf32>
      %max3A_1001 = arith.constant 1.000000e-30 : f32
      %max3A_1002 = vector.broadcast %max3A_1001 : f32 to vector<16xf32>
      %max3A_1003 = arith.maximumf %add3A_1000, %max3A_1002 : vector<16xf32>
      %bitcast_convert_type3A_1004 = tpu.bitcast %max3A_1003 : vector<16xf32> -> vector<16xi32>
      %shift_right_arithmetic3A_1005 = arith.constant 1 : i32
      %shift_right_arithmetic3A_1006 = vector.broadcast %shift_right_arithmetic3A_1005 : i32 to vector<16xi32>
      %shift_right_arithmetic3A_1007 = arith.shrsi %bitcast_convert_type3A_1004, %shift_right_arithmetic3A_1006 : vector<16xi32>
      %sub3A_1008 = arith.constant 1597463007 : i32
      %sub3A_1009 = vector.broadcast %sub3A_1008 : i32 to vector<16xi32>
      %sub3A_1010 = arith.subi %sub3A_1009, %shift_right_arithmetic3A_1007 : vector<16xi32>
      %bitcast_convert_type3A_1011 = tpu.bitcast %sub3A_1010 : vector<16xi32> -> vector<16xf32>
      %mul3A_1012 = arith.constant 5.000000e-01 : f32
      %mul3A_1013 = vector.broadcast %mul3A_1012 : f32 to vector<16xf32>
      %mul3A_1014 = arith.mulf %mul3A_1013, %max3A_1003 : vector<16xf32>
      %mul3A_1015 = arith.mulf %mul3A_1014, %bitcast_convert_type3A_1011 : vector<16xf32>
      %mul3A_1016 = arith.mulf %mul3A_1015, %bitcast_convert_type3A_1011 : vector<16xf32>
      %sub3A_1017 = arith.constant 1.500000e+00 : f32
      %sub3A_1018 = vector.broadcast %sub3A_1017 : f32 to vector<16xf32>
      %sub3A_1019 = arith.subf %sub3A_1018, %mul3A_1016 : vector<16xf32>
      %mul3A_1020 = arith.mulf %bitcast_convert_type3A_1011, %sub3A_1019 : vector<16xf32>
      %mul3A_1021 = arith.constant 5.000000e-01 : f32
      %mul3A_1022 = vector.broadcast %mul3A_1021 : f32 to vector<16xf32>
      %mul3A_1023 = arith.mulf %mul3A_1022, %max3A_1003 : vector<16xf32>
      %mul3A_1024 = arith.mulf %mul3A_1023, %mul3A_1020 : vector<16xf32>
      %mul3A_1025 = arith.mulf %mul3A_1024, %mul3A_1020 : vector<16xf32>
      %sub3A_1026 = arith.constant 1.500000e+00 : f32
      %sub3A_1027 = vector.broadcast %sub3A_1026 : f32 to vector<16xf32>
      %sub3A_1028 = arith.subf %sub3A_1027, %mul3A_1025 : vector<16xf32>
      %mul3A_1029 = arith.mulf %mul3A_1020, %sub3A_1028 : vector<16xf32>
      %mul3A_1030 = arith.constant 5.000000e-01 : f32
      %mul3A_1031 = vector.broadcast %mul3A_1030 : f32 to vector<16xf32>
      %mul3A_1032 = arith.mulf %mul3A_1031, %max3A_1003 : vector<16xf32>
      %mul3A_1033 = arith.mulf %mul3A_1032, %mul3A_1029 : vector<16xf32>
      %mul3A_1034 = arith.mulf %mul3A_1033, %mul3A_1029 : vector<16xf32>
      %sub3A_1035 = arith.constant 1.500000e+00 : f32
      %sub3A_1036 = vector.broadcast %sub3A_1035 : f32 to vector<16xf32>
      %sub3A_1037 = arith.subf %sub3A_1036, %mul3A_1034 : vector<16xf32>
      %mul3A_1038 = arith.mulf %mul3A_1029, %sub3A_1037 : vector<16xf32>
      %mul3A_1039 = arith.mulf %add3A_1000, %mul3A_1038 : vector<16xf32>
      %mul3A_1040 = arith.mulf %mul3A_1039, %get3A_995 : vector<16xf32>
      %get3A_1041 = arith.constant 2 : i32
      %get3A_1042 = arith.constant 0 : i32
      %get3A_1043 = arith.index_cast %get3A_1041 : i32 to index
      %get3A_1044 = arith.index_cast %get3A_1042 : i32 to index
      %get3A_1045 = arith.index_cast %mul3A_867 : i32 to index
      %get3A_1046 = tpu.vector_load %arg19[%get3A_1043, %get3A_1044, %get3A_1045] {strides = array<i32>} : memref<10x3x512xf32, #tpu.memory_space<vmem>>, vector<16xf32>,
      %get3A_1047 = arith.constant 2 : i32
      %get3A_1048 = arith.constant 0 : i32
      %get3A_1049 = arith.index_cast %get3A_1047 : i32 to index
      %get3A_1050 = arith.index_cast %get3A_1048 : i32 to index
      %get3A_1051 = arith.index_cast %mul3A_867 : i32 to index
      %get3A_1052 = tpu.vector_load %arg20[%get3A_1049, %get3A_1050, %get3A_1051] {strides = array<i32>} : memref<10x3x512xf32, #tpu.memory_space<vmem>>, vector<16xf32>,
      %sub3A_1053 = arith.subf %get3A_1046, %get3A_1052 : vector<16xf32>
      %get3A_1054 = arith.constant 2 : i32
      %get3A_1055 = arith.constant 1 : i32
      %get3A_1056 = arith.index_cast %get3A_1054 : i32 to index
      %get3A_1057 = arith.index_cast %get3A_1055 : i32 to index
      %get3A_1058 = arith.index_cast %mul3A_867 : i32 to index
      %get3A_1059 = tpu.vector_load %arg19[%get3A_1056, %get3A_1057, %get3A_1058] {strides = array<i32>} : memref<10x3x512xf32, #tpu.memory_space<vmem>>, vector<16xf32>,
      %get3A_1060 = arith.constant 2 : i32
      %get3A_1061 = arith.constant 1 : i32
      %get3A_1062 = arith.index_cast %get3A_1060 : i32 to index
      %get3A_1063 = arith.index_cast %get3A_1061 : i32 to index
      %get3A_1064 = arith.index_cast %mul3A_867 : i32 to index
      %get3A_1065 = tpu.vector_load %arg20[%get3A_1062, %get3A_1063, %get3A_1064] {strides = array<i32>} : memref<10x3x512xf32, #tpu.memory_space<vmem>>, vector<16xf32>,
      %sub3A_1066 = arith.subf %get3A_1059, %get3A_1065 : vector<16xf32>
      %get3A_1067 = arith.constant 2 : i32
      %get3A_1068 = arith.constant 2 : i32
      %get3A_1069 = arith.index_cast %get3A_1067 : i32 to index
      %get3A_1070 = arith.index_cast %get3A_1068 : i32 to index
      %get3A_1071 = arith.index_cast %mul3A_867 : i32 to index
      %get3A_1072 = tpu.vector_load %arg19[%get3A_1069, %get3A_1070, %get3A_1071] {strides = array<i32>} : memref<10x3x512xf32, #tpu.memory_space<vmem>>, vector<16xf32>,
      %get3A_1073 = arith.constant 2 : i32
      %get3A_1074 = arith.constant 2 : i32
      %get3A_1075 = arith.index_cast %get3A_1073 : i32 to index
      %get3A_1076 = arith.index_cast %get3A_1074 : i32 to index
      %get3A_1077 = arith.index_cast %mul3A_867 : i32 to index
      %get3A_1078 = tpu.vector_load %arg20[%get3A_1075, %get3A_1076, %get3A_1077] {strides = array<i32>} : memref<10x3x512xf32, #tpu.memory_space<vmem>>, vector<16xf32>,
      %sub3A_1079 = arith.subf %get3A_1072, %get3A_1078 : vector<16xf32>
      %get3A_1080 = arith.constant 2 : i32
      %get3A_1081 = arith.index_cast %get3A_1080 : i32 to index
      %get3A_1082 = arith.index_cast %mul3A_867 : i32 to index
      %get3A_1083 = tpu.vector_load %arg21[%get3A_1081, %get3A_1082] {strides = array<i32>} : memref<10x512xf32, #tpu.memory_space<vmem>>, vector<16xf32>,
      %mul3A_1084 = arith.mulf %sub3A_1053, %sub3A_1053 : vector<16xf32>
      %mul3A_1085 = arith.mulf %sub3A_1066, %sub3A_1066 : vector<16xf32>
      %add3A_1086 = arith.addf %mul3A_1084, %mul3A_1085 : vector<16xf32>
      %mul3A_1087 = arith.mulf %sub3A_1079, %sub3A_1079 : vector<16xf32>
      %add3A_1088 = arith.addf %add3A_1086, %mul3A_1087 : vector<16xf32>
      %max3A_1089 = arith.constant 1.000000e-30 : f32
      %max3A_1090 = vector.broadcast %max3A_1089 : f32 to vector<16xf32>
      %max3A_1091 = arith.maximumf %add3A_1088, %max3A_1090 : vector<16xf32>
      %bitcast_convert_type3A_1092 = tpu.bitcast %max3A_1091 : vector<16xf32> -> vector<16xi32>
      %shift_right_arithmetic3A_1093 = arith.constant 1 : i32
      %shift_right_arithmetic3A_1094 = vector.broadcast %shift_right_arithmetic3A_1093 : i32 to vector<16xi32>
      %shift_right_arithmetic3A_1095 = arith.shrsi %bitcast_convert_type3A_1092, %shift_right_arithmetic3A_1094 : vector<16xi32>
      %sub3A_1096 = arith.constant 1597463007 : i32
      %sub3A_1097 = vector.broadcast %sub3A_1096 : i32 to vector<16xi32>
      %sub3A_1098 = arith.subi %sub3A_1097, %shift_right_arithmetic3A_1095 : vector<16xi32>
      %bitcast_convert_type3A_1099 = tpu.bitcast %sub3A_1098 : vector<16xi32> -> vector<16xf32>
      %mul3A_1100 = arith.constant 5.000000e-01 : f32
      %mul3A_1101 = vector.broadcast %mul3A_1100 : f32 to vector<16xf32>
      %mul3A_1102 = arith.mulf %mul3A_1101, %max3A_1091 : vector<16xf32>
      %mul3A_1103 = arith.mulf %mul3A_1102, %bitcast_convert_type3A_1099 : vector<16xf32>
      %mul3A_1104 = arith.mulf %mul3A_1103, %bitcast_convert_type3A_1099 : vector<16xf32>
      %sub3A_1105 = arith.constant 1.500000e+00 : f32
      %sub3A_1106 = vector.broadcast %sub3A_1105 : f32 to vector<16xf32>
      %sub3A_1107 = arith.subf %sub3A_1106, %mul3A_1104 : vector<16xf32>
      %mul3A_1108 = arith.mulf %bitcast_convert_type3A_1099, %sub3A_1107 : vector<16xf32>
      %mul3A_1109 = arith.constant 5.000000e-01 : f32
      %mul3A_1110 = vector.broadcast %mul3A_1109 : f32 to vector<16xf32>
      %mul3A_1111 = arith.mulf %mul3A_1110, %max3A_1091 : vector<16xf32>
      %mul3A_1112 = arith.mulf %mul3A_1111, %mul3A_1108 : vector<16xf32>
      %mul3A_1113 = arith.mulf %mul3A_1112, %mul3A_1108 : vector<16xf32>
      %sub3A_1114 = arith.constant 1.500000e+00 : f32
      %sub3A_1115 = vector.broadcast %sub3A_1114 : f32 to vector<16xf32>
      %sub3A_1116 = arith.subf %sub3A_1115, %mul3A_1113 : vector<16xf32>
      %mul3A_1117 = arith.mulf %mul3A_1108, %sub3A_1116 : vector<16xf32>
      %mul3A_1118 = arith.constant 5.000000e-01 : f32
      %mul3A_1119 = vector.broadcast %mul3A_1118 : f32 to vector<16xf32>
      %mul3A_1120 = arith.mulf %mul3A_1119, %max3A_1091 : vector<16xf32>
      %mul3A_1121 = arith.mulf %mul3A_1120, %mul3A_1117 : vector<16xf32>
      %mul3A_1122 = arith.mulf %mul3A_1121, %mul3A_1117 : vector<16xf32>
      %sub3A_1123 = arith.constant 1.500000e+00 : f32
      %sub3A_1124 = vector.broadcast %sub3A_1123 : f32 to vector<16xf32>
      %sub3A_1125 = arith.subf %sub3A_1124, %mul3A_1122 : vector<16xf32>
      %mul3A_1126 = arith.mulf %mul3A_1117, %sub3A_1125 : vector<16xf32>
      %mul3A_1127 = arith.mulf %add3A_1088, %mul3A_1126 : vector<16xf32>
      %mul3A_1128 = arith.mulf %mul3A_1127, %get3A_1083 : vector<16xf32>
      %get3A_1129 = arith.constant 3 : i32
      %get3A_1130 = arith.constant 0 : i32
      %get3A_1131 = arith.index_cast %get3A_1129 : i32 to index
      %get3A_1132 = arith.index_cast %get3A_1130 : i32 to index
      %get3A_1133 = arith.index_cast %mul3A_867 : i32 to index
      %get3A_1134 = tpu.vector_load %arg19[%get3A_1131, %get3A_1132, %get3A_1133] {strides = array<i32>} : memref<10x3x512xf32, #tpu.memory_space<vmem>>, vector<16xf32>,
      %get3A_1135 = arith.constant 3 : i32
      %get3A_1136 = arith.constant 0 : i32
      %get3A_1137 = arith.index_cast %get3A_1135 : i32 to index
      %get3A_1138 = arith.index_cast %get3A_1136 : i32 to index
      %get3A_1139 = arith.index_cast %mul3A_867 : i32 to index
      %get3A_1140 = tpu.vector_load %arg20[%get3A_1137, %get3A_1138, %get3A_1139] {strides = array<i32>} : memref<10x3x512xf32, #tpu.memory_space<vmem>>, vector<16xf32>,
      %sub3A_1141 = arith.subf %get3A_1134, %get3A_1140 : vector<16xf32>
      %get3A_1142 = arith.constant 3 : i32
      %get3A_1143 = arith.constant 1 : i32
      %get3A_1144 = arith.index_cast %get3A_1142 : i32 to index
      %get3A_1145 = arith.index_cast %get3A_1143 : i32 to index
      %get3A_1146 = arith.index_cast %mul3A_867 : i32 to index
      %get3A_1147 = tpu.vector_load %arg19[%get3A_1144, %get3A_1145, %get3A_1146] {strides = array<i32>} : memref<10x3x512xf32, #tpu.memory_space<vmem>>, vector<16xf32>,
      %get3A_1148 = arith.constant 3 : i32
      %get3A_1149 = arith.constant 1 : i32
      %get3A_1150 = arith.index_cast %get3A_1148 : i32 to index
      %get3A_1151 = arith.index_cast %get3A_1149 : i32 to index
      %get3A_1152 = arith.index_cast %mul3A_867 : i32 to index
      %get3A_1153 = tpu.vector_load %arg20[%get3A_1150, %get3A_1151, %get3A_1152] {strides = array<i32>} : memref<10x3x512xf32, #tpu.memory_space<vmem>>, vector<16xf32>,
      %sub3A_1154 = arith.subf %get3A_1147, %get3A_1153 : vector<16xf32>
      %get3A_1155 = arith.constant 3 : i32
      %get3A_1156 = arith.constant 2 : i32
      %get3A_1157 = arith.index_cast %get3A_1155 : i32 to index
      %get3A_1158 = arith.index_cast %get3A_1156 : i32 to index
      %get3A_1159 = arith.index_cast %mul3A_867 : i32 to index
      %get3A_1160 = tpu.vector_load %arg19[%get3A_1157, %get3A_1158, %get3A_1159] {strides = array<i32>} : memref<10x3x512xf32, #tpu.memory_space<vmem>>, vector<16xf32>,
      %get3A_1161 = arith.constant 3 : i32
      %get3A_1162 = arith.constant 2 : i32
      %get3A_1163 = arith.index_cast %get3A_1161 : i32 to index
      %get3A_1164 = arith.index_cast %get3A_1162 : i32 to index
      %get3A_1165 = arith.index_cast %mul3A_867 : i32 to index
      %get3A_1166 = tpu.vector_load %arg20[%get3A_1163, %get3A_1164, %get3A_1165] {strides = array<i32>} : memref<10x3x512xf32, #tpu.memory_space<vmem>>, vector<16xf32>,
      %sub3A_1167 = arith.subf %get3A_1160, %get3A_1166 : vector<16xf32>
      %get3A_1168 = arith.constant 3 : i32
      %get3A_1169 = arith.index_cast %get3A_1168 : i32 to index
      %get3A_1170 = arith.index_cast %mul3A_867 : i32 to index
      %get3A_1171 = tpu.vector_load %arg21[%get3A_1169, %get3A_1170] {strides = array<i32>} : memref<10x512xf32, #tpu.memory_space<vmem>>, vector<16xf32>,
      %mul3A_1172 = arith.mulf %sub3A_1141, %sub3A_1141 : vector<16xf32>
      %mul3A_1173 = arith.mulf %sub3A_1154, %sub3A_1154 : vector<16xf32>
      %add3A_1174 = arith.addf %mul3A_1172, %mul3A_1173 : vector<16xf32>
      %mul3A_1175 = arith.mulf %sub3A_1167, %sub3A_1167 : vector<16xf32>
      %add3A_1176 = arith.addf %add3A_1174, %mul3A_1175 : vector<16xf32>
      %max3A_1177 = arith.constant 1.000000e-30 : f32
      %max3A_1178 = vector.broadcast %max3A_1177 : f32 to vector<16xf32>
      %max3A_1179 = arith.maximumf %add3A_1176, %max3A_1178 : vector<16xf32>
      %bitcast_convert_type3A_1180 = tpu.bitcast %max3A_1179 : vector<16xf32> -> vector<16xi32>
      %shift_right_arithmetic3A_1181 = arith.constant 1 : i32
      %shift_right_arithmetic3A_1182 = vector.broadcast %shift_right_arithmetic3A_1181 : i32 to vector<16xi32>
      %shift_right_arithmetic3A_1183 = arith.shrsi %bitcast_convert_type3A_1180, %shift_right_arithmetic3A_1182 : vector<16xi32>
      %sub3A_1184 = arith.constant 1597463007 : i32
      %sub3A_1185 = vector.broadcast %sub3A_1184 : i32 to vector<16xi32>
      %sub3A_1186 = arith.subi %sub3A_1185, %shift_right_arithmetic3A_1183 : vector<16xi32>
      %bitcast_convert_type3A_1187 = tpu.bitcast %sub3A_1186 : vector<16xi32> -> vector<16xf32>
      %mul3A_1188 = arith.constant 5.000000e-01 : f32
      %mul3A_1189 = vector.broadcast %mul3A_1188 : f32 to vector<16xf32>
      %mul3A_1190 = arith.mulf %mul3A_1189, %max3A_1179 : vector<16xf32>
      %mul3A_1191 = arith.mulf %mul3A_1190, %bitcast_convert_type3A_1187 : vector<16xf32>
      %mul3A_1192 = arith.mulf %mul3A_1191, %bitcast_convert_type3A_1187 : vector<16xf32>
      %sub3A_1193 = arith.constant 1.500000e+00 : f32
      %sub3A_1194 = vector.broadcast %sub3A_1193 : f32 to vector<16xf32>
      %sub3A_1195 = arith.subf %sub3A_1194, %mul3A_1192 : vector<16xf32>
      %mul3A_1196 = arith.mulf %bitcast_convert_type3A_1187, %sub3A_1195 : vector<16xf32>
      %mul3A_1197 = arith.constant 5.000000e-01 : f32
      %mul3A_1198 = vector.broadcast %mul3A_1197 : f32 to vector<16xf32>
      %mul3A_1199 = arith.mulf %mul3A_1198, %max3A_1179 : vector<16xf32>
      %mul3A_1200 = arith.mulf %mul3A_1199, %mul3A_1196 : vector<16xf32>
      %mul3A_1201 = arith.mulf %mul3A_1200, %mul3A_1196 : vector<16xf32>
      %sub3A_1202 = arith.constant 1.500000e+00 : f32
      %sub3A_1203 = vector.broadcast %sub3A_1202 : f32 to vector<16xf32>
      %sub3A_1204 = arith.subf %sub3A_1203, %mul3A_1201 : vector<16xf32>
      %mul3A_1205 = arith.mulf %mul3A_1196, %sub3A_1204 : vector<16xf32>
      %mul3A_1206 = arith.constant 5.000000e-01 : f32
      %mul3A_1207 = vector.broadcast %mul3A_1206 : f32 to vector<16xf32>
      %mul3A_1208 = arith.mulf %mul3A_1207, %max3A_1179 : vector<16xf32>
      %mul3A_1209 = arith.mulf %mul3A_1208, %mul3A_1205 : vector<16xf32>
      %mul3A_1210 = arith.mulf %mul3A_1209, %mul3A_1205 : vector<16xf32>
      %sub3A_1211 = arith.constant 1.500000e+00 : f32
      %sub3A_1212 = vector.broadcast %sub3A_1211 : f32 to vector<16xf32>
      %sub3A_1213 = arith.subf %sub3A_1212, %mul3A_1210 : vector<16xf32>
      %mul3A_1214 = arith.mulf %mul3A_1205, %sub3A_1213 : vector<16xf32>
      %mul3A_1215 = arith.mulf %add3A_1176, %mul3A_1214 : vector<16xf32>
      %mul3A_1216 = arith.mulf %mul3A_1215, %get3A_1171 : vector<16xf32>
      %get3A_1217 = arith.constant 4 : i32
      %get3A_1218 = arith.constant 0 : i32
      %get3A_1219 = arith.index_cast %get3A_1217 : i32 to index
      %get3A_1220 = arith.index_cast %get3A_1218 : i32 to index
      %get3A_1221 = arith.index_cast %mul3A_867 : i32 to index
      %get3A_1222 = tpu.vector_load %arg19[%get3A_1219, %get3A_1220, %get3A_1221] {strides = array<i32>} : memref<10x3x512xf32, #tpu.memory_space<vmem>>, vector<16xf32>,
      %get3A_1223 = arith.constant 4 : i32
      %get3A_1224 = arith.constant 0 : i32
      %get3A_1225 = arith.index_cast %get3A_1223 : i32 to index
      %get3A_1226 = arith.index_cast %get3A_1224 : i32 to index
      %get3A_1227 = arith.index_cast %mul3A_867 : i32 to index
      %get3A_1228 = tpu.vector_load %arg20[%get3A_1225, %get3A_1226, %get3A_1227] {strides = array<i32>} : memref<10x3x512xf32, #tpu.memory_space<vmem>>, vector<16xf32>,
      %sub3A_1229 = arith.subf %get3A_1222, %get3A_1228 : vector<16xf32>
      %get3A_1230 = arith.constant 4 : i32
      %get3A_1231 = arith.constant 1 : i32
      %get3A_1232 = arith.index_cast %get3A_1230 : i32 to index
      %get3A_1233 = arith.index_cast %get3A_1231 : i32 to index
      %get3A_1234 = arith.index_cast %mul3A_867 : i32 to index
      %get3A_1235 = tpu.vector_load %arg19[%get3A_1232, %get3A_1233, %get3A_1234] {strides = array<i32>} : memref<10x3x512xf32, #tpu.memory_space<vmem>>, vector<16xf32>,
      %get3A_1236 = arith.constant 4 : i32
      %get3A_1237 = arith.constant 1 : i32
      %get3A_1238 = arith.index_cast %get3A_1236 : i32 to index
      %get3A_1239 = arith.index_cast %get3A_1237 : i32 to index
      %get3A_1240 = arith.index_cast %mul3A_867 : i32 to index
      %get3A_1241 = tpu.vector_load %arg20[%get3A_1238, %get3A_1239, %get3A_1240] {strides = array<i32>} : memref<10x3x512xf32, #tpu.memory_space<vmem>>, vector<16xf32>,
      %sub3A_1242 = arith.subf %get3A_1235, %get3A_1241 : vector<16xf32>
      %get3A_1243 = arith.constant 4 : i32
      %get3A_1244 = arith.constant 2 : i32
      %get3A_1245 = arith.index_cast %get3A_1243 : i32 to index
      %get3A_1246 = arith.index_cast %get3A_1244 : i32 to index
      %get3A_1247 = arith.index_cast %mul3A_867 : i32 to index
      %get3A_1248 = tpu.vector_load %arg19[%get3A_1245, %get3A_1246, %get3A_1247] {strides = array<i32>} : memref<10x3x512xf32, #tpu.memory_space<vmem>>, vector<16xf32>,
      %get3A_1249 = arith.constant 4 : i32
      %get3A_1250 = arith.constant 2 : i32
      %get3A_1251 = arith.index_cast %get3A_1249 : i32 to index
      %get3A_1252 = arith.index_cast %get3A_1250 : i32 to index
      %get3A_1253 = arith.index_cast %mul3A_867 : i32 to index
      %get3A_1254 = tpu.vector_load %arg20[%get3A_1251, %get3A_1252, %get3A_1253] {strides = array<i32>} : memref<10x3x512xf32, #tpu.memory_space<vmem>>, vector<16xf32>,
      %sub3A_1255 = arith.subf %get3A_1248, %get3A_1254 : vector<16xf32>
      %get3A_1256 = arith.constant 4 : i32
      %get3A_1257 = arith.index_cast %get3A_1256 : i32 to index
      %get3A_1258 = arith.index_cast %mul3A_867 : i32 to index
      %get3A_1259 = tpu.vector_load %arg21[%get3A_1257, %get3A_1258] {strides = array<i32>} : memref<10x512xf32, #tpu.memory_space<vmem>>, vector<16xf32>,
      %mul3A_1260 = arith.mulf %sub3A_1229, %sub3A_1229 : vector<16xf32>
      %mul3A_1261 = arith.mulf %sub3A_1242, %sub3A_1242 : vector<16xf32>
      %add3A_1262 = arith.addf %mul3A_1260, %mul3A_1261 : vector<16xf32>
      %mul3A_1263 = arith.mulf %sub3A_1255, %sub3A_1255 : vector<16xf32>
      %add3A_1264 = arith.addf %add3A_1262, %mul3A_1263 : vector<16xf32>
      %max3A_1265 = arith.constant 1.000000e-30 : f32
      %max3A_1266 = vector.broadcast %max3A_1265 : f32 to vector<16xf32>
      %max3A_1267 = arith.maximumf %add3A_1264, %max3A_1266 : vector<16xf32>
      %bitcast_convert_type3A_1268 = tpu.bitcast %max3A_1267 : vector<16xf32> -> vector<16xi32>
      %shift_right_arithmetic3A_1269 = arith.constant 1 : i32
      %shift_right_arithmetic3A_1270 = vector.broadcast %shift_right_arithmetic3A_1269 : i32 to vector<16xi32>
      %shift_right_arithmetic3A_1271 = arith.shrsi %bitcast_convert_type3A_1268, %shift_right_arithmetic3A_1270 : vector<16xi32>
      %sub3A_1272 = arith.constant 1597463007 : i32
      %sub3A_1273 = vector.broadcast %sub3A_1272 : i32 to vector<16xi32>
      %sub3A_1274 = arith.subi %sub3A_1273, %shift_right_arithmetic3A_1271 : vector<16xi32>
      %bitcast_convert_type3A_1275 = tpu.bitcast %sub3A_1274 : vector<16xi32> -> vector<16xf32>
      %mul3A_1276 = arith.constant 5.000000e-01 : f32
      %mul3A_1277 = vector.broadcast %mul3A_1276 : f32 to vector<16xf32>
      %mul3A_1278 = arith.mulf %mul3A_1277, %max3A_1267 : vector<16xf32>
      %mul3A_1279 = arith.mulf %mul3A_1278, %bitcast_convert_type3A_1275 : vector<16xf32>
      %mul3A_1280 = arith.mulf %mul3A_1279, %bitcast_convert_type3A_1275 : vector<16xf32>
      %sub3A_1281 = arith.constant 1.500000e+00 : f32
      %sub3A_1282 = vector.broadcast %sub3A_1281 : f32 to vector<16xf32>
      %sub3A_1283 = arith.subf %sub3A_1282, %mul3A_1280 : vector<16xf32>
      %mul3A_1284 = arith.mulf %bitcast_convert_type3A_1275, %sub3A_1283 : vector<16xf32>
      %mul3A_1285 = arith.constant 5.000000e-01 : f32
      %mul3A_1286 = vector.broadcast %mul3A_1285 : f32 to vector<16xf32>
      %mul3A_1287 = arith.mulf %mul3A_1286, %max3A_1267 : vector<16xf32>
      %mul3A_1288 = arith.mulf %mul3A_1287, %mul3A_1284 : vector<16xf32>
      %mul3A_1289 = arith.mulf %mul3A_1288, %mul3A_1284 : vector<16xf32>
      %sub3A_1290 = arith.constant 1.500000e+00 : f32
      %sub3A_1291 = vector.broadcast %sub3A_1290 : f32 to vector<16xf32>
      %sub3A_1292 = arith.subf %sub3A_1291, %mul3A_1289 : vector<16xf32>
      %mul3A_1293 = arith.mulf %mul3A_1284, %sub3A_1292 : vector<16xf32>
      %mul3A_1294 = arith.constant 5.000000e-01 : f32
      %mul3A_1295 = vector.broadcast %mul3A_1294 : f32 to vector<16xf32>
      %mul3A_1296 = arith.mulf %mul3A_1295, %max3A_1267 : vector<16xf32>
      %mul3A_1297 = arith.mulf %mul3A_1296, %mul3A_1293 : vector<16xf32>
      %mul3A_1298 = arith.mulf %mul3A_1297, %mul3A_1293 : vector<16xf32>
      %sub3A_1299 = arith.constant 1.500000e+00 : f32
      %sub3A_1300 = vector.broadcast %sub3A_1299 : f32 to vector<16xf32>
      %sub3A_1301 = arith.subf %sub3A_1300, %mul3A_1298 : vector<16xf32>
      %mul3A_1302 = arith.mulf %mul3A_1293, %sub3A_1301 : vector<16xf32>
      %mul3A_1303 = arith.mulf %add3A_1264, %mul3A_1302 : vector<16xf32>
      %mul3A_1304 = arith.mulf %mul3A_1303, %get3A_1259 : vector<16xf32>
      %get3A_1305 = arith.constant 5 : i32
      %get3A_1306 = arith.constant 0 : i32
      %get3A_1307 = arith.index_cast %get3A_1305 : i32 to index
      %get3A_1308 = arith.index_cast %get3A_1306 : i32 to index
      %get3A_1309 = arith.index_cast %mul3A_867 : i32 to index
      %get3A_1310 = tpu.vector_load %arg19[%get3A_1307, %get3A_1308, %get3A_1309] {strides = array<i32>} : memref<10x3x512xf32, #tpu.memory_space<vmem>>, vector<16xf32>,
      %get3A_1311 = arith.constant 5 : i32
      %get3A_1312 = arith.constant 0 : i32
      %get3A_1313 = arith.index_cast %get3A_1311 : i32 to index
      %get3A_1314 = arith.index_cast %get3A_1312 : i32 to index
      %get3A_1315 = arith.index_cast %mul3A_867 : i32 to index
      %get3A_1316 = tpu.vector_load %arg20[%get3A_1313, %get3A_1314, %get3A_1315] {strides = array<i32>} : memref<10x3x512xf32, #tpu.memory_space<vmem>>, vector<16xf32>,
      %sub3A_1317 = arith.subf %get3A_1310, %get3A_1316 : vector<16xf32>
      %get3A_1318 = arith.constant 5 : i32
      %get3A_1319 = arith.constant 1 : i32
      %get3A_1320 = arith.index_cast %get3A_1318 : i32 to index
      %get3A_1321 = arith.index_cast %get3A_1319 : i32 to index
      %get3A_1322 = arith.index_cast %mul3A_867 : i32 to index
      %get3A_1323 = tpu.vector_load %arg19[%get3A_1320, %get3A_1321, %get3A_1322] {strides = array<i32>} : memref<10x3x512xf32, #tpu.memory_space<vmem>>, vector<16xf32>,
      %get3A_1324 = arith.constant 5 : i32
      %get3A_1325 = arith.constant 1 : i32
      %get3A_1326 = arith.index_cast %get3A_1324 : i32 to index
      %get3A_1327 = arith.index_cast %get3A_1325 : i32 to index
      %get3A_1328 = arith.index_cast %mul3A_867 : i32 to index
      %get3A_1329 = tpu.vector_load %arg20[%get3A_1326, %get3A_1327, %get3A_1328] {strides = array<i32>} : memref<10x3x512xf32, #tpu.memory_space<vmem>>, vector<16xf32>,
      %sub3A_1330 = arith.subf %get3A_1323, %get3A_1329 : vector<16xf32>
      %get3A_1331 = arith.constant 5 : i32
      %get3A_1332 = arith.constant 2 : i32
      %get3A_1333 = arith.index_cast %get3A_1331 : i32 to index
      %get3A_1334 = arith.index_cast %get3A_1332 : i32 to index
      %get3A_1335 = arith.index_cast %mul3A_867 : i32 to index
      %get3A_1336 = tpu.vector_load %arg19[%get3A_1333, %get3A_1334, %get3A_1335] {strides = array<i32>} : memref<10x3x512xf32, #tpu.memory_space<vmem>>, vector<16xf32>,
      %get3A_1337 = arith.constant 5 : i32
      %get3A_1338 = arith.constant 2 : i32
      %get3A_1339 = arith.index_cast %get3A_1337 : i32 to index
      %get3A_1340 = arith.index_cast %get3A_1338 : i32 to index
      %get3A_1341 = arith.index_cast %mul3A_867 : i32 to index
      %get3A_1342 = tpu.vector_load %arg20[%get3A_1339, %get3A_1340, %get3A_1341] {strides = array<i32>} : memref<10x3x512xf32, #tpu.memory_space<vmem>>, vector<16xf32>,
      %sub3A_1343 = arith.subf %get3A_1336, %get3A_1342 : vector<16xf32>
      %get3A_1344 = arith.constant 5 : i32
      %get3A_1345 = arith.index_cast %get3A_1344 : i32 to index
      %get3A_1346 = arith.index_cast %mul3A_867 : i32 to index
      %get3A_1347 = tpu.vector_load %arg21[%get3A_1345, %get3A_1346] {strides = array<i32>} : memref<10x512xf32, #tpu.memory_space<vmem>>, vector<16xf32>,
      %mul3A_1348 = arith.mulf %sub3A_1317, %sub3A_1317 : vector<16xf32>
      %mul3A_1349 = arith.mulf %sub3A_1330, %sub3A_1330 : vector<16xf32>
      %add3A_1350 = arith.addf %mul3A_1348, %mul3A_1349 : vector<16xf32>
      %mul3A_1351 = arith.mulf %sub3A_1343, %sub3A_1343 : vector<16xf32>
      %add3A_1352 = arith.addf %add3A_1350, %mul3A_1351 : vector<16xf32>
      %max3A_1353 = arith.constant 1.000000e-30 : f32
      %max3A_1354 = vector.broadcast %max3A_1353 : f32 to vector<16xf32>
      %max3A_1355 = arith.maximumf %add3A_1352, %max3A_1354 : vector<16xf32>
      %bitcast_convert_type3A_1356 = tpu.bitcast %max3A_1355 : vector<16xf32> -> vector<16xi32>
      %shift_right_arithmetic3A_1357 = arith.constant 1 : i32
      %shift_right_arithmetic3A_1358 = vector.broadcast %shift_right_arithmetic3A_1357 : i32 to vector<16xi32>
      %shift_right_arithmetic3A_1359 = arith.shrsi %bitcast_convert_type3A_1356, %shift_right_arithmetic3A_1358 : vector<16xi32>
      %sub3A_1360 = arith.constant 1597463007 : i32
      %sub3A_1361 = vector.broadcast %sub3A_1360 : i32 to vector<16xi32>
      %sub3A_1362 = arith.subi %sub3A_1361, %shift_right_arithmetic3A_1359 : vector<16xi32>
      %bitcast_convert_type3A_1363 = tpu.bitcast %sub3A_1362 : vector<16xi32> -> vector<16xf32>
      %mul3A_1364 = arith.constant 5.000000e-01 : f32
      %mul3A_1365 = vector.broadcast %mul3A_1364 : f32 to vector<16xf32>
      %mul3A_1366 = arith.mulf %mul3A_1365, %max3A_1355 : vector<16xf32>
      %mul3A_1367 = arith.mulf %mul3A_1366, %bitcast_convert_type3A_1363 : vector<16xf32>
      %mul3A_1368 = arith.mulf %mul3A_1367, %bitcast_convert_type3A_1363 : vector<16xf32>
      %sub3A_1369 = arith.constant 1.500000e+00 : f32
      %sub3A_1370 = vector.broadcast %sub3A_1369 : f32 to vector<16xf32>
      %sub3A_1371 = arith.subf %sub3A_1370, %mul3A_1368 : vector<16xf32>
      %mul3A_1372 = arith.mulf %bitcast_convert_type3A_1363, %sub3A_1371 : vector<16xf32>
      %mul3A_1373 = arith.constant 5.000000e-01 : f32
      %mul3A_1374 = vector.broadcast %mul3A_1373 : f32 to vector<16xf32>
      %mul3A_1375 = arith.mulf %mul3A_1374, %max3A_1355 : vector<16xf32>
      %mul3A_1376 = arith.mulf %mul3A_1375, %mul3A_1372 : vector<16xf32>
      %mul3A_1377 = arith.mulf %mul3A_1376, %mul3A_1372 : vector<16xf32>
      %sub3A_1378 = arith.constant 1.500000e+00 : f32
      %sub3A_1379 = vector.broadcast %sub3A_1378 : f32 to vector<16xf32>
      %sub3A_1380 = arith.subf %sub3A_1379, %mul3A_1377 : vector<16xf32>
      %mul3A_1381 = arith.mulf %mul3A_1372, %sub3A_1380 : vector<16xf32>
      %mul3A_1382 = arith.constant 5.000000e-01 : f32
      %mul3A_1383 = vector.broadcast %mul3A_1382 : f32 to vector<16xf32>
      %mul3A_1384 = arith.mulf %mul3A_1383, %max3A_1355 : vector<16xf32>
      %mul3A_1385 = arith.mulf %mul3A_1384, %mul3A_1381 : vector<16xf32>
      %mul3A_1386 = arith.mulf %mul3A_1385, %mul3A_1381 : vector<16xf32>
      %sub3A_1387 = arith.constant 1.500000e+00 : f32
      %sub3A_1388 = vector.broadcast %sub3A_1387 : f32 to vector<16xf32>
      %sub3A_1389 = arith.subf %sub3A_1388, %mul3A_1386 : vector<16xf32>
      %mul3A_1390 = arith.mulf %mul3A_1381, %sub3A_1389 : vector<16xf32>
      %mul3A_1391 = arith.mulf %add3A_1352, %mul3A_1390 : vector<16xf32>
      %mul3A_1392 = arith.mulf %mul3A_1391, %get3A_1347 : vector<16xf32>
      %get3A_1393 = arith.constant 6 : i32
      %get3A_1394 = arith.constant 0 : i32
      %get3A_1395 = arith.index_cast %get3A_1393 : i32 to index
      %get3A_1396 = arith.index_cast %get3A_1394 : i32 to index
      %get3A_1397 = arith.index_cast %mul3A_867 : i32 to index
      %get3A_1398 = tpu.vector_load %arg19[%get3A_1395, %get3A_1396, %get3A_1397] {strides = array<i32>} : memref<10x3x512xf32, #tpu.memory_space<vmem>>, vector<16xf32>,
      %get3A_1399 = arith.constant 6 : i32
      %get3A_1400 = arith.constant 0 : i32
      %get3A_1401 = arith.index_cast %get3A_1399 : i32 to index
      %get3A_1402 = arith.index_cast %get3A_1400 : i32 to index
      %get3A_1403 = arith.index_cast %mul3A_867 : i32 to index
      %get3A_1404 = tpu.vector_load %arg20[%get3A_1401, %get3A_1402, %get3A_1403] {strides = array<i32>} : memref<10x3x512xf32, #tpu.memory_space<vmem>>, vector<16xf32>,
      %sub3A_1405 = arith.subf %get3A_1398, %get3A_1404 : vector<16xf32>
      %get3A_1406 = arith.constant 6 : i32
      %get3A_1407 = arith.constant 1 : i32
      %get3A_1408 = arith.index_cast %get3A_1406 : i32 to index
      %get3A_1409 = arith.index_cast %get3A_1407 : i32 to index
      %get3A_1410 = arith.index_cast %mul3A_867 : i32 to index
      %get3A_1411 = tpu.vector_load %arg19[%get3A_1408, %get3A_1409, %get3A_1410] {strides = array<i32>} : memref<10x3x512xf32, #tpu.memory_space<vmem>>, vector<16xf32>,
      %get3A_1412 = arith.constant 6 : i32
      %get3A_1413 = arith.constant 1 : i32
      %get3A_1414 = arith.index_cast %get3A_1412 : i32 to index
      %get3A_1415 = arith.index_cast %get3A_1413 : i32 to index
      %get3A_1416 = arith.index_cast %mul3A_867 : i32 to index
      %get3A_1417 = tpu.vector_load %arg20[%get3A_1414, %get3A_1415, %get3A_1416] {strides = array<i32>} : memref<10x3x512xf32, #tpu.memory_space<vmem>>, vector<16xf32>,
      %sub3A_1418 = arith.subf %get3A_1411, %get3A_1417 : vector<16xf32>
      %get3A_1419 = arith.constant 6 : i32
      %get3A_1420 = arith.constant 2 : i32
      %get3A_1421 = arith.index_cast %get3A_1419 : i32 to index
      %get3A_1422 = arith.index_cast %get3A_1420 : i32 to index
      %get3A_1423 = arith.index_cast %mul3A_867 : i32 to index
      %get3A_1424 = tpu.vector_load %arg19[%get3A_1421, %get3A_1422, %get3A_1423] {strides = array<i32>} : memref<10x3x512xf32, #tpu.memory_space<vmem>>, vector<16xf32>,
      %get3A_1425 = arith.constant 6 : i32
      %get3A_1426 = arith.constant 2 : i32
      %get3A_1427 = arith.index_cast %get3A_1425 : i32 to index
      %get3A_1428 = arith.index_cast %get3A_1426 : i32 to index
      %get3A_1429 = arith.index_cast %mul3A_867 : i32 to index
      %get3A_1430 = tpu.vector_load %arg20[%get3A_1427, %get3A_1428, %get3A_1429] {strides = array<i32>} : memref<10x3x512xf32, #tpu.memory_space<vmem>>, vector<16xf32>,
      %sub3A_1431 = arith.subf %get3A_1424, %get3A_1430 : vector<16xf32>
      %get3A_1432 = arith.constant 6 : i32
      %get3A_1433 = arith.index_cast %get3A_1432 : i32 to index
      %get3A_1434 = arith.index_cast %mul3A_867 : i32 to index
      %get3A_1435 = tpu.vector_load %arg21[%get3A_1433, %get3A_1434] {strides = array<i32>} : memref<10x512xf32, #tpu.memory_space<vmem>>, vector<16xf32>,
      %mul3A_1436 = arith.mulf %sub3A_1405, %sub3A_1405 : vector<16xf32>
      %mul3A_1437 = arith.mulf %sub3A_1418, %sub3A_1418 : vector<16xf32>
      %add3A_1438 = arith.addf %mul3A_1436, %mul3A_1437 : vector<16xf32>
      %mul3A_1439 = arith.mulf %sub3A_1431, %sub3A_1431 : vector<16xf32>
      %add3A_1440 = arith.addf %add3A_1438, %mul3A_1439 : vector<16xf32>
      %max3A_1441 = arith.constant 1.000000e-30 : f32
      %max3A_1442 = vector.broadcast %max3A_1441 : f32 to vector<16xf32>
      %max3A_1443 = arith.maximumf %add3A_1440, %max3A_1442 : vector<16xf32>
      %bitcast_convert_type3A_1444 = tpu.bitcast %max3A_1443 : vector<16xf32> -> vector<16xi32>
      %shift_right_arithmetic3A_1445 = arith.constant 1 : i32
      %shift_right_arithmetic3A_1446 = vector.broadcast %shift_right_arithmetic3A_1445 : i32 to vector<16xi32>
      %shift_right_arithmetic3A_1447 = arith.shrsi %bitcast_convert_type3A_1444, %shift_right_arithmetic3A_1446 : vector<16xi32>
      %sub3A_1448 = arith.constant 1597463007 : i32
      %sub3A_1449 = vector.broadcast %sub3A_1448 : i32 to vector<16xi32>
      %sub3A_1450 = arith.subi %sub3A_1449, %shift_right_arithmetic3A_1447 : vector<16xi32>
      %bitcast_convert_type3A_1451 = tpu.bitcast %sub3A_1450 : vector<16xi32> -> vector<16xf32>
      %mul3A_1452 = arith.constant 5.000000e-01 : f32
      %mul3A_1453 = vector.broadcast %mul3A_1452 : f32 to vector<16xf32>
      %mul3A_1454 = arith.mulf %mul3A_1453, %max3A_1443 : vector<16xf32>
      %mul3A_1455 = arith.mulf %mul3A_1454, %bitcast_convert_type3A_1451 : vector<16xf32>
      %mul3A_1456 = arith.mulf %mul3A_1455, %bitcast_convert_type3A_1451 : vector<16xf32>
      %sub3A_1457 = arith.constant 1.500000e+00 : f32
      %sub3A_1458 = vector.broadcast %sub3A_1457 : f32 to vector<16xf32>
      %sub3A_1459 = arith.subf %sub3A_1458, %mul3A_1456 : vector<16xf32>
      %mul3A_1460 = arith.mulf %bitcast_convert_type3A_1451, %sub3A_1459 : vector<16xf32>
      %mul3A_1461 = arith.constant 5.000000e-01 : f32
      %mul3A_1462 = vector.broadcast %mul3A_1461 : f32 to vector<16xf32>
      %mul3A_1463 = arith.mulf %mul3A_1462, %max3A_1443 : vector<16xf32>
      %mul3A_1464 = arith.mulf %mul3A_1463, %mul3A_1460 : vector<16xf32>
      %mul3A_1465 = arith.mulf %mul3A_1464, %mul3A_1460 : vector<16xf32>
      %sub3A_1466 = arith.constant 1.500000e+00 : f32
      %sub3A_1467 = vector.broadcast %sub3A_1466 : f32 to vector<16xf32>
      %sub3A_1468 = arith.subf %sub3A_1467, %mul3A_1465 : vector<16xf32>
      %mul3A_1469 = arith.mulf %mul3A_1460, %sub3A_1468 : vector<16xf32>
      %mul3A_1470 = arith.constant 5.000000e-01 : f32
      %mul3A_1471 = vector.broadcast %mul3A_1470 : f32 to vector<16xf32>
      %mul3A_1472 = arith.mulf %mul3A_1471, %max3A_1443 : vector<16xf32>
      %mul3A_1473 = arith.mulf %mul3A_1472, %mul3A_1469 : vector<16xf32>
      %mul3A_1474 = arith.mulf %mul3A_1473, %mul3A_1469 : vector<16xf32>
      %sub3A_1475 = arith.constant 1.500000e+00 : f32
      %sub3A_1476 = vector.broadcast %sub3A_1475 : f32 to vector<16xf32>
      %sub3A_1477 = arith.subf %sub3A_1476, %mul3A_1474 : vector<16xf32>
      %mul3A_1478 = arith.mulf %mul3A_1469, %sub3A_1477 : vector<16xf32>
      %mul3A_1479 = arith.mulf %add3A_1440, %mul3A_1478 : vector<16xf32>
      %mul3A_1480 = arith.mulf %mul3A_1479, %get3A_1435 : vector<16xf32>
      %get3A_1481 = arith.constant 7 : i32
      %get3A_1482 = arith.constant 0 : i32
      %get3A_1483 = arith.index_cast %get3A_1481 : i32 to index
      %get3A_1484 = arith.index_cast %get3A_1482 : i32 to index
      %get3A_1485 = arith.index_cast %mul3A_867 : i32 to index
      %get3A_1486 = tpu.vector_load %arg19[%get3A_1483, %get3A_1484, %get3A_1485] {strides = array<i32>} : memref<10x3x512xf32, #tpu.memory_space<vmem>>, vector<16xf32>,
      %get3A_1487 = arith.constant 7 : i32
      %get3A_1488 = arith.constant 0 : i32
      %get3A_1489 = arith.index_cast %get3A_1487 : i32 to index
      %get3A_1490 = arith.index_cast %get3A_1488 : i32 to index
      %get3A_1491 = arith.index_cast %mul3A_867 : i32 to index
      %get3A_1492 = tpu.vector_load %arg20[%get3A_1489, %get3A_1490, %get3A_1491] {strides = array<i32>} : memref<10x3x512xf32, #tpu.memory_space<vmem>>, vector<16xf32>,
      %sub3A_1493 = arith.subf %get3A_1486, %get3A_1492 : vector<16xf32>
      %get3A_1494 = arith.constant 7 : i32
      %get3A_1495 = arith.constant 1 : i32
      %get3A_1496 = arith.index_cast %get3A_1494 : i32 to index
      %get3A_1497 = arith.index_cast %get3A_1495 : i32 to index
      %get3A_1498 = arith.index_cast %mul3A_867 : i32 to index
      %get3A_1499 = tpu.vector_load %arg19[%get3A_1496, %get3A_1497, %get3A_1498] {strides = array<i32>} : memref<10x3x512xf32, #tpu.memory_space<vmem>>, vector<16xf32>,
      %get3A_1500 = arith.constant 7 : i32
      %get3A_1501 = arith.constant 1 : i32
      %get3A_1502 = arith.index_cast %get3A_1500 : i32 to index
      %get3A_1503 = arith.index_cast %get3A_1501 : i32 to index
      %get3A_1504 = arith.index_cast %mul3A_867 : i32 to index
      %get3A_1505 = tpu.vector_load %arg20[%get3A_1502, %get3A_1503, %get3A_1504] {strides = array<i32>} : memref<10x3x512xf32, #tpu.memory_space<vmem>>, vector<16xf32>,
      %sub3A_1506 = arith.subf %get3A_1499, %get3A_1505 : vector<16xf32>
      %get3A_1507 = arith.constant 7 : i32
      %get3A_1508 = arith.constant 2 : i32
      %get3A_1509 = arith.index_cast %get3A_1507 : i32 to index
      %get3A_1510 = arith.index_cast %get3A_1508 : i32 to index
      %get3A_1511 = arith.index_cast %mul3A_867 : i32 to index
      %get3A_1512 = tpu.vector_load %arg19[%get3A_1509, %get3A_1510, %get3A_1511] {strides = array<i32>} : memref<10x3x512xf32, #tpu.memory_space<vmem>>, vector<16xf32>,
      %get3A_1513 = arith.constant 7 : i32
      %get3A_1514 = arith.constant 2 : i32
      %get3A_1515 = arith.index_cast %get3A_1513 : i32 to index
      %get3A_1516 = arith.index_cast %get3A_1514 : i32 to index
      %get3A_1517 = arith.index_cast %mul3A_867 : i32 to index
      %get3A_1518 = tpu.vector_load %arg20[%get3A_1515, %get3A_1516, %get3A_1517] {strides = array<i32>} : memref<10x3x512xf32, #tpu.memory_space<vmem>>, vector<16xf32>,
      %sub3A_1519 = arith.subf %get3A_1512, %get3A_1518 : vector<16xf32>
      %get3A_1520 = arith.constant 7 : i32
      %get3A_1521 = arith.index_cast %get3A_1520 : i32 to index
      %get3A_1522 = arith.index_cast %mul3A_867 : i32 to index
      %get3A_1523 = tpu.vector_load %arg21[%get3A_1521, %get3A_1522] {strides = array<i32>} : memref<10x512xf32, #tpu.memory_space<vmem>>, vector<16xf32>,
      %mul3A_1524 = arith.mulf %sub3A_1493, %sub3A_1493 : vector<16xf32>
      %mul3A_1525 = arith.mulf %sub3A_1506, %sub3A_1506 : vector<16xf32>
      %add3A_1526 = arith.addf %mul3A_1524, %mul3A_1525 : vector<16xf32>
      %mul3A_1527 = arith.mulf %sub3A_1519, %sub3A_1519 : vector<16xf32>
      %add3A_1528 = arith.addf %add3A_1526, %mul3A_1527 : vector<16xf32>
      %max3A_1529 = arith.constant 1.000000e-30 : f32
      %max3A_1530 = vector.broadcast %max3A_1529 : f32 to vector<16xf32>
      %max3A_1531 = arith.maximumf %add3A_1528, %max3A_1530 : vector<16xf32>
      %bitcast_convert_type3A_1532 = tpu.bitcast %max3A_1531 : vector<16xf32> -> vector<16xi32>
      %shift_right_arithmetic3A_1533 = arith.constant 1 : i32
      %shift_right_arithmetic3A_1534 = vector.broadcast %shift_right_arithmetic3A_1533 : i32 to vector<16xi32>
      %shift_right_arithmetic3A_1535 = arith.shrsi %bitcast_convert_type3A_1532, %shift_right_arithmetic3A_1534 : vector<16xi32>
      %sub3A_1536 = arith.constant 1597463007 : i32
      %sub3A_1537 = vector.broadcast %sub3A_1536 : i32 to vector<16xi32>
      %sub3A_1538 = arith.subi %sub3A_1537, %shift_right_arithmetic3A_1535 : vector<16xi32>
      %bitcast_convert_type3A_1539 = tpu.bitcast %sub3A_1538 : vector<16xi32> -> vector<16xf32>
      %mul3A_1540 = arith.constant 5.000000e-01 : f32
      %mul3A_1541 = vector.broadcast %mul3A_1540 : f32 to vector<16xf32>
      %mul3A_1542 = arith.mulf %mul3A_1541, %max3A_1531 : vector<16xf32>
      %mul3A_1543 = arith.mulf %mul3A_1542, %bitcast_convert_type3A_1539 : vector<16xf32>
      %mul3A_1544 = arith.mulf %mul3A_1543, %bitcast_convert_type3A_1539 : vector<16xf32>
      %sub3A_1545 = arith.constant 1.500000e+00 : f32
      %sub3A_1546 = vector.broadcast %sub3A_1545 : f32 to vector<16xf32>
      %sub3A_1547 = arith.subf %sub3A_1546, %mul3A_1544 : vector<16xf32>
      %mul3A_1548 = arith.mulf %bitcast_convert_type3A_1539, %sub3A_1547 : vector<16xf32>
      %mul3A_1549 = arith.constant 5.000000e-01 : f32
      %mul3A_1550 = vector.broadcast %mul3A_1549 : f32 to vector<16xf32>
      %mul3A_1551 = arith.mulf %mul3A_1550, %max3A_1531 : vector<16xf32>
      %mul3A_1552 = arith.mulf %mul3A_1551, %mul3A_1548 : vector<16xf32>
      %mul3A_1553 = arith.mulf %mul3A_1552, %mul3A_1548 : vector<16xf32>
      %sub3A_1554 = arith.constant 1.500000e+00 : f32
      %sub3A_1555 = vector.broadcast %sub3A_1554 : f32 to vector<16xf32>
      %sub3A_1556 = arith.subf %sub3A_1555, %mul3A_1553 : vector<16xf32>
      %mul3A_1557 = arith.mulf %mul3A_1548, %sub3A_1556 : vector<16xf32>
      %mul3A_1558 = arith.constant 5.000000e-01 : f32
      %mul3A_1559 = vector.broadcast %mul3A_1558 : f32 to vector<16xf32>
      %mul3A_1560 = arith.mulf %mul3A_1559, %max3A_1531 : vector<16xf32>
      %mul3A_1561 = arith.mulf %mul3A_1560, %mul3A_1557 : vector<16xf32>
      %mul3A_1562 = arith.mulf %mul3A_1561, %mul3A_1557 : vector<16xf32>
      %sub3A_1563 = arith.constant 1.500000e+00 : f32
      %sub3A_1564 = vector.broadcast %sub3A_1563 : f32 to vector<16xf32>
      %sub3A_1565 = arith.subf %sub3A_1564, %mul3A_1562 : vector<16xf32>
      %mul3A_1566 = arith.mulf %mul3A_1557, %sub3A_1565 : vector<16xf32>
      %mul3A_1567 = arith.mulf %add3A_1528, %mul3A_1566 : vector<16xf32>
      %mul3A_1568 = arith.mulf %mul3A_1567, %get3A_1523 : vector<16xf32>
      %get3A_1569 = arith.constant 8 : i32
      %get3A_1570 = arith.constant 0 : i32
      %get3A_1571 = arith.index_cast %get3A_1569 : i32 to index
      %get3A_1572 = arith.index_cast %get3A_1570 : i32 to index
      %get3A_1573 = arith.index_cast %mul3A_867 : i32 to index
      %get3A_1574 = tpu.vector_load %arg19[%get3A_1571, %get3A_1572, %get3A_1573] {strides = array<i32>} : memref<10x3x512xf32, #tpu.memory_space<vmem>>, vector<16xf32>,
      %get3A_1575 = arith.constant 8 : i32
      %get3A_1576 = arith.constant 0 : i32
      %get3A_1577 = arith.index_cast %get3A_1575 : i32 to index
      %get3A_1578 = arith.index_cast %get3A_1576 : i32 to index
      %get3A_1579 = arith.index_cast %mul3A_867 : i32 to index
      %get3A_1580 = tpu.vector_load %arg20[%get3A_1577, %get3A_1578, %get3A_1579] {strides = array<i32>} : memref<10x3x512xf32, #tpu.memory_space<vmem>>, vector<16xf32>,
      %sub3A_1581 = arith.subf %get3A_1574, %get3A_1580 : vector<16xf32>
      %get3A_1582 = arith.constant 8 : i32
      %get3A_1583 = arith.constant 1 : i32
      %get3A_1584 = arith.index_cast %get3A_1582 : i32 to index
      %get3A_1585 = arith.index_cast %get3A_1583 : i32 to index
      %get3A_1586 = arith.index_cast %mul3A_867 : i32 to index
      %get3A_1587 = tpu.vector_load %arg19[%get3A_1584, %get3A_1585, %get3A_1586] {strides = array<i32>} : memref<10x3x512xf32, #tpu.memory_space<vmem>>, vector<16xf32>,
      %get3A_1588 = arith.constant 8 : i32
      %get3A_1589 = arith.constant 1 : i32
      %get3A_1590 = arith.index_cast %get3A_1588 : i32 to index
      %get3A_1591 = arith.index_cast %get3A_1589 : i32 to index
      %get3A_1592 = arith.index_cast %mul3A_867 : i32 to index
      %get3A_1593 = tpu.vector_load %arg20[%get3A_1590, %get3A_1591, %get3A_1592] {strides = array<i32>} : memref<10x3x512xf32, #tpu.memory_space<vmem>>, vector<16xf32>,
      %sub3A_1594 = arith.subf %get3A_1587, %get3A_1593 : vector<16xf32>
      %get3A_1595 = arith.constant 8 : i32
      %get3A_1596 = arith.constant 2 : i32
      %get3A_1597 = arith.index_cast %get3A_1595 : i32 to index
      %get3A_1598 = arith.index_cast %get3A_1596 : i32 to index
      %get3A_1599 = arith.index_cast %mul3A_867 : i32 to index
      %get3A_1600 = tpu.vector_load %arg19[%get3A_1597, %get3A_1598, %get3A_1599] {strides = array<i32>} : memref<10x3x512xf32, #tpu.memory_space<vmem>>, vector<16xf32>,
      %get3A_1601 = arith.constant 8 : i32
      %get3A_1602 = arith.constant 2 : i32
      %get3A_1603 = arith.index_cast %get3A_1601 : i32 to index
      %get3A_1604 = arith.index_cast %get3A_1602 : i32 to index
      %get3A_1605 = arith.index_cast %mul3A_867 : i32 to index
      %get3A_1606 = tpu.vector_load %arg20[%get3A_1603, %get3A_1604, %get3A_1605] {strides = array<i32>} : memref<10x3x512xf32, #tpu.memory_space<vmem>>, vector<16xf32>,
      %sub3A_1607 = arith.subf %get3A_1600, %get3A_1606 : vector<16xf32>
      %get3A_1608 = arith.constant 8 : i32
      %get3A_1609 = arith.index_cast %get3A_1608 : i32 to index
      %get3A_1610 = arith.index_cast %mul3A_867 : i32 to index
      %get3A_1611 = tpu.vector_load %arg21[%get3A_1609, %get3A_1610] {strides = array<i32>} : memref<10x512xf32, #tpu.memory_space<vmem>>, vector<16xf32>,
      %mul3A_1612 = arith.mulf %sub3A_1581, %sub3A_1581 : vector<16xf32>
      %mul3A_1613 = arith.mulf %sub3A_1594, %sub3A_1594 : vector<16xf32>
      %add3A_1614 = arith.addf %mul3A_1612, %mul3A_1613 : vector<16xf32>
      %mul3A_1615 = arith.mulf %sub3A_1607, %sub3A_1607 : vector<16xf32>
      %add3A_1616 = arith.addf %add3A_1614, %mul3A_1615 : vector<16xf32>
      %max3A_1617 = arith.constant 1.000000e-30 : f32
      %max3A_1618 = vector.broadcast %max3A_1617 : f32 to vector<16xf32>
      %max3A_1619 = arith.maximumf %add3A_1616, %max3A_1618 : vector<16xf32>
      %bitcast_convert_type3A_1620 = tpu.bitcast %max3A_1619 : vector<16xf32> -> vector<16xi32>
      %shift_right_arithmetic3A_1621 = arith.constant 1 : i32
      %shift_right_arithmetic3A_1622 = vector.broadcast %shift_right_arithmetic3A_1621 : i32 to vector<16xi32>
      %shift_right_arithmetic3A_1623 = arith.shrsi %bitcast_convert_type3A_1620, %shift_right_arithmetic3A_1622 : vector<16xi32>
      %sub3A_1624 = arith.constant 1597463007 : i32
      %sub3A_1625 = vector.broadcast %sub3A_1624 : i32 to vector<16xi32>
      %sub3A_1626 = arith.subi %sub3A_1625, %shift_right_arithmetic3A_1623 : vector<16xi32>
      %bitcast_convert_type3A_1627 = tpu.bitcast %sub3A_1626 : vector<16xi32> -> vector<16xf32>
      %mul3A_1628 = arith.constant 5.000000e-01 : f32
      %mul3A_1629 = vector.broadcast %mul3A_1628 : f32 to vector<16xf32>
      %mul3A_1630 = arith.mulf %mul3A_1629, %max3A_1619 : vector<16xf32>
      %mul3A_1631 = arith.mulf %mul3A_1630, %bitcast_convert_type3A_1627 : vector<16xf32>
      %mul3A_1632 = arith.mulf %mul3A_1631, %bitcast_convert_type3A_1627 : vector<16xf32>
      %sub3A_1633 = arith.constant 1.500000e+00 : f32
      %sub3A_1634 = vector.broadcast %sub3A_1633 : f32 to vector<16xf32>
      %sub3A_1635 = arith.subf %sub3A_1634, %mul3A_1632 : vector<16xf32>
      %mul3A_1636 = arith.mulf %bitcast_convert_type3A_1627, %sub3A_1635 : vector<16xf32>
      %mul3A_1637 = arith.constant 5.000000e-01 : f32
      %mul3A_1638 = vector.broadcast %mul3A_1637 : f32 to vector<16xf32>
      %mul3A_1639 = arith.mulf %mul3A_1638, %max3A_1619 : vector<16xf32>
      %mul3A_1640 = arith.mulf %mul3A_1639, %mul3A_1636 : vector<16xf32>
      %mul3A_1641 = arith.mulf %mul3A_1640, %mul3A_1636 : vector<16xf32>
      %sub3A_1642 = arith.constant 1.500000e+00 : f32
      %sub3A_1643 = vector.broadcast %sub3A_1642 : f32 to vector<16xf32>
      %sub3A_1644 = arith.subf %sub3A_1643, %mul3A_1641 : vector<16xf32>
      %mul3A_1645 = arith.mulf %mul3A_1636, %sub3A_1644 : vector<16xf32>
      %mul3A_1646 = arith.constant 5.000000e-01 : f32
      %mul3A_1647 = vector.broadcast %mul3A_1646 : f32 to vector<16xf32>
      %mul3A_1648 = arith.mulf %mul3A_1647, %max3A_1619 : vector<16xf32>
      %mul3A_1649 = arith.mulf %mul3A_1648, %mul3A_1645 : vector<16xf32>
      %mul3A_1650 = arith.mulf %mul3A_1649, %mul3A_1645 : vector<16xf32>
      %sub3A_1651 = arith.constant 1.500000e+00 : f32
      %sub3A_1652 = vector.broadcast %sub3A_1651 : f32 to vector<16xf32>
      %sub3A_1653 = arith.subf %sub3A_1652, %mul3A_1650 : vector<16xf32>
      %mul3A_1654 = arith.mulf %mul3A_1645, %sub3A_1653 : vector<16xf32>
      %mul3A_1655 = arith.mulf %add3A_1616, %mul3A_1654 : vector<16xf32>
      %mul3A_1656 = arith.mulf %mul3A_1655, %get3A_1611 : vector<16xf32>
      %get3A_1657 = arith.constant 9 : i32
      %get3A_1658 = arith.constant 0 : i32
      %get3A_1659 = arith.index_cast %get3A_1657 : i32 to index
      %get3A_1660 = arith.index_cast %get3A_1658 : i32 to index
      %get3A_1661 = arith.index_cast %mul3A_867 : i32 to index
      %get3A_1662 = tpu.vector_load %arg19[%get3A_1659, %get3A_1660, %get3A_1661] {strides = array<i32>} : memref<10x3x512xf32, #tpu.memory_space<vmem>>, vector<16xf32>,
      %get3A_1663 = arith.constant 9 : i32
      %get3A_1664 = arith.constant 0 : i32
      %get3A_1665 = arith.index_cast %get3A_1663 : i32 to index
      %get3A_1666 = arith.index_cast %get3A_1664 : i32 to index
      %get3A_1667 = arith.index_cast %mul3A_867 : i32 to index
      %get3A_1668 = tpu.vector_load %arg20[%get3A_1665, %get3A_1666, %get3A_1667] {strides = array<i32>} : memref<10x3x512xf32, #tpu.memory_space<vmem>>, vector<16xf32>,
      %sub3A_1669 = arith.subf %get3A_1662, %get3A_1668 : vector<16xf32>
      %get3A_1670 = arith.constant 9 : i32
      %get3A_1671 = arith.constant 1 : i32
      %get3A_1672 = arith.index_cast %get3A_1670 : i32 to index
      %get3A_1673 = arith.index_cast %get3A_1671 : i32 to index
      %get3A_1674 = arith.index_cast %mul3A_867 : i32 to index
      %get3A_1675 = tpu.vector_load %arg19[%get3A_1672, %get3A_1673, %get3A_1674] {strides = array<i32>} : memref<10x3x512xf32, #tpu.memory_space<vmem>>, vector<16xf32>,
      %get3A_1676 = arith.constant 9 : i32
      %get3A_1677 = arith.constant 1 : i32
      %get3A_1678 = arith.index_cast %get3A_1676 : i32 to index
      %get3A_1679 = arith.index_cast %get3A_1677 : i32 to index
      %get3A_1680 = arith.index_cast %mul3A_867 : i32 to index
      %get3A_1681 = tpu.vector_load %arg20[%get3A_1678, %get3A_1679, %get3A_1680] {strides = array<i32>} : memref<10x3x512xf32, #tpu.memory_space<vmem>>, vector<16xf32>,
      %sub3A_1682 = arith.subf %get3A_1675, %get3A_1681 : vector<16xf32>
      %get3A_1683 = arith.constant 9 : i32
      %get3A_1684 = arith.constant 2 : i32
      %get3A_1685 = arith.index_cast %get3A_1683 : i32 to index
      %get3A_1686 = arith.index_cast %get3A_1684 : i32 to index
      %get3A_1687 = arith.index_cast %mul3A_867 : i32 to index
      %get3A_1688 = tpu.vector_load %arg19[%get3A_1685, %get3A_1686, %get3A_1687] {strides = array<i32>} : memref<10x3x512xf32, #tpu.memory_space<vmem>>, vector<16xf32>,
      %get3A_1689 = arith.constant 9 : i32
      %get3A_1690 = arith.constant 2 : i32
      %get3A_1691 = arith.index_cast %get3A_1689 : i32 to index
      %get3A_1692 = arith.index_cast %get3A_1690 : i32 to index
      %get3A_1693 = arith.index_cast %mul3A_867 : i32 to index
      %get3A_1694 = tpu.vector_load %arg20[%get3A_1691, %get3A_1692, %get3A_1693] {strides = array<i32>} : memref<10x3x512xf32, #tpu.memory_space<vmem>>, vector<16xf32>,
      %sub3A_1695 = arith.subf %get3A_1688, %get3A_1694 : vector<16xf32>
      %get3A_1696 = arith.constant 9 : i32
      %get3A_1697 = arith.index_cast %get3A_1696 : i32 to index
      %get3A_1698 = arith.index_cast %mul3A_867 : i32 to index
      %get3A_1699 = tpu.vector_load %arg21[%get3A_1697, %get3A_1698] {strides = array<i32>} : memref<10x512xf32, #tpu.memory_space<vmem>>, vector<16xf32>,
      %mul3A_1700 = arith.mulf %sub3A_1669, %sub3A_1669 : vector<16xf32>
      %mul3A_1701 = arith.mulf %sub3A_1682, %sub3A_1682 : vector<16xf32>
      %add3A_1702 = arith.addf %mul3A_1700, %mul3A_1701 : vector<16xf32>
      %mul3A_1703 = arith.mulf %sub3A_1695, %sub3A_1695 : vector<16xf32>
      %add3A_1704 = arith.addf %add3A_1702, %mul3A_1703 : vector<16xf32>
      %max3A_1705 = arith.constant 1.000000e-30 : f32
      %max3A_1706 = vector.broadcast %max3A_1705 : f32 to vector<16xf32>
      %max3A_1707 = arith.maximumf %add3A_1704, %max3A_1706 : vector<16xf32>
      %bitcast_convert_type3A_1708 = tpu.bitcast %max3A_1707 : vector<16xf32> -> vector<16xi32>
      %shift_right_arithmetic3A_1709 = arith.constant 1 : i32
      %shift_right_arithmetic3A_1710 = vector.broadcast %shift_right_arithmetic3A_1709 : i32 to vector<16xi32>
      %shift_right_arithmetic3A_1711 = arith.shrsi %bitcast_convert_type3A_1708, %shift_right_arithmetic3A_1710 : vector<16xi32>
      %sub3A_1712 = arith.constant 1597463007 : i32
      %sub3A_1713 = vector.broadcast %sub3A_1712 : i32 to vector<16xi32>
      %sub3A_1714 = arith.subi %sub3A_1713, %shift_right_arithmetic3A_1711 : vector<16xi32>
      %bitcast_convert_type3A_1715 = tpu.bitcast %sub3A_1714 : vector<16xi32> -> vector<16xf32>
      %mul3A_1716 = arith.constant 5.000000e-01 : f32
      %mul3A_1717 = vector.broadcast %mul3A_1716 : f32 to vector<16xf32>
      %mul3A_1718 = arith.mulf %mul3A_1717, %max3A_1707 : vector<16xf32>
      %mul3A_1719 = arith.mulf %mul3A_1718, %bitcast_convert_type3A_1715 : vector<16xf32>
      %mul3A_1720 = arith.mulf %mul3A_1719, %bitcast_convert_type3A_1715 : vector<16xf32>
      %sub3A_1721 = arith.constant 1.500000e+00 : f32
      %sub3A_1722 = vector.broadcast %sub3A_1721 : f32 to vector<16xf32>
      %sub3A_1723 = arith.subf %sub3A_1722, %mul3A_1720 : vector<16xf32>
      %mul3A_1724 = arith.mulf %bitcast_convert_type3A_1715, %sub3A_1723 : vector<16xf32>
      %mul3A_1725 = arith.constant 5.000000e-01 : f32
      %mul3A_1726 = vector.broadcast %mul3A_1725 : f32 to vector<16xf32>
      %mul3A_1727 = arith.mulf %mul3A_1726, %max3A_1707 : vector<16xf32>
      %mul3A_1728 = arith.mulf %mul3A_1727, %mul3A_1724 : vector<16xf32>
      %mul3A_1729 = arith.mulf %mul3A_1728, %mul3A_1724 : vector<16xf32>
      %sub3A_1730 = arith.constant 1.500000e+00 : f32
      %sub3A_1731 = vector.broadcast %sub3A_1730 : f32 to vector<16xf32>
      %sub3A_1732 = arith.subf %sub3A_1731, %mul3A_1729 : vector<16xf32>
      %mul3A_1733 = arith.mulf %mul3A_1724, %sub3A_1732 : vector<16xf32>
      %mul3A_1734 = arith.constant 5.000000e-01 : f32
      %mul3A_1735 = vector.broadcast %mul3A_1734 : f32 to vector<16xf32>
      %mul3A_1736 = arith.mulf %mul3A_1735, %max3A_1707 : vector<16xf32>
      %mul3A_1737 = arith.mulf %mul3A_1736, %mul3A_1733 : vector<16xf32>
      %mul3A_1738 = arith.mulf %mul3A_1737, %mul3A_1733 : vector<16xf32>
      %sub3A_1739 = arith.constant 1.500000e+00 : f32
      %sub3A_1740 = vector.broadcast %sub3A_1739 : f32 to vector<16xf32>
      %sub3A_1741 = arith.subf %sub3A_1740, %mul3A_1738 : vector<16xf32>
      %mul3A_1742 = arith.mulf %mul3A_1733, %sub3A_1741 : vector<16xf32>
      %mul3A_1743 = arith.mulf %add3A_1704, %mul3A_1742 : vector<16xf32>
      %mul3A_1744 = arith.mulf %mul3A_1743, %get3A_1699 : vector<16xf32>
      %add3A_1745 = arith.addf %mul3A_952, %mul3A_1040 : vector<16xf32>
      %add3A_1746 = arith.addf %mul3A_1128, %mul3A_1216 : vector<16xf32>
      %add3A_1747 = arith.addf %mul3A_1304, %mul3A_1392 : vector<16xf32>
      %add3A_1748 = arith.addf %mul3A_1480, %mul3A_1568 : vector<16xf32>
      %add3A_1749 = arith.addf %mul3A_1656, %mul3A_1744 : vector<16xf32>
      %add3A_1750 = arith.addf %add3A_1745, %add3A_1746 : vector<16xf32>
      %add3A_1751 = arith.addf %add3A_1747, %add3A_1748 : vector<16xf32>
      %add3A_1752 = arith.addf %add3A_1750, %add3A_1751 : vector<16xf32>
      %add3A_1753 = arith.addf %add3A_1752, %add3A_1749 : vector<16xf32>
      %eq3A_1754 = arith.constant 0 : i32
      %eq3A_1755 = vector.broadcast %eq3A_1754 : i32 to vector<16xi32>
      %eq3A_1756 = arith.cmpi eq, %get3A_868, %eq3A_1755 : vector<16xi32>
      %jit3A = arith.constant 0.000000e+00 : f32
      %broadcast_in_dim3A_1757 = vector.broadcast %jit3A : f32 to vector<16xf32>
      %select_n3A_1758 = arith.select %eq3A_1756, %add3A_1753, %broadcast_in_dim3A_1757 : vector<16xi1>, vector<16xf32>
      %add3A_1759 = arith.addf %scan3A_850, %select_n3A_1758 : vector<16xf32>
      %jit3A_1760 = arith.constant 1.000000e+00 : f32
      %jit3A_1761 = arith.constant 0.000000e+00 : f32
      %broadcast_in_dim3A_1762 = vector.broadcast %jit3A_1760 : f32 to vector<16xf32>
      %broadcast_in_dim3A_1763 = vector.broadcast %jit3A_1761 : f32 to vector<16xf32>
      %select_n3A_1764 = arith.select %eq3A_1756, %broadcast_in_dim3A_1762, %broadcast_in_dim3A_1763 : vector<16xi1>, vector<16xf32>
      %add3A_1765 = arith.addf %scan3A_858, %select_n3A_1764 : vector<16xf32>
      %eq3A_1766 = arith.constant 1 : i32
      %eq3A_1767 = vector.broadcast %eq3A_1766 : i32 to vector<16xi32>
      %eq3A_1768 = arith.cmpi eq, %get3A_868, %eq3A_1767 : vector<16xi32>
      %jit3A_1769 = arith.constant 0.000000e+00 : f32
      %broadcast_in_dim3A_1770 = vector.broadcast %jit3A_1769 : f32 to vector<16xf32>
      %select_n3A_1771 = arith.select %eq3A_1768, %add3A_1753, %broadcast_in_dim3A_1770 : vector<16xi1>, vector<16xf32>
      %add3A_1772 = arith.addf %scan3A_851, %select_n3A_1771 : vector<16xf32>
      %jit3A_1773 = arith.constant 1.000000e+00 : f32
      %jit3A_1774 = arith.constant 0.000000e+00 : f32
      %broadcast_in_dim3A_1775 = vector.broadcast %jit3A_1773 : f32 to vector<16xf32>
      %broadcast_in_dim3A_1776 = vector.broadcast %jit3A_1774 : f32 to vector<16xf32>
      %select_n3A_1777 = arith.select %eq3A_1768, %broadcast_in_dim3A_1775, %broadcast_in_dim3A_1776 : vector<16xi1>, vector<16xf32>
      %add3A_1778 = arith.addf %scan3A_859, %select_n3A_1777 : vector<16xf32>
      %eq3A_1779 = arith.constant 2 : i32
      %eq3A_1780 = vector.broadcast %eq3A_1779 : i32 to vector<16xi32>
      %eq3A_1781 = arith.cmpi eq, %get3A_868, %eq3A_1780 : vector<16xi32>
      %jit3A_1782 = arith.constant 0.000000e+00 : f32
      %broadcast_in_dim3A_1783 = vector.broadcast %jit3A_1782 : f32 to vector<16xf32>
      %select_n3A_1784 = arith.select %eq3A_1781, %add3A_1753, %broadcast_in_dim3A_1783 : vector<16xi1>, vector<16xf32>
      %add3A_1785 = arith.addf %scan3A_852, %select_n3A_1784 : vector<16xf32>
      %jit3A_1786 = arith.constant 1.000000e+00 : f32
      %jit3A_1787 = arith.constant 0.000000e+00 : f32
      %broadcast_in_dim3A_1788 = vector.broadcast %jit3A_1786 : f32 to vector<16xf32>
      %broadcast_in_dim3A_1789 = vector.broadcast %jit3A_1787 : f32 to vector<16xf32>
      %select_n3A_1790 = arith.select %eq3A_1781, %broadcast_in_dim3A_1788, %broadcast_in_dim3A_1789 : vector<16xi1>, vector<16xf32>
      %add3A_1791 = arith.addf %scan3A_860, %select_n3A_1790 : vector<16xf32>
      %eq3A_1792 = arith.constant 3 : i32
      %eq3A_1793 = vector.broadcast %eq3A_1792 : i32 to vector<16xi32>
      %eq3A_1794 = arith.cmpi eq, %get3A_868, %eq3A_1793 : vector<16xi32>
      %jit3A_1795 = arith.constant 0.000000e+00 : f32
      %broadcast_in_dim3A_1796 = vector.broadcast %jit3A_1795 : f32 to vector<16xf32>
      %select_n3A_1797 = arith.select %eq3A_1794, %add3A_1753, %broadcast_in_dim3A_1796 : vector<16xi1>, vector<16xf32>
      %add3A_1798 = arith.addf %scan3A_853, %select_n3A_1797 : vector<16xf32>
      %jit3A_1799 = arith.constant 1.000000e+00 : f32
      %jit3A_1800 = arith.constant 0.000000e+00 : f32
      %broadcast_in_dim3A_1801 = vector.broadcast %jit3A_1799 : f32 to vector<16xf32>
      %broadcast_in_dim3A_1802 = vector.broadcast %jit3A_1800 : f32 to vector<16xf32>
      %select_n3A_1803 = arith.select %eq3A_1794, %broadcast_in_dim3A_1801, %broadcast_in_dim3A_1802 : vector<16xi1>, vector<16xf32>
      %add3A_1804 = arith.addf %scan3A_861, %select_n3A_1803 : vector<16xf32>
      %eq3A_1805 = arith.constant 4 : i32
      %eq3A_1806 = vector.broadcast %eq3A_1805 : i32 to vector<16xi32>
      %eq3A_1807 = arith.cmpi eq, %get3A_868, %eq3A_1806 : vector<16xi32>
      %jit3A_1808 = arith.constant 0.000000e+00 : f32
      %broadcast_in_dim3A_1809 = vector.broadcast %jit3A_1808 : f32 to vector<16xf32>
      %select_n3A_1810 = arith.select %eq3A_1807, %add3A_1753, %broadcast_in_dim3A_1809 : vector<16xi1>, vector<16xf32>
      %add3A_1811 = arith.addf %scan3A_854, %select_n3A_1810 : vector<16xf32>
      %jit3A_1812 = arith.constant 1.000000e+00 : f32
      %jit3A_1813 = arith.constant 0.000000e+00 : f32
      %broadcast_in_dim3A_1814 = vector.broadcast %jit3A_1812 : f32 to vector<16xf32>
      %broadcast_in_dim3A_1815 = vector.broadcast %jit3A_1813 : f32 to vector<16xf32>
      %select_n3A_1816 = arith.select %eq3A_1807, %broadcast_in_dim3A_1814, %broadcast_in_dim3A_1815 : vector<16xi1>, vector<16xf32>
      %add3A_1817 = arith.addf %scan3A_862, %select_n3A_1816 : vector<16xf32>
      %eq3A_1818 = arith.constant 5 : i32
      %eq3A_1819 = vector.broadcast %eq3A_1818 : i32 to vector<16xi32>
      %eq3A_1820 = arith.cmpi eq, %get3A_868, %eq3A_1819 : vector<16xi32>
      %jit3A_1821 = arith.constant 0.000000e+00 : f32
      %broadcast_in_dim3A_1822 = vector.broadcast %jit3A_1821 : f32 to vector<16xf32>
      %select_n3A_1823 = arith.select %eq3A_1820, %add3A_1753, %broadcast_in_dim3A_1822 : vector<16xi1>, vector<16xf32>
      %add3A_1824 = arith.addf %scan3A_855, %select_n3A_1823 : vector<16xf32>
      %jit3A_1825 = arith.constant 1.000000e+00 : f32
      %jit3A_1826 = arith.constant 0.000000e+00 : f32
      %broadcast_in_dim3A_1827 = vector.broadcast %jit3A_1825 : f32 to vector<16xf32>
      %broadcast_in_dim3A_1828 = vector.broadcast %jit3A_1826 : f32 to vector<16xf32>
      %select_n3A_1829 = arith.select %eq3A_1820, %broadcast_in_dim3A_1827, %broadcast_in_dim3A_1828 : vector<16xi1>, vector<16xf32>
      %add3A_1830 = arith.addf %scan3A_863, %select_n3A_1829 : vector<16xf32>
      %eq3A_1831 = arith.constant 6 : i32
      %eq3A_1832 = vector.broadcast %eq3A_1831 : i32 to vector<16xi32>
      %eq3A_1833 = arith.cmpi eq, %get3A_868, %eq3A_1832 : vector<16xi32>
      %jit3A_1834 = arith.constant 0.000000e+00 : f32
      %broadcast_in_dim3A_1835 = vector.broadcast %jit3A_1834 : f32 to vector<16xf32>
      %select_n3A_1836 = arith.select %eq3A_1833, %add3A_1753, %broadcast_in_dim3A_1835 : vector<16xi1>, vector<16xf32>
      %add3A_1837 = arith.addf %scan3A_856, %select_n3A_1836 : vector<16xf32>
      %jit3A_1838 = arith.constant 1.000000e+00 : f32
      %jit3A_1839 = arith.constant 0.000000e+00 : f32
      %broadcast_in_dim3A_1840 = vector.broadcast %jit3A_1838 : f32 to vector<16xf32>
      %broadcast_in_dim3A_1841 = vector.broadcast %jit3A_1839 : f32 to vector<16xf32>
      %select_n3A_1842 = arith.select %eq3A_1833, %broadcast_in_dim3A_1840, %broadcast_in_dim3A_1841 : vector<16xi1>, vector<16xf32>
      %add3A_1843 = arith.addf %scan3A_864, %select_n3A_1842 : vector<16xf32>
      %eq3A_1844 = arith.constant 7 : i32
      %eq3A_1845 = vector.broadcast %eq3A_1844 : i32 to vector<16xi32>
      %eq3A_1846 = arith.cmpi eq, %get3A_868, %eq3A_1845 : vector<16xi32>
      %jit3A_1847 = arith.constant 0.000000e+00 : f32
      %broadcast_in_dim3A_1848 = vector.broadcast %jit3A_1847 : f32 to vector<16xf32>
      %select_n3A_1849 = arith.select %eq3A_1846, %add3A_1753, %broadcast_in_dim3A_1848 : vector<16xi1>, vector<16xf32>
      %add3A_1850 = arith.addf %scan3A_857, %select_n3A_1849 : vector<16xf32>
      %jit3A_1851 = arith.constant 1.000000e+00 : f32
      %jit3A_1852 = arith.constant 0.000000e+00 : f32
      %broadcast_in_dim3A_1853 = vector.broadcast %jit3A_1851 : f32 to vector<16xf32>
      %broadcast_in_dim3A_1854 = vector.broadcast %jit3A_1852 : f32 to vector<16xf32>
      %select_n3A_1855 = arith.select %eq3A_1846, %broadcast_in_dim3A_1853, %broadcast_in_dim3A_1854 : vector<16xi1>, vector<16xf32>
      %add3A_1856 = arith.addf %scan3A_865, %select_n3A_1855 : vector<16xf32>
      scf.yield %add3A_1759, %add3A_1772, %add3A_1785, %add3A_1798, %add3A_1811, %add3A_1824, %add3A_1837, %add3A_1850, %add3A_1765, %add3A_1778, %add3A_1791, %add3A_1804, %add3A_1817, %add3A_1830, %add3A_1843, %add3A_1856 : vector<16xf32>, vector<16xf32>, vector<16xf32>, vector<16xf32>, vector<16xf32>, vector<16xf32>, vector<16xf32>, vector<16xf32>, vector<16xf32>, vector<16xf32>, vector<16xf32>, vector<16xf32>, vector<16xf32>, vector<16xf32>, vector<16xf32>, vector<16xf32>
    }
    %scan3A_202 = arith.constant 32 : i32
    %dma_wait3A_203 = arith.constant 0 : i32
    %dma_wait3A_204 = tpu.memref_slice %arg8[%dma_wait3A_203, %mul3A_2] : memref<3x16384xf32, #tpu.memory_space<hbm>> -> memref<3x512xf32, #tpu.memory_space<hbm>>
    %dma_wait3A_205 = arith.constant 0 : i32
    %dma_wait3A_206 = tpu.memref_slice %arg8[%dma_wait3A_205, %mul3A_2] : memref<3x16384xf32, #tpu.memory_space<hbm>> -> memref<3x512xf32, #tpu.memory_space<hbm>>
    tpu.wait_dma2 semaphore(%arg30 : memref<!tpu.dma_semaphore, #tpu.memory_space<semaphore_mem>>) src(%dma_wait3A_206 : memref<3x512xf32, #tpu.memory_space<hbm>>) dst(%arg22 : memref<3x512xf32, #tpu.memory_space<vmem>>)
    %dma_wait3A_207 = arith.constant 0 : i32
    %dma_wait3A_208 = tpu.memref_slice %arg9[%dma_wait3A_207, %mul3A_2] : memref<3x16384xf32, #tpu.memory_space<hbm>> -> memref<3x512xf32, #tpu.memory_space<hbm>>
    %dma_wait3A_209 = arith.constant 0 : i32
    %dma_wait3A_210 = tpu.memref_slice %arg9[%dma_wait3A_209, %mul3A_2] : memref<3x16384xf32, #tpu.memory_space<hbm>> -> memref<3x512xf32, #tpu.memory_space<hbm>>
    tpu.wait_dma2 semaphore(%arg30 : memref<!tpu.dma_semaphore, #tpu.memory_space<semaphore_mem>>) src(%dma_wait3A_210 : memref<3x512xf32, #tpu.memory_space<hbm>>) dst(%arg23 : memref<3x512xf32, #tpu.memory_space<vmem>>)
    %dma_wait3A_211 = tpu.memref_slice %arg14[%mul3A_2] : memref<16384xi32, #tpu.memory_space<hbm>> -> memref<512xi32, #tpu.memory_space<hbm>>
    %dma_wait3A_212 = tpu.memref_slice %arg14[%mul3A_2] : memref<16384xi32, #tpu.memory_space<hbm>> -> memref<512xi32, #tpu.memory_space<hbm>>
    tpu.wait_dma2 semaphore(%arg30 : memref<!tpu.dma_semaphore, #tpu.memory_space<semaphore_mem>>) src(%dma_wait3A_212 : memref<512xi32, #tpu.memory_space<hbm>>) dst(%arg28 : memref<512xi32, #tpu.memory_space<vmem>>)
    %broadcast_in_dim3A_213 = arith.constant 0.000000e+00 : f32
    %broadcast_in_dim3A_214 = vector.broadcast %broadcast_in_dim3A_213 : f32 to vector<16xf32>
    %broadcast_in_dim3A_215 = arith.constant 0.000000e+00 : f32
    %broadcast_in_dim3A_216 = vector.broadcast %broadcast_in_dim3A_215 : f32 to vector<16xf32>
    %broadcast_in_dim3A_217 = arith.constant 0.000000e+00 : f32
    %broadcast_in_dim3A_218 = vector.broadcast %broadcast_in_dim3A_217 : f32 to vector<16xf32>
    %broadcast_in_dim3A_219 = arith.constant 0.000000e+00 : f32
    %broadcast_in_dim3A_220 = vector.broadcast %broadcast_in_dim3A_219 : f32 to vector<16xf32>
    %broadcast_in_dim3A_221 = arith.constant 0.000000e+00 : f32
    %broadcast_in_dim3A_222 = vector.broadcast %broadcast_in_dim3A_221 : f32 to vector<16xf32>
    %broadcast_in_dim3A_223 = arith.constant 0.000000e+00 : f32
    %broadcast_in_dim3A_224 = vector.broadcast %broadcast_in_dim3A_223 : f32 to vector<16xf32>
    %broadcast_in_dim3A_225 = arith.constant 0.000000e+00 : f32
    %broadcast_in_dim3A_226 = vector.broadcast %broadcast_in_dim3A_225 : f32 to vector<16xf32>
    %broadcast_in_dim3A_227 = arith.constant 0.000000e+00 : f32
    %broadcast_in_dim3A_228 = vector.broadcast %broadcast_in_dim3A_227 : f32 to vector<16xf32>
    %broadcast_in_dim3A_229 = arith.constant 0.000000e+00 : f32
    %broadcast_in_dim3A_230 = vector.broadcast %broadcast_in_dim3A_229 : f32 to vector<16xf32>
    %broadcast_in_dim3A_231 = arith.constant 0.000000e+00 : f32
    %broadcast_in_dim3A_232 = vector.broadcast %broadcast_in_dim3A_231 : f32 to vector<16xf32>
    %broadcast_in_dim3A_233 = arith.constant 0.000000e+00 : f32
    %broadcast_in_dim3A_234 = vector.broadcast %broadcast_in_dim3A_233 : f32 to vector<16xf32>
    %broadcast_in_dim3A_235 = arith.constant 0.000000e+00 : f32
    %broadcast_in_dim3A_236 = vector.broadcast %broadcast_in_dim3A_235 : f32 to vector<16xf32>
    %broadcast_in_dim3A_237 = arith.constant 0.000000e+00 : f32
    %broadcast_in_dim3A_238 = vector.broadcast %broadcast_in_dim3A_237 : f32 to vector<16xf32>
    %broadcast_in_dim3A_239 = arith.constant 0.000000e+00 : f32
    %broadcast_in_dim3A_240 = vector.broadcast %broadcast_in_dim3A_239 : f32 to vector<16xf32>
    %broadcast_in_dim3A_241 = arith.constant 0.000000e+00 : f32
    %broadcast_in_dim3A_242 = vector.broadcast %broadcast_in_dim3A_241 : f32 to vector<16xf32>
    %broadcast_in_dim3A_243 = arith.constant 0.000000e+00 : f32
    %broadcast_in_dim3A_244 = vector.broadcast %broadcast_in_dim3A_243 : f32 to vector<16xf32>
    %scan3A_245 = arith.constant 0 : i32
    %scan3A_246 = arith.constant 32 : i32
    %scan3A_247 = arith.addi %scan3A_245, %scan3A_246 : i32
    %scan3A_248 = arith.constant 1 : i32
    %scan3A_249:16 = scf.for %scan3A_849 = %scan3A_245 to %scan3A_247 step %scan3A_248 iter_args(%scan3A_850 = %broadcast_in_dim3A_214, %scan3A_851 = %broadcast_in_dim3A_216, %scan3A_852 = %broadcast_in_dim3A_218, %scan3A_853 = %broadcast_in_dim3A_220, %scan3A_854 = %broadcast_in_dim3A_222, %scan3A_855 = %broadcast_in_dim3A_224, %scan3A_856 = %broadcast_in_dim3A_226, %scan3A_857 = %broadcast_in_dim3A_228, %scan3A_858 = %broadcast_in_dim3A_230, %scan3A_859 = %broadcast_in_dim3A_232, %scan3A_860 = %broadcast_in_dim3A_234, %scan3A_861 = %broadcast_in_dim3A_236, %scan3A_862 = %broadcast_in_dim3A_238, %scan3A_863 = %broadcast_in_dim3A_240, %scan3A_864 = %broadcast_in_dim3A_242, %scan3A_865 = %broadcast_in_dim3A_244) -> (vector<16xf32>, vector<16xf32>, vector<16xf32>, vector<16xf32>, vector<16xf32>, vector<16xf32>, vector<16xf32>, vector<16xf32>, vector<16xf32>, vector<16xf32>, vector<16xf32>, vector<16xf32>, vector<16xf32>, vector<16xf32>, vector<16xf32>, vector<16xf32>)  : i32 {
      %mul3A_866 = arith.constant 16 : i32
      %mul3A_867 = arith.muli %scan3A_849, %mul3A_866 : i32
      %get3A = arith.index_cast %mul3A_867 : i32 to index
      %get3A_868 = tpu.vector_load %arg28[%get3A] {strides = array<i32>} : memref<512xi32, #tpu.memory_space<vmem>>, vector<16xi32>,
      %get3A_869 = arith.constant 0 : i32
      %get3A_870 = arith.index_cast %get3A_869 : i32 to index
      %get3A_871 = arith.index_cast %mul3A_867 : i32 to index
      %get3A_872 = tpu.vector_load %arg22[%get3A_870, %get3A_871] {strides = array<i32>} : memref<3x512xf32, #tpu.memory_space<vmem>>, vector<16xf32>,
      %get3A_873 = arith.constant 0 : i32
      %get3A_874 = arith.index_cast %get3A_873 : i32 to index
      %get3A_875 = arith.index_cast %mul3A_867 : i32 to index
      %get3A_876 = tpu.vector_load %arg23[%get3A_874, %get3A_875] {strides = array<i32>} : memref<3x512xf32, #tpu.memory_space<vmem>>, vector<16xf32>,
      %sub3A = arith.subf %get3A_872, %get3A_876 : vector<16xf32>
      %get3A_877 = arith.constant 1 : i32
      %get3A_878 = arith.index_cast %get3A_877 : i32 to index
      %get3A_879 = arith.index_cast %mul3A_867 : i32 to index
      %get3A_880 = tpu.vector_load %arg22[%get3A_878, %get3A_879] {strides = array<i32>} : memref<3x512xf32, #tpu.memory_space<vmem>>, vector<16xf32>,
      %get3A_881 = arith.constant 1 : i32
      %get3A_882 = arith.index_cast %get3A_881 : i32 to index
      %get3A_883 = arith.index_cast %mul3A_867 : i32 to index
      %get3A_884 = tpu.vector_load %arg23[%get3A_882, %get3A_883] {strides = array<i32>} : memref<3x512xf32, #tpu.memory_space<vmem>>, vector<16xf32>,
      %sub3A_885 = arith.subf %get3A_880, %get3A_884 : vector<16xf32>
      %get3A_886 = arith.constant 2 : i32
      %get3A_887 = arith.index_cast %get3A_886 : i32 to index
      %get3A_888 = arith.index_cast %mul3A_867 : i32 to index
      %get3A_889 = tpu.vector_load %arg22[%get3A_887, %get3A_888] {strides = array<i32>} : memref<3x512xf32, #tpu.memory_space<vmem>>, vector<16xf32>,
      %get3A_890 = arith.constant 2 : i32
      %get3A_891 = arith.index_cast %get3A_890 : i32 to index
      %get3A_892 = arith.index_cast %mul3A_867 : i32 to index
      %get3A_893 = tpu.vector_load %arg23[%get3A_891, %get3A_892] {strides = array<i32>} : memref<3x512xf32, #tpu.memory_space<vmem>>, vector<16xf32>,
      %sub3A_894 = arith.subf %get3A_889, %get3A_893 : vector<16xf32>
      %mul3A_895 = arith.mulf %sub3A, %sub3A : vector<16xf32>
      %mul3A_896 = arith.mulf %sub3A_885, %sub3A_885 : vector<16xf32>
      %add3A_897 = arith.addf %mul3A_895, %mul3A_896 : vector<16xf32>
      %mul3A_898 = arith.mulf %sub3A_894, %sub3A_894 : vector<16xf32>
      %add3A_899 = arith.addf %add3A_897, %mul3A_898 : vector<16xf32>
      %max3A = arith.constant 1.000000e-30 : f32
      %max3A_900 = vector.broadcast %max3A : f32 to vector<16xf32>
      %max3A_901 = arith.maximumf %add3A_899, %max3A_900 : vector<16xf32>
      %bitcast_convert_type3A = tpu.bitcast %max3A_901 : vector<16xf32> -> vector<16xi32>
      %shift_right_arithmetic3A = arith.constant 1 : i32
      %shift_right_arithmetic3A_902 = vector.broadcast %shift_right_arithmetic3A : i32 to vector<16xi32>
      %shift_right_arithmetic3A_903 = arith.shrsi %bitcast_convert_type3A, %shift_right_arithmetic3A_902 : vector<16xi32>
      %sub3A_904 = arith.constant 1597463007 : i32
      %sub3A_905 = vector.broadcast %sub3A_904 : i32 to vector<16xi32>
      %sub3A_906 = arith.subi %sub3A_905, %shift_right_arithmetic3A_903 : vector<16xi32>
      %bitcast_convert_type3A_907 = tpu.bitcast %sub3A_906 : vector<16xi32> -> vector<16xf32>
      %mul3A_908 = arith.constant 5.000000e-01 : f32
      %mul3A_909 = vector.broadcast %mul3A_908 : f32 to vector<16xf32>
      %mul3A_910 = arith.mulf %mul3A_909, %max3A_901 : vector<16xf32>
      %mul3A_911 = arith.mulf %mul3A_910, %bitcast_convert_type3A_907 : vector<16xf32>
      %mul3A_912 = arith.mulf %mul3A_911, %bitcast_convert_type3A_907 : vector<16xf32>
      %sub3A_913 = arith.constant 1.500000e+00 : f32
      %sub3A_914 = vector.broadcast %sub3A_913 : f32 to vector<16xf32>
      %sub3A_915 = arith.subf %sub3A_914, %mul3A_912 : vector<16xf32>
      %mul3A_916 = arith.mulf %bitcast_convert_type3A_907, %sub3A_915 : vector<16xf32>
      %mul3A_917 = arith.constant 5.000000e-01 : f32
      %mul3A_918 = vector.broadcast %mul3A_917 : f32 to vector<16xf32>
      %mul3A_919 = arith.mulf %mul3A_918, %max3A_901 : vector<16xf32>
      %mul3A_920 = arith.mulf %mul3A_919, %mul3A_916 : vector<16xf32>
      %mul3A_921 = arith.mulf %mul3A_920, %mul3A_916 : vector<16xf32>
      %sub3A_922 = arith.constant 1.500000e+00 : f32
      %sub3A_923 = vector.broadcast %sub3A_922 : f32 to vector<16xf32>
      %sub3A_924 = arith.subf %sub3A_923, %mul3A_921 : vector<16xf32>
      %mul3A_925 = arith.mulf %mul3A_916, %sub3A_924 : vector<16xf32>
      %mul3A_926 = arith.constant 5.000000e-01 : f32
      %mul3A_927 = vector.broadcast %mul3A_926 : f32 to vector<16xf32>
      %mul3A_928 = arith.mulf %mul3A_927, %max3A_901 : vector<16xf32>
      %mul3A_929 = arith.mulf %mul3A_928, %mul3A_925 : vector<16xf32>
      %mul3A_930 = arith.mulf %mul3A_929, %mul3A_925 : vector<16xf32>
      %sub3A_931 = arith.constant 1.500000e+00 : f32
      %sub3A_932 = vector.broadcast %sub3A_931 : f32 to vector<16xf32>
      %sub3A_933 = arith.subf %sub3A_932, %mul3A_930 : vector<16xf32>
      %mul3A_934 = arith.mulf %mul3A_925, %sub3A_933 : vector<16xf32>
      %mul3A_935 = arith.mulf %add3A_899, %mul3A_934 : vector<16xf32>
      %eq3A_936 = arith.constant 0 : i32
      %eq3A_937 = vector.broadcast %eq3A_936 : i32 to vector<16xi32>
      %eq3A_938 = arith.cmpi eq, %get3A_868, %eq3A_937 : vector<16xi32>
      %jit3A = arith.constant 0.000000e+00 : f32
      %broadcast_in_dim3A_939 = vector.broadcast %jit3A : f32 to vector<16xf32>
      %select_n3A_940 = arith.select %eq3A_938, %mul3A_935, %broadcast_in_dim3A_939 : vector<16xi1>, vector<16xf32>
      %add3A_941 = arith.addf %scan3A_850, %select_n3A_940 : vector<16xf32>
      %jit3A_942 = arith.constant 1.000000e+00 : f32
      %jit3A_943 = arith.constant 0.000000e+00 : f32
      %broadcast_in_dim3A_944 = vector.broadcast %jit3A_942 : f32 to vector<16xf32>
      %broadcast_in_dim3A_945 = vector.broadcast %jit3A_943 : f32 to vector<16xf32>
      %select_n3A_946 = arith.select %eq3A_938, %broadcast_in_dim3A_944, %broadcast_in_dim3A_945 : vector<16xi1>, vector<16xf32>
      %add3A_947 = arith.addf %scan3A_858, %select_n3A_946 : vector<16xf32>
      %eq3A_948 = arith.constant 1 : i32
      %eq3A_949 = vector.broadcast %eq3A_948 : i32 to vector<16xi32>
      %eq3A_950 = arith.cmpi eq, %get3A_868, %eq3A_949 : vector<16xi32>
      %jit3A_951 = arith.constant 0.000000e+00 : f32
      %broadcast_in_dim3A_952 = vector.broadcast %jit3A_951 : f32 to vector<16xf32>
      %select_n3A_953 = arith.select %eq3A_950, %mul3A_935, %broadcast_in_dim3A_952 : vector<16xi1>, vector<16xf32>
      %add3A_954 = arith.addf %scan3A_851, %select_n3A_953 : vector<16xf32>
      %jit3A_955 = arith.constant 1.000000e+00 : f32
      %jit3A_956 = arith.constant 0.000000e+00 : f32
      %broadcast_in_dim3A_957 = vector.broadcast %jit3A_955 : f32 to vector<16xf32>
      %broadcast_in_dim3A_958 = vector.broadcast %jit3A_956 : f32 to vector<16xf32>
      %select_n3A_959 = arith.select %eq3A_950, %broadcast_in_dim3A_957, %broadcast_in_dim3A_958 : vector<16xi1>, vector<16xf32>
      %add3A_960 = arith.addf %scan3A_859, %select_n3A_959 : vector<16xf32>
      %eq3A_961 = arith.constant 2 : i32
      %eq3A_962 = vector.broadcast %eq3A_961 : i32 to vector<16xi32>
      %eq3A_963 = arith.cmpi eq, %get3A_868, %eq3A_962 : vector<16xi32>
      %jit3A_964 = arith.constant 0.000000e+00 : f32
      %broadcast_in_dim3A_965 = vector.broadcast %jit3A_964 : f32 to vector<16xf32>
      %select_n3A_966 = arith.select %eq3A_963, %mul3A_935, %broadcast_in_dim3A_965 : vector<16xi1>, vector<16xf32>
      %add3A_967 = arith.addf %scan3A_852, %select_n3A_966 : vector<16xf32>
      %jit3A_968 = arith.constant 1.000000e+00 : f32
      %jit3A_969 = arith.constant 0.000000e+00 : f32
      %broadcast_in_dim3A_970 = vector.broadcast %jit3A_968 : f32 to vector<16xf32>
      %broadcast_in_dim3A_971 = vector.broadcast %jit3A_969 : f32 to vector<16xf32>
      %select_n3A_972 = arith.select %eq3A_963, %broadcast_in_dim3A_970, %broadcast_in_dim3A_971 : vector<16xi1>, vector<16xf32>
      %add3A_973 = arith.addf %scan3A_860, %select_n3A_972 : vector<16xf32>
      %eq3A_974 = arith.constant 3 : i32
      %eq3A_975 = vector.broadcast %eq3A_974 : i32 to vector<16xi32>
      %eq3A_976 = arith.cmpi eq, %get3A_868, %eq3A_975 : vector<16xi32>
      %jit3A_977 = arith.constant 0.000000e+00 : f32
      %broadcast_in_dim3A_978 = vector.broadcast %jit3A_977 : f32 to vector<16xf32>
      %select_n3A_979 = arith.select %eq3A_976, %mul3A_935, %broadcast_in_dim3A_978 : vector<16xi1>, vector<16xf32>
      %add3A_980 = arith.addf %scan3A_853, %select_n3A_979 : vector<16xf32>
      %jit3A_981 = arith.constant 1.000000e+00 : f32
      %jit3A_982 = arith.constant 0.000000e+00 : f32
      %broadcast_in_dim3A_983 = vector.broadcast %jit3A_981 : f32 to vector<16xf32>
      %broadcast_in_dim3A_984 = vector.broadcast %jit3A_982 : f32 to vector<16xf32>
      %select_n3A_985 = arith.select %eq3A_976, %broadcast_in_dim3A_983, %broadcast_in_dim3A_984 : vector<16xi1>, vector<16xf32>
      %add3A_986 = arith.addf %scan3A_861, %select_n3A_985 : vector<16xf32>
      %eq3A_987 = arith.constant 4 : i32
      %eq3A_988 = vector.broadcast %eq3A_987 : i32 to vector<16xi32>
      %eq3A_989 = arith.cmpi eq, %get3A_868, %eq3A_988 : vector<16xi32>
      %jit3A_990 = arith.constant 0.000000e+00 : f32
      %broadcast_in_dim3A_991 = vector.broadcast %jit3A_990 : f32 to vector<16xf32>
      %select_n3A_992 = arith.select %eq3A_989, %mul3A_935, %broadcast_in_dim3A_991 : vector<16xi1>, vector<16xf32>
      %add3A_993 = arith.addf %scan3A_854, %select_n3A_992 : vector<16xf32>
      %jit3A_994 = arith.constant 1.000000e+00 : f32
      %jit3A_995 = arith.constant 0.000000e+00 : f32
      %broadcast_in_dim3A_996 = vector.broadcast %jit3A_994 : f32 to vector<16xf32>
      %broadcast_in_dim3A_997 = vector.broadcast %jit3A_995 : f32 to vector<16xf32>
      %select_n3A_998 = arith.select %eq3A_989, %broadcast_in_dim3A_996, %broadcast_in_dim3A_997 : vector<16xi1>, vector<16xf32>
      %add3A_999 = arith.addf %scan3A_862, %select_n3A_998 : vector<16xf32>
      %eq3A_1000 = arith.constant 5 : i32
      %eq3A_1001 = vector.broadcast %eq3A_1000 : i32 to vector<16xi32>
      %eq3A_1002 = arith.cmpi eq, %get3A_868, %eq3A_1001 : vector<16xi32>
      %jit3A_1003 = arith.constant 0.000000e+00 : f32
      %broadcast_in_dim3A_1004 = vector.broadcast %jit3A_1003 : f32 to vector<16xf32>
      %select_n3A_1005 = arith.select %eq3A_1002, %mul3A_935, %broadcast_in_dim3A_1004 : vector<16xi1>, vector<16xf32>
      %add3A_1006 = arith.addf %scan3A_855, %select_n3A_1005 : vector<16xf32>
      %jit3A_1007 = arith.constant 1.000000e+00 : f32
      %jit3A_1008 = arith.constant 0.000000e+00 : f32
      %broadcast_in_dim3A_1009 = vector.broadcast %jit3A_1007 : f32 to vector<16xf32>
      %broadcast_in_dim3A_1010 = vector.broadcast %jit3A_1008 : f32 to vector<16xf32>
      %select_n3A_1011 = arith.select %eq3A_1002, %broadcast_in_dim3A_1009, %broadcast_in_dim3A_1010 : vector<16xi1>, vector<16xf32>
      %add3A_1012 = arith.addf %scan3A_863, %select_n3A_1011 : vector<16xf32>
      %eq3A_1013 = arith.constant 6 : i32
      %eq3A_1014 = vector.broadcast %eq3A_1013 : i32 to vector<16xi32>
      %eq3A_1015 = arith.cmpi eq, %get3A_868, %eq3A_1014 : vector<16xi32>
      %jit3A_1016 = arith.constant 0.000000e+00 : f32
      %broadcast_in_dim3A_1017 = vector.broadcast %jit3A_1016 : f32 to vector<16xf32>
      %select_n3A_1018 = arith.select %eq3A_1015, %mul3A_935, %broadcast_in_dim3A_1017 : vector<16xi1>, vector<16xf32>
      %add3A_1019 = arith.addf %scan3A_856, %select_n3A_1018 : vector<16xf32>
      %jit3A_1020 = arith.constant 1.000000e+00 : f32
      %jit3A_1021 = arith.constant 0.000000e+00 : f32
      %broadcast_in_dim3A_1022 = vector.broadcast %jit3A_1020 : f32 to vector<16xf32>
      %broadcast_in_dim3A_1023 = vector.broadcast %jit3A_1021 : f32 to vector<16xf32>
      %select_n3A_1024 = arith.select %eq3A_1015, %broadcast_in_dim3A_1022, %broadcast_in_dim3A_1023 : vector<16xi1>, vector<16xf32>
      %add3A_1025 = arith.addf %scan3A_864, %select_n3A_1024 : vector<16xf32>
      %eq3A_1026 = arith.constant 7 : i32
      %eq3A_1027 = vector.broadcast %eq3A_1026 : i32 to vector<16xi32>
      %eq3A_1028 = arith.cmpi eq, %get3A_868, %eq3A_1027 : vector<16xi32>
      %jit3A_1029 = arith.constant 0.000000e+00 : f32
      %broadcast_in_dim3A_1030 = vector.broadcast %jit3A_1029 : f32 to vector<16xf32>
      %select_n3A_1031 = arith.select %eq3A_1028, %mul3A_935, %broadcast_in_dim3A_1030 : vector<16xi1>, vector<16xf32>
      %add3A_1032 = arith.addf %scan3A_857, %select_n3A_1031 : vector<16xf32>
      %jit3A_1033 = arith.constant 1.000000e+00 : f32
      %jit3A_1034 = arith.constant 0.000000e+00 : f32
      %broadcast_in_dim3A_1035 = vector.broadcast %jit3A_1033 : f32 to vector<16xf32>
      %broadcast_in_dim3A_1036 = vector.broadcast %jit3A_1034 : f32 to vector<16xf32>
      %select_n3A_1037 = arith.select %eq3A_1028, %broadcast_in_dim3A_1035, %broadcast_in_dim3A_1036 : vector<16xi1>, vector<16xf32>
      %add3A_1038 = arith.addf %scan3A_865, %select_n3A_1037 : vector<16xf32>
      scf.yield %add3A_941, %add3A_954, %add3A_967, %add3A_980, %add3A_993, %add3A_1006, %add3A_1019, %add3A_1032, %add3A_947, %add3A_960, %add3A_973, %add3A_986, %add3A_999, %add3A_1012, %add3A_1025, %add3A_1038 : vector<16xf32>, vector<16xf32>, vector<16xf32>, vector<16xf32>, vector<16xf32>, vector<16xf32>, vector<16xf32>, vector<16xf32>, vector<16xf32>, vector<16xf32>, vector<16xf32>, vector<16xf32>, vector<16xf32>, vector<16xf32>, vector<16xf32>, vector<16xf32>
    }
    %scan3A_250 = arith.constant 32 : i32
    %broadcast_in_dim3A_251 = arith.constant 0.000000e+00 : f32
    %broadcast_in_dim3A_252 = vector.broadcast %broadcast_in_dim3A_251 : f32 to vector<16xf32>
    %eq3A = arith.constant 0 : i32
    %eq3A_253 = vector.broadcast %eq3A : i32 to vector<16xi32>
    %eq3A_254 = arith.cmpi eq, %iota3A, %eq3A_253 : vector<16xi32>
    %reduce_sum3A = arith.constant true
    %reduce_sum3A_255 = vector.broadcast %reduce_sum3A : i1 to vector<16xi1>
    %reduce_sum3A_256 = tpu.scan <sum>, %scan3A_93#0 masked %reduce_sum3A_255 : vector<16xf32>, vector<16xi1> -> vector<16xf32>
    %reduce_sum3A_257 = vector.extract %reduce_sum3A_256[15] : f32 from vector<16xf32>
    %broadcast_in_dim3A_258 = vector.broadcast %reduce_sum3A_257 : f32 to vector<16xf32>
    %select_n3A = arith.select %eq3A_254, %broadcast_in_dim3A_258, %broadcast_in_dim3A_252 : vector<16xi1>, vector<16xf32>
    %eq3A_259 = arith.constant 8 : i32
    %eq3A_260 = vector.broadcast %eq3A_259 : i32 to vector<16xi32>
    %eq3A_261 = arith.cmpi eq, %iota3A, %eq3A_260 : vector<16xi32>
    %reduce_sum3A_262 = arith.constant true
    %reduce_sum3A_263 = vector.broadcast %reduce_sum3A_262 : i1 to vector<16xi1>
    %reduce_sum3A_264 = tpu.scan <sum>, %scan3A_145#0 masked %reduce_sum3A_263 : vector<16xf32>, vector<16xi1> -> vector<16xf32>
    %reduce_sum3A_265 = vector.extract %reduce_sum3A_264[15] : f32 from vector<16xf32>
    %broadcast_in_dim3A_266 = vector.broadcast %reduce_sum3A_265 : f32 to vector<16xf32>
    %select_n3A_267 = arith.select %eq3A_261, %broadcast_in_dim3A_266, %select_n3A : vector<16xi1>, vector<16xf32>
    %eq3A_268 = arith.constant 1 : i32
    %eq3A_269 = vector.broadcast %eq3A_268 : i32 to vector<16xi32>
    %eq3A_270 = arith.cmpi eq, %iota3A, %eq3A_269 : vector<16xi32>
    %reduce_sum3A_271 = arith.constant true
    %reduce_sum3A_272 = vector.broadcast %reduce_sum3A_271 : i1 to vector<16xi1>
    %reduce_sum3A_273 = tpu.scan <sum>, %scan3A_93#1 masked %reduce_sum3A_272 : vector<16xf32>, vector<16xi1> -> vector<16xf32>
    %reduce_sum3A_274 = vector.extract %reduce_sum3A_273[15] : f32 from vector<16xf32>
    %broadcast_in_dim3A_275 = vector.broadcast %reduce_sum3A_274 : f32 to vector<16xf32>
    %select_n3A_276 = arith.select %eq3A_270, %broadcast_in_dim3A_275, %select_n3A_267 : vector<16xi1>, vector<16xf32>
    %eq3A_277 = arith.constant 9 : i32
    %eq3A_278 = vector.broadcast %eq3A_277 : i32 to vector<16xi32>
    %eq3A_279 = arith.cmpi eq, %iota3A, %eq3A_278 : vector<16xi32>
    %reduce_sum3A_280 = arith.constant true
    %reduce_sum3A_281 = vector.broadcast %reduce_sum3A_280 : i1 to vector<16xi1>
    %reduce_sum3A_282 = tpu.scan <sum>, %scan3A_145#1 masked %reduce_sum3A_281 : vector<16xf32>, vector<16xi1> -> vector<16xf32>
    %reduce_sum3A_283 = vector.extract %reduce_sum3A_282[15] : f32 from vector<16xf32>
    %broadcast_in_dim3A_284 = vector.broadcast %reduce_sum3A_283 : f32 to vector<16xf32>
    %select_n3A_285 = arith.select %eq3A_279, %broadcast_in_dim3A_284, %select_n3A_276 : vector<16xi1>, vector<16xf32>
    %eq3A_286 = arith.constant 2 : i32
    %eq3A_287 = vector.broadcast %eq3A_286 : i32 to vector<16xi32>
    %eq3A_288 = arith.cmpi eq, %iota3A, %eq3A_287 : vector<16xi32>
    %reduce_sum3A_289 = arith.constant true
    %reduce_sum3A_290 = vector.broadcast %reduce_sum3A_289 : i1 to vector<16xi1>
    %reduce_sum3A_291 = tpu.scan <sum>, %scan3A_93#2 masked %reduce_sum3A_290 : vector<16xf32>, vector<16xi1> -> vector<16xf32>
    %reduce_sum3A_292 = vector.extract %reduce_sum3A_291[15] : f32 from vector<16xf32>
    %broadcast_in_dim3A_293 = vector.broadcast %reduce_sum3A_292 : f32 to vector<16xf32>
    %select_n3A_294 = arith.select %eq3A_288, %broadcast_in_dim3A_293, %select_n3A_285 : vector<16xi1>, vector<16xf32>
    %eq3A_295 = arith.constant 10 : i32
    %eq3A_296 = vector.broadcast %eq3A_295 : i32 to vector<16xi32>
    %eq3A_297 = arith.cmpi eq, %iota3A, %eq3A_296 : vector<16xi32>
    %reduce_sum3A_298 = arith.constant true
    %reduce_sum3A_299 = vector.broadcast %reduce_sum3A_298 : i1 to vector<16xi1>
    %reduce_sum3A_300 = tpu.scan <sum>, %scan3A_145#2 masked %reduce_sum3A_299 : vector<16xf32>, vector<16xi1> -> vector<16xf32>
    %reduce_sum3A_301 = vector.extract %reduce_sum3A_300[15] : f32 from vector<16xf32>
    %broadcast_in_dim3A_302 = vector.broadcast %reduce_sum3A_301 : f32 to vector<16xf32>
    %select_n3A_303 = arith.select %eq3A_297, %broadcast_in_dim3A_302, %select_n3A_294 : vector<16xi1>, vector<16xf32>
    %eq3A_304 = arith.constant 3 : i32
    %eq3A_305 = vector.broadcast %eq3A_304 : i32 to vector<16xi32>
    %eq3A_306 = arith.cmpi eq, %iota3A, %eq3A_305 : vector<16xi32>
    %reduce_sum3A_307 = arith.constant true
    %reduce_sum3A_308 = vector.broadcast %reduce_sum3A_307 : i1 to vector<16xi1>
    %reduce_sum3A_309 = tpu.scan <sum>, %scan3A_93#3 masked %reduce_sum3A_308 : vector<16xf32>, vector<16xi1> -> vector<16xf32>
    %reduce_sum3A_310 = vector.extract %reduce_sum3A_309[15] : f32 from vector<16xf32>
    %broadcast_in_dim3A_311 = vector.broadcast %reduce_sum3A_310 : f32 to vector<16xf32>
    %select_n3A_312 = arith.select %eq3A_306, %broadcast_in_dim3A_311, %select_n3A_303 : vector<16xi1>, vector<16xf32>
    %eq3A_313 = arith.constant 11 : i32
    %eq3A_314 = vector.broadcast %eq3A_313 : i32 to vector<16xi32>
    %eq3A_315 = arith.cmpi eq, %iota3A, %eq3A_314 : vector<16xi32>
    %reduce_sum3A_316 = arith.constant true
    %reduce_sum3A_317 = vector.broadcast %reduce_sum3A_316 : i1 to vector<16xi1>
    %reduce_sum3A_318 = tpu.scan <sum>, %scan3A_145#3 masked %reduce_sum3A_317 : vector<16xf32>, vector<16xi1> -> vector<16xf32>
    %reduce_sum3A_319 = vector.extract %reduce_sum3A_318[15] : f32 from vector<16xf32>
    %broadcast_in_dim3A_320 = vector.broadcast %reduce_sum3A_319 : f32 to vector<16xf32>
    %select_n3A_321 = arith.select %eq3A_315, %broadcast_in_dim3A_320, %select_n3A_312 : vector<16xi1>, vector<16xf32>
    %eq3A_322 = arith.constant 4 : i32
    %eq3A_323 = vector.broadcast %eq3A_322 : i32 to vector<16xi32>
    %eq3A_324 = arith.cmpi eq, %iota3A, %eq3A_323 : vector<16xi32>
    %reduce_sum3A_325 = arith.constant true
    %reduce_sum3A_326 = vector.broadcast %reduce_sum3A_325 : i1 to vector<16xi1>
    %reduce_sum3A_327 = tpu.scan <sum>, %scan3A_93#4 masked %reduce_sum3A_326 : vector<16xf32>, vector<16xi1> -> vector<16xf32>
    %reduce_sum3A_328 = vector.extract %reduce_sum3A_327[15] : f32 from vector<16xf32>
    %broadcast_in_dim3A_329 = vector.broadcast %reduce_sum3A_328 : f32 to vector<16xf32>
    %select_n3A_330 = arith.select %eq3A_324, %broadcast_in_dim3A_329, %select_n3A_321 : vector<16xi1>, vector<16xf32>
    %eq3A_331 = arith.constant 12 : i32
    %eq3A_332 = vector.broadcast %eq3A_331 : i32 to vector<16xi32>
    %eq3A_333 = arith.cmpi eq, %iota3A, %eq3A_332 : vector<16xi32>
    %reduce_sum3A_334 = arith.constant true
    %reduce_sum3A_335 = vector.broadcast %reduce_sum3A_334 : i1 to vector<16xi1>
    %reduce_sum3A_336 = tpu.scan <sum>, %scan3A_145#4 masked %reduce_sum3A_335 : vector<16xf32>, vector<16xi1> -> vector<16xf32>
    %reduce_sum3A_337 = vector.extract %reduce_sum3A_336[15] : f32 from vector<16xf32>
    %broadcast_in_dim3A_338 = vector.broadcast %reduce_sum3A_337 : f32 to vector<16xf32>
    %select_n3A_339 = arith.select %eq3A_333, %broadcast_in_dim3A_338, %select_n3A_330 : vector<16xi1>, vector<16xf32>
    %eq3A_340 = arith.constant 5 : i32
    %eq3A_341 = vector.broadcast %eq3A_340 : i32 to vector<16xi32>
    %eq3A_342 = arith.cmpi eq, %iota3A, %eq3A_341 : vector<16xi32>
    %reduce_sum3A_343 = arith.constant true
    %reduce_sum3A_344 = vector.broadcast %reduce_sum3A_343 : i1 to vector<16xi1>
    %reduce_sum3A_345 = tpu.scan <sum>, %scan3A_93#5 masked %reduce_sum3A_344 : vector<16xf32>, vector<16xi1> -> vector<16xf32>
    %reduce_sum3A_346 = vector.extract %reduce_sum3A_345[15] : f32 from vector<16xf32>
    %broadcast_in_dim3A_347 = vector.broadcast %reduce_sum3A_346 : f32 to vector<16xf32>
    %select_n3A_348 = arith.select %eq3A_342, %broadcast_in_dim3A_347, %select_n3A_339 : vector<16xi1>, vector<16xf32>
    %eq3A_349 = arith.constant 13 : i32
    %eq3A_350 = vector.broadcast %eq3A_349 : i32 to vector<16xi32>
    %eq3A_351 = arith.cmpi eq, %iota3A, %eq3A_350 : vector<16xi32>
    %reduce_sum3A_352 = arith.constant true
    %reduce_sum3A_353 = vector.broadcast %reduce_sum3A_352 : i1 to vector<16xi1>
    %reduce_sum3A_354 = tpu.scan <sum>, %scan3A_145#5 masked %reduce_sum3A_353 : vector<16xf32>, vector<16xi1> -> vector<16xf32>
    %reduce_sum3A_355 = vector.extract %reduce_sum3A_354[15] : f32 from vector<16xf32>
    %broadcast_in_dim3A_356 = vector.broadcast %reduce_sum3A_355 : f32 to vector<16xf32>
    %select_n3A_357 = arith.select %eq3A_351, %broadcast_in_dim3A_356, %select_n3A_348 : vector<16xi1>, vector<16xf32>
    %eq3A_358 = arith.constant 6 : i32
    %eq3A_359 = vector.broadcast %eq3A_358 : i32 to vector<16xi32>
    %eq3A_360 = arith.cmpi eq, %iota3A, %eq3A_359 : vector<16xi32>
    %reduce_sum3A_361 = arith.constant true
    %reduce_sum3A_362 = vector.broadcast %reduce_sum3A_361 : i1 to vector<16xi1>
    %reduce_sum3A_363 = tpu.scan <sum>, %scan3A_93#6 masked %reduce_sum3A_362 : vector<16xf32>, vector<16xi1> -> vector<16xf32>
    %reduce_sum3A_364 = vector.extract %reduce_sum3A_363[15] : f32 from vector<16xf32>
    %broadcast_in_dim3A_365 = vector.broadcast %reduce_sum3A_364 : f32 to vector<16xf32>
    %select_n3A_366 = arith.select %eq3A_360, %broadcast_in_dim3A_365, %select_n3A_357 : vector<16xi1>, vector<16xf32>
    %eq3A_367 = arith.constant 14 : i32
    %eq3A_368 = vector.broadcast %eq3A_367 : i32 to vector<16xi32>
    %eq3A_369 = arith.cmpi eq, %iota3A, %eq3A_368 : vector<16xi32>
    %reduce_sum3A_370 = arith.constant true
    %reduce_sum3A_371 = vector.broadcast %reduce_sum3A_370 : i1 to vector<16xi1>
    %reduce_sum3A_372 = tpu.scan <sum>, %scan3A_145#6 masked %reduce_sum3A_371 : vector<16xf32>, vector<16xi1> -> vector<16xf32>
    %reduce_sum3A_373 = vector.extract %reduce_sum3A_372[15] : f32 from vector<16xf32>
    %broadcast_in_dim3A_374 = vector.broadcast %reduce_sum3A_373 : f32 to vector<16xf32>
    %select_n3A_375 = arith.select %eq3A_369, %broadcast_in_dim3A_374, %select_n3A_366 : vector<16xi1>, vector<16xf32>
    %eq3A_376 = arith.constant 7 : i32
    %eq3A_377 = vector.broadcast %eq3A_376 : i32 to vector<16xi32>
    %eq3A_378 = arith.cmpi eq, %iota3A, %eq3A_377 : vector<16xi32>
    %reduce_sum3A_379 = arith.constant true
    %reduce_sum3A_380 = vector.broadcast %reduce_sum3A_379 : i1 to vector<16xi1>
    %reduce_sum3A_381 = tpu.scan <sum>, %scan3A_93#7 masked %reduce_sum3A_380 : vector<16xf32>, vector<16xi1> -> vector<16xf32>
    %reduce_sum3A_382 = vector.extract %reduce_sum3A_381[15] : f32 from vector<16xf32>
    %broadcast_in_dim3A_383 = vector.broadcast %reduce_sum3A_382 : f32 to vector<16xf32>
    %select_n3A_384 = arith.select %eq3A_378, %broadcast_in_dim3A_383, %select_n3A_375 : vector<16xi1>, vector<16xf32>
    %eq3A_385 = arith.constant 15 : i32
    %eq3A_386 = vector.broadcast %eq3A_385 : i32 to vector<16xi32>
    %eq3A_387 = arith.cmpi eq, %iota3A, %eq3A_386 : vector<16xi32>
    %reduce_sum3A_388 = arith.constant true
    %reduce_sum3A_389 = vector.broadcast %reduce_sum3A_388 : i1 to vector<16xi1>
    %reduce_sum3A_390 = tpu.scan <sum>, %scan3A_145#7 masked %reduce_sum3A_389 : vector<16xf32>, vector<16xi1> -> vector<16xf32>
    %reduce_sum3A_391 = vector.extract %reduce_sum3A_390[15] : f32 from vector<16xf32>
    %broadcast_in_dim3A_392 = vector.broadcast %reduce_sum3A_391 : f32 to vector<16xf32>
    %select_n3A_393 = arith.select %eq3A_387, %broadcast_in_dim3A_392, %select_n3A_384 : vector<16xi1>, vector<16xf32>
    %swap3A = arith.constant 0 : index
    %swap3A_394 = tpu.vector_load %arg29[%swap3A] {strides = array<i32>} : memref<128xf32, #tpu.memory_space<vmem>>, vector<16xf32>,
    tpu.vector_store %arg29[%swap3A], %select_n3A_393 {strides = array<i32>} : memref<128xf32, #tpu.memory_space<vmem>>, vector<16xf32>,
    %broadcast_in_dim3A_395 = arith.constant 0.000000e+00 : f32
    %broadcast_in_dim3A_396 = vector.broadcast %broadcast_in_dim3A_395 : f32 to vector<16xf32>
    %eq3A_397 = arith.constant 0 : i32
    %eq3A_398 = vector.broadcast %eq3A_397 : i32 to vector<16xi32>
    %eq3A_399 = arith.cmpi eq, %iota3A, %eq3A_398 : vector<16xi32>
    %reduce_sum3A_400 = arith.constant true
    %reduce_sum3A_401 = vector.broadcast %reduce_sum3A_400 : i1 to vector<16xi1>
    %reduce_sum3A_402 = tpu.scan <sum>, %scan3A_201#0 masked %reduce_sum3A_401 : vector<16xf32>, vector<16xi1> -> vector<16xf32>
    %reduce_sum3A_403 = vector.extract %reduce_sum3A_402[15] : f32 from vector<16xf32>
    %broadcast_in_dim3A_404 = vector.broadcast %reduce_sum3A_403 : f32 to vector<16xf32>
    %select_n3A_405 = arith.select %eq3A_399, %broadcast_in_dim3A_404, %broadcast_in_dim3A_396 : vector<16xi1>, vector<16xf32>
    %eq3A_406 = arith.constant 8 : i32
    %eq3A_407 = vector.broadcast %eq3A_406 : i32 to vector<16xi32>
    %eq3A_408 = arith.cmpi eq, %iota3A, %eq3A_407 : vector<16xi32>
    %reduce_sum3A_409 = arith.constant true
    %reduce_sum3A_410 = vector.broadcast %reduce_sum3A_409 : i1 to vector<16xi1>
    %reduce_sum3A_411 = tpu.scan <sum>, %scan3A_249#0 masked %reduce_sum3A_410 : vector<16xf32>, vector<16xi1> -> vector<16xf32>
    %reduce_sum3A_412 = vector.extract %reduce_sum3A_411[15] : f32 from vector<16xf32>
    %broadcast_in_dim3A_413 = vector.broadcast %reduce_sum3A_412 : f32 to vector<16xf32>
    %select_n3A_414 = arith.select %eq3A_408, %broadcast_in_dim3A_413, %select_n3A_405 : vector<16xi1>, vector<16xf32>
    %eq3A_415 = arith.constant 1 : i32
    %eq3A_416 = vector.broadcast %eq3A_415 : i32 to vector<16xi32>
    %eq3A_417 = arith.cmpi eq, %iota3A, %eq3A_416 : vector<16xi32>
    %reduce_sum3A_418 = arith.constant true
    %reduce_sum3A_419 = vector.broadcast %reduce_sum3A_418 : i1 to vector<16xi1>
    %reduce_sum3A_420 = tpu.scan <sum>, %scan3A_201#1 masked %reduce_sum3A_419 : vector<16xf32>, vector<16xi1> -> vector<16xf32>
    %reduce_sum3A_421 = vector.extract %reduce_sum3A_420[15] : f32 from vector<16xf32>
    %broadcast_in_dim3A_422 = vector.broadcast %reduce_sum3A_421 : f32 to vector<16xf32>
    %select_n3A_423 = arith.select %eq3A_417, %broadcast_in_dim3A_422, %select_n3A_414 : vector<16xi1>, vector<16xf32>
    %eq3A_424 = arith.constant 9 : i32
    %eq3A_425 = vector.broadcast %eq3A_424 : i32 to vector<16xi32>
    %eq3A_426 = arith.cmpi eq, %iota3A, %eq3A_425 : vector<16xi32>
    %reduce_sum3A_427 = arith.constant true
    %reduce_sum3A_428 = vector.broadcast %reduce_sum3A_427 : i1 to vector<16xi1>
    %reduce_sum3A_429 = tpu.scan <sum>, %scan3A_249#1 masked %reduce_sum3A_428 : vector<16xf32>, vector<16xi1> -> vector<16xf32>
    %reduce_sum3A_430 = vector.extract %reduce_sum3A_429[15] : f32 from vector<16xf32>
    %broadcast_in_dim3A_431 = vector.broadcast %reduce_sum3A_430 : f32 to vector<16xf32>
    %select_n3A_432 = arith.select %eq3A_426, %broadcast_in_dim3A_431, %select_n3A_423 : vector<16xi1>, vector<16xf32>
    %eq3A_433 = arith.constant 2 : i32
    %eq3A_434 = vector.broadcast %eq3A_433 : i32 to vector<16xi32>
    %eq3A_435 = arith.cmpi eq, %iota3A, %eq3A_434 : vector<16xi32>
    %reduce_sum3A_436 = arith.constant true
    %reduce_sum3A_437 = vector.broadcast %reduce_sum3A_436 : i1 to vector<16xi1>
    %reduce_sum3A_438 = tpu.scan <sum>, %scan3A_201#2 masked %reduce_sum3A_437 : vector<16xf32>, vector<16xi1> -> vector<16xf32>
    %reduce_sum3A_439 = vector.extract %reduce_sum3A_438[15] : f32 from vector<16xf32>
    %broadcast_in_dim3A_440 = vector.broadcast %reduce_sum3A_439 : f32 to vector<16xf32>
    %select_n3A_441 = arith.select %eq3A_435, %broadcast_in_dim3A_440, %select_n3A_432 : vector<16xi1>, vector<16xf32>
    %eq3A_442 = arith.constant 10 : i32
    %eq3A_443 = vector.broadcast %eq3A_442 : i32 to vector<16xi32>
    %eq3A_444 = arith.cmpi eq, %iota3A, %eq3A_443 : vector<16xi32>
    %reduce_sum3A_445 = arith.constant true
    %reduce_sum3A_446 = vector.broadcast %reduce_sum3A_445 : i1 to vector<16xi1>
    %reduce_sum3A_447 = tpu.scan <sum>, %scan3A_249#2 masked %reduce_sum3A_446 : vector<16xf32>, vector<16xi1> -> vector<16xf32>
    %reduce_sum3A_448 = vector.extract %reduce_sum3A_447[15] : f32 from vector<16xf32>
    %broadcast_in_dim3A_449 = vector.broadcast %reduce_sum3A_448 : f32 to vector<16xf32>
    %select_n3A_450 = arith.select %eq3A_444, %broadcast_in_dim3A_449, %select_n3A_441 : vector<16xi1>, vector<16xf32>
    %eq3A_451 = arith.constant 3 : i32
    %eq3A_452 = vector.broadcast %eq3A_451 : i32 to vector<16xi32>
    %eq3A_453 = arith.cmpi eq, %iota3A, %eq3A_452 : vector<16xi32>
    %reduce_sum3A_454 = arith.constant true
    %reduce_sum3A_455 = vector.broadcast %reduce_sum3A_454 : i1 to vector<16xi1>
    %reduce_sum3A_456 = tpu.scan <sum>, %scan3A_201#3 masked %reduce_sum3A_455 : vector<16xf32>, vector<16xi1> -> vector<16xf32>
    %reduce_sum3A_457 = vector.extract %reduce_sum3A_456[15] : f32 from vector<16xf32>
    %broadcast_in_dim3A_458 = vector.broadcast %reduce_sum3A_457 : f32 to vector<16xf32>
    %select_n3A_459 = arith.select %eq3A_453, %broadcast_in_dim3A_458, %select_n3A_450 : vector<16xi1>, vector<16xf32>
    %eq3A_460 = arith.constant 11 : i32
    %eq3A_461 = vector.broadcast %eq3A_460 : i32 to vector<16xi32>
    %eq3A_462 = arith.cmpi eq, %iota3A, %eq3A_461 : vector<16xi32>
    %reduce_sum3A_463 = arith.constant true
    %reduce_sum3A_464 = vector.broadcast %reduce_sum3A_463 : i1 to vector<16xi1>
    %reduce_sum3A_465 = tpu.scan <sum>, %scan3A_249#3 masked %reduce_sum3A_464 : vector<16xf32>, vector<16xi1> -> vector<16xf32>
    %reduce_sum3A_466 = vector.extract %reduce_sum3A_465[15] : f32 from vector<16xf32>
    %broadcast_in_dim3A_467 = vector.broadcast %reduce_sum3A_466 : f32 to vector<16xf32>
    %select_n3A_468 = arith.select %eq3A_462, %broadcast_in_dim3A_467, %select_n3A_459 : vector<16xi1>, vector<16xf32>
    %eq3A_469 = arith.constant 4 : i32
    %eq3A_470 = vector.broadcast %eq3A_469 : i32 to vector<16xi32>
    %eq3A_471 = arith.cmpi eq, %iota3A, %eq3A_470 : vector<16xi32>
    %reduce_sum3A_472 = arith.constant true
    %reduce_sum3A_473 = vector.broadcast %reduce_sum3A_472 : i1 to vector<16xi1>
    %reduce_sum3A_474 = tpu.scan <sum>, %scan3A_201#4 masked %reduce_sum3A_473 : vector<16xf32>, vector<16xi1> -> vector<16xf32>
    %reduce_sum3A_475 = vector.extract %reduce_sum3A_474[15] : f32 from vector<16xf32>
    %broadcast_in_dim3A_476 = vector.broadcast %reduce_sum3A_475 : f32 to vector<16xf32>
    %select_n3A_477 = arith.select %eq3A_471, %broadcast_in_dim3A_476, %select_n3A_468 : vector<16xi1>, vector<16xf32>
    %eq3A_478 = arith.constant 12 : i32
    %eq3A_479 = vector.broadcast %eq3A_478 : i32 to vector<16xi32>
    %eq3A_480 = arith.cmpi eq, %iota3A, %eq3A_479 : vector<16xi32>
    %reduce_sum3A_481 = arith.constant true
    %reduce_sum3A_482 = vector.broadcast %reduce_sum3A_481 : i1 to vector<16xi1>
    %reduce_sum3A_483 = tpu.scan <sum>, %scan3A_249#4 masked %reduce_sum3A_482 : vector<16xf32>, vector<16xi1> -> vector<16xf32>
    %reduce_sum3A_484 = vector.extract %reduce_sum3A_483[15] : f32 from vector<16xf32>
    %broadcast_in_dim3A_485 = vector.broadcast %reduce_sum3A_484 : f32 to vector<16xf32>
    %select_n3A_486 = arith.select %eq3A_480, %broadcast_in_dim3A_485, %select_n3A_477 : vector<16xi1>, vector<16xf32>
    %eq3A_487 = arith.constant 5 : i32
    %eq3A_488 = vector.broadcast %eq3A_487 : i32 to vector<16xi32>
    %eq3A_489 = arith.cmpi eq, %iota3A, %eq3A_488 : vector<16xi32>
    %reduce_sum3A_490 = arith.constant true
    %reduce_sum3A_491 = vector.broadcast %reduce_sum3A_490 : i1 to vector<16xi1>
    %reduce_sum3A_492 = tpu.scan <sum>, %scan3A_201#5 masked %reduce_sum3A_491 : vector<16xf32>, vector<16xi1> -> vector<16xf32>
    %reduce_sum3A_493 = vector.extract %reduce_sum3A_492[15] : f32 from vector<16xf32>
    %broadcast_in_dim3A_494 = vector.broadcast %reduce_sum3A_493 : f32 to vector<16xf32>
    %select_n3A_495 = arith.select %eq3A_489, %broadcast_in_dim3A_494, %select_n3A_486 : vector<16xi1>, vector<16xf32>
    %eq3A_496 = arith.constant 13 : i32
    %eq3A_497 = vector.broadcast %eq3A_496 : i32 to vector<16xi32>
    %eq3A_498 = arith.cmpi eq, %iota3A, %eq3A_497 : vector<16xi32>
    %reduce_sum3A_499 = arith.constant true
    %reduce_sum3A_500 = vector.broadcast %reduce_sum3A_499 : i1 to vector<16xi1>
    %reduce_sum3A_501 = tpu.scan <sum>, %scan3A_249#5 masked %reduce_sum3A_500 : vector<16xf32>, vector<16xi1> -> vector<16xf32>
    %reduce_sum3A_502 = vector.extract %reduce_sum3A_501[15] : f32 from vector<16xf32>
    %broadcast_in_dim3A_503 = vector.broadcast %reduce_sum3A_502 : f32 to vector<16xf32>
    %select_n3A_504 = arith.select %eq3A_498, %broadcast_in_dim3A_503, %select_n3A_495 : vector<16xi1>, vector<16xf32>
    %eq3A_505 = arith.constant 6 : i32
    %eq3A_506 = vector.broadcast %eq3A_505 : i32 to vector<16xi32>
    %eq3A_507 = arith.cmpi eq, %iota3A, %eq3A_506 : vector<16xi32>
    %reduce_sum3A_508 = arith.constant true
    %reduce_sum3A_509 = vector.broadcast %reduce_sum3A_508 : i1 to vector<16xi1>
    %reduce_sum3A_510 = tpu.scan <sum>, %scan3A_201#6 masked %reduce_sum3A_509 : vector<16xf32>, vector<16xi1> -> vector<16xf32>
    %reduce_sum3A_511 = vector.extract %reduce_sum3A_510[15] : f32 from vector<16xf32>
    %broadcast_in_dim3A_512 = vector.broadcast %reduce_sum3A_511 : f32 to vector<16xf32>
    %select_n3A_513 = arith.select %eq3A_507, %broadcast_in_dim3A_512, %select_n3A_504 : vector<16xi1>, vector<16xf32>
    %eq3A_514 = arith.constant 14 : i32
    %eq3A_515 = vector.broadcast %eq3A_514 : i32 to vector<16xi32>
    %eq3A_516 = arith.cmpi eq, %iota3A, %eq3A_515 : vector<16xi32>
    %reduce_sum3A_517 = arith.constant true
    %reduce_sum3A_518 = vector.broadcast %reduce_sum3A_517 : i1 to vector<16xi1>
    %reduce_sum3A_519 = tpu.scan <sum>, %scan3A_249#6 masked %reduce_sum3A_518 : vector<16xf32>, vector<16xi1> -> vector<16xf32>
    %reduce_sum3A_520 = vector.extract %reduce_sum3A_519[15] : f32 from vector<16xf32>
    %broadcast_in_dim3A_521 = vector.broadcast %reduce_sum3A_520 : f32 to vector<16xf32>
    %select_n3A_522 = arith.select %eq3A_516, %broadcast_in_dim3A_521, %select_n3A_513 : vector<16xi1>, vector<16xf32>
    %eq3A_523 = arith.constant 7 : i32
    %eq3A_524 = vector.broadcast %eq3A_523 : i32 to vector<16xi32>
    %eq3A_525 = arith.cmpi eq, %iota3A, %eq3A_524 : vector<16xi32>
    %reduce_sum3A_526 = arith.constant true
    %reduce_sum3A_527 = vector.broadcast %reduce_sum3A_526 : i1 to vector<16xi1>
    %reduce_sum3A_528 = tpu.scan <sum>, %scan3A_201#7 masked %reduce_sum3A_527 : vector<16xf32>, vector<16xi1> -> vector<16xf32>
    %reduce_sum3A_529 = vector.extract %reduce_sum3A_528[15] : f32 from vector<16xf32>
    %broadcast_in_dim3A_530 = vector.broadcast %reduce_sum3A_529 : f32 to vector<16xf32>
    %select_n3A_531 = arith.select %eq3A_525, %broadcast_in_dim3A_530, %select_n3A_522 : vector<16xi1>, vector<16xf32>
    %eq3A_532 = arith.constant 15 : i32
    %eq3A_533 = vector.broadcast %eq3A_532 : i32 to vector<16xi32>
    %eq3A_534 = arith.cmpi eq, %iota3A, %eq3A_533 : vector<16xi32>
    %reduce_sum3A_535 = arith.constant true
    %reduce_sum3A_536 = vector.broadcast %reduce_sum3A_535 : i1 to vector<16xi1>
    %reduce_sum3A_537 = tpu.scan <sum>, %scan3A_249#7 masked %reduce_sum3A_536 : vector<16xf32>, vector<16xi1> -> vector<16xf32>
    %reduce_sum3A_538 = vector.extract %reduce_sum3A_537[15] : f32 from vector<16xf32>
    %broadcast_in_dim3A_539 = vector.broadcast %reduce_sum3A_538 : f32 to vector<16xf32>
    %select_n3A_540 = arith.select %eq3A_534, %broadcast_in_dim3A_539, %select_n3A_531 : vector<16xi1>, vector<16xf32>
    %swap3A_541 = arith.constant 16 : index
    %swap3A_542 = tpu.vector_load %arg29[%swap3A_541] {strides = array<i32>} : memref<128xf32, #tpu.memory_space<vmem>>, vector<16xf32>,
    tpu.vector_store %arg29[%swap3A_541], %select_n3A_540 {strides = array<i32>} : memref<128xf32, #tpu.memory_space<vmem>>, vector<16xf32>,
    %broadcast_in_dim3A_543 = arith.constant 0.000000e+00 : f32
    %broadcast_in_dim3A_544 = vector.broadcast %broadcast_in_dim3A_543 : f32 to vector<16xf32>
    %eq3A_545 = arith.constant 0 : i32
    %eq3A_546 = vector.broadcast %eq3A_545 : i32 to vector<16xi32>
    %eq3A_547 = arith.cmpi eq, %iota3A, %eq3A_546 : vector<16xi32>
    %reduce_sum3A_548 = arith.constant true
    %reduce_sum3A_549 = vector.broadcast %reduce_sum3A_548 : i1 to vector<16xi1>
    %reduce_sum3A_550 = tpu.scan <sum>, %scan3A_93#8 masked %reduce_sum3A_549 : vector<16xf32>, vector<16xi1> -> vector<16xf32>
    %reduce_sum3A_551 = vector.extract %reduce_sum3A_550[15] : f32 from vector<16xf32>
    %broadcast_in_dim3A_552 = vector.broadcast %reduce_sum3A_551 : f32 to vector<16xf32>
    %select_n3A_553 = arith.select %eq3A_547, %broadcast_in_dim3A_552, %broadcast_in_dim3A_544 : vector<16xi1>, vector<16xf32>
    %eq3A_554 = arith.constant 8 : i32
    %eq3A_555 = vector.broadcast %eq3A_554 : i32 to vector<16xi32>
    %eq3A_556 = arith.cmpi eq, %iota3A, %eq3A_555 : vector<16xi32>
    %reduce_sum3A_557 = arith.constant true
    %reduce_sum3A_558 = vector.broadcast %reduce_sum3A_557 : i1 to vector<16xi1>
    %reduce_sum3A_559 = tpu.scan <sum>, %scan3A_145#8 masked %reduce_sum3A_558 : vector<16xf32>, vector<16xi1> -> vector<16xf32>
    %reduce_sum3A_560 = vector.extract %reduce_sum3A_559[15] : f32 from vector<16xf32>
    %broadcast_in_dim3A_561 = vector.broadcast %reduce_sum3A_560 : f32 to vector<16xf32>
    %select_n3A_562 = arith.select %eq3A_556, %broadcast_in_dim3A_561, %select_n3A_553 : vector<16xi1>, vector<16xf32>
    %eq3A_563 = arith.constant 1 : i32
    %eq3A_564 = vector.broadcast %eq3A_563 : i32 to vector<16xi32>
    %eq3A_565 = arith.cmpi eq, %iota3A, %eq3A_564 : vector<16xi32>
    %reduce_sum3A_566 = arith.constant true
    %reduce_sum3A_567 = vector.broadcast %reduce_sum3A_566 : i1 to vector<16xi1>
    %reduce_sum3A_568 = tpu.scan <sum>, %scan3A_93#9 masked %reduce_sum3A_567 : vector<16xf32>, vector<16xi1> -> vector<16xf32>
    %reduce_sum3A_569 = vector.extract %reduce_sum3A_568[15] : f32 from vector<16xf32>
    %broadcast_in_dim3A_570 = vector.broadcast %reduce_sum3A_569 : f32 to vector<16xf32>
    %select_n3A_571 = arith.select %eq3A_565, %broadcast_in_dim3A_570, %select_n3A_562 : vector<16xi1>, vector<16xf32>
    %eq3A_572 = arith.constant 9 : i32
    %eq3A_573 = vector.broadcast %eq3A_572 : i32 to vector<16xi32>
    %eq3A_574 = arith.cmpi eq, %iota3A, %eq3A_573 : vector<16xi32>
    %reduce_sum3A_575 = arith.constant true
    %reduce_sum3A_576 = vector.broadcast %reduce_sum3A_575 : i1 to vector<16xi1>
    %reduce_sum3A_577 = tpu.scan <sum>, %scan3A_145#9 masked %reduce_sum3A_576 : vector<16xf32>, vector<16xi1> -> vector<16xf32>
    %reduce_sum3A_578 = vector.extract %reduce_sum3A_577[15] : f32 from vector<16xf32>
    %broadcast_in_dim3A_579 = vector.broadcast %reduce_sum3A_578 : f32 to vector<16xf32>
    %select_n3A_580 = arith.select %eq3A_574, %broadcast_in_dim3A_579, %select_n3A_571 : vector<16xi1>, vector<16xf32>
    %eq3A_581 = arith.constant 2 : i32
    %eq3A_582 = vector.broadcast %eq3A_581 : i32 to vector<16xi32>
    %eq3A_583 = arith.cmpi eq, %iota3A, %eq3A_582 : vector<16xi32>
    %reduce_sum3A_584 = arith.constant true
    %reduce_sum3A_585 = vector.broadcast %reduce_sum3A_584 : i1 to vector<16xi1>
    %reduce_sum3A_586 = tpu.scan <sum>, %scan3A_93#10 masked %reduce_sum3A_585 : vector<16xf32>, vector<16xi1> -> vector<16xf32>
    %reduce_sum3A_587 = vector.extract %reduce_sum3A_586[15] : f32 from vector<16xf32>
    %broadcast_in_dim3A_588 = vector.broadcast %reduce_sum3A_587 : f32 to vector<16xf32>
    %select_n3A_589 = arith.select %eq3A_583, %broadcast_in_dim3A_588, %select_n3A_580 : vector<16xi1>, vector<16xf32>
    %eq3A_590 = arith.constant 10 : i32
    %eq3A_591 = vector.broadcast %eq3A_590 : i32 to vector<16xi32>
    %eq3A_592 = arith.cmpi eq, %iota3A, %eq3A_591 : vector<16xi32>
    %reduce_sum3A_593 = arith.constant true
    %reduce_sum3A_594 = vector.broadcast %reduce_sum3A_593 : i1 to vector<16xi1>
    %reduce_sum3A_595 = tpu.scan <sum>, %scan3A_145#10 masked %reduce_sum3A_594 : vector<16xf32>, vector<16xi1> -> vector<16xf32>
    %reduce_sum3A_596 = vector.extract %reduce_sum3A_595[15] : f32 from vector<16xf32>
    %broadcast_in_dim3A_597 = vector.broadcast %reduce_sum3A_596 : f32 to vector<16xf32>
    %select_n3A_598 = arith.select %eq3A_592, %broadcast_in_dim3A_597, %select_n3A_589 : vector<16xi1>, vector<16xf32>
    %eq3A_599 = arith.constant 3 : i32
    %eq3A_600 = vector.broadcast %eq3A_599 : i32 to vector<16xi32>
    %eq3A_601 = arith.cmpi eq, %iota3A, %eq3A_600 : vector<16xi32>
    %reduce_sum3A_602 = arith.constant true
    %reduce_sum3A_603 = vector.broadcast %reduce_sum3A_602 : i1 to vector<16xi1>
    %reduce_sum3A_604 = tpu.scan <sum>, %scan3A_93#11 masked %reduce_sum3A_603 : vector<16xf32>, vector<16xi1> -> vector<16xf32>
    %reduce_sum3A_605 = vector.extract %reduce_sum3A_604[15] : f32 from vector<16xf32>
    %broadcast_in_dim3A_606 = vector.broadcast %reduce_sum3A_605 : f32 to vector<16xf32>
    %select_n3A_607 = arith.select %eq3A_601, %broadcast_in_dim3A_606, %select_n3A_598 : vector<16xi1>, vector<16xf32>
    %eq3A_608 = arith.constant 11 : i32
    %eq3A_609 = vector.broadcast %eq3A_608 : i32 to vector<16xi32>
    %eq3A_610 = arith.cmpi eq, %iota3A, %eq3A_609 : vector<16xi32>
    %reduce_sum3A_611 = arith.constant true
    %reduce_sum3A_612 = vector.broadcast %reduce_sum3A_611 : i1 to vector<16xi1>
    %reduce_sum3A_613 = tpu.scan <sum>, %scan3A_145#11 masked %reduce_sum3A_612 : vector<16xf32>, vector<16xi1> -> vector<16xf32>
    %reduce_sum3A_614 = vector.extract %reduce_sum3A_613[15] : f32 from vector<16xf32>
    %broadcast_in_dim3A_615 = vector.broadcast %reduce_sum3A_614 : f32 to vector<16xf32>
    %select_n3A_616 = arith.select %eq3A_610, %broadcast_in_dim3A_615, %select_n3A_607 : vector<16xi1>, vector<16xf32>
    %eq3A_617 = arith.constant 4 : i32
    %eq3A_618 = vector.broadcast %eq3A_617 : i32 to vector<16xi32>
    %eq3A_619 = arith.cmpi eq, %iota3A, %eq3A_618 : vector<16xi32>
    %reduce_sum3A_620 = arith.constant true
    %reduce_sum3A_621 = vector.broadcast %reduce_sum3A_620 : i1 to vector<16xi1>
    %reduce_sum3A_622 = tpu.scan <sum>, %scan3A_93#12 masked %reduce_sum3A_621 : vector<16xf32>, vector<16xi1> -> vector<16xf32>
    %reduce_sum3A_623 = vector.extract %reduce_sum3A_622[15] : f32 from vector<16xf32>
    %broadcast_in_dim3A_624 = vector.broadcast %reduce_sum3A_623 : f32 to vector<16xf32>
    %select_n3A_625 = arith.select %eq3A_619, %broadcast_in_dim3A_624, %select_n3A_616 : vector<16xi1>, vector<16xf32>
    %eq3A_626 = arith.constant 12 : i32
    %eq3A_627 = vector.broadcast %eq3A_626 : i32 to vector<16xi32>
    %eq3A_628 = arith.cmpi eq, %iota3A, %eq3A_627 : vector<16xi32>
    %reduce_sum3A_629 = arith.constant true
    %reduce_sum3A_630 = vector.broadcast %reduce_sum3A_629 : i1 to vector<16xi1>
    %reduce_sum3A_631 = tpu.scan <sum>, %scan3A_145#12 masked %reduce_sum3A_630 : vector<16xf32>, vector<16xi1> -> vector<16xf32>
    %reduce_sum3A_632 = vector.extract %reduce_sum3A_631[15] : f32 from vector<16xf32>
    %broadcast_in_dim3A_633 = vector.broadcast %reduce_sum3A_632 : f32 to vector<16xf32>
    %select_n3A_634 = arith.select %eq3A_628, %broadcast_in_dim3A_633, %select_n3A_625 : vector<16xi1>, vector<16xf32>
    %eq3A_635 = arith.constant 5 : i32
    %eq3A_636 = vector.broadcast %eq3A_635 : i32 to vector<16xi32>
    %eq3A_637 = arith.cmpi eq, %iota3A, %eq3A_636 : vector<16xi32>
    %reduce_sum3A_638 = arith.constant true
    %reduce_sum3A_639 = vector.broadcast %reduce_sum3A_638 : i1 to vector<16xi1>
    %reduce_sum3A_640 = tpu.scan <sum>, %scan3A_93#13 masked %reduce_sum3A_639 : vector<16xf32>, vector<16xi1> -> vector<16xf32>
    %reduce_sum3A_641 = vector.extract %reduce_sum3A_640[15] : f32 from vector<16xf32>
    %broadcast_in_dim3A_642 = vector.broadcast %reduce_sum3A_641 : f32 to vector<16xf32>
    %select_n3A_643 = arith.select %eq3A_637, %broadcast_in_dim3A_642, %select_n3A_634 : vector<16xi1>, vector<16xf32>
    %eq3A_644 = arith.constant 13 : i32
    %eq3A_645 = vector.broadcast %eq3A_644 : i32 to vector<16xi32>
    %eq3A_646 = arith.cmpi eq, %iota3A, %eq3A_645 : vector<16xi32>
    %reduce_sum3A_647 = arith.constant true
    %reduce_sum3A_648 = vector.broadcast %reduce_sum3A_647 : i1 to vector<16xi1>
    %reduce_sum3A_649 = tpu.scan <sum>, %scan3A_145#13 masked %reduce_sum3A_648 : vector<16xf32>, vector<16xi1> -> vector<16xf32>
    %reduce_sum3A_650 = vector.extract %reduce_sum3A_649[15] : f32 from vector<16xf32>
    %broadcast_in_dim3A_651 = vector.broadcast %reduce_sum3A_650 : f32 to vector<16xf32>
    %select_n3A_652 = arith.select %eq3A_646, %broadcast_in_dim3A_651, %select_n3A_643 : vector<16xi1>, vector<16xf32>
    %eq3A_653 = arith.constant 6 : i32
    %eq3A_654 = vector.broadcast %eq3A_653 : i32 to vector<16xi32>
    %eq3A_655 = arith.cmpi eq, %iota3A, %eq3A_654 : vector<16xi32>
    %reduce_sum3A_656 = arith.constant true
    %reduce_sum3A_657 = vector.broadcast %reduce_sum3A_656 : i1 to vector<16xi1>
    %reduce_sum3A_658 = tpu.scan <sum>, %scan3A_93#14 masked %reduce_sum3A_657 : vector<16xf32>, vector<16xi1> -> vector<16xf32>
    %reduce_sum3A_659 = vector.extract %reduce_sum3A_658[15] : f32 from vector<16xf32>
    %broadcast_in_dim3A_660 = vector.broadcast %reduce_sum3A_659 : f32 to vector<16xf32>
    %select_n3A_661 = arith.select %eq3A_655, %broadcast_in_dim3A_660, %select_n3A_652 : vector<16xi1>, vector<16xf32>
    %eq3A_662 = arith.constant 14 : i32
    %eq3A_663 = vector.broadcast %eq3A_662 : i32 to vector<16xi32>
    %eq3A_664 = arith.cmpi eq, %iota3A, %eq3A_663 : vector<16xi32>
    %reduce_sum3A_665 = arith.constant true
    %reduce_sum3A_666 = vector.broadcast %reduce_sum3A_665 : i1 to vector<16xi1>
    %reduce_sum3A_667 = tpu.scan <sum>, %scan3A_145#14 masked %reduce_sum3A_666 : vector<16xf32>, vector<16xi1> -> vector<16xf32>
    %reduce_sum3A_668 = vector.extract %reduce_sum3A_667[15] : f32 from vector<16xf32>
    %broadcast_in_dim3A_669 = vector.broadcast %reduce_sum3A_668 : f32 to vector<16xf32>
    %select_n3A_670 = arith.select %eq3A_664, %broadcast_in_dim3A_669, %select_n3A_661 : vector<16xi1>, vector<16xf32>
    %eq3A_671 = arith.constant 7 : i32
    %eq3A_672 = vector.broadcast %eq3A_671 : i32 to vector<16xi32>
    %eq3A_673 = arith.cmpi eq, %iota3A, %eq3A_672 : vector<16xi32>
    %reduce_sum3A_674 = arith.constant true
    %reduce_sum3A_675 = vector.broadcast %reduce_sum3A_674 : i1 to vector<16xi1>
    %reduce_sum3A_676 = tpu.scan <sum>, %scan3A_93#15 masked %reduce_sum3A_675 : vector<16xf32>, vector<16xi1> -> vector<16xf32>
    %reduce_sum3A_677 = vector.extract %reduce_sum3A_676[15] : f32 from vector<16xf32>
    %broadcast_in_dim3A_678 = vector.broadcast %reduce_sum3A_677 : f32 to vector<16xf32>
    %select_n3A_679 = arith.select %eq3A_673, %broadcast_in_dim3A_678, %select_n3A_670 : vector<16xi1>, vector<16xf32>
    %eq3A_680 = arith.constant 15 : i32
    %eq3A_681 = vector.broadcast %eq3A_680 : i32 to vector<16xi32>
    %eq3A_682 = arith.cmpi eq, %iota3A, %eq3A_681 : vector<16xi32>
    %reduce_sum3A_683 = arith.constant true
    %reduce_sum3A_684 = vector.broadcast %reduce_sum3A_683 : i1 to vector<16xi1>
    %reduce_sum3A_685 = tpu.scan <sum>, %scan3A_145#15 masked %reduce_sum3A_684 : vector<16xf32>, vector<16xi1> -> vector<16xf32>
    %reduce_sum3A_686 = vector.extract %reduce_sum3A_685[15] : f32 from vector<16xf32>
    %broadcast_in_dim3A_687 = vector.broadcast %reduce_sum3A_686 : f32 to vector<16xf32>
    %select_n3A_688 = arith.select %eq3A_682, %broadcast_in_dim3A_687, %select_n3A_679 : vector<16xi1>, vector<16xf32>
    %swap3A_689 = arith.constant 32 : index
    %swap3A_690 = tpu.vector_load %arg29[%swap3A_689] {strides = array<i32>} : memref<128xf32, #tpu.memory_space<vmem>>, vector<16xf32>,
    tpu.vector_store %arg29[%swap3A_689], %select_n3A_688 {strides = array<i32>} : memref<128xf32, #tpu.memory_space<vmem>>, vector<16xf32>,
    %broadcast_in_dim3A_691 = arith.constant 0.000000e+00 : f32
    %broadcast_in_dim3A_692 = vector.broadcast %broadcast_in_dim3A_691 : f32 to vector<16xf32>
    %eq3A_693 = arith.constant 0 : i32
    %eq3A_694 = vector.broadcast %eq3A_693 : i32 to vector<16xi32>
    %eq3A_695 = arith.cmpi eq, %iota3A, %eq3A_694 : vector<16xi32>
    %reduce_sum3A_696 = arith.constant true
    %reduce_sum3A_697 = vector.broadcast %reduce_sum3A_696 : i1 to vector<16xi1>
    %reduce_sum3A_698 = tpu.scan <sum>, %scan3A_201#8 masked %reduce_sum3A_697 : vector<16xf32>, vector<16xi1> -> vector<16xf32>
    %reduce_sum3A_699 = vector.extract %reduce_sum3A_698[15] : f32 from vector<16xf32>
    %broadcast_in_dim3A_700 = vector.broadcast %reduce_sum3A_699 : f32 to vector<16xf32>
    %select_n3A_701 = arith.select %eq3A_695, %broadcast_in_dim3A_700, %broadcast_in_dim3A_692 : vector<16xi1>, vector<16xf32>
    %eq3A_702 = arith.constant 8 : i32
    %eq3A_703 = vector.broadcast %eq3A_702 : i32 to vector<16xi32>
    %eq3A_704 = arith.cmpi eq, %iota3A, %eq3A_703 : vector<16xi32>
    %reduce_sum3A_705 = arith.constant true
    %reduce_sum3A_706 = vector.broadcast %reduce_sum3A_705 : i1 to vector<16xi1>
    %reduce_sum3A_707 = tpu.scan <sum>, %scan3A_249#8 masked %reduce_sum3A_706 : vector<16xf32>, vector<16xi1> -> vector<16xf32>
    %reduce_sum3A_708 = vector.extract %reduce_sum3A_707[15] : f32 from vector<16xf32>
    %broadcast_in_dim3A_709 = vector.broadcast %reduce_sum3A_708 : f32 to vector<16xf32>
    %select_n3A_710 = arith.select %eq3A_704, %broadcast_in_dim3A_709, %select_n3A_701 : vector<16xi1>, vector<16xf32>
    %eq3A_711 = arith.constant 1 : i32
    %eq3A_712 = vector.broadcast %eq3A_711 : i32 to vector<16xi32>
    %eq3A_713 = arith.cmpi eq, %iota3A, %eq3A_712 : vector<16xi32>
    %reduce_sum3A_714 = arith.constant true
    %reduce_sum3A_715 = vector.broadcast %reduce_sum3A_714 : i1 to vector<16xi1>
    %reduce_sum3A_716 = tpu.scan <sum>, %scan3A_201#9 masked %reduce_sum3A_715 : vector<16xf32>, vector<16xi1> -> vector<16xf32>
    %reduce_sum3A_717 = vector.extract %reduce_sum3A_716[15] : f32 from vector<16xf32>
    %broadcast_in_dim3A_718 = vector.broadcast %reduce_sum3A_717 : f32 to vector<16xf32>
    %select_n3A_719 = arith.select %eq3A_713, %broadcast_in_dim3A_718, %select_n3A_710 : vector<16xi1>, vector<16xf32>
    %eq3A_720 = arith.constant 9 : i32
    %eq3A_721 = vector.broadcast %eq3A_720 : i32 to vector<16xi32>
    %eq3A_722 = arith.cmpi eq, %iota3A, %eq3A_721 : vector<16xi32>
    %reduce_sum3A_723 = arith.constant true
    %reduce_sum3A_724 = vector.broadcast %reduce_sum3A_723 : i1 to vector<16xi1>
    %reduce_sum3A_725 = tpu.scan <sum>, %scan3A_249#9 masked %reduce_sum3A_724 : vector<16xf32>, vector<16xi1> -> vector<16xf32>
    %reduce_sum3A_726 = vector.extract %reduce_sum3A_725[15] : f32 from vector<16xf32>
    %broadcast_in_dim3A_727 = vector.broadcast %reduce_sum3A_726 : f32 to vector<16xf32>
    %select_n3A_728 = arith.select %eq3A_722, %broadcast_in_dim3A_727, %select_n3A_719 : vector<16xi1>, vector<16xf32>
    %eq3A_729 = arith.constant 2 : i32
    %eq3A_730 = vector.broadcast %eq3A_729 : i32 to vector<16xi32>
    %eq3A_731 = arith.cmpi eq, %iota3A, %eq3A_730 : vector<16xi32>
    %reduce_sum3A_732 = arith.constant true
    %reduce_sum3A_733 = vector.broadcast %reduce_sum3A_732 : i1 to vector<16xi1>
    %reduce_sum3A_734 = tpu.scan <sum>, %scan3A_201#10 masked %reduce_sum3A_733 : vector<16xf32>, vector<16xi1> -> vector<16xf32>
    %reduce_sum3A_735 = vector.extract %reduce_sum3A_734[15] : f32 from vector<16xf32>
    %broadcast_in_dim3A_736 = vector.broadcast %reduce_sum3A_735 : f32 to vector<16xf32>
    %select_n3A_737 = arith.select %eq3A_731, %broadcast_in_dim3A_736, %select_n3A_728 : vector<16xi1>, vector<16xf32>
    %eq3A_738 = arith.constant 10 : i32
    %eq3A_739 = vector.broadcast %eq3A_738 : i32 to vector<16xi32>
    %eq3A_740 = arith.cmpi eq, %iota3A, %eq3A_739 : vector<16xi32>
    %reduce_sum3A_741 = arith.constant true
    %reduce_sum3A_742 = vector.broadcast %reduce_sum3A_741 : i1 to vector<16xi1>
    %reduce_sum3A_743 = tpu.scan <sum>, %scan3A_249#10 masked %reduce_sum3A_742 : vector<16xf32>, vector<16xi1> -> vector<16xf32>
    %reduce_sum3A_744 = vector.extract %reduce_sum3A_743[15] : f32 from vector<16xf32>
    %broadcast_in_dim3A_745 = vector.broadcast %reduce_sum3A_744 : f32 to vector<16xf32>
    %select_n3A_746 = arith.select %eq3A_740, %broadcast_in_dim3A_745, %select_n3A_737 : vector<16xi1>, vector<16xf32>
    %eq3A_747 = arith.constant 3 : i32
    %eq3A_748 = vector.broadcast %eq3A_747 : i32 to vector<16xi32>
    %eq3A_749 = arith.cmpi eq, %iota3A, %eq3A_748 : vector<16xi32>
    %reduce_sum3A_750 = arith.constant true
    %reduce_sum3A_751 = vector.broadcast %reduce_sum3A_750 : i1 to vector<16xi1>
    %reduce_sum3A_752 = tpu.scan <sum>, %scan3A_201#11 masked %reduce_sum3A_751 : vector<16xf32>, vector<16xi1> -> vector<16xf32>
    %reduce_sum3A_753 = vector.extract %reduce_sum3A_752[15] : f32 from vector<16xf32>
    %broadcast_in_dim3A_754 = vector.broadcast %reduce_sum3A_753 : f32 to vector<16xf32>
    %select_n3A_755 = arith.select %eq3A_749, %broadcast_in_dim3A_754, %select_n3A_746 : vector<16xi1>, vector<16xf32>
    %eq3A_756 = arith.constant 11 : i32
    %eq3A_757 = vector.broadcast %eq3A_756 : i32 to vector<16xi32>
    %eq3A_758 = arith.cmpi eq, %iota3A, %eq3A_757 : vector<16xi32>
    %reduce_sum3A_759 = arith.constant true
    %reduce_sum3A_760 = vector.broadcast %reduce_sum3A_759 : i1 to vector<16xi1>
    %reduce_sum3A_761 = tpu.scan <sum>, %scan3A_249#11 masked %reduce_sum3A_760 : vector<16xf32>, vector<16xi1> -> vector<16xf32>
    %reduce_sum3A_762 = vector.extract %reduce_sum3A_761[15] : f32 from vector<16xf32>
    %broadcast_in_dim3A_763 = vector.broadcast %reduce_sum3A_762 : f32 to vector<16xf32>
    %select_n3A_764 = arith.select %eq3A_758, %broadcast_in_dim3A_763, %select_n3A_755 : vector<16xi1>, vector<16xf32>
    %eq3A_765 = arith.constant 4 : i32
    %eq3A_766 = vector.broadcast %eq3A_765 : i32 to vector<16xi32>
    %eq3A_767 = arith.cmpi eq, %iota3A, %eq3A_766 : vector<16xi32>
    %reduce_sum3A_768 = arith.constant true
    %reduce_sum3A_769 = vector.broadcast %reduce_sum3A_768 : i1 to vector<16xi1>
    %reduce_sum3A_770 = tpu.scan <sum>, %scan3A_201#12 masked %reduce_sum3A_769 : vector<16xf32>, vector<16xi1> -> vector<16xf32>
    %reduce_sum3A_771 = vector.extract %reduce_sum3A_770[15] : f32 from vector<16xf32>
    %broadcast_in_dim3A_772 = vector.broadcast %reduce_sum3A_771 : f32 to vector<16xf32>
    %select_n3A_773 = arith.select %eq3A_767, %broadcast_in_dim3A_772, %select_n3A_764 : vector<16xi1>, vector<16xf32>
    %eq3A_774 = arith.constant 12 : i32
    %eq3A_775 = vector.broadcast %eq3A_774 : i32 to vector<16xi32>
    %eq3A_776 = arith.cmpi eq, %iota3A, %eq3A_775 : vector<16xi32>
    %reduce_sum3A_777 = arith.constant true
    %reduce_sum3A_778 = vector.broadcast %reduce_sum3A_777 : i1 to vector<16xi1>
    %reduce_sum3A_779 = tpu.scan <sum>, %scan3A_249#12 masked %reduce_sum3A_778 : vector<16xf32>, vector<16xi1> -> vector<16xf32>
    %reduce_sum3A_780 = vector.extract %reduce_sum3A_779[15] : f32 from vector<16xf32>
    %broadcast_in_dim3A_781 = vector.broadcast %reduce_sum3A_780 : f32 to vector<16xf32>
    %select_n3A_782 = arith.select %eq3A_776, %broadcast_in_dim3A_781, %select_n3A_773 : vector<16xi1>, vector<16xf32>
    %eq3A_783 = arith.constant 5 : i32
    %eq3A_784 = vector.broadcast %eq3A_783 : i32 to vector<16xi32>
    %eq3A_785 = arith.cmpi eq, %iota3A, %eq3A_784 : vector<16xi32>
    %reduce_sum3A_786 = arith.constant true
    %reduce_sum3A_787 = vector.broadcast %reduce_sum3A_786 : i1 to vector<16xi1>
    %reduce_sum3A_788 = tpu.scan <sum>, %scan3A_201#13 masked %reduce_sum3A_787 : vector<16xf32>, vector<16xi1> -> vector<16xf32>
    %reduce_sum3A_789 = vector.extract %reduce_sum3A_788[15] : f32 from vector<16xf32>
    %broadcast_in_dim3A_790 = vector.broadcast %reduce_sum3A_789 : f32 to vector<16xf32>
    %select_n3A_791 = arith.select %eq3A_785, %broadcast_in_dim3A_790, %select_n3A_782 : vector<16xi1>, vector<16xf32>
    %eq3A_792 = arith.constant 13 : i32
    %eq3A_793 = vector.broadcast %eq3A_792 : i32 to vector<16xi32>
    %eq3A_794 = arith.cmpi eq, %iota3A, %eq3A_793 : vector<16xi32>
    %reduce_sum3A_795 = arith.constant true
    %reduce_sum3A_796 = vector.broadcast %reduce_sum3A_795 : i1 to vector<16xi1>
    %reduce_sum3A_797 = tpu.scan <sum>, %scan3A_249#13 masked %reduce_sum3A_796 : vector<16xf32>, vector<16xi1> -> vector<16xf32>
    %reduce_sum3A_798 = vector.extract %reduce_sum3A_797[15] : f32 from vector<16xf32>
    %broadcast_in_dim3A_799 = vector.broadcast %reduce_sum3A_798 : f32 to vector<16xf32>
    %select_n3A_800 = arith.select %eq3A_794, %broadcast_in_dim3A_799, %select_n3A_791 : vector<16xi1>, vector<16xf32>
    %eq3A_801 = arith.constant 6 : i32
    %eq3A_802 = vector.broadcast %eq3A_801 : i32 to vector<16xi32>
    %eq3A_803 = arith.cmpi eq, %iota3A, %eq3A_802 : vector<16xi32>
    %reduce_sum3A_804 = arith.constant true
    %reduce_sum3A_805 = vector.broadcast %reduce_sum3A_804 : i1 to vector<16xi1>
    %reduce_sum3A_806 = tpu.scan <sum>, %scan3A_201#14 masked %reduce_sum3A_805 : vector<16xf32>, vector<16xi1> -> vector<16xf32>
    %reduce_sum3A_807 = vector.extract %reduce_sum3A_806[15] : f32 from vector<16xf32>
    %broadcast_in_dim3A_808 = vector.broadcast %reduce_sum3A_807 : f32 to vector<16xf32>
    %select_n3A_809 = arith.select %eq3A_803, %broadcast_in_dim3A_808, %select_n3A_800 : vector<16xi1>, vector<16xf32>
    %eq3A_810 = arith.constant 14 : i32
    %eq3A_811 = vector.broadcast %eq3A_810 : i32 to vector<16xi32>
    %eq3A_812 = arith.cmpi eq, %iota3A, %eq3A_811 : vector<16xi32>
    %reduce_sum3A_813 = arith.constant true
    %reduce_sum3A_814 = vector.broadcast %reduce_sum3A_813 : i1 to vector<16xi1>
    %reduce_sum3A_815 = tpu.scan <sum>, %scan3A_249#14 masked %reduce_sum3A_814 : vector<16xf32>, vector<16xi1> -> vector<16xf32>
    %reduce_sum3A_816 = vector.extract %reduce_sum3A_815[15] : f32 from vector<16xf32>
    %broadcast_in_dim3A_817 = vector.broadcast %reduce_sum3A_816 : f32 to vector<16xf32>
    %select_n3A_818 = arith.select %eq3A_812, %broadcast_in_dim3A_817, %select_n3A_809 : vector<16xi1>, vector<16xf32>
    %eq3A_819 = arith.constant 7 : i32
    %eq3A_820 = vector.broadcast %eq3A_819 : i32 to vector<16xi32>
    %eq3A_821 = arith.cmpi eq, %iota3A, %eq3A_820 : vector<16xi32>
    %reduce_sum3A_822 = arith.constant true
    %reduce_sum3A_823 = vector.broadcast %reduce_sum3A_822 : i1 to vector<16xi1>
    %reduce_sum3A_824 = tpu.scan <sum>, %scan3A_201#15 masked %reduce_sum3A_823 : vector<16xf32>, vector<16xi1> -> vector<16xf32>
    %reduce_sum3A_825 = vector.extract %reduce_sum3A_824[15] : f32 from vector<16xf32>
    %broadcast_in_dim3A_826 = vector.broadcast %reduce_sum3A_825 : f32 to vector<16xf32>
    %select_n3A_827 = arith.select %eq3A_821, %broadcast_in_dim3A_826, %select_n3A_818 : vector<16xi1>, vector<16xf32>
    %eq3A_828 = arith.constant 15 : i32
    %eq3A_829 = vector.broadcast %eq3A_828 : i32 to vector<16xi32>
    %eq3A_830 = arith.cmpi eq, %iota3A, %eq3A_829 : vector<16xi32>
    %reduce_sum3A_831 = arith.constant true
    %reduce_sum3A_832 = vector.broadcast %reduce_sum3A_831 : i1 to vector<16xi1>
    %reduce_sum3A_833 = tpu.scan <sum>, %scan3A_249#15 masked %reduce_sum3A_832 : vector<16xf32>, vector<16xi1> -> vector<16xf32>
    %reduce_sum3A_834 = vector.extract %reduce_sum3A_833[15] : f32 from vector<16xf32>
    %broadcast_in_dim3A_835 = vector.broadcast %reduce_sum3A_834 : f32 to vector<16xf32>
    %select_n3A_836 = arith.select %eq3A_830, %broadcast_in_dim3A_835, %select_n3A_827 : vector<16xi1>, vector<16xf32>
    %swap3A_837 = arith.constant 48 : index
    %swap3A_838 = tpu.vector_load %arg29[%swap3A_837] {strides = array<i32>} : memref<128xf32, #tpu.memory_space<vmem>>, vector<16xf32>,
    tpu.vector_store %arg29[%swap3A_837], %select_n3A_836 {strides = array<i32>} : memref<128xf32, #tpu.memory_space<vmem>>, vector<16xf32>,
    %broadcast_in_dim3A_839 = arith.constant 0.000000e+00 : f32
    %broadcast_in_dim3A_840 = vector.broadcast %broadcast_in_dim3A_839 : f32 to vector<16xf32>
    %swap3A_841 = arith.constant 64 : index
    %swap3A_842 = tpu.vector_load %arg29[%swap3A_841] {strides = array<i32>} : memref<128xf32, #tpu.memory_space<vmem>>, vector<16xf32>,
    tpu.vector_store %arg29[%swap3A_841], %broadcast_in_dim3A_840 {strides = array<i32>} : memref<128xf32, #tpu.memory_space<vmem>>, vector<16xf32>,
    %swap3A_843 = arith.constant 80 : index
    %swap3A_844 = tpu.vector_load %arg29[%swap3A_843] {strides = array<i32>} : memref<128xf32, #tpu.memory_space<vmem>>, vector<16xf32>,
    tpu.vector_store %arg29[%swap3A_843], %broadcast_in_dim3A_840 {strides = array<i32>} : memref<128xf32, #tpu.memory_space<vmem>>, vector<16xf32>,
    %swap3A_845 = arith.constant 96 : index
    %swap3A_846 = tpu.vector_load %arg29[%swap3A_845] {strides = array<i32>} : memref<128xf32, #tpu.memory_space<vmem>>, vector<16xf32>,
    tpu.vector_store %arg29[%swap3A_845], %broadcast_in_dim3A_840 {strides = array<i32>} : memref<128xf32, #tpu.memory_space<vmem>>, vector<16xf32>,
    %swap3A_847 = arith.constant 112 : index
    %swap3A_848 = tpu.vector_load %arg29[%swap3A_847] {strides = array<i32>} : memref<128xf32, #tpu.memory_space<vmem>>, vector<16xf32>,
    tpu.vector_store %arg29[%swap3A_847], %broadcast_in_dim3A_840 {strides = array<i32>} : memref<128xf32, #tpu.memory_space<vmem>>, vector<16xf32>,
    "tpu.region"() ({
      %run_scoped3A = tpu.sem_alloc : memref<!tpu.dma_semaphore, #tpu.memory_space<semaphore_mem>>
      %dma_start3A_849 = arith.constant 0 : i32
      %dma_start3A_850 = tpu.memref_slice %arg15[%add3A, %dma_start3A_849] : memref<32x128xf32, #tpu.memory_space<hbm>> -> memref<1x128xf32, #tpu.memory_space<hbm>>
      %dma_start3A_851 = tpu.memref_squeeze %dma_start3A_850 : memref<1x128xf32, #tpu.memory_space<hbm>> -> memref<128xf32, #tpu.memory_space<hbm>>
      %dma_start3A_852 = arith.constant 0 : i32
      %dma_start3A_853 = tpu.memref_slice %arg15[%add3A, %dma_start3A_852] : memref<32x128xf32, #tpu.memory_space<hbm>> -> memref<1x128xf32, #tpu.memory_space<hbm>>
      %dma_start3A_854 = tpu.memref_squeeze %dma_start3A_853 : memref<1x128xf32, #tpu.memory_space<hbm>> -> memref<128xf32, #tpu.memory_space<hbm>>
      tpu.enqueue_dma source(%arg29 : memref<128xf32, #tpu.memory_space<vmem>>) target(%dma_start3A_854 : memref<128xf32, #tpu.memory_space<hbm>>) target_semaphore(%run_scoped3A : memref<!tpu.dma_semaphore, #tpu.memory_space<semaphore_mem>>)
      %dma_wait3A_855 = arith.constant 0 : i32
      %dma_wait3A_856 = tpu.memref_slice %arg15[%add3A, %dma_wait3A_855] : memref<32x128xf32, #tpu.memory_space<hbm>> -> memref<1x128xf32, #tpu.memory_space<hbm>>
      %dma_wait3A_857 = tpu.memref_squeeze %dma_wait3A_856 : memref<1x128xf32, #tpu.memory_space<hbm>> -> memref<128xf32, #tpu.memory_space<hbm>>
      %dma_wait3A_858 = arith.constant 0 : i32
      %dma_wait3A_859 = tpu.memref_slice %arg15[%add3A, %dma_wait3A_858] : memref<32x128xf32, #tpu.memory_space<hbm>> -> memref<1x128xf32, #tpu.memory_space<hbm>>
      %dma_wait3A_860 = tpu.memref_squeeze %dma_wait3A_859 : memref<1x128xf32, #tpu.memory_space<hbm>> -> memref<128xf32, #tpu.memory_space<hbm>>
      tpu.wait_dma2 semaphore(%run_scoped3A : memref<!tpu.dma_semaphore, #tpu.memory_space<semaphore_mem>>) src(%arg29 : memref<128xf32, #tpu.memory_space<vmem>>) dst(%dma_wait3A_860 : memref<128xf32, #tpu.memory_space<hbm>>)
      tpu.yield
    }) : () -> ()
    return
  }
}

module attributes {stable_mosaic.version = 14 : i64} {
  func.func @_tc_combine(%arg0: memref<32x128xf32, #tpu.memory_space<vmem>>, %arg1: memref<1x1xf32, #tpu.memory_space<smem>>, %arg2: memref<1x1xf32, #tpu.memory_space<smem>>, %arg3: memref<1x1xf32, #tpu.memory_space<smem>>, %arg4: memref<1x1xf32, #tpu.memory_space<smem>>, %arg5: memref<1x1xf32, #tpu.memory_space<smem>>) attributes {dimension_semantics = [], scalar_prefetch = 0 : i64, scratch_operands = 0 : i64, tpu.core_type = #tpu.core_type<tc>} {
    %get3A = arith.constant 0 : index
    %get3A_0 = arith.constant 0 : index
    %get3A_1 = vector.load %arg0[%get3A, %get3A_0] : memref<32x128xf32, #tpu.memory_space<vmem>>, vector<32x128xf32>
    %reduce_sum3A = arith.constant dense<0.000000e+00> : vector<128xf32>
    %reduce_sum3A_2 = vector.multi_reduction <add>, %get3A_1, %reduce_sum3A [0] : vector<32x128xf32> to vector<128xf32>
    %broadcast_in_dim3A = vector.shape_cast %reduce_sum3A_2 : vector<128xf32> to vector<1x128xf32>
    %slice3A = vector.extract_strided_slice %broadcast_in_dim3A {offsets = [0, 0], sizes = [1, 32], strides = [1, 1]} : vector<1x128xf32> to vector<1x32xf32>
    %slice3A_3 = vector.extract_strided_slice %broadcast_in_dim3A {offsets = [0, 32], sizes = [1, 32], strides = [1, 1]} : vector<1x128xf32> to vector<1x32xf32>
    %max3A = arith.constant 1.000000e+00 : f32
    %max3A_4 = vector.broadcast %max3A : f32 to vector<1x32xf32>
    %max3A_5 = arith.maximumf %slice3A_3, %max3A_4 : vector<1x32xf32>
    %div3A = arith.divf %slice3A, %max3A_5 : vector<1x32xf32>
    %slice3A_6 = vector.extract_strided_slice %div3A {offsets = [0, 0], sizes = [1, 8], strides = [1, 1]} : vector<1x32xf32> to vector<1x8xf32>
    %reduce_sum3A_7 = vector.shape_cast %slice3A_6 : vector<1x8xf32> to vector<1x1x8xf32>
    %reduce_sum3A_8 = arith.constant dense<0.000000e+00> : vector<1xf32>
    %reduce_sum3A_9 = vector.multi_reduction <add>, %reduce_sum3A_7, %reduce_sum3A_8 [1, 2] : vector<1x1x8xf32> to vector<1xf32>
    %reduce_sum3A_10 = vector.shape_cast %reduce_sum3A_9 : vector<1xf32> to vector<1x1x1xf32>
    %reduce_sum3A_11 = vector.extract %reduce_sum3A_10[0, 0, 0] : f32 from vector<1x1x1xf32>
    %mul3A = arith.constant 1.250000e-01 : f32
    %mul3A_12 = arith.mulf %reduce_sum3A_11, %mul3A : f32
    %slice3A_13 = vector.extract_strided_slice %div3A {offsets = [0, 8], sizes = [1, 8], strides = [1, 1]} : vector<1x32xf32> to vector<1x8xf32>
    %reduce_sum3A_14 = vector.shape_cast %slice3A_13 : vector<1x8xf32> to vector<1x1x8xf32>
    %reduce_sum3A_15 = arith.constant dense<0.000000e+00> : vector<1xf32>
    %reduce_sum3A_16 = vector.multi_reduction <add>, %reduce_sum3A_14, %reduce_sum3A_15 [1, 2] : vector<1x1x8xf32> to vector<1xf32>
    %reduce_sum3A_17 = vector.shape_cast %reduce_sum3A_16 : vector<1xf32> to vector<1x1x1xf32>
    %reduce_sum3A_18 = vector.extract %reduce_sum3A_17[0, 0, 0] : f32 from vector<1x1x1xf32>
    %mul3A_19 = arith.constant 3.125000e-02 : f32
    %mul3A_20 = arith.mulf %reduce_sum3A_18, %mul3A_19 : f32
    %slice3A_21 = vector.extract_strided_slice %div3A {offsets = [0, 16], sizes = [1, 8], strides = [1, 1]} : vector<1x32xf32> to vector<1x8xf32>
    %reduce_sum3A_22 = vector.shape_cast %slice3A_21 : vector<1x8xf32> to vector<1x1x8xf32>
    %reduce_sum3A_23 = arith.constant dense<0.000000e+00> : vector<1xf32>
    %reduce_sum3A_24 = vector.multi_reduction <add>, %reduce_sum3A_22, %reduce_sum3A_23 [1, 2] : vector<1x1x8xf32> to vector<1xf32>
    %reduce_sum3A_25 = vector.shape_cast %reduce_sum3A_24 : vector<1xf32> to vector<1x1x1xf32>
    %reduce_sum3A_26 = vector.extract %reduce_sum3A_25[0, 0, 0] : f32 from vector<1x1x1xf32>
    %mul3A_27 = arith.constant 1.250000e-02 : f32
    %mul3A_28 = arith.mulf %reduce_sum3A_26, %mul3A_27 : f32
    %slice3A_29 = vector.extract_strided_slice %div3A {offsets = [0, 24], sizes = [1, 8], strides = [1, 1]} : vector<1x32xf32> to vector<1x8xf32>
    %reduce_sum3A_30 = vector.shape_cast %slice3A_29 : vector<1x8xf32> to vector<1x1x8xf32>
    %reduce_sum3A_31 = arith.constant dense<0.000000e+00> : vector<1xf32>
    %reduce_sum3A_32 = vector.multi_reduction <add>, %reduce_sum3A_30, %reduce_sum3A_31 [1, 2] : vector<1x1x8xf32> to vector<1xf32>
    %reduce_sum3A_33 = vector.shape_cast %reduce_sum3A_32 : vector<1xf32> to vector<1x1x1xf32>
    %reduce_sum3A_34 = vector.extract %reduce_sum3A_33[0, 0, 0] : f32 from vector<1x1x1xf32>
    %mul3A_35 = arith.constant 1.250000e-01 : f32
    %mul3A_36 = arith.mulf %reduce_sum3A_34, %mul3A_35 : f32
    %add3A = arith.addf %mul3A_12, %mul3A_36 : f32
    %add3A_37 = arith.addf %add3A, %mul3A_20 : f32
    %mul3A_38 = arith.constant 5.000000e-01 : f32
    %mul3A_39 = arith.mulf %mul3A_38, %mul3A_28 : f32
    %add3A_40 = arith.addf %add3A_37, %mul3A_39 : f32
    %swap3A = arith.constant 0 : index
    %swap3A_41 = arith.constant 0 : index
    %swap3A_42 = memref.load %arg1[%swap3A, %swap3A_41] : memref<1x1xf32, #tpu.memory_space<smem>>
    memref.store %add3A_40, %arg1[%swap3A, %swap3A_41] : memref<1x1xf32, #tpu.memory_space<smem>>
    %swap3A_43 = arith.constant 0 : index
    %swap3A_44 = arith.constant 0 : index
    %swap3A_45 = memref.load %arg2[%swap3A_43, %swap3A_44] : memref<1x1xf32, #tpu.memory_space<smem>>
    memref.store %mul3A_12, %arg2[%swap3A_43, %swap3A_44] : memref<1x1xf32, #tpu.memory_space<smem>>
    %swap3A_46 = arith.constant 0 : index
    %swap3A_47 = arith.constant 0 : index
    %swap3A_48 = memref.load %arg3[%swap3A_46, %swap3A_47] : memref<1x1xf32, #tpu.memory_space<smem>>
    memref.store %mul3A_20, %arg3[%swap3A_46, %swap3A_47] : memref<1x1xf32, #tpu.memory_space<smem>>
    %swap3A_49 = arith.constant 0 : index
    %swap3A_50 = arith.constant 0 : index
    %swap3A_51 = memref.load %arg4[%swap3A_49, %swap3A_50] : memref<1x1xf32, #tpu.memory_space<smem>>
    memref.store %mul3A_28, %arg4[%swap3A_49, %swap3A_50] : memref<1x1xf32, #tpu.memory_space<smem>>
    %swap3A_52 = arith.constant 0 : index
    %swap3A_53 = arith.constant 0 : index
    %swap3A_54 = memref.load %arg5[%swap3A_52, %swap3A_53] : memref<1x1xf32, #tpu.memory_space<smem>>
    memref.store %mul3A_36, %arg5[%swap3A_52, %swap3A_53] : memref<1x1xf32, #tpu.memory_space<smem>>
    return
  }
}

</mosaic_0001>

<sc_bundles>
// kernel: kernel.4.cloned.1.call-start
scs
__scs_entry_jumppad:
0x0: {  	(pc) =	sbr.rel $0x88, $3  }
0x1: {  	(tag) =	ssettag $0x0;
	lr =	simm.s32 $0x1  }
0x2: {  	[smem:$0x3F94] =	sst lr;
	_ =	strace $0xD0000000  }
0x3: {  	_ = 	snop  }
0x4: {  	_ = 	snop  }
0x5: {  	_ = 	snop  }
0x6: {  	_ = 	snop  }
0x7: {  	_ = 	snop  }
__scs_overlays_trampoline_lowered:
0x8: {  	[smem:$0x3FA3] =	sst s0  }
0x9: {  	[smem:$0x3FA4] =	sst s1  }
0xa: {  	[smem:$0x3FA5] =	sst s2  }
0xb: {  	[smem:$0x3FA6] =	sst s3  }
0xc: {  	[smem:$0x3FA7] =	sst s4  }
0xd: {  	[smem:$0x3FA8] =	sst s5  }
0xe: {  	[smem:$0x3FA9] =	sst s6  }
0xf: {  	[smem:$0x3FAA] =	sst s7  }
0x10: {  	[smem:$0x3FAB] =	sst s8  }
0x11: {  	[smem:$0x3FAC] =	sst s9;
	s0 =	simm.s32 @!p0 $0x0  }
0x12: {  	s1 =	sld [smem:$0x3F92];
	s0 =	simm.s32 @p0 $0x1  }
0x13: {  	[smem:$0x3FAD] =	sst s0;
	s0 =	simm.s32 @!p1 $0x0  }
0x14: {  	s2 =	sld [smem:$0x3F91];
	s0 =	simm.s32 @p1 $0x1  }
0x15: {  	[smem:$0x3FAE] =	sst s0;
	s0 =	simm.s32 @!p2 $0x0  }
0x16: {  	s3 =	sld [smem:$0x3FDB];
	s0 =	simm.s32 @p2 $0x1  }
0x17: {  	s4 =	simm.s32 $0x1BF5;
	[smem:$0x3FB0] =	sst s0  }
0x18: {  	s0 =	sld [smem:$0x3F93];
	_ =	swait.ge [sflag:s4], $0x0  }
0x19: {  	s7 =	sld [smem:$0x3F94]  }
0x1a: {  	s8 =	sadd.s32 $0xFFFFE003, lr  }
0x1b: {  	s9 =	sadd.s32 $0xFFFFFEF7, lr;
	s5 =	simm.s32 $0xFFFFFFFF;
	p2 =	slt.u32 s8, $0xFFFFF086  }
0x1c: {  	p1 =	slt.u32 s9, $0xF7A;
	s5 =	simm.s32 @!p2 $0x0  }
0x1d: {  	s5 =	simm.s32 @p1 $0x1;
	p0 =	seq.s32 s7, s2  }
0x1e: {  	s7 =	smul.u32 @!p0 $0xF7A, s2;
	p2 =	seq.s32 @!p0 s5, $0x0  }
0x1f: {  	s9 =	smul.u32 $0xF7A, s1;
	s8 =	simm.s32 @!p0 $0x1BF5;
	p2 =	por !p2, p0  }
0x20: {  	[sflag:s8] =	ssyncset.s32 @!p0 $0xFFFFF086;
	s6 =	sadd.s32 @!p0 s3, s7;
	s7 =	simm.s32 @!p0 $0x108  }
0x21: {  	s3 =	sadd.s32 s3, s9;
	s6 =	sadd.s32 @!p0 $0x88, s6;
	s7 =	simm.s32 @p2 $0x1082  }
0x22: {  	[simem:s7], [sflag:s8] =	dma.local @!p0 [hbm:s6], $0xF7A  }
0x23: {  	s9 =	sor.u32 $0xD0000000, s2;
	s6 =	simm.s32 $0x108;
	_ =	swait.ge @!p0 [sflag:s8], $0x0  }
0x24: {  	s3 =	sadd.s32 $0x88, s3;
	s6 =	simm.s32 @!p1 $0x1082;
	[sflag:s4] =	ssyncset.s32 $0xFFFFF086  }
0x25: {  	[simem:s6], [sflag:s4] =	dma.local [hbm:s3], $0xF7A  }
0x26: {  	[smem:$0x3F94] =	sst s1;
	(tag) =	ssettag s2;
	_ =	strace s9  }
0x27: {  	s1 =	sld [smem:$0x3FA4]  }
0x28: {  	s2 =	sld [smem:$0x3FA5]  }
0x29: {  	s4 =	sld [smem:$0x3FA7]  }
0x2a: {  	p0 =	seq.s32 s5, $0x0;
	s5 =	sld [smem:$0x3FA8]  }
0x2b: {  	s6 =	sld [smem:$0x3FA9]  }
0x2c: {  	s7 =	sld [smem:$0x3FAA]  }
0x2d: {  	s3 =	simm.s32 $0x108;
	s8 =	sld [smem:$0x3FAB]  }
0x2e: {  	s3 =	simm.s32 @!p0 $0x1082;
	s9 =	sld [smem:$0x3FAC]  }
0x2f: {  	lr =	sadd.s32 s0, s3;
	s0 =	sld [smem:$0x3FA3]  }
0x30: {  	s3 =	sld [smem:$0x3FA6]  }
0x31: {  	[smem:$0x3FAF] =	sst s10  }
0x32: {  	s10 =	sld [smem:$0x3FAD];
	_ =	sdelay $0x3  }
0x33: {  	p0 =	seq.s32 s10, $0x1;
	s10 =	sld [smem:$0x3FAF];
	_ =	sdelay $0x3  }
0x34: {  	[smem:$0x3FAF] =	sst s10  }
0x35: {  	s10 =	sld [smem:$0x3FAE];
	_ =	sdelay $0x3  }
0x36: {  	p1 =	seq.s32 s10, $0x1;
	s10 =	sld [smem:$0x3FAF];
	_ =	sdelay $0x3  }
0x37: {  	[smem:$0x3FAF] =	sst s10  }
0x38: {  	s10 =	sld [smem:$0x3FB0]  }
0x39: {  	_ = 	snop;
	(pc) =	sbr.ind lr, $3  }
0x3a: {  	_ = 	snop  }
0x3b: {  	_ = 	snop  }
0x3c: {  	p2 =	seq.s32 s10, $0x1;
	s10 =	sld [smem:$0x3FAF]  }
0x3d: {  	_ =	shalt  }
0x3e: {  	_ =	shalt  }
0x3f: {  	_ =	shalt  }
0x40: {  	_ =	shalt  }
0x41: {  	_ =	shalt  }
0x42: {  	_ =	shalt  }
0x43: {  	_ =	shalt  }
0x44: {  	_ =	shalt  }
0x45: {  	_ =	shalt  }
0x46: {  	_ =	shalt  }
0x47: {  	_ =	shalt  }
0x48: {  	_ =	shalt  }
0x49: {  	_ =	shalt  }
0x4a: {  	_ =	shalt  }
0x4b: {  	_ =	shalt  }
0x4c: {  	_ =	shalt  }
0x4d: {  	_ =	shalt  }
0x4e: {  	_ =	shalt  }
0x4f: {  	_ =	shalt  }
0x50: {  	_ =	shalt  }
0x51: {  	_ =	shalt  }
0x52: {  	_ =	shalt  }
0x53: {  	_ =	shalt  }
0x54: {  	_ =	shalt  }
0x55: {  	_ =	shalt  }
0x56: {  	_ =	shalt  }
0x57: {  	_ =	shalt  }
0x58: {  	_ =	shalt  }
0x59: {  	_ =	shalt  }
0x5a: {  	_ =	shalt  }
0x5b: {  	_ =	shalt  }
0x5c: {  	_ =	shalt  }
0x5d: {  	_ =	shalt  }
0x5e: {  	_ =	shalt  }
0x5f: {  	_ =	shalt  }
0x60: {  	_ =	shalt  }
0x61: {  	_ =	shalt  }
0x62: {  	_ =	shalt  }
0x63: {  	_ =	shalt  }
0x64: {  	_ =	shalt  }
0x65: {  	_ =	shalt  }
0x66: {  	_ =	shalt  }
0x67: {  	_ =	shalt  }
0x68: {  	_ =	shalt  }
0x69: {  	_ =	shalt  }
0x6a: {  	_ =	shalt  }
0x6b: {  	_ =	shalt  }
0x6c: {  	_ =	shalt  }
0x6d: {  	_ =	shalt  }
0x6e: {  	_ =	shalt  }
0x6f: {  	_ =	shalt  }
0x70: {  	_ =	shalt  }
0x71: {  	_ =	shalt  }
0x72: {  	_ =	shalt  }
0x73: {  	_ =	shalt  }
0x74: {  	_ =	shalt  }
0x75: {  	_ =	shalt  }
0x76: {  	_ =	shalt  }
0x77: {  	_ =	shalt  }
0x78: {  	_ =	shalt  }
0x79: {  	_ =	shalt  }
0x7a: {  	_ =	shalt  }
0x7b: {  	_ =	shalt  }
0x7c: {  	_ =	shalt  }
0x7d: {  	_ =	shalt  }
0x7e: {  	_ =	shalt  }
0x7f: {  	_ =	shalt  }
0x80: {  	_ =	shalt  }
0x81: {  	_ =	shalt  }
0x82: {  	_ =	shalt  }
0x83: {  	_ =	shalt  }
0x84: {  	_ =	shalt  }
0x85: {  	_ =	shalt  }
0x86: {  	_ =	shalt  }
0x87: {  	_ =	shalt  }
.Lfunc_end0:
.L_simem_size_0:
called_computation_lowered:
.L_overlay_start_0:
0x88: {  	s2 =	sld [smem:$0x3FD9]  }
0x89: {  	s3 =	sld [smem:$0x3FFE];
	_ =	sdelay $0x1  }
0x8a: {  	s1 =	srdreg.scid  }
0x8b: {  	s0 =	sand.u32 $0x1, s1  }
0x8c: {  	s25 =	sshll.u32 s0, $0xA;
	s2 =	sadd.s32 s3, s2  }
0x8d: {  	s2 =	sadd.s32 s2, s25  }
0x8e: {  	[smem:$0x3FBB] =	sst s2  }
0x8f: {  	_ = 	snop  }
0x90: {  	s5 =	sld [smem:$0x3FC9]  }
0x91: {  	s6 =	sld [smem:$0x3FC8]  }
0x92: {  	s4 =	sld [smem:$0x3FC7]  }
0x93: {  	s3 =	sld [smem:$0x3FC6]  }
0x94: {  	s2 =	sld [smem:$0x3FC5]  }
0x95: {  	s14 =	sld [smem:$0x3FC4]  }
0x96: {  	s12 =	sld [smem:$0x3FC3]  }
0x97: {  	s13 =	sld [smem:$0x3FC2]  }
0x98: {  	s11 =	sld [smem:$0x3FC1]  }
0x99: {  	s7 =	sld [smem:$0x3FC0]  }
0x9a: {  	s8 =	sld [smem:$0x3FBF]  }
0x9b: {  	s9 =	sld [smem:$0x3FBE]  }
0x9c: {  	s10 =	sld [smem:$0x3FBD];
	(tm) =	ssettm $0x1  }
0x9d: {  	s15 =	sld [smem:$0x3FFB];
	_ =	sdelay $0x3  }
0x9e: {  	_ =	strace s15  }
0x9f: {  	s15 =	sld [smem:$0x3FFC];
	_ =	sdelay $0x3  }
0xa0: {  	_ =	strace s15  }
0xa1: {  	s15 =	sld [smem:$0x3FFD];
	_ =	sdelay $0x3  }
0xa2: {  	_ =	strace s15  }
0xa3: {  	_ =	strace $0x8FFFFFFF  }
0xa4: {  	s26 =	sld [smem:$0x3FDB];
	_ =	sdelay $0x1  }
0xa5: {  	s16 =	simm.s32 $_scs_section_size  }
0xa6: {  	s17 =	simm.s32 $_size__tile_task_arg_handler_lowered;
	s18 =	simm.s32 $_tile_task_arg_handler_lowered  }
0xa7: {  	s30 =	simm.s32 $0x1BFF;
	s29 =	sshll.u32 s18, $0x1;
	s16 =	sadd.s32 s16, s26  }
0xa8: {  	s19 =	simm.s32 $0x60;
	s28 =	sshll.u32 s17, $0x1;
	s17 =	sadd.s32 s29, s16  }
0xa9: {  	[timem:s19], [sflag:s30] =	dma.local [hbm:s17], s28  }
0xaa: {  	_ =	swait.ge [sflag:s30], s28  }
0xab: {  	s31 =	simm.s32 $_tile_overlayer_lowered;
	s15 =	ssub.s32 $0x0, s28;
	[sflag:s30] =	ssyncset.done $0x0  }
0xac: {  	s19 =	simm.s32 $_size__tile_overlayer_lowered;
	s17 =	sshll.u32 s31, $0x1;
	[sflag:s30] =	ssyncadd.s32 s15  }
0xad: {  	s21 =	simm.s32 $0x0;
	s20 =	sshll.u32 s19, $0x1;
	s17 =	sadd.s32 s17, s16  }
0xae: {  	[timem:s21], [sflag:s30] =	dma.local [hbm:s17], s20  }
0xaf: {  	_ =	swait.ge [sflag:s30], s20  }
0xb0: {  	s22 =	ssub.s32 $0x0, s20;
	[sflag:s30] =	ssyncset.done $0x0  }
0xb1: {  	[sflag:s30] =	ssyncadd.s32 s22;
	_ =	sdelay $0x1  }
0xb2: {  	s23 =	simm.s32 $0x1B8B  }
0xb3: {  	_ =	swait.ge [sflag:s23], $0x1  }
0xb4: {  	[sflag:s23] =	ssyncset.done $0x0  }
0xb5: {  	s25 =	simm.s32 $0x1B8E;
	s24 =	sld [smem:$0x3FFE];
	[sflag:s23] =	ssyncadd.s32 $0xFFFFFFFF  }
0xb6: {  	s26 =	simm.s32 $execute0_lowered;
	[smem:$0x3FD2] =	sst s25  }
0xb7: {  	s18 =	sshll.u32 s26, $0x1;
	_ =	strace $0x80000046;
	[dreg:$0x1] =	wrdreg $0xFFFFFFFF  }
0xb8: {  	s16 =	sadd.s32 s16, s18;
	s28 =	simm.s32 $_size_execute0_lowered;
	[dreg:$0x0] =	wrdreg $0x0  }
0xb9: {  	s18 =	sshll.u32 s28, $0x1;
	[dreg:$0x2] =	wrdreg s16  }
0xba: {  	[dreg:$0x3] =	wrdreg s18  }
0xbb: {  	[dreg:$0x4] =	wrdreg $0xC0  }
0xbc: {  	_ =	task [dreg:s21], $0x5FFFF  }
0xbd: {  	[dreg:$0x1] =	wrdreg $0xFFFFFFFF  }
0xbe: {  	[dreg:$0x0] =	wrdreg $0x30  }
0xbf: {  	[dreg:$0x2] =	wrdreg $0x0  }
0xc0: {  	[dreg:$0x3] =	wrdreg $0x9  }
0xc1: {  	_ =	task [dreg:s21], $0x4FFFF  }
0xc2: {  	[dreg:$0x1] =	wrdreg $0xFFFFFFFF  }
0xc3: {  	[dreg:$0x0] =	wrdreg $0x60  }
0xc4: {  	[dreg:$0x2] =	wrdreg s5  }
0xc5: {  	[dreg:$0x3] =	wrdreg s6  }
0xc6: {  	[dreg:$0x4] =	wrdreg s14  }
0xc7: {  	[dreg:$0x5] =	wrdreg s4  }
0xc8: {  	[dreg:$0x6] =	wrdreg s12  }
0xc9: {  	[dreg:$0x7] =	wrdreg s13  }
0xca: {  	[dreg:$0x8] =	wrdreg s3  }
0xcb: {  	[dreg:$0x9] =	wrdreg s11  }
0xcc: {  	[dreg:$0xa] =	wrdreg s2  }
0xcd: {  	[dreg:$0xb] =	wrdreg s7  }
0xce: {  	[dreg:$0xc] =	wrdreg s8  }
0xcf: {  	[dreg:$0xd] =	wrdreg s9  }
0xd0: {  	[dreg:$0xe] =	wrdreg s10  }
0xd1: {  	[dreg:$0xf] =	wrdreg s24  }
0xd2: {  	_ =	task.clear_ibuf [dreg:s21], $0x10FFFF;
	_ =	strace $0x90000046  }
0xd3: {  	s29 =	simm.s32 $0x9;
	_ =	strace $0x80000048  }
0xd4: {  	_ =	swait.ge [sflag:s29], $0x1  }
0xd5: {  	[sflag:s29] =	ssyncadd.s32 $0xFFFFFFFF  }
0xd6: {  	_ =	strace $0x90000048  }
0xd7: {  	_ =	sfence  }
0xd8: {  	s30 =	sld [smem:$0x0];
	_ =	sdelay $0x2  }
0xd9: {  	s31 =	sshll.u32 s1, $0xD;
	s1 =	sshrl.u32 s1, $0x2  }
0xda: {  	s3 =	sand.u32 $0x4000, s31;
	s1 =	sadd.s32 s1, s30  }
0xdb: {  	s0 =	sor.u32 s3, s0;
	s1 =	sshll.u32 s1, $0x11  }
0xdc: {  	s0 =	sor.u32 s1, s0  }
0xdd: {  	s0 =	sadd.s32 $0x8F2B, s0  }
0xde: {  	[sflag:s0] =	ssyncadd.remote.s32 $0x1  }
0xdf: {  	_ =	sfence.sel $0xFFFF  }
0xe0: {  	[dreg:$0x0] =	wrdreg $0xFFFFFFFF;
	(pc) =	sbr.abs _section_cstart, $3  }
0xe1: {  	[dreg:$0x1] =	wrdreg $0xFFFFFFFF  }
0xe2: {  	_ =	task.clear_ibuf [dreg:s21], $0x2FFFF;
	_ =	strace $0x9FFFFFFF  }
0xe3: {  	(tm) =	ssettm $0x7FFFFFFF  }
tec
_tile_task_arg_handler_lowered:
.L_overlay_start_1:
0x0: {  	(tag) =	ssettag $0x1  }
0x1: {  	s0 =	rddreg [dreg:$0x0]  }
0x2: {  	s1 =	rddreg [dreg:$0x1]  }
0x3: {  	s2 =	rddreg [dreg:$0x2]  }
0x4: {  	s3 =	rddreg [dreg:$0x3]  }
0x5: {  	s4 =	rddreg [dreg:$0x4]  }
0x6: {  	s5 =	rddreg [dreg:$0x5]  }
0x7: {  	s6 =	rddreg [dreg:$0x6]  }
0x8: {  	s7 =	rddreg [dreg:$0x7]  }
0x9: {  	s8 =	rddreg [dreg:$0x8]  }
0xa: {  	s9 =	rddreg [dreg:$0x9]  }
0xb: {  	s10 =	rddreg [dreg:$0xa]  }
0xc: {  	s11 =	rddreg [dreg:$0xb]  }
0xd: {  	s12 =	rddreg [dreg:$0xc]  }
0xe: {  	s13 =	rddreg [dreg:$0xd]  }
0xf: {  	[smem:s0] =	sst s1  }
0x10: {  	[smem:s0+$0x1] =	sst s2  }
0x11: {  	[smem:s0+$0x2] =	sst s3  }
0x12: {  	[smem:s0+$0x3] =	sst s4  }
0x13: {  	[smem:s0+$0x4] =	sst s5  }
0x14: {  	[smem:s0+$0x5] =	sst s6  }
0x15: {  	[smem:s0+$0x6] =	sst s7  }
0x16: {  	[smem:s0+$0x7] =	sst s8  }
0x17: {  	[smem:s0+$0x8] =	sst s9  }
0x18: {  	[smem:s0+$0x9] =	sst s10  }
0x19: {  	[smem:s0+$0xA] =	sst s11  }
0x1a: {  	[smem:s0+$0xB] =	sst s12  }
0x1b: {  	[smem:s0+$0xC] =	sst s13;
	_ =	shalt  }
.Lfunc_end2:
execute0_lowered:
.L_overlay_start_2:
0x1c: {  	(tag) =	ssettag $0x2  }
0x1d: {  	s0 =	rddreg [dreg:$0x0]  }
0x1e: {  	s1 =	rddreg [dreg:$0x1]  }
0x1f: {  	s7 =	rddreg [dreg:$0x2]  }
0x20: {  	s9 =	rddreg [dreg:$0x3]  }
0x21: {  	s10 =	rddreg [dreg:$0x4]  }
0x22: {  	s11 =	rddreg [dreg:$0x5]  }
0x23: {  	s13 =	rddreg [dreg:$0x6]  }
0x24: {  	s14 =	rddreg [dreg:$0x7]  }
0x25: {  	s4 =	rddreg [dreg:$0x8]  }
0x26: {  	s5 =	rddreg [dreg:$0x9]  }
0x27: {  	s8 =	rddreg [dreg:$0xa]  }
0x28: {  	s12 =	rddreg [dreg:$0xb]  }
0x29: {  	s15 =	rddreg [dreg:$0xc]  }
0x2a: {  	s3 =	rddreg [dreg:$0xd]  }
0x2b: {  	s6 =	srdreg.scid;
	s16 =	stileid.u32  }
0x2c: {  	s2 =	simm.s32 $0x0;
	s21 =	simm.s32 $0x10000;
	s22 =	simm.s32 $0x2  }
0x2d: {  	s23 =	simm.s32 $0x0;
	s6 =	sand.u32 $0x1, s6;
	s16 =	sshll.u32 s16, $0x1  }
0x2e: {  	[smem:$0x7FF] =	sst s2;
	s16 =	sor.u32 s6, s16;
	s6 =	ssub.s32 $0x2, s6  }
0x2f: {  	s17 =	sld [smem:$0x0];
	s30 =	sshll.u32 s16, $0x4;
	s31 =	sshrl.u32 s6, $0x1  }
0x30: {  	s19 =	sshll.u32 s16, $0x9;
	s20 =	sshll.u32 s16, $0x6;
	s16 =	sshll.u32 s16, $0x8  }
0x31: {  	s18 =	ssub.s32 s6, s31;
	s4 =	sadd.s32 s4, s20;
	s5 =	sadd.s32 s5, s20  }
0x32: {  	s6 =	sadd.s32 s1, s16;
	s7 =	sadd.s32 s7, s16;
	s8 =	sadd.s32 s8, s20  }
0x33: {  	vm1 =	vcmask $0x2320;
	vm0 =	vcmask $0x300;
	s9 =	sadd.s32 s9, s16;
	s10 =	sadd.s32 s10, s16;
	s11 =	sadd.s32 s11, s19  }
0x34: {  	v0 =	vimm.s32 $0x0;
	vm0 =	vmor vm0, vm1;
	s12 =	sadd.s32 s12, s20;
	s13 =	sadd.s32 s13, s16;
	s14 =	sadd.s32 s14, s16  }
0x35: {  	vm14 =	vcmask $0x1B00;
	vm15 =	vcmask $0x3B20;
	v0 =	vsel vm0, $0xFFFFFFFF, v0;
	s15 =	sadd.s32 s15, s20;
	s20 =	simm.s32 $0x800;
	[dreg:$0xe] =	wrdreg s17  }
0x36: {  	vm0 =	vmor vm14, vm15;
	s1 =	simm.s32 $0x13A00;
	s17 =	sadd.s32 s30, s3;
	_ =	strace $0x80000047;
	[tilespmem:$0x1FFE0] =	vst v0;
	v0 =	vimm.s32 $0x0  }
0x37: {  	s3 =	sadd.s32 s0, s19;
	s19 =	simm.s32 $0x20000;
	s0 =	simm.s32 $0x1;
	v0 =	vsel vm0, $0xFFFFFFFF, v0  }
0x38: {  	v1 =	vlaneseq.u32;
	v2 =	vimm.s32 $0xFFFFFF81;
	v62 =	vimm.f32 $0.0e+00;
	s16 =	sadd.s32 $0x800, s17;
	s17 =	smax.u32 s18, $0x1;
	s18 =	simm.s32 $0x1000;
	[tilespmem:$0x1FFF0] =	vst v0  }
.LBB3_1:
0x39: {  	[tilespmem:s2], [sflag:$0x1] =	stream.strided.gather [hbm4b:s3+s18], $0x3000, s19, s18, $0x38;
	[tilespmem:$0x13A80] =	vst v63  }
0x3a: {  	s25 =	simm.s32 $0x13000  }
0x3b: {  	[tilespmem:s25], [sflag:$0x1] =	stream.linear.gather [hbm4b:s4+s2], $0x200, $0x38;
	[tilespmem:$0x13A80] =	vst v63  }
0x3c: {  	s24 =	simm.s32 $0x13200  }
0x3d: {  	[tilespmem:s24], [sflag:$0x1] =	stream.linear.gather [hbm4b:s5+s2], $0x200, $0x38;
	[tilespmem:$0x13A80] =	vst v63  }
0x3e: {  	s26 =	simm.s32 $0x3000  }
0x3f: {  	[tilespmem:s26], [sflag:$0x1] =	stream.strided.gather [hbm4b:s6+s20], $0x1800, s21, s20, $0x38;
	[tilespmem:$0x13A80] =	vst v63  }
0x40: {  	s30 =	simm.s32 $0x4800  }
0x41: {  	[tilespmem:s30], [sflag:$0x1] =	stream.strided.gather [hbm4b:s7+s20], $0x1800, s21, s20, $0x38;
	[tilespmem:$0x13A80] =	vst v63  }
0x42: {  	s31 =	simm.s32 $0x13400  }
0x43: {  	[tilespmem:s31], [sflag:$0x1] =	stream.linear.gather [hbm4b:s8+s2], $0x200, $0x38;
	[tilespmem:$0x13A80] =	vst v63  }
0x44: {  	s30 =	simm.s32 $0x6000  }
0x45: {  	[tilespmem:s30], [sflag:$0x1] =	stream.strided.gather [hbm4b:s9+s20], $0x5000, s21, s20, $0x38;
	[tilespmem:$0x13A80] =	vst v63  }
0x46: {  	s31 =	simm.s32 $0xB000  }
0x47: {  	[tilespmem:s31], [sflag:$0x1] =	stream.strided.gather [hbm4b:s10+s20], $0x5000, s21, s20, $0x38;
	[tilespmem:$0x13A80] =	vst v63  }
0x48: {  	_ = 	snop  }
0x49: {  	[tilespmem:s21], [sflag:$0x1] =	stream.strided.gather [hbm4b:s11+s18], $0x2000, s19, s18, $0x38;
	[tilespmem:$0x13A80] =	vst v63  }
0x4a: {  	s30 =	simm.s32 $0x13600  }
0x4b: {  	[tilespmem:s30], [sflag:$0x1] =	stream.linear.gather [hbm4b:s12+s2], $0x200, $0x38;
	[tilespmem:$0x13A80] =	vst v63  }
0x4c: {  	s31 =	simm.s32 $0x12000  }
0x4d: {  	[tilespmem:s31], [sflag:$0x1] =	stream.linear.gather [hbm4b:s13+s2], $0x800, $0x38;
	[tilespmem:$0x13A80] =	vst v63  }
0x4e: {  	s30 =	simm.s32 $0x12800  }
0x4f: {  	[tilespmem:s30], [sflag:$0x1] =	stream.linear.gather [hbm4b:s14+s2], $0x800, $0x38;
	[tilespmem:$0x13A80] =	vst v63  }
0x50: {  	s31 =	simm.s32 $0x13800  }
0x51: {  	[tilespmem:s31], [sflag:$0x1] =	stream.linear.gather [hbm4b:s15+s2], $0x200, $0x38;
	[tilespmem:$0x13A80] =	vst v63  }
0x52: {  	_ =	swait.ge [sflag:s0], $0x3000  }
0x53: {  	[sflag:s0] =	ssyncset.done $0x0  }
0x54: {  	[sflag:s0] =	ssyncadd.s32 $0xFFFFD000  }
0x55: {  	_ =	swait.ge [sflag:s0], $0x200  }
0x56: {  	[sflag:s0] =	ssyncset.done $0x0  }
0x57: {  	[sflag:s0] =	ssyncadd.s32 $0xFFFFFE00  }
0x58: {  	_ =	swait.ge [sflag:s0], $0x200  }
0x59: {  	s28 =	sand.u32 $0xC00, s2;
	s30 =	sand.u32 $0x70, s2;
	[sflag:s0] =	ssyncset.done $0x0  }
0x5a: {  	s26 =	sor.u32 s30, s28;
	[sflag:s0] =	ssyncadd.s32 $0xFFFFFE00  }
0x5b: {  	v0 =	vld [tilespmem:s26+$0x2000]  }
0x5c: {  	v3 =	vld [tilespmem:s26+$0x2080]  }
0x5d: {  	v5 =	vld [tilespmem:s26+$0x0]  }
0x5e: {  	v6 =	vld [tilespmem:s26+$0x80]  }
0x5f: {  	v7 =	vld [tilespmem:s26+$0x100]  }
0x60: {  	v8 =	vld [tilespmem:s26+$0x180]  }
0x61: {  	v9 =	vld [tilespmem:s26+$0x200]  }
0x62: {  	s28 =	sor.u32 s2, s2;
	v10 =	vld [tilespmem:s26+$0x280]  }
0x63: {  	s28 =	sor.u32 $0x380, s28;
	v11 =	vld [tilespmem:s26+$0x300]  }
0x64: {  	v12 =	vld [tilespmem:s28+$0x0]  }
0x65: {  	v13 =	vld [tilespmem:s26+$0x1000]  }
0x66: {  	v14 =	vld [tilespmem:s26+$0x1080]  }
0x67: {  	v15 =	vld [tilespmem:s26+$0x1100]  }
0x68: {  	v16 =	vld [tilespmem:s26+$0x1180]  }
0x69: {  	v17 =	vld [tilespmem:s26+$0x1200]  }
0x6a: {  	v18 =	vld [tilespmem:s26+$0x1280]  }
0x6b: {  	v19 =	vld [tilespmem:s26+$0x1300]  }
0x6c: {  	v20 =	vld [tilespmem:s26+$0x1380]  }
0x6d: {  	v21 =	vld [tilespmem:s26+$0x2100]  }
0x6e: {  	v22 =	vld [tilespmem:s26+$0x2180];
	v4 =	vmax.f32 v5, v6  }
0x6f: {  	v23 =	vmax.f32 v0, v3;
	v24 =	vmax.f32 v7, v8;
	v25 =	vmax.f32 v9, v10  }
0x70: {  	v26 =	vmax.f32 v11, v12;
	v27 =	vmax.f32 v13, v14;
	v28 =	vmax.f32 v15, v16  }
0x71: {  	v29 =	vmax.f32 v17, v18;
	v30 =	vmax.f32 v19, v20;
	v4 =	vmax.f32 v4, v24  }
0x72: {  	v24 =	vmax.f32 v25, v26;
	v25 =	vmax.f32 v27, v28;
	v26 =	vmax.f32 v29, v30  }
0x73: {  	v27 =	vmax.f32 v21, v22;
	v4 =	vmax.f32 v4, v24;
	v24 =	vmax.f32 v25, v26  }
0x74: {  	v23 =	vmax.f32 v23, v27;
	v4 =	vmax.f32 v4, v24  }
0x75: {  	v4 =	vmax.f32 v4, v23  }
0x76: {  	v0 =	vsub.f32 v0, v4  }
0x77: {  	v5 =	vsub.f32 v5, v4;
	v6 =	vsub.f32 v6, v4  }
0x78: {  	v7 =	vsub.f32 v7, v4;
	v0 =	vmul.f32 $1.442695020e+00, v0  }
0x79: {  	v8 =	vsub.f32 v8, v4;
	v5 =	vmul.f32 $1.442695020e+00, v5;
	v6 =	vmul.f32 $1.442695020e+00, v6  }
0x7a: {  	v7 =	vmul.f32 $1.442695020e+00, v7;
	(erf) = vpow2.f32 v0;
	v0 =	vsub.f32 v9, v4  }
0x7b: {  	v8 =	vmul.f32 $1.442695020e+00, v8;
	(erf) = vpow2.f32 v5;
	v5 =	vsub.f32 v10, v4  }
0x7c: {  	(erf) = vpow2.f32 v6;
	v6 =	vsub.f32 v11, v4;
	v0 =	vmul.f32 $1.442695020e+00, v0  }
0x7d: {  	(erf) = vpow2.f32 v7;
	v7 =	vsub.f32 v12, v4;
	v5 =	vmul.f32 $1.442695020e+00, v5  }
0x7e: {  	(erf) = vpow2.f32 v8;
	v8 =	vsub.f32 v13, v4;
	v6 =	vmul.f32 $1.442695020e+00, v6  }
0x7f: {  	(erf) = vpow2.f32 v0;
	v0 =	vsub.f32 v14, v4;
	v7 =	vmul.f32 $1.442695020e+00, v7  }
0x80: {  	(erf) = vpow2.f32 v5;
	v5 =	vsub.f32 v15, v4;
	v8 =	vmul.f32 $1.442695020e+00, v8  }
0x81: {  	(erf) = vpow2.f32 v6;
	v6 =	vsub.f32 v16, v4;
	v0 =	vmul.f32 $1.442695020e+00, v0  }
0x82: {  	(erf) = vpow2.f32 v7;
	v7 =	vsub.f32 v17, v4;
	v5 =	vmul.f32 $1.442695020e+00, v5  }
0x83: {  	v9 =	vpop (erf);
	(erf) = vpow2.f32 v8;
	v6 =	vmul.f32 $1.442695020e+00, v6  }
0x84: {  	v10 =	vsub.f32 v18, v4;
	v8 =	vpop (erf);
	(erf) = vpow2.f32 v0;
	v7 =	vmul.f32 $1.442695020e+00, v7  }
0x85: {  	v11 =	vsub.f32 v19, v4;
	v0 =	vpop (erf);
	(erf) = vpow2.f32 v5  }
0x86: {  	v10 =	vmul.f32 $1.442695020e+00, v10;
	v12 =	vsub.f32 v20, v4;
	v5 =	vpop (erf);
	(erf) = vpow2.f32 v6  }
0x87: {  	v3 =	vsub.f32 v3, v4;
	v11 =	vmul.f32 $1.442695020e+00, v11;
	v6 =	vpop (erf);
	(erf) = vpow2.f32 v7  }
0x88: {  	v12 =	vmul.f32 $1.442695020e+00, v12;
	v7 =	vpop (erf);
	(erf) = vpow2.f32 v10;
	v10 =	vsub.f32 v21, v4  }
0x89: {  	v3 =	vmul.f32 $1.442695020e+00, v3;
	v13 =	vpop (erf);
	(erf) = vpow2.f32 v11;
	v11 =	vsub.f32 v22, v4  }
0x8a: {  	v10 =	vmul.f32 $1.442695020e+00, v10  }
0x8b: {  	v14 =	vpop (erf);
	(erf) = vpow2.f32 v12;
	v11 =	vmul.f32 $1.442695020e+00, v11  }
0x8c: {  	v12 =	vpop (erf)  }
0x8d: {  	(erf) = vpow2.f32 v3;
	v3 =	vpop (erf)  }
0x8e: {  	(erf) = vpow2.f32 v10;
	v10 =	vpop (erf)  }
0x8f: {  	(erf) = vpow2.f32 v11;
	v11 =	vpop (erf)  }
0x90: {  	v15 =	vpop (erf)  }
0x91: {  	v16 =	vpop (erf)  }
0x92: {  	v0 =	vadd.f32 v0, v8;
	v5 =	vadd.f32 v6, v5;
	v8 =	vpop (erf)  }
0x93: {  	s29 =	simm.s32 $0x10;
	s31 =	simm.s32 $0x80;
	v6 =	vadd.f32 v13, v7;
	v12 =	vadd.f32 v12, v14;
	v7 =	vpop (erf)  }
0x94: {  	s30 =	sand.u32 $0xC00, s31;
	s28 =	sand.u32 $0x70, s29;
	v3 =	vadd.f32 v10, v3;
	v11 =	vadd.f32 v15, v11;
	v10 =	vpop (erf)  }
0x95: {  	s28 =	sor.u32 s28, s30;
	v8 =	vadd.f32 v8, v16;
	v7 =	vadd.f32 v10, v7  }
0x96: {  	v25 =	vld [tilespmem:s28+$0x1300];
	v0 =	vadd.f32 v5, v0;
	v12 =	vadd.f32 v12, v6;
	v10 =	vpop (erf)  }
0x97: {  	v27 =	vld [tilespmem:s28+$0x1380];
	v3 =	vadd.f32 v11, v3;
	v6 =	vpop (erf);
	v8 =	vadd.f32 v7, v8  }
0x98: {  	v23 =	vld [tilespmem:s28+$0x1200];
	v0 =	vadd.f32 v12, v0;
	v9 =	vadd.f32 v10, v9;
	v11 =	vpop (erf)  }
0x99: {  	v19 =	vld [tilespmem:s28+$0x1000];
	v10 =	vadd.f32 v11, v6;
	v3 =	vadd.f32 v8, v3  }
0x9a: {  	v20 =	vld [tilespmem:s28+$0x1080]  }
0x9b: {  	v22 =	vld [tilespmem:s28+$0x1180];
	v9 =	vadd.f32 v10, v9;
	v0 =	vadd.f32 v3, v0  }
0x9c: {  	s30 =	sor.u32 s31, s29;
	v13 =	vld [tilespmem:s25+$0x0]  }
0x9d: {  	v5 =	vld [tilespmem:s28+$0x2080];
	s25 =	sor.u32 $0x380, s30;
	v0 =	vadd.f32 v0, v9  }
0x9e: {  	v17 =	vld [tilespmem:s25+$0x0]  }
0x9f: {  	v14 =	vld [tilespmem:s28+$0x2000];
	v3 =	vand.u32 $0x7FFFFF, v0  }
0xa0: {  	v12 =	vld [tilespmem:s28+$0x180];
	v3 =	vor.u32 $0x3F800000, v3  }
0xa1: {  	v15 =	vld [tilespmem:s28+$0x280];
	v18 =	vmul.f32 $5.000000000e-01, v3  }
0xa2: {  	v16 =	vld [tilespmem:s28+$0x300];
	vm0 =	vgt.f32 v3, $1.414213540e+00  }
0xa3: {  	v11 =	vld [tilespmem:s28+$0x80];
	v3 =	vsel vm0, v18, v3  }
0xa4: {  	v8 =	vld [tilespmem:s28+$0x0];
	v21 =	vadd.f32 $1.000000000e+00, v3  }
0xa5: {  	v10 =	vld [tilespmem:s28+$0x100]  }
0xa6: {  	v24 =	vmov s2;
	v9 =	vld [tilespmem:s28+$0x200];
	(erf) = vrcp.f32 v21  }
0xa7: {  	v26 =	vor.u32 s2, v1;
	v24 =	vshll.u32 v24, $0x3;
	v18 =	vld [tilespmem:s28+$0x1100]  }
0xa8: {  	v26 =	vand.u32 $0x7F, v26;
	v24 =	vand.u32 $0xC00, v24;
	v21 =	vld [tilespmem:s28+$0x1280]  }
0xa9: {  	v24 =	vor.u32 v24, v26;
	v37 =	vmax.f32 v25, v27;
	v7 =	vld [tilespmem:s28+$0x2100]  }
0xaa: {  	v34 =	vmax.f32 v19, v20;
	v28 =	vshll.u32 v13, $0x9;
	v13 =	vshll.u32 v13, $0x7;
	v6 =	vld [tilespmem:s28+$0x2180]  }
0xab: {  	v29 =	vmax.f32 v14, v5;
	v26 =	vmax.f32 v8, v11;
	v31 =	vmax.f32 v10, v12  }
0xac: {  	v33 =	vmax.f32 v16, v17;
	v26 =	vmax.f32 v26, v31;
	v32 =	vmax.f32 v9, v15  }
0xad: {  	v31 =	vmax.f32 v32, v33;
	v35 =	vmax.f32 v18, v22;
	v36 =	vmax.f32 v23, v21  }
0xae: {  	v3 =	vadd.f32 $-1.000000000e+00, v3;
	v57 =	vmax.f32 v34, v35;
	v58 =	vmax.f32 v36, v37  }
0xaf: {  	v30 =	vmax.f32 v7, v6;
	v26 =	vmax.f32 v26, v31;
	v31 =	vmax.f32 v57, v58;
	v59 =	vpop (erf)  }
0xb0: {  	v26 =	vmax.f32 v26, v31;
	v60 =	vmul.f32 v59, v3;
	v3 =	vmax.f32 v29, v30  }
0xb1: {  	v13 =	vand.u32 $0x380, v13;
	v0 =	vshra.s32 v0, $0x17;
	v3 =	vmax.f32 v26, v3  }
0xb2: {  	v26 =	vand.u32 $0xFFFFF000, v28;
	v28 =	vmul.f32 v60, v60;
	v8 =	vsub.f32 v8, v3  }
0xb3: {  	v14 =	vsub.f32 v14, v3;
	v24 =	vor.u32 v26, v24;
	v11 =	vsub.f32 v11, v3  }
0xb4: {  	v10 =	vsub.f32 v10, v3;
	v12 =	vsub.f32 v12, v3;
	v26 =	vmul.f32 $1.428571490e-01, v28  }
0xb5: {  	v9 =	vsub.f32 v9, v3;
	v15 =	vsub.f32 v15, v3;
	v13 =	vor.u32 v13, v24  }
0xb6: {  	v14 =	vmul.f32 $1.442695020e+00, v14;
	v8 =	vmul.f32 $1.442695020e+00, v8;
	v24 =	vadd.f32 $2.000000030e-01, v26  }
0xb7: {  	v16 =	vsub.f32 v16, v3;
	v11 =	vmul.f32 $1.442695020e+00, v11;
	v10 =	vmul.f32 $1.442695020e+00, v10  }
0xb8: {  	v17 =	vsub.f32 v17, v3;
	(erf) = vpow2.f32 v14;
	v14 =	vmul.f32 v24, v28  }
0xb9: {  	v19 =	vsub.f32 v19, v3;
	v9 =	vmul.f32 $1.442695020e+00, v9;
	(erf) = vpow2.f32 v8  }
0xba: {  	v8 =	vmul.f32 $1.442695020e+00, v12;
	(erf) = vpow2.f32 v11;
	v11 =	vadd.f32 $3.333333430e-01, v14  }
0xbb: {  	(erf) = vpow2.f32 v10;
	v10 =	vsel vm0, $0xFFFFFF82, v2;
	v14 =	vmul.f32 $1.442695020e+00, v15  }
0xbc: {  	(erf) = vpow2.f32 v8;
	v0 =	vadd.s32 v0, v10;
	v11 =	vmul.f32 v11, v28  }
0xbd: {  	v12 =	vsub.f32 v20, v3;
	v0 =	vcvt.s32.f32 v0;
	(erf) = vpow2.f32 v9  }
0xbe: {  	v8 =	vadd.f32 v60, v60;
	(erf) = vpow2.f32 v14;
	v10 =	vadd.f32 $1.000000000e+00, v11  }
0xbf: {  	v9 =	vsub.f32 v22, v3;
	v0 =	vmul.f32 $6.931471820e-01, v0;
	v11 =	vmul.f32 $1.442695020e+00, v16  }
0xc0: {  	v15 =	vsub.f32 v18, v3;
	v8 =	vmul.f32 v10, v8;
	v10 =	vld.idx.msk [tilespmem:v13+s2+$0x0], $0xffff;
	v13 =	vmul.f32 $1.442695020e+00, v17  }
0xc1: {  	v14 =	vmul.f32 $1.442695020e+00, v19;
	v9 =	vmul.f32 $1.442695020e+00, v9;
	v16 =	vsub.f32 v23, v3  }
0xc2: {  	s25 =	simm.s32 $0x20;
	s28 =	simm.s32 $0x100;
	(erf) = vpow2.f32 v11;
	v0 =	vadd.f32 v8, v0;
	v8 =	vmul.f32 $1.442695020e+00, v12  }
0xc3: {  	s31 =	sor.u32 s28, s25;
	v11 =	vsub.f32 v21, v3;
	(erf) = vpow2.f32 v13;
	v12 =	vmul.f32 $1.442695020e+00, v15  }
0xc4: {  	s30 =	sand.u32 $0x70, s25;
	s26 =	sor.u32 $0x380, s31;
	s31 =	sand.u32 $0xC00, s28;
	v15 =	vmul.f32 $1.442695020e+00, v16;
	v13 =	vpop (erf);
	(erf) = vpow2.f32 v14;
	v0 =	vadd.f32 v0, v4  }
0xc5: {  	s30 =	sor.u32 s30, s31;
	v11 =	vmul.f32 $1.442695020e+00, v11;
	v4 =	vpop (erf);
	(erf) = vpow2.f32 v8  }
0xc6: {  	v38 =	vld [tilespmem:s30+$0x200];
	v14 =	vsub.f32 v25, v3;
	v8 =	vpop (erf);
	(erf) = vpow2.f32 v12;
	v0 =	vsub.f32 v0, v10  }
0xc7: {  	v39 =	vld [tilespmem:s30+$0x280];
	v12 =	vsub.f32 v27, v3;
	v10 =	vpop (erf);
	(erf) = vpow2.f32 v9  }
0xc8: {  	v40 =	vld [tilespmem:s30+$0x300];
	v14 =	vmul.f32 $1.442695020e+00, v14;
	v9 =	vpop (erf);
	(erf) = vpow2.f32 v15;
	v15 =	vsub.f32 $0.0e+00, v0  }
0xc9: {  	v42 =	vld [tilespmem:s30+$0x1000];
	v5 =	vsub.f32 v5, v3;
	v12 =	vmul.f32 $1.442695020e+00, v12;
	v16 =	vpop (erf);
	(erf) = vpow2.f32 v11  }
0xca: {  	v47 =	vld [tilespmem:s30+$0x1080];
	v7 =	vsub.f32 v7, v3;
	v11 =	vpop (erf);
	(erf) = vpow2.f32 v14;
	v14 =	vmul.f32 $1.442695020e+00, v15  }
0xcb: {  	v35 =	vld [tilespmem:s30+$0x1100];
	v6 =	vsub.f32 v6, v3;
	v5 =	vmul.f32 $1.442695020e+00, v5  }
0xcc: {  	v34 =	vld [tilespmem:s30+$0x1280];
	v7 =	vmul.f32 $1.442695020e+00, v7;
	v15 =	vpop (erf);
	(erf) = vpow2.f32 v12  }
0xcd: {  	v33 =	vld [tilespmem:s30+$0x1300];
	v6 =	vmul.f32 $1.442695020e+00, v6;
	v12 =	vpop (erf);
	(erf) = vpow2.f32 v14  }
0xce: {  	v32 =	vld [tilespmem:s30+$0x1380];
	v14 =	vpop (erf);
	(erf) = vpow2.f32 v5  }
0xcf: {  	v37 =	vld [tilespmem:s30+$0x1180];
	v5 =	vpop (erf);
	(erf) = vpow2.f32 v7  }
0xd0: {  	v36 =	vld [tilespmem:s30+$0x1200];
	v7 =	vpop (erf);
	(erf) = vpow2.f32 v6  }
0xd1: {  	v30 =	vld [tilespmem:s30+$0x2100];
	v4 =	vadd.f32 v8, v4;
	v9 =	vadd.f32 v9, v10;
	v6 =	vpop (erf)  }
0xd2: {  	v29 =	vld [tilespmem:s30+$0x2180];
	v10 =	vadd.f32 v11, v16;
	v15 =	vadd.f32 v12, v15;
	v17 =	vpop (erf)  }
0xd3: {  	v49 =	vmax.f32 v38, v39;
	v4 =	vadd.f32 v9, v4;
	v12 =	vld [tilespmem:s26+$0x0];
	v8 =	vpop (erf)  }
0xd4: {  	v51 =	vmax.f32 v42, v47;
	v28 =	vld [tilespmem:s30+$0x2080];
	v5 =	vadd.f32 v5, v14;
	v9 =	vadd.f32 v15, v10;
	v11 =	vpop (erf)  }
0xd5: {  	v55 =	vmax.f32 v33, v32;
	v15 =	vld [tilespmem:s30+$0x2000];
	v6 =	vadd.f32 v6, v7;
	v7 =	vadd.f32 v8, v17;
	v14 =	vpop (erf)  }
0xd6: {  	v52 =	vmax.f32 v35, v37;
	v53 =	vmax.f32 v36, v34;
	v8 =	vld [tilespmem:s24+$0x0];
	v16 =	vpop (erf);
	v11 =	vadd.f32 v14, v11  }
0xd7: {  	v56 =	vmax.f32 v51, v52;
	v46 =	vmax.f32 v30, v29;
	v4 =	vadd.f32 v9, v4;
	v14 =	vpop (erf)  }
0xd8: {  	v50 =	vmax.f32 v40, v12;
	v5 =	vadd.f32 v6, v5;
	v10 =	vpop (erf);
	v6 =	vadd.f32 v11, v7  }
0xd9: {  	s26 =	simm.s32 $0x13010;
	v49 =	vmax.f32 v49, v50;
	v16 =	vsub.f32 $1.000000000e+00, v16;
	v13 =	vadd.f32 v14, v13;
	v7 =	vpop (erf)  }
0xda: {  	v17 =	vld [tilespmem:s26+$0x0];
	v45 =	vmax.f32 v15, v28;
	v7 =	vadd.f32 v7, v10;
	v5 =	vadd.f32 v6, v5  }
0xdb: {  	v11 =	vmul.f32 $2.500000000e-01, v16;
	vm2 =	veq.s32 v8, $0x0;
	vm3 =	veq.s32 v8, $0x1  }
0xdc: {  	vm4 =	veq.s32 v8, $0x2;
	v7 =	vadd.f32 v7, v13;
	v4 =	vadd.f32 v5, v4  }
0xdd: {  	vm5 =	veq.s32 v8, $0x3;
	vm1 =	veq.s32 v8, $0x7;
	vm6 =	veq.s32 v8, $0x4  }
0xde: {  	vm7 =	veq.s32 v8, $0x5;
	vm8 =	veq.s32 v8, $0x6;
	v18 =	vadd.f32 v4, v7  }
0xdf: {  	v44 =	vshll.u32 v17, $0x9;
	v17 =	vshll.u32 v17, $0x7;
	v6 =	vmov s29  }
0xe0: {  	v10 =	vor.u32 s29, v1;
	v27 =	vsel vm2, $0x3F800000, v62;
	v7 =	vand.u32 $0x7FFFFF, v18  }
0xe1: {  	v26 =	vsel vm3, $0x3F800000, v62;
	v20 =	vsel vm4, $0x3F800000, v62;
	v7 =	vor.u32 $0x3F800000, v7  }
0xe2: {  	v19 =	vld [tilespmem:s30+$0x180];
	v24 =	vsel vm5, $0x3F800000, v62;
	v9 =	vmul.f32 v11, v16;
	v11 =	vmul.f32 $5.000000000e-01, v7  }
0xe3: {  	v14 =	vld [tilespmem:s30+$0x0];
	v21 =	vsel vm6, $0x3F800000, v62;
	v22 =	vsel vm7, $0x3F800000, v62;
	vm15 =	vgt.f32 v7, $1.414213540e+00  }
0xe4: {  	v23 =	vsel vm8, $0x3F800000, v62;
	v16 =	vld [tilespmem:s30+$0x100];
	v0 =	vmul.f32 v9, v0;
	v43 =	vsel vm15, v11, v7  }
0xe5: {  	v25 =	vsel vm1, $0x3F800000, v62;
	v17 =	vand.u32 $0x380, v17;
	v13 =	vld [tilespmem:s30+$0x80];
	v7 =	vadd.f32 $1.000000000e+00, v43  }
0xe6: {  	v60 =	vand.u32 $0xFFFFF000, v44;
	v63 =	vand.u32 $0x7F, v10;
	v4 =	vnsel vm1, $0x0, v0  }
0xe7: {  	v5 =	vnsel vm2, $0x0, v0;
	v8 =	vnsel vm3, $0x0, v0;
	(erf) = vrcp.f32 v7  }
0xe8: {  	v9 =	vnsel vm4, $0x0, v0;
	v31 =	vnsel vm5, $0x0, v0;
	v61 =	vnsel vm6, $0x0, v0  }
0xe9: {  	v41 =	vnsel vm7, $0x0, v0;
	v0 =	vnsel vm8, $0x0, v0;
	v4 =	vadd.f32 v4, v62  }
0xea: {  	v10 =	vadd.f32 v0, v62;
	v48 =	vmax.f32 v16, v19;
	v0 =	vmax.f32 v14, v13  }
0xeb: {  	v5 =	vadd.f32 v5, v62;
	v0 =	vmax.f32 v0, v48;
	v48 =	vmax.f32 v53, v55  }
0xec: {  	v49 =	vmax.f32 v0, v49;
	v48 =	vmax.f32 v56, v48;
	v11 =	vadd.f32 v8, v62  }
0xed: {  	v8 =	vadd.f32 v9, v62;
	v9 =	vadd.f32 v31, v62;
	v31 =	vshll.u32 v6, $0x3  }
0xee: {  	v6 =	vadd.f32 v41, v62;
	v58 =	vmax.f32 v49, v48;
	v31 =	vand.u32 $0xC00, v31  }
0xef: {  	v43 =	vadd.f32 $-1.000000000e+00, v43;
	v41 =	vor.u32 v31, v63;
	v31 =	vmax.f32 v45, v46  }
0xf0: {  	v48 =	vsel vm15, $0xFFFFFF82, v2;
	v7 =	vadd.f32 v61, v62;
	v31 =	vmax.f32 v58, v31;
	v57 =	vpop (erf)  }
0xf1: {  	v14 =	vsub.f32 v14, v31;
	v15 =	vsub.f32 v15, v31;
	v0 =	vmul.f32 v57, v43  }
0xf2: {  	v41 =	vor.u32 v60, v41;
	v13 =	vsub.f32 v13, v31;
	v16 =	vsub.f32 v16, v31  }
0xf3: {  	v19 =	vsub.f32 v19, v31;
	v63 =	vsub.f32 v38, v31;
	v59 =	vmul.f32 v0, v0  }
0xf4: {  	v38 =	vor.u32 v17, v41;
	v44 =	vsub.f32 v39, v31;
	v41 =	vsub.f32 v42, v31  }
0xf5: {  	v42 =	vsub.f32 v47, v31;
	v47 =	vshra.s32 v18, $0x17;
	v61 =	vmul.f32 $1.428571490e-01, v59  }
0xf6: {  	v18 =	vimm.f32 $0.0e+00;
	v15 =	vmul.f32 $1.442695020e+00, v15;
	v14 =	vmul.f32 $1.442695020e+00, v14  }
0xf7: {  	v13 =	vmul.f32 $1.442695020e+00, v13;
	v46 =	vmul.f32 $1.442695020e+00, v19;
	v17 =	vadd.f32 $2.000000030e-01, v61  }
0xf8: {  	v45 =	vmul.f32 $1.442695020e+00, v63;
	v19 =	vimm.f32 $0.0e+00;
	(erf) = vpow2.f32 v15  }
0xf9: {  	(erf) = vpow2.f32 v14;
	v14 =	vimm.f32 $0.0e+00;
	v15 =	vmul.f32 v17, v59  }
0xfa: {  	v43 =	vsub.f32 v40, v31;
	v40 =	vsub.f32 v12, v31;
	v12 =	vmul.f32 $1.442695020e+00, v16  }
0xfb: {  	(erf) = vpow2.f32 v13;
	v16 =	vimm.f32 $0.0e+00;
	v13 =	vadd.f32 $3.333333430e-01, v15  }
0xfc: {  	(erf) = vpow2.f32 v12;
	v12 =	vimm.f32 $0.0e+00;
	v17 =	vimm.f32 $0.0e+00  }
0xfd: {  	s29 =	simm.s32 $0x30;
	v15 =	vimm.f32 $0.0e+00;
	v39 =	vmul.f32 v13, v59;
	v13 =	vimm.f32 $0.0e+00  }
.LBB3_2:
0xfe: {  	p0 =	sne.s32 s29, $0x1F0;
	v44 =	vmul.f32 $1.442695020e+00, v44;
	(erf) = vpow2.f32 v46;
	v46 =	vadd.s32 v47, v48  }
0xff: {  	v0 =	vadd.f32 v0, v0;
	v39 =	vadd.f32 $1.000000000e+00, v39;
	v46 =	vcvt.s32.f32 v46  }
0x100: {  	v43 =	vmul.f32 $1.442695020e+00, v43;
	v35 =	vsub.f32 v35, v31;
	(erf) = vpow2.f32 v45  }
0x101: {  	v37 =	vsub.f32 v37, v31;
	v38 =	vld.idx.msk [tilespmem:v38+s2+$0x0], $0xffff;
	v0 =	vmul.f32 v39, v0;
	v39 =	vmul.f32 $6.931471820e-01, v46  }
0x102: {  	v36 =	vsub.f32 v36, v31;
	v46 =	vmul.f32 $1.442695020e+00, v40;
	(erf) = vpow2.f32 v44;
	v44 =	vpop (erf)  }
0x103: {  	v41 =	vmul.f32 $1.442695020e+00, v41;
	v45 =	vpop (erf);
	(erf) = vpow2.f32 v43;
	v0 =	vadd.f32 v0, v39  }
0x104: {  	v34 =	vsub.f32 v34, v31;
	v39 =	vmul.f32 $1.442695020e+00, v42;
	v42 =	vpop (erf);
	(erf) = vpow2.f32 v46  }
0x105: {  	v35 =	vmul.f32 $1.442695020e+00, v35;
	v40 =	vpop (erf);
	(erf) = vpow2.f32 v41;
	v0 =	vadd.f32 v0, v3  }
0x106: {  	v33 =	vsub.f32 v33, v31;
	v37 =	vmul.f32 $1.442695020e+00, v37;
	v3 =	vmovc v31;
	(erf) = vpow2.f32 v39  }
0x107: {  	v31 =	vmul.f32 $1.442695020e+00, v36;
	v36 =	vpop (erf);
	(erf) = vpow2.f32 v35;
	v0 =	vsub.f32 v0, v38  }
0x108: {  	v32 =	vsub.f32 v32, v3;
	v38 =	vmul.f32 $1.442695020e+00, v34;
	(erf) = vpow2.f32 v37  }
0x109: {  	v37 =	vmul.f32 $1.442695020e+00, v33;
	v35 =	vpop (erf);
	(erf) = vpow2.f32 v31;
	v31 =	vsub.f32 $0.0e+00, v0  }
0x10a: {  	v28 =	vsub.f32 v28, v3;
	v39 =	vmul.f32 $1.442695020e+00, v32;
	(erf) = vpow2.f32 v38  }
0x10b: {  	v30 =	vsub.f32 v30, v3;
	v34 =	vpop (erf);
	(erf) = vpow2.f32 v37;
	v31 =	vmul.f32 $1.442695020e+00, v31  }
0x10c: {  	v28 =	vmul.f32 $1.442695020e+00, v28;
	v37 =	vsub.f32 v29, v3;
	v33 =	vpop (erf);
	(erf) = vpow2.f32 v39  }
0x10d: {  	v18 =	vadd.f32 v27, v18;
	v30 =	vmul.f32 $1.442695020e+00, v30;
	v32 =	vpop (erf);
	(erf) = vpow2.f32 v31  }
0x10e: {  	v19 =	vadd.f32 v26, v19;
	v27 =	vmul.f32 $1.442695020e+00, v37;
	v29 =	vpop (erf);
	(erf) = vpow2.f32 v28  }
0x10f: {  	v16 =	vadd.f32 v20, v16;
	v17 =	vadd.f32 v24, v17;
	v26 =	vpop (erf);
	(erf) = vpow2.f32 v30  }
0x110: {  	v14 =	vadd.f32 v21, v14;
	v15 =	vadd.f32 v22, v15;
	v20 =	vpop (erf);
	(erf) = vpow2.f32 v27  }
0x111: {  	v12 =	vadd.f32 v23, v12;
	v13 =	vadd.f32 v25, v13;
	v21 =	vpop (erf)  }
0x112: {  	v22 =	vpop (erf)  }
0x113: {  	v23 =	vadd.f32 v42, v45;
	v24 =	vpop (erf)  }
0x114: {  	v25 =	vadd.f32 v36, v40;
	v27 =	vadd.f32 v34, v35;
	v28 =	vpop (erf)  }
0x115: {  	s28 =	sadd.s32 $0x80, s28;
	s24 =	sadd.s32 $0x10, s24;
	v30 =	vadd.f32 v32, v33;
	v26 =	vadd.f32 v26, v29;
	v29 =	vpop (erf)  }
0x116: {  	s30 =	sand.u32 $0x70, s29;
	s26 =	sadd.s32 $0x10, s26;
	s31 =	sand.u32 $0xC00, s28;
	v20 =	vadd.f32 v21, v20;
	v21 =	vadd.f32 v24, v22;
	v22 =	vld [tilespmem:s24+$0x0];
	v24 =	vpop (erf)  }
0x117: {  	s30 =	sor.u32 s30, s31;
	v29 =	vadd.f32 v29, v28;
	v31 =	vld [tilespmem:s26+$0x0];
	v32 =	vpop (erf);
	v24 =	vsub.f32 $1.000000000e+00, v24  }
0x118: {  	v23 =	vadd.f32 v25, v23;
	v25 =	vadd.f32 v30, v27;
	v38 =	vld [tilespmem:s30+$0x2000];
	v27 =	vpop (erf)  }
0x119: {  	v20 =	vadd.f32 v20, v26;
	v21 =	vadd.f32 v29, v21;
	v28 =	vld [tilespmem:s30+$0x2080];
	v26 =	vpop (erf);
	v33 =	vmul.f32 $2.500000000e-01, v24  }
0x11a: {  	v32 =	vadd.f32 v32, v44;
	v30 =	vld [tilespmem:s30+$0x2100];
	v26 =	vadd.f32 v26, v27  }
0x11b: {  	v23 =	vadd.f32 v25, v23;
	v20 =	vadd.f32 v21, v20;
	v29 =	vld [tilespmem:s30+$0x2180];
	v21 =	vmul.f32 v33, v24  }
0x11c: {  	vm3 =	veq.s32 v22, $0x0;
	vm4 =	veq.s32 v22, $0x1;
	vm2 =	veq.s32 v22, $0x2;
	v40 =	vld [tilespmem:s30+$0x0]  }
0x11d: {  	v24 =	vadd.f32 v26, v32;
	v20 =	vadd.f32 v20, v23;
	v41 =	vld [tilespmem:s30+$0x80];
	v0 =	vmul.f32 v21, v0  }
0x11e: {  	vm6 =	veq.s32 v22, $0x3;
	vm5 =	veq.s32 v22, $0x4;
	vm1 =	veq.s32 v22, $0x7;
	v42 =	vld [tilespmem:s30+$0x100]  }
0x11f: {  	vm7 =	veq.s32 v22, $0x5;
	v39 =	vadd.f32 v20, v24;
	v43 =	vld [tilespmem:s30+$0x180];
	v20 =	vnsel vm1, $0x0, v0  }
0x120: {  	vm8 =	veq.s32 v22, $0x6;
	v23 =	vnsel vm3, $0x0, v0;
	v44 =	vld [tilespmem:s30+$0x200];
	v4 =	vadd.f32 v20, v4  }
0x121: {  	s31 =	sor.u32 s28, s29;
	v32 =	vnsel vm4, $0x0, v0;
	v33 =	vnsel vm2, $0x0, v0;
	v20 =	vand.u32 $0x7FFFFF, v39;
	v45 =	vld [tilespmem:s30+$0x280]  }
0x122: {  	s31 =	sor.u32 $0x380, s31;
	v47 =	vnsel vm6, $0x0, v0;
	v48 =	vnsel vm5, $0x0, v0;
	v20 =	vor.u32 $0x3F800000, v20;
	v46 =	vld [tilespmem:s30+$0x300]  }
0x123: {  	v50 =	vnsel vm7, $0x0, v0;
	v0 =	vnsel vm8, $0x0, v0;
	v21 =	vmul.f32 $5.000000000e-01, v20;
	v49 =	vld [tilespmem:s31+$0x0]  }
0x124: {  	v27 =	vsel vm3, $0x3F800000, v62;
	v26 =	vsel vm4, $0x3F800000, v62;
	vm0 =	vgt.f32 v20, $1.414213540e+00;
	v51 =	vld [tilespmem:s30+$0x1000]  }
0x125: {  	v24 =	vsel vm6, $0x3F800000, v62;
	v53 =	vsel vm0, v21, v20;
	v20 =	vsel vm2, $0x3F800000, v62;
	v52 =	vld [tilespmem:s30+$0x1080]  }
0x126: {  	v22 =	vsel vm7, $0x3F800000, v62;
	v21 =	vsel vm5, $0x3F800000, v62;
	v34 =	vadd.f32 $1.000000000e+00, v53;
	v35 =	vld [tilespmem:s30+$0x1100]  }
0x127: {  	v25 =	vsel vm1, $0x3F800000, v62;
	v5 =	vadd.f32 v23, v5;
	v23 =	vsel vm8, $0x3F800000, v62;
	v37 =	vld [tilespmem:s30+$0x1180]  }
0x128: {  	v11 =	vadd.f32 v32, v11;
	v8 =	vadd.f32 v33, v8;
	v36 =	vld [tilespmem:s30+$0x1200];
	(erf) = vrcp.f32 v34  }
0x129: {  	v32 =	vmov s25;
	v9 =	vadd.f32 v47, v9;
	v7 =	vadd.f32 v48, v7;
	v34 =	vld [tilespmem:s30+$0x1280]  }
0x12a: {  	v47 =	vor.u32 s25, v1;
	v6 =	vadd.f32 v50, v6;
	s25 =	smov.u32 s29;
	v48 =	vshll.u32 v32, $0x3;
	v33 =	vld [tilespmem:s30+$0x1300]  }
0x12b: {  	v10 =	vadd.f32 v0, v10;
	v47 =	vand.u32 $0x7F, v47;
	v48 =	vand.u32 $0xC00, v48;
	v32 =	vld [tilespmem:s30+$0x1380]  }
0x12c: {  	v50 =	vshll.u32 v31, $0x9;
	v31 =	vshll.u32 v31, $0x7;
	v47 =	vor.u32 v48, v47  }
0x12d: {  	v54 =	vmax.f32 v30, v29;
	v0 =	vmax.f32 v40, v41;
	v48 =	vmax.f32 v38, v28  }
0x12e: {  	v55 =	vmax.f32 v42, v43;
	v56 =	vmax.f32 v44, v45;
	v57 =	vmax.f32 v46, v49  }
0x12f: {  	v63 =	vmax.f32 v51, v52;
	v59 =	vmax.f32 v35, v37;
	v60 =	vmax.f32 v36, v34  }
0x130: {  	v0 =	vmax.f32 v0, v55;
	v53 =	vadd.f32 $-1.000000000e+00, v53;
	v61 =	vmax.f32 v33, v32  }
0x131: {  	v55 =	vmax.f32 v56, v57;
	v56 =	vmax.f32 v63, v59;
	v57 =	vmax.f32 v60, v61;
	v58 =	vpop (erf)  }
0x132: {  	v55 =	vmax.f32 v0, v55;
	v56 =	vmax.f32 v56, v57;
	v0 =	vmul.f32 v58, v53  }
0x133: {  	v48 =	vmax.f32 v48, v54;
	v54 =	vand.u32 $0x380, v31;
	v53 =	vmax.f32 v55, v56  }
0x134: {  	v31 =	vmax.f32 v53, v48;
	v48 =	vand.u32 $0xFFFFF000, v50;
	v50 =	vmul.f32 v0, v0  }
0x135: {  	v40 =	vsub.f32 v40, v31;
	v53 =	vsub.f32 v38, v31;
	v38 =	vor.u32 v48, v47  }
0x136: {  	v41 =	vsub.f32 v41, v31;
	v42 =	vsub.f32 v42, v31;
	v47 =	vmul.f32 $1.428571490e-01, v50  }
0x137: {  	v48 =	vsub.f32 v43, v31;
	v55 =	vsub.f32 v44, v31;
	v38 =	vor.u32 v54, v38  }
0x138: {  	v44 =	vsub.f32 v45, v31;
	v45 =	vmul.f32 $1.442695020e+00, v53;
	v47 =	vadd.f32 $2.000000030e-01, v47  }
0x139: {  	v43 =	vsub.f32 v46, v31;
	v53 =	vmul.f32 $1.442695020e+00, v40;
	v54 =	vmul.f32 $1.442695020e+00, v41  }
.Ltmp0:
0x13a: {  	v40 =	vsub.f32 v49, v31;
	(erf) = vpow2.f32 v45;
	v45 =	vmul.f32 v47, v50;
	(pc) =	sbr.rel @p0 .LBB3_2-.Ltmp0, $4  }
0x13b: {  	v41 =	vsub.f32 v51, v31;
	v47 =	vmul.f32 $1.442695020e+00, v42;
	(erf) = vpow2.f32 v53  }
0x13c: {  	v46 =	vmul.f32 $1.442695020e+00, v48;
	(erf) = vpow2.f32 v54;
	v49 =	vadd.f32 $3.333333430e-01, v45  }
0x13d: {  	v42 =	vsub.f32 v52, v31;
	v45 =	vmul.f32 $1.442695020e+00, v55;
	(erf) = vpow2.f32 v47  }
0x13e: {  	s29 =	sadd.s32 $0x10, s29;
	v48 =	vsel vm0, $0xFFFFFF82, v2;
	v47 =	vshra.s32 v39, $0x17;
	v39 =	vmul.f32 v49, v50  }
0x13f: {  	(erf) = vpow2.f32 v46;
	v50 =	vadd.s32 v47, v48  }
0x140: {  	v0 =	vadd.f32 v0, v0;
	v39 =	vadd.f32 $1.000000000e+00, v39;
	v46 =	vcvt.s32.f32 v50  }
0x141: {  	v44 =	vmul.f32 $1.442695020e+00, v44;
	v43 =	vmul.f32 $1.442695020e+00, v43;
	v35 =	vsub.f32 v35, v31  }
0x142: {  	v37 =	vsub.f32 v37, v31;
	v0 =	vmul.f32 v39, v0;
	v51 =	vmul.f32 $6.931471820e-01, v46  }
0x143: {  	v40 =	vmul.f32 $1.442695020e+00, v40;
	v36 =	vsub.f32 v36, v31;
	(erf) = vpow2.f32 v45  }
0x144: {  	v38 =	vld.idx.msk [tilespmem:v38+s2+$0x0], $0xffff;
	v41 =	vmul.f32 $1.442695020e+00, v41;
	(erf) = vpow2.f32 v44;
	v0 =	vadd.f32 v0, v51  }
0x145: {  	v52 =	vmul.f32 $1.442695020e+00, v42;
	v34 =	vsub.f32 v34, v31;
	(erf) = vpow2.f32 v43  }
0x146: {  	v35 =	vmul.f32 $1.442695020e+00, v35;
	(erf) = vpow2.f32 v40;
	v0 =	vadd.f32 v0, v3  }
0x147: {  	v33 =	vsub.f32 v33, v31;
	v37 =	vmul.f32 $1.442695020e+00, v37;
	v40 =	vpop (erf);
	(erf) = vpow2.f32 v41  }
0x148: {  	v32 =	vsub.f32 v32, v31;
	v36 =	vmul.f32 $1.442695020e+00, v36;
	v53 =	vpop (erf);
	(erf) = vpow2.f32 v52  }
0x149: {  	v34 =	vmul.f32 $1.442695020e+00, v34;
	v54 =	vpop (erf);
	(erf) = vpow2.f32 v35;
	v3 =	vsub.f32 v0, v38  }
0x14a: {  	v28 =	vsub.f32 v28, v31;
	v33 =	vmul.f32 $1.442695020e+00, v33;
	v0 =	vpop (erf);
	(erf) = vpow2.f32 v37  }
0x14b: {  	v32 =	vmul.f32 $1.442695020e+00, v32;
	v56 =	vsub.f32 $0.0e+00, v3;
	v55 =	vpop (erf);
	(erf) = vpow2.f32 v36  }
0x14c: {  	v30 =	vsub.f32 v30, v31;
	v28 =	vmul.f32 $1.442695020e+00, v28;
	v57 =	vpop (erf);
	(erf) = vpow2.f32 v34  }
0x14d: {  	v29 =	vsub.f32 v29, v31;
	v59 =	vmul.f32 $1.442695020e+00, v56;
	v58 =	vpop (erf);
	(erf) = vpow2.f32 v33  }
0x14e: {  	v30 =	vmul.f32 $1.442695020e+00, v30;
	v60 =	vpop (erf);
	(erf) = vpow2.f32 v32  }
0x14f: {  	v29 =	vmul.f32 $1.442695020e+00, v29;
	v61 =	vpop (erf);
	(erf) = vpow2.f32 v59  }
0x150: {  	v63 =	vpop (erf);
	(erf) = vpow2.f32 v28  }
0x151: {  	v28 =	vpop (erf);
	(erf) = vpow2.f32 v30  }
0x152: {  	v30 =	vpop (erf);
	(erf) = vpow2.f32 v29  }
0x153: {  	v29 =	vpop (erf)  }
0x154: {  	v45 =	vpop (erf)  }
0x155: {  	v39 =	vadd.f32 v54, v53;
	v0 =	vadd.f32 v55, v0;
	v46 =	vpop (erf)  }
0x156: {  	v34 =	vadd.f32 v58, v57;
	v32 =	vadd.f32 v61, v60;
	v47 =	vpop (erf)  }
0x157: {  	v28 =	vadd.f32 v28, v63;
	v29 =	vadd.f32 v29, v30;
	v48 =	vpop (erf)  }
0x158: {  	v49 =	vadd.f32 v46, v45;
	v30 =	vpop (erf);
	v35 =	vadd.f32 v48, v47  }
0x159: {  	v0 =	vadd.f32 v0, v39;
	v32 =	vadd.f32 v32, v34;
	v50 =	vpop (erf)  }
0x15a: {  	v28 =	vadd.f32 v29, v28;
	v51 =	vpop (erf);
	v29 =	vadd.f32 v35, v49  }
0x15b: {  	v0 =	vadd.f32 v32, v0;
	v53 =	vadd.f32 v50, v40;
	v52 =	vpop (erf)  }
0x15c: {  	v33 =	vadd.f32 v52, v51;
	v28 =	vadd.f32 v29, v28;
	_ =	sdelay $0x1  }
0x15d: {  	v29 =	vadd.f32 v33, v53;
	v0 =	vadd.f32 v28, v0;
	_ =	sdelay $0x1  }
0x15e: {  	v0 =	vadd.f32 v0, v29;
	_ =	sdelay $0x1  }
0x15f: {  	v28 =	vand.u32 $0x7FFFFF, v0  }
0x160: {  	v28 =	vor.u32 $0x3F800000, v28  }
0x161: {  	v29 =	vmul.f32 $5.000000000e-01, v28  }
0x162: {  	vm0 =	vgt.f32 v28, $1.414213540e+00  }
0x163: {  	v28 =	vsel vm0, v29, v28  }
0x164: {  	v29 =	vadd.f32 $1.000000000e+00, v28;
	_ =	sdelay $0x1  }
0x165: {  	(erf) = vrcp.f32 v29;
	_ =	sdelay $0x7  }
0x166: {  	v28 =	vadd.f32 $-1.000000000e+00, v28  }
0x167: {  	v29 =	vpop (erf)  }
0x168: {  	v28 =	vmul.f32 v29, v28  }
0x169: {  	s26 =	sadd.s32 $0x10, s26  }
0x16a: {  	v54 =	vld [tilespmem:s26+$0x0];
	v29 =	vmul.f32 v28, v28;
	_ =	sdelay $0x1  }
0x16b: {  	v55 =	vmul.f32 $1.428571490e-01, v29;
	_ =	sdelay $0x1  }
0x16c: {  	v56 =	vmov s25;
	v33 =	vadd.f32 $2.000000030e-01, v55  }
0x16d: {  	v57 =	vor.u32 s25, v1;
	v58 =	vshll.u32 v54, $0x9;
	v34 =	vshll.u32 v56, $0x3  }
0x16e: {  	v34 =	vand.u32 $0xC00, v34;
	v35 =	vand.u32 $0x7F, v57;
	v33 =	vmul.f32 v33, v29  }
0x16f: {  	v59 =	vand.u32 $0xFFFFF000, v58;
	v32 =	vshll.u32 v54, $0x7;
	v34 =	vor.u32 v34, v35  }
0x170: {  	v32 =	vand.u32 $0x380, v32;
	v34 =	vor.u32 v59, v34;
	v33 =	vadd.f32 $3.333333430e-01, v33  }
0x171: {  	v32 =	vor.u32 v32, v34  }
0x172: {  	v0 =	vshra.s32 v0, $0x17;
	v60 =	vsel vm0, $0xFFFFFF82, v2;
	v29 =	vmul.f32 v33, v29  }
0x173: {  	v0 =	vadd.s32 v0, v60  }
0x174: {  	v0 =	vcvt.s32.f32 v0;
	v28 =	vadd.f32 v28, v28;
	v29 =	vadd.f32 $1.000000000e+00, v29;
	_ =	sdelay $0x1  }
0x175: {  	v0 =	vmul.f32 $6.931471820e-01, v0;
	v28 =	vmul.f32 v29, v28  }
0x176: {  	v29 =	vld.idx.msk [tilespmem:v32+s2+$0x0], $0xffff  }
0x177: {  	v0 =	vadd.f32 v28, v0;
	_ =	sdelay $0x1  }
0x178: {  	v0 =	vadd.f32 v0, v31;
	_ =	sdelay $0x1  }
0x179: {  	v0 =	vsub.f32 v0, v29;
	_ =	sdelay $0x1  }
0x17a: {  	v28 =	vsub.f32 $0.0e+00, v0;
	_ =	sdelay $0x1  }
0x17b: {  	v28 =	vmul.f32 $1.442695020e+00, v28;
	_ =	sdelay $0x1  }
0x17c: {  	(erf) = vpow2.f32 v28;
	_ =	sdelay $0x7  }
0x17d: {  	s24 =	sadd.s32 $0x10, s24  }
0x17e: {  	v28 =	vld [tilespmem:s24+$0x0];
	s24 =	sadd.s32 $0x10, s24;
	v31 =	vpop (erf)  }
0x17f: {  	v30 =	vsub.f32 $1.000000000e+00, v30;
	v29 =	vld [tilespmem:s24+$0x0];
	_ =	swait.ge [sflag:s0], $0x1800  }
0x180: {  	[sflag:s0] =	ssyncset.done $0x0  }
0x181: {  	v19 =	vadd.f32 v26, v19;
	v26 =	vmul.f32 $2.500000000e-01, v30;
	[sflag:s0] =	ssyncadd.s32 $0xFFFFE800  }
0x182: {  	v18 =	vadd.f32 v27, v18;
	v16 =	vadd.f32 v20, v16;
	_ =	swait.ge [sflag:s0], $0x1800  }
0x183: {  	v17 =	vadd.f32 v24, v17;
	v14 =	vadd.f32 v21, v14;
	v20 =	vmul.f32 v26, v30;
	[sflag:s0] =	ssyncset.done $0x0  }
0x184: {  	v15 =	vadd.f32 v22, v15;
	v12 =	vadd.f32 v23, v12;
	s24 =	simm.s32 $0x0;
	[sflag:s0] =	ssyncadd.s32 $0xFFFFE800  }
0x185: {  	v13 =	vadd.f32 v25, v13;
	v3 =	vmul.f32 v20, v3;
	v32 =	vimm.f32 $0.0e+00;
	s26 =	sand.u32 $0xFFFFFE00, s24;
	_ =	swait.ge [sflag:s0], $0x200  }
0x186: {  	s25 =	sadd.s32 $0x0, s26;
	vm1 =	veq.s32 v28, $0x0;
	vm2 =	veq.s32 v28, $0x1;
	vm3 =	veq.s32 v28, $0x2;
	[sflag:s0] =	ssyncset.done $0x0  }
0x187: {  	s30 =	sor.u32 $0x1180, s25;
	vm4 =	veq.s32 v28, $0x3;
	vm0 =	veq.s32 v28, $0x7;
	vm5 =	veq.s32 v28, $0x4;
	[sflag:s0] =	ssyncadd.s32 $0xFFFFFE00  }
0x188: {  	vm6 =	veq.s32 v28, $0x5;
	vm7 =	veq.s32 v28, $0x6;
	v22 =	vnsel vm0, $0x0, v3;
	v20 =	vld [tilespmem:s30+$0x3000]  }
0x189: {  	s28 =	sor.u32 $0x180, s25;
	v24 =	vnsel vm1, $0x0, v3;
	v26 =	vnsel vm3, $0x0, v3;
	v27 =	vnsel vm4, $0x0, v3;
	v21 =	vld [tilespmem:s30+$0x4800]  }
0x18a: {  	v30 =	vnsel vm5, $0x0, v3;
	v61 =	vnsel vm6, $0x0, v3;
	v45 =	vsel vm1, $0x3F800000, v62;
	v23 =	vld [tilespmem:s28+$0x3000]  }
0x18b: {  	s31 =	simm.s32 $0x0;
	s25 =	sor.u32 $0x980, s25;
	v46 =	vsel vm2, $0x3F800000, v62;
	v47 =	vsel vm3, $0x3F800000, v62;
	v49 =	vsel vm4, $0x3F800000, v62;
	v25 =	vld [tilespmem:s28+$0x4800]  }
0x18c: {  	s24 =	sand.u32 $0x600, s24;
	s26 =	sand.u32 $0x70, s31;
	v53 =	vsel vm0, $0x3F800000, v62;
	v9 =	vadd.f32 v27, v9;
	v27 =	vsub.f32 $1.000000000e+00, v31;
	v28 =	vld [tilespmem:s25+$0x3000]  }
0x18d: {  	s24 =	sor.u32 s26, s24;
	v22 =	vadd.f32 v22, v4;
	v4 =	vnsel vm2, $0x0, v3;
	v3 =	vnsel vm7, $0x0, v3;
	v63 =	vld [tilespmem:s25+$0x4800]  }
0x18e: {  	vm4 =	veq.s32 v29, $0x3;
	v10 =	vadd.f32 v3, v10;
	v3 =	vmul.f32 $2.500000000e-01, v27;
	v48 =	vld [tilespmem:s24+$0x4000]  }
0x18f: {  	vm0 =	veq.s32 v29, $0x7;
	v24 =	vadd.f32 v24, v5;
	v5 =	vsel vm6, $0x3F800000, v62;
	v50 =	vld [tilespmem:s24+$0x5800]  }
0x190: {  	v8 =	vadd.f32 v26, v8;
	v5 =	vadd.f32 v5, v15;
	v15 =	vmul.f32 v3, v27;
	v26 =	vld [tilespmem:s24+$0x4080]  }
0x191: {  	vm3 =	veq.s32 v29, $0x4;
	vm1 =	veq.s32 v29, $0x6;
	v7 =	vadd.f32 v30, v7;
	v30 =	vld [tilespmem:s24+$0x5880]  }
0x192: {  	v6 =	vadd.f32 v61, v6;
	v18 =	vadd.f32 v45, v18;
	v0 =	vmul.f32 v15, v0;
	v52 =	vld [tilespmem:s24+$0x3000]  }
0x193: {  	v11 =	vadd.f32 v4, v11;
	v4 =	vsel vm5, $0x3F800000, v62;
	v31 =	vsel vm7, $0x3F800000, v62;
	v54 =	vld [tilespmem:s24+$0x4800]  }
0x194: {  	v14 =	vadd.f32 v4, v14;
	v4 =	vadd.f32 v31, v12;
	v31 =	vnsel vm0, $0x0, v0;
	v27 =	vld [tilespmem:s24+$0x3800]  }
0x195: {  	v19 =	vadd.f32 v46, v19;
	vm7 =	veq.s32 v29, $0x0;
	v12 =	vld [tilespmem:s24+$0x5000];
	v1 =	vadd.f32 v31, v22  }
0x196: {  	v16 =	vadd.f32 v47, v16;
	v3 =	vadd.f32 v53, v13;
	v56 =	vnsel vm7, $0x0, v0;
	v13 =	vld [tilespmem:s24+$0x3080]  }
0x197: {  	v17 =	vadd.f32 v49, v17;
	vm6 =	veq.s32 v29, $0x1;
	v15 =	vld [tilespmem:s24+$0x4880];
	[tilespmem:$0x1FEE0] =	vst v1;
	v1 =	vadd.f32 v56, v24  }
0x198: {  	vm2 =	veq.s32 v29, $0x5;
	vm5 =	veq.s32 v29, $0x2;
	v29 =	vnsel vm6, $0x0, v0;
	v55 =	vld [tilespmem:s24+$0x3880]  }
0x199: {  	v61 =	vsel vm6, $0x3F800000, v62;
	v57 =	vnsel vm4, $0x0, v0;
	v22 =	vld [tilespmem:s24+$0x5080];
	[tilespmem:$0x1FEF0] =	vst v1;
	v1 =	vadd.f32 v29, v11  }
0x19a: {  	v59 =	vnsel vm3, $0x0, v0;
	v51 =	vld [tilespmem:s24+$0x4100];
	v20 =	vsub.f32 v20, v21;
	v23 =	vsub.f32 v23, v25  }
0x19b: {  	v31 =	vnsel vm5, $0x0, v0;
	v58 =	vld [tilespmem:s24+$0x3100];
	v25 =	vsub.f32 v48, v50;
	v28 =	vsub.f32 v28, v63  }
0x19c: {  	v24 =	vnsel vm2, $0x0, v0;
	v11 =	vld [tilespmem:s24+$0x4900];
	v34 =	vsub.f32 v52, v54;
	v26 =	vsub.f32 v26, v30  }
0x19d: {  	v0 =	vnsel vm1, $0x0, v0;
	v29 =	vld [tilespmem:s24+$0x5100];
	v12 =	vsub.f32 v27, v12;
	v13 =	vsub.f32 v13, v15  }
0x19e: {  	v21 =	vld [tilespmem:s24+$0x3900];
	v15 =	vsub.f32 v55, v22;
	v22 =	vmul.f32 v23, v23;
	v23 =	vmul.f32 v25, v25  }
0x19f: {  	v30 =	vld [tilespmem:s24+$0x5900];
	[tilespmem:$0x1FF00] =	vst v1;
	v1 =	vadd.f32 v31, v8;
	v25 =	vmul.f32 v28, v28;
	v27 =	vmul.f32 v34, v34  }
0x1a0: {  	v0 =	vadd.f32 v0, v10;
	v12 =	vmul.f32 v12, v12;
	v13 =	vmul.f32 v13, v13  }
0x1a1: {  	v15 =	vmul.f32 v15, v15;
	[tilespmem:$0x1FF10] =	vst v1;
	v1 =	vadd.f32 v57, v9;
	v11 =	vsub.f32 v58, v11  }
0x1a2: {  	v20 =	vmul.f32 v20, v20;
	v22 =	vadd.f32 v25, v22;
	v12 =	vadd.f32 v12, v27  }
0x1a3: {  	v13 =	vadd.f32 v15, v13;
	v15 =	vmul.f32 v26, v26;
	v21 =	vsub.f32 v21, v29  }
0x1a4: {  	v60 =	vsel vm7, $0x3F800000, v62;
	v28 =	vsub.f32 v51, v30;
	[tilespmem:$0x1FF20] =	vst v1;
	v1 =	vadd.f32 v59, v7  }
0x1a5: {  	v11 =	vmul.f32 v11, v11;
	v20 =	vadd.f32 v20, v22;
	v25 =	vadd.f32 v15, v13  }
0x1a6: {  	v22 =	vsel vm5, $0x3F800000, v62;
	v23 =	vadd.f32 v23, v12;
	v21 =	vmul.f32 v21, v21  }
0x1a7: {  	v12 =	vsel vm4, $0x3F800000, v62;
	[tilespmem:$0x1FF30] =	vst v1;
	v1 =	vadd.f32 v24, v6;
	v13 =	vmax.f32 v25, $1.000000000e-30  }
0x1a8: {  	v15 =	vmax.f32 v20, $1.000000000e-30;
	v11 =	vadd.f32 v21, v11;
	v21 =	vmul.f32 v28, v28  }
0x1a9: {  	v26 =	vshra.s32 v15, $0x1;
	v15 =	vmul.f32 $5.000000000e-01, v15;
	v28 =	vshra.s32 v13, $0x1  }
0x1aa: {  	v13 =	vmul.f32 $5.000000000e-01, v13;
	[tilespmem:$0x1FF40] =	vst v1;
	v1 =	vadd.f32 v60, v18;
	v28 =	vsub.s32 $0x5F3759DF, v28  }
0x1ab: {  	v26 =	vsub.s32 $0x5F3759DF, v26;
	v8 =	vadd.f32 v21, v11;
	v11 =	vmax.f32 v23, $1.000000000e-30  }
0x1ac: {  	v9 =	vmul.f32 v28, v13;
	[tilespmem:$0x1FF60] =	vst v1;
	v1 =	vadd.f32 v61, v19;
	v27 =	vshra.s32 v11, $0x1  }
0x1ad: {  	v11 =	vmul.f32 $5.000000000e-01, v11;
	v21 =	vmax.f32 v8, $1.000000000e-30;
	v27 =	vsub.s32 $0x5F3759DF, v27  }
0x1ae: {  	v6 =	vmul.f32 v28, v9;
	v29 =	vshra.s32 v21, $0x1;
	v21 =	vmul.f32 $5.000000000e-01, v21  }
0x1af: {  	[tilespmem:$0x1FF70] =	vst v1;
	v1 =	vadd.f32 v22, v16;
	v30 =	vmul.f32 v27, v11;
	v29 =	vsub.s32 $0x5F3759DF, v29  }
0x1b0: {  	v24 =	vsel vm3, $0x3F800000, v62;
	v31 =	vmul.f32 v26, v15;
	v63 =	vmul.f32 v29, v21  }
0x1b1: {  	v6 =	vsub.f32 $1.500000000e+00, v6;
	[tilespmem:$0x1FF80] =	vst v1;
	v1 =	vadd.f32 v12, v17;
	v7 =	vmul.f32 v27, v30  }
0x1b2: {  	v17 =	vsel vm1, $0x3F800000, v62;
	v30 =	vmul.f32 v26, v31;
	v9 =	vmul.f32 v29, v63  }
0x1b3: {  	v6 =	vmul.f32 v28, v6;
	[tilespmem:$0x1FF90] =	vst v1;
	v1 =	vadd.f32 v24, v14;
	v7 =	vsub.f32 $1.500000000e+00, v7  }
0x1b4: {  	v31 =	vsel vm2, $0x3F800000, v62;
	v30 =	vsub.f32 $1.500000000e+00, v30;
	v9 =	vsub.f32 $1.500000000e+00, v9  }
0x1b5: {  	s31 =	simm.s32 $0x0;
	[tilespmem:$0x1FF50] =	vst v0;
	s24 =	simm.s32 $0x40;
	v28 =	vimm.f32 $0.0e+00;
	v16 =	vmul.f32 v6, v13;
	v0 =	vmul.f32 v27, v7  }
0x1b6: {  	s30 =	sand.u32 $0xFFFFFE00, s24;
	v24 =	vld [tilespmem:s31+$0x13400];
	[tilespmem:$0x1FFA0] =	vst v1;
	v1 =	vadd.f32 v31, v5;
	v7 =	vmul.f32 v26, v30;
	v9 =	vmul.f32 v29, v9  }
0x1b7: {  	s25 =	sadd.s32 $0x10, s30;
	v31 =	vimm.f32 $0.0e+00;
	v30 =	vimm.f32 $0.0e+00;
	v10 =	vmul.f32 v0, v11  }
0x1b8: {  	s28 =	sor.u32 $0x1180, s25;
	v26 =	vimm.f32 $0.0e+00;
	v18 =	vmul.f32 v7, v15;
	v19 =	vmul.f32 v9, v21  }
0x1b9: {  	v5 =	vld [tilespmem:s28+$0x3000];
	v27 =	vimm.f32 $0.0e+00;
	v14 =	vmul.f32 v16, v6;
	v10 =	vmul.f32 v10, v0  }
0x1ba: {  	[tilespmem:$0x1FFB0] =	vst v1;
	v1 =	vadd.f32 v17, v4;
	v4 =	vld [tilespmem:s28+$0x4800];
	s28 =	simm.s32 $0x10;
	v12 =	vmul.f32 v18, v7;
	v16 =	vmul.f32 v19, v9  }
0x1bb: {  	s30 =	sor.u32 $0x180, s25;
	s31 =	sand.u32 $0x70, s28;
	s28 =	sand.u32 $0x600, s24;
	vm1 =	veq.s32 v24, $0x0;
	v14 =	vsub.f32 $1.500000000e+00, v14;
	v10 =	vsub.f32 $1.500000000e+00, v10  }
0x1bc: {  	v17 =	vld [tilespmem:s30+$0x3000];
	vm4 =	veq.s32 v24, $0x1;
	s29 =	sor.u32 s31, s28;
	v12 =	vsub.f32 $1.500000000e+00, v12;
	v16 =	vsub.f32 $1.500000000e+00, v16  }
0x1bd: {  	vm2 =	veq.s32 v24, $0x2;
	v33 =	vld [tilespmem:s29+$0x3000];
	v6 =	vmul.f32 v14, v6;
	v0 =	vmul.f32 v10, v0  }
0x1be: {  	vm10 =	veq.s32 v24, $0x3;
	v35 =	vld [tilespmem:s29+$0x3800];
	v7 =	vmul.f32 v12, v7;
	v9 =	vmul.f32 v16, v9  }
0x1bf: {  	vm15 =	veq.s32 v24, $0x5;
	v36 =	vld [tilespmem:s29+$0x3080];
	v13 =	vmul.f32 v6, v13;
	v11 =	vmul.f32 v0, v11  }
0x1c0: {  	vm14 =	veq.s32 v24, $0x6;
	v41 =	vld [tilespmem:s29+$0x4880];
	v12 =	vmul.f32 v7, v15;
	v14 =	vmul.f32 v9, v21  }
0x1c1: {  	vm3 =	veq.s32 v24, $0x7;
	v45 =	vld [tilespmem:s29+$0x3880];
	v13 =	vmul.f32 v13, v6;
	v15 =	vmul.f32 v11, v0  }
0x1c2: {  	v29 =	vimm.f32 $0.0e+00;
	v48 =	vld [tilespmem:s29+$0x5080];
	v16 =	vmul.f32 v12, v7;
	v19 =	vmul.f32 v14, v9  }
0x1c3: {  	v22 =	vsel vm10, $0x3F800000, v62;
	v42 =	vld [tilespmem:s29+$0x3100];
	v21 =	vsub.f32 $1.500000000e+00, v13;
	v15 =	vsub.f32 $1.500000000e+00, v15  }
0x1c4: {  	v18 =	vsel vm0, $0x3F800000, v62;
	v44 =	vld [tilespmem:s29+$0x4900];
	v16 =	vsub.f32 $1.500000000e+00, v16;
	v19 =	vsub.f32 $1.500000000e+00, v19  }
0x1c5: {  	s25 =	sor.u32 $0x980, s25;
	[tilespmem:$0x1FFC0] =	vst v1;
	v1 =	vadd.f32 v18, v3;
	v18 =	vld [tilespmem:s30+$0x4800];
	v6 =	vmul.f32 v21, v6;
	v0 =	vmul.f32 v15, v0  }
0x1c6: {  	v37 =	vsel vm15, $0x3F800000, v62;
	v10 =	vld [tilespmem:s25+$0x3000];
	v16 =	vmul.f32 v16, v7;
	v9 =	vmul.f32 v19, v9  }
0x1c7: {  	v34 =	vsel vm14, $0x3F800000, v62;
	v11 =	vld [tilespmem:s25+$0x4800];
	v6 =	vmul.f32 v6, v25;
	v19 =	vmul.f32 v0, v23  }
0x1c8: {  	v3 =	vimm.f32 $0.0e+00;
	v12 =	vld [tilespmem:s29+$0x4000];
	v16 =	vmul.f32 v16, v20;
	v8 =	vmul.f32 v9, v8  }
0x1c9: {  	vm0 =	veq.s32 v24, $0x4;
	v22 =	vadd.f32 v22, v3;
	v43 =	vsub.f32 v5, v4;
	v13 =	vld [tilespmem:s29+$0x4080]  }
0x1ca: {  	v14 =	vld [tilespmem:s29+$0x5800];
	v21 =	vsel vm2, $0x3F800000, v62;
	v6 =	vadd.f32 v6, v19;
	v8 =	vadd.f32 v16, v8  }
0x1cb: {  	v5 =	vimm.f32 $0.0e+00;
	v47 =	vsub.f32 v17, v18;
	v21 =	vadd.f32 v21, v3;
	v15 =	vld [tilespmem:s29+$0x5880]  }
0x1cc: {  	v25 =	vimm.f32 $0.0e+00;
	v0 =	vld [tilespmem:s29+$0x4800];
	v23 =	vsel vm0, $0x3F800000, v62;
	v8 =	vadd.f32 v8, v6  }
0x1cd: {  	v20 =	vsel vm1, $0x3F800000, v62;
	v23 =	vadd.f32 v23, v3;
	v9 =	vsel vm4, $0x3F800000, v62;
	v16 =	vld [tilespmem:s29+$0x5000]  }
0x1ce: {  	v46 =	vld [tilespmem:s29+$0x3900];
	v19 =	vadd.f32 v20, v3;
	v20 =	vadd.f32 v9, v3;
	v4 =	vnsel vm3, $0x0, v8  }
0x1cf: {  	s26 =	simm.s32 $0xFFFFFE10;
	s28 =	simm.s32 $0x80;
	[tilespmem:$0x1FFD0] =	vst v1;
	s25 =	simm.s32 $0x10;
	v7 =	vld [tilespmem:s29+$0x4100];
	v6 =	vnsel vm1, $0x0, v8;
	v9 =	vnsel vm4, $0x0, v8;
	v24 =	vadd.f32 v4, v3  }
.LBB3_4:
0x1d0: {  	p0 =	sne.s32 s28, $0x7C0;
	v4 =	vsub.f32 v12, v14;
	v12 =	vld [tilespmem:s29+$0x5100];
	v10 =	vsub.f32 v10, v11;
	v11 =	vnsel vm2, $0x0, v8  }
0x1d1: {  	v0 =	vsub.f32 v33, v0;
	v13 =	vsub.f32 v13, v15;
	v15 =	vnsel vm10, $0x0, v8;
	v14 =	vld [tilespmem:s29+$0x5900]  }
0x1d2: {  	v16 =	vsub.f32 v35, v16;
	v17 =	vsub.f32 v36, v41;
	v33 =	vnsel vm0, $0x0, v8  }
0x1d3: {  	v36 =	vmul.f32 v43, v43;
	v18 =	vsub.f32 v45, v48;
	v35 =	vmul.f32 v47, v47  }
0x1d4: {  	v4 =	vmul.f32 v4, v4;
	v10 =	vmul.f32 v10, v10;
	v38 =	vsub.f32 v42, v44  }
0x1d5: {  	v0 =	vmul.f32 v0, v0;
	v16 =	vmul.f32 v16, v16;
	v12 =	vsub.f32 v46, v12  }
0x1d6: {  	v17 =	vmul.f32 v17, v17;
	v18 =	vmul.f32 v18, v18;
	v7 =	vsub.f32 v7, v14  }
0x1d7: {  	v10 =	vadd.f32 v10, v35;
	v14 =	vmul.f32 v38, v38;
	v12 =	vmul.f32 v12, v12  }
0x1d8: {  	v13 =	vmul.f32 v13, v13;
	v0 =	vadd.f32 v16, v0;
	v17 =	vadd.f32 v18, v17  }
0x1d9: {  	v16 =	vadd.f32 v36, v10;
	v7 =	vmul.f32 v7, v7;
	v12 =	vadd.f32 v12, v14  }
0x1da: {  	v18 =	vadd.f32 v4, v0;
	v0 =	vnsel vm15, $0x0, v8;
	v4 =	vadd.f32 v13, v17  }
0x1db: {  	v17 =	vadd.f32 v7, v12;
	v7 =	vnsel vm14, $0x0, v8;
	v8 =	vsel vm3, $0x3F800000, v62  }
0x1dc: {  	v10 =	vmax.f32 v18, $1.000000000e-30;
	v13 =	vmax.f32 v16, $1.000000000e-30;
	v12 =	vmax.f32 v4, $1.000000000e-30  }
0x1dd: {  	v35 =	vshra.s32 v13, $0x1;
	v13 =	vmul.f32 $5.000000000e-01, v13;
	v14 =	vmax.f32 v17, $1.000000000e-30  }
0x1de: {  	v36 =	vshra.s32 v10, $0x1;
	v38 =	vmul.f32 $5.000000000e-01, v10;
	v10 =	vshra.s32 v12, $0x1  }
0x1df: {  	v39 =	vmul.f32 $5.000000000e-01, v12;
	v12 =	vshra.s32 v14, $0x1;
	v14 =	vmul.f32 $5.000000000e-01, v14  }
0x1e0: {  	v36 =	vsub.s32 $0x5F3759DF, v36;
	v35 =	vsub.s32 $0x5F3759DF, v35;
	v10 =	vsub.s32 $0x5F3759DF, v10  }
0x1e1: {  	v40 =	vmul.f32 v36, v38;
	v41 =	vmul.f32 v35, v13;
	v12 =	vsub.s32 $0x5F3759DF, v12  }
0x1e2: {  	v3 =	vadd.f32 v6, v3;
	v42 =	vmul.f32 v10, v39;
	v43 =	vmul.f32 v12, v14  }
0x1e3: {  	v32 =	vadd.f32 v9, v32;
	v6 =	vmul.f32 v36, v40;
	v40 =	vmul.f32 v35, v41  }
0x1e4: {  	v31 =	vadd.f32 v11, v31;
	v9 =	vmul.f32 v10, v42;
	v41 =	vmul.f32 v12, v43  }
0x1e5: {  	v6 =	vsub.f32 $1.500000000e+00, v6;
	v11 =	vsub.f32 $1.500000000e+00, v40  }
0x1e6: {  	v9 =	vsub.f32 $1.500000000e+00, v9;
	v40 =	vsub.f32 $1.500000000e+00, v41  }
0x1e7: {  	v30 =	vadd.f32 v15, v30;
	v6 =	vmul.f32 v36, v6;
	v11 =	vmul.f32 v35, v11  }
0x1e8: {  	v29 =	vadd.f32 v33, v29;
	v9 =	vmul.f32 v10, v9;
	v12 =	vmul.f32 v12, v40  }
0x1e9: {  	s25 =	sadd.s32 $0x10, s25;
	s29 =	sand.u32 $0xFFFFFE00, s28;
	v28 =	vadd.f32 v0, v28;
	v15 =	vmul.f32 v11, v13;
	v10 =	vmul.f32 v6, v38  }
0x1ea: {  	s30 =	sshra.s32 s24, $0x2;
	s24 =	smov.u32 s28;
	s29 =	sadd.s32 s29, s25;
	v26 =	vadd.f32 v7, v26;
	v0 =	vmul.f32 v9, v39;
	v33 =	vmul.f32 v12, v14  }
0x1eb: {  	v27 =	vadd.f32 v37, v27;
	s31 =	sor.u32 $0x1180, s29;
	v7 =	vmul.f32 v10, v6;
	v10 =	vmul.f32 v15, v11;
	v40 =	vld [tilespmem:s30+$0x13400]  }
0x1ec: {  	v5 =	vadd.f32 v34, v5;
	v0 =	vmul.f32 v0, v9;
	v15 =	vmul.f32 v33, v12;
	v43 =	vld [tilespmem:s31+$0x3000]  }
0x1ed: {  	v7 =	vsub.f32 $1.500000000e+00, v7;
	v10 =	vsub.f32 $1.500000000e+00, v10;
	s30 =	sor.u32 $0x180, s29;
	v46 =	vld [tilespmem:s31+$0x4800]  }
0x1ee: {  	s26 =	sadd.s32 $0x10, s26;
	v0 =	vsub.f32 $1.500000000e+00, v0;
	v15 =	vsub.f32 $1.500000000e+00, v15;
	v47 =	vld [tilespmem:s30+$0x3000]  }
0x1ef: {  	v25 =	vadd.f32 v8, v25;
	v6 =	vmul.f32 v7, v6;
	v34 =	vmul.f32 v10, v11;
	s31 =	sadd.s32 $0x200, s26;
	v49 =	vld [tilespmem:s30+$0x4800];
	s30 =	sor.u32 $0x980, s29  }
0x1f0: {  	v8 =	vmul.f32 v0, v9;
	v9 =	vmul.f32 v15, v12;
	s29 =	sand.u32 $0x70, s31;
	s31 =	sand.u32 $0x600, s28;
	v10 =	vld [tilespmem:s30+$0x3000];
	vm1 =	veq.s32 v40, $0x0  }
0x1f1: {  	v0 =	vmul.f32 v6, v38;
	v7 =	vmul.f32 v34, v13;
	s29 =	sor.u32 s29, s31;
	vm4 =	veq.s32 v40, $0x1;
	v11 =	vld [tilespmem:s30+$0x4800]  }
0x1f2: {  	v15 =	vmul.f32 v8, v39;
	v33 =	vmul.f32 v9, v14;
	vm2 =	veq.s32 v40, $0x2;
	v12 =	vld [tilespmem:s29+$0x4000]  }
0x1f3: {  	v0 =	vmul.f32 v0, v6;
	v7 =	vmul.f32 v7, v34;
	vm10 =	veq.s32 v40, $0x3;
	v14 =	vld [tilespmem:s29+$0x5800]  }
0x1f4: {  	v35 =	vmul.f32 v15, v8;
	vm0 =	veq.s32 v40, $0x4;
	v33 =	vmul.f32 v33, v9;
	v13 =	vld [tilespmem:s29+$0x4080]  }
0x1f5: {  	v0 =	vsub.f32 $1.500000000e+00, v0;
	v36 =	vsub.f32 $1.500000000e+00, v7;
	vm15 =	veq.s32 v40, $0x5;
	v15 =	vld [tilespmem:s29+$0x5880]  }
0x1f6: {  	vm14 =	veq.s32 v40, $0x6;
	v35 =	vsub.f32 $1.500000000e+00, v35;
	v37 =	vsub.f32 $1.500000000e+00, v33;
	v7 =	vld [tilespmem:s29+$0x4100]  }
0x1f7: {  	v38 =	vsel vm1, $0x3F800000, v62;
	v6 =	vmul.f32 v0, v6;
	v34 =	vmul.f32 v36, v34;
	v33 =	vld [tilespmem:s29+$0x3000]  }
0x1f8: {  	v39 =	vsel vm4, $0x3F800000, v62;
	v8 =	vmul.f32 v35, v8;
	v9 =	vmul.f32 v37, v9;
	v0 =	vld [tilespmem:s29+$0x4800]  }
0x1f9: {  	v42 =	vsel vm2, $0x3F800000, v62;
	v6 =	vmul.f32 v6, v18;
	v18 =	vmul.f32 v34, v16;
	v35 =	vld [tilespmem:s29+$0x3800]  }
0x1fa: {  	v4 =	vmul.f32 v8, v4;
	v8 =	vmul.f32 v9, v17;
	v9 =	vsel vm10, $0x3F800000, v62;
	v16 =	vld [tilespmem:s29+$0x5000]  }
0x1fb: {  	v34 =	vsel vm14, $0x3F800000, v62;
	v37 =	vsel vm15, $0x3F800000, v62;
	v17 =	vsel vm0, $0x3F800000, v62;
	v36 =	vld [tilespmem:s29+$0x3080]  }
0x1fc: {  	v4 =	vadd.f32 v4, v6;
	v6 =	vadd.f32 v18, v8;
	v41 =	vld [tilespmem:s29+$0x4880]  }
.Ltmp1:
0x1fd: {  	v19 =	vadd.f32 v38, v19;
	v20 =	vadd.f32 v39, v20;
	v45 =	vld [tilespmem:s29+$0x3880];
	(pc) =	sbr.rel @p0 .LBB3_4-.Ltmp1, $4  }
0x1fe: {  	v21 =	vadd.f32 v42, v21;
	v8 =	vadd.f32 v6, v4;
	v48 =	vld [tilespmem:s29+$0x5080]  }
0x1ff: {  	vm3 =	veq.s32 v40, $0x7;
	v22 =	vadd.f32 v9, v22;
	v23 =	vadd.f32 v17, v23;
	v42 =	vld [tilespmem:s29+$0x3100]  }
0x200: {  	v43 =	vsub.f32 v43, v46;
	v6 =	vnsel vm1, $0x0, v8;
	v4 =	vnsel vm3, $0x0, v8;
	v44 =	vld [tilespmem:s29+$0x4900]  }
0x201: {  	s28 =	sadd.s32 $0x40, s28;
	v47 =	vsub.f32 v47, v49;
	v9 =	vnsel vm4, $0x0, v8;
	v24 =	vadd.f32 v4, v24;
	v46 =	vld [tilespmem:s29+$0x3900]  }
0x202: {  	v49 =	vld [tilespmem:s29+$0x5100]  }
0x203: {  	v50 =	vld [tilespmem:s29+$0x5900];
	s24 =	sshra.s32 s24, $0x2  }
0x204: {  	v17 =	vld [tilespmem:s24+$0x13400];
	_ =	swait.ge [sflag:s0], $0x5000  }
0x205: {  	[sflag:s0] =	ssyncset.done $0x0  }
0x206: {  	[sflag:s0] =	ssyncadd.s32 $0xFFFFB000  }
0x207: {  	_ =	swait.ge [sflag:s0], $0x5000  }
0x208: {  	[sflag:s0] =	ssyncset.done $0x0  }
0x209: {  	[sflag:s0] =	ssyncadd.s32 $0xFFFFB000  }
0x20a: {  	v0 =	vsub.f32 v33, v0;
	v16 =	vsub.f32 v35, v16;
	_ =	swait.ge [sflag:s0], $0x2000  }
0x20b: {  	[sflag:s0] =	ssyncset.done $0x0  }
0x20c: {  	v14 =	vsub.f32 v12, v14;
	v0 =	vmul.f32 v0, v0;
	v16 =	vmul.f32 v16, v16;
	[sflag:s0] =	ssyncadd.s32 $0xFFFFE000  }
0x20d: {  	s28 =	simm.s32 $0x0;
	s25 =	simm.s32 $0x0;
	_ =	swait.ge [sflag:s0], $0x200  }
0x20e: {  	s24 =	sand.u32 $0x70, s28;
	s25 =	sand.u32 $0xFFFFFE00, s25;
	v14 =	vmul.f32 v14, v14;
	v0 =	vadd.f32 v16, v0;
	[sflag:s0] =	ssyncset.done $0x0  }
0x20f: {  	s25 =	sor.u32 s24, s25;
	[sflag:s0] =	ssyncadd.s32 $0xFFFFFE00  }
0x210: {  	v54 =	vsub.f32 v45, v48;
	v45 =	vadd.f32 v14, v0;
	v0 =	vld [tilespmem:s25+$0xA880];
	_ =	sdelay $0x1  }
0x211: {  	v53 =	vsub.f32 v36, v41;
	v4 =	vld [tilespmem:s25+$0xA100]  }
0x212: {  	v15 =	vsub.f32 v13, v15;
	v1 =	vld [tilespmem:s25+$0xF100]  }
0x213: {  	v10 =	vsub.f32 v10, v11;
	v33 =	vmul.f32 v53, v53;
	v35 =	vmul.f32 v54, v54;
	v41 =	vld [tilespmem:s25+$0xF080]  }
0x214: {  	v56 =	vmul.f32 v47, v47;
	[tilespmem:$0x1FD50] =	vst v0;
	v0 =	vld [tilespmem:s25+$0xF880]  }
0x215: {  	v55 =	vmul.f32 v15, v15;
	v57 =	vmul.f32 v10, v10;
	v16 =	vadd.f32 v35, v33;
	v40 =	vld [tilespmem:s25+$0xA800]  }
0x216: {  	v44 =	vsub.f32 v42, v44;
	v58 =	vsub.f32 v46, v49;
	v39 =	vld [tilespmem:s25+$0xF800]  }
0x217: {  	v35 =	vadd.f32 v57, v56;
	v14 =	vmul.f32 v43, v43;
	v16 =	vadd.f32 v55, v16;
	v43 =	vld [tilespmem:s25+$0x6100]  }
0x218: {  	v44 =	vmul.f32 v44, v44;
	v33 =	vmul.f32 v58, v58;
	v48 =	vld [tilespmem:s25+$0xB100]  }
0x219: {  	v14 =	vadd.f32 v14, v35;
	v59 =	vmax.f32 v16, $1.000000000e-30;
	v52 =	vld [tilespmem:s25+$0x7100];
	[tilespmem:$0x1FD60] =	vst v0;
	v0 =	vmax.f32 v45, $1.000000000e-30  }
0x21a: {  	v61 =	vshra.s32 v59, $0x1;
	[tilespmem:$0x1FCF0] =	vst v1;
	v1 =	vld [tilespmem:s25+$0xA900];
	v60 =	vshra.s32 v0, $0x1;
	v47 =	vmul.f32 $5.000000000e-01, v0  }
0x21b: {  	v36 =	vmul.f32 $5.000000000e-01, v59;
	v53 =	vmax.f32 v14, $1.000000000e-30;
	v54 =	vld [tilespmem:s25+$0xC100];
	v46 =	vsub.s32 $0x5F3759DF, v60  }
0x21c: {  	v62 =	vsub.s32 $0x5F3759DF, v61;
	v55 =	vshra.s32 v53, $0x1;
	v56 =	vld [tilespmem:s25+$0x7900];
	v63 =	vmul.f32 v46, v47  }
0x21d: {  	v33 =	vadd.f32 v33, v44;
	v38 =	vmul.f32 v62, v36;
	v44 =	vsub.s32 $0x5F3759DF, v55;
	v55 =	vld [tilespmem:s25+$0xC900]  }
0x21e: {  	v58 =	vld [tilespmem:s25+$0x8100];
	v49 =	vmul.f32 v46, v63  }
0x21f: {  	v7 =	vsub.f32 v7, v50;
	v53 =	vmul.f32 $5.000000000e-01, v53;
	v50 =	vmul.f32 v62, v38;
	[tilespmem:$0x1FD00] =	vst v1;
	v1 =	vld [tilespmem:s25+$0xF900]  }
0x220: {  	v18 =	vld [tilespmem:s25+$0xE900];
	v49 =	vsub.f32 $1.500000000e+00, v49  }
0x221: {  	v7 =	vmul.f32 v7, v7;
	v57 =	vmul.f32 v44, v53;
	v15 =	vld [tilespmem:s25+$0x6000];
	v50 =	vsub.f32 $1.500000000e+00, v50  }
0x222: {  	v13 =	vld [tilespmem:s25+$0xB000];
	v46 =	vmul.f32 v46, v49  }
0x223: {  	v59 =	vadd.f32 v7, v33;
	v7 =	vmul.f32 v44, v57;
	v33 =	vmul.f32 v62, v50;
	v0 =	vld [tilespmem:s25+$0x6900]  }
0x224: {  	v2 =	vadd.f32 v6, v3;
	v32 =	vadd.f32 v9, v32;
	[tilespmem:$0x1FD10] =	vst v1;
	v1 =	vld [tilespmem:s25+$0xA000];
	v42 =	vmul.f32 v46, v47  }
0x225: {  	v12 =	vld [tilespmem:s25+$0x6080];
	v7 =	vsub.f32 $1.500000000e+00, v7;
	v61 =	vmul.f32 v33, v36;
	v60 =	vmax.f32 v59, $1.000000000e-30  }
0x226: {  	v11 =	vld [tilespmem:s25+$0xB080];
	v63 =	vshra.s32 v60, $0x1;
	v60 =	vmul.f32 $5.000000000e-01, v60;
	v35 =	vmul.f32 v42, v46  }
0x227: {  	v10 =	vld [tilespmem:s25+$0xB800];
	v44 =	vmul.f32 v44, v7;
	v61 =	vmul.f32 v61, v33;
	v63 =	vsub.s32 $0x5F3759DF, v63  }
0x228: {  	v6 =	vld [tilespmem:s25+$0xC000];
	v40 =	vsub.f32 v40, v39;
	[tilespmem:$0x1FD70] =	vst v0;
	v0 =	vmul.f32 v63, v60;
	v35 =	vsub.f32 $1.500000000e+00, v35  }
0x229: {  	v43 =	vsub.f32 v43, v48;
	v9 =	vmul.f32 v44, v53;
	v61 =	vsub.f32 $1.500000000e+00, v61;
	[tilespmem:$0x1FD20] =	vst v1;
	v1 =	vld [tilespmem:s25+$0xF000]  }
0x22a: {  	v38 =	vld [tilespmem:s25+$0xE100];
	v0 =	vmul.f32 v63, v0;
	v35 =	vmul.f32 v35, v46;
	v46 =	vnsel vm2, $0x0, v8  }
0x22b: {  	v57 =	vld [tilespmem:s25+$0xD900];
	v9 =	vmul.f32 v9, v44;
	v31 =	vadd.f32 v46, v31;
	v46 =	vmul.f32 v61, v33  }
0x22c: {  	v50 =	vld [tilespmem:s25+$0x8900];
	v0 =	vsub.f32 $1.500000000e+00, v0;
	v61 =	vnsel vm10, $0x0, v8;
	v33 =	vmul.f32 v35, v47  }
0x22d: {  	v62 =	vld [tilespmem:s25+$0x9100];
	v9 =	vsub.f32 $1.500000000e+00, v9;
	v61 =	vadd.f32 v61, v30;
	v30 =	vmul.f32 v46, v36  }
0x22e: {  	v0 =	vmul.f32 v63, v0;
	v63 =	vnsel vm0, $0x0, v8;
	[tilespmem:$0x1FD30] =	vst v1;
	v1 =	vld [tilespmem:s25+$0xA080];
	v33 =	vmul.f32 v33, v35  }
0x22f: {  	v39 =	vld [tilespmem:s25+$0xD000];
	v9 =	vmul.f32 v9, v44;
	v36 =	vadd.f32 v63, v29;
	v29 =	vmul.f32 v30, v46  }
0x230: {  	v48 =	vld [tilespmem:s25+$0x8080];
	v52 =	vsub.f32 v52, v54;
	v44 =	vsub.f32 $1.500000000e+00, v33;
	v33 =	vnsel vm15, $0x0, v8  }
0x231: {  	[tilespmem:$0x1FDE0] =	vst v2;
	v54 =	vld [tilespmem:s25+$0x8800];
	v2 =	vadd.f32 v33, v28;
	v28 =	vmul.f32 v9, v53;
	v29 =	vsub.f32 $1.500000000e+00, v29  }
0x232: {  	v11 =	vsub.f32 v12, v11;
	v49 =	vld [tilespmem:s25+$0xD100];
	v8 =	vnsel vm14, $0x0, v8;
	v44 =	vmul.f32 v44, v35  }
0x233: {  	v12 =	vld [tilespmem:s25+$0x9000];
	[tilespmem:$0x1FD40] =	vst v1;
	v35 =	vadd.f32 v8, v26;
	v8 =	vmul.f32 v29, v46;
	v28 =	vmul.f32 v28, v9  }
0x234: {  	v7 =	vld [tilespmem:s25+$0xB880];
	v1 =	vimm.f32 $0.0e+00;
	[tilespmem:$0x1FE40] =	vst v2;
	v2 =	vadd.f32 v37, v27  }
0x235: {  	v3 =	vld [tilespmem:$0x1FD10];
	v8 =	vmul.f32 v8, v16;
	v16 =	vsub.f32 $1.500000000e+00, v28;
	v28 =	vsel vm3, $0x3F800000, v1  }
0x236: {  	v42 =	vld [tilespmem:s25+$0x9900];
	[tilespmem:$0x1FE70] =	vst v2;
	v2 =	vadd.f32 v28, v25  }
0x237: {  	v49 =	vsub.f32 v58, v49;
	v58 =	vld [tilespmem:s25+$0xD800]  }
0x238: {  	[tilespmem:$0x1FEA0] =	vst v2;
	v2 =	vld [tilespmem:$0x1FCF0]  }
0x239: {  	v47 =	vld [tilespmem:s25+$0x6800]  }
0x23a: {  	v63 =	vmul.f32 v0, v60;
	v30 =	vld [tilespmem:s25+$0x6880]  }
0x23b: {  	v53 =	vld [tilespmem:s25+$0x7000];
	v27 =	vmul.f32 v44, v45  }
0x23c: {  	v63 =	vmul.f32 v63, v0;
	v46 =	vld [tilespmem:s25+$0x7080]  }
0x23d: {  	v26 =	vadd.f32 v8, v27;
	v8 =	vsub.f32 v4, v2;
	v2 =	vld [tilespmem:$0x1FD00]  }
0x23e: {  	v29 =	vsub.f32 $1.500000000e+00, v63;
	v37 =	vld [tilespmem:s25+$0xC080]  }
0x23f: {  	v44 =	vld [tilespmem:s25+$0x7800]  }
0x240: {  	vm11 =	veq.s32 v17, $0x3;
	vm8 =	veq.s32 v17, $0x4;
	v0 =	vmul.f32 v29, v0;
	v29 =	vld [tilespmem:s25+$0x8000]  }
0x241: {  	vm9 =	veq.s32 v17, $0x5;
	vm5 =	veq.s32 v17, $0x6;
	vm4 =	veq.s32 v17, $0x7;
	v25 =	vld [tilespmem:s25+$0xC800]  }
0x242: {  	v40 =	vmul.f32 v40, v40;
	v63 =	vadd.f32 v34, v5;
	v34 =	vsub.f32 v2, v3;
	v2 =	vld [tilespmem:$0x1FD20]  }
0x243: {  	v56 =	vsub.f32 v56, v55;
	v43 =	vmul.f32 v43, v43;
	v11 =	vmul.f32 v11, v11;
	v3 =	vld [tilespmem:$0x1FD30]  }
0x244: {  	v57 =	vsub.f32 v50, v57;
	v38 =	vsub.f32 v62, v38;
	vm2 =	veq.s32 v17, $0x1;
	v27 =	vld [tilespmem:s25+$0x7880]  }
0x245: {  	v10 =	vsub.f32 v47, v10;
	v9 =	vmul.f32 v16, v9;
	v28 =	vmul.f32 v0, v60;
	v60 =	vld [tilespmem:s25+$0xC880]  }
0x246: {  	vm10 =	veq.s32 v17, $0x2;
	v7 =	vsub.f32 v30, v7;
	v30 =	vsub.f32 v46, v37;
	v37 =	vld [tilespmem:s25+$0x9080]  }
0x247: {  	v62 =	vsub.f32 v54, v58;
	v50 =	vmul.f32 v9, v14;
	v9 =	vsub.f32 v15, v13;
	v13 =	vld [tilespmem:s25+$0xD880]  }
0x248: {  	v10 =	vmul.f32 v10, v10;
	v7 =	vmul.f32 v7, v7;
	v45 =	vsub.f32 v2, v3;
	v2 =	vld [tilespmem:$0x1FD40]  }
0x249: {  	v55 =	vsel vm2, $0x3F800000, v1;
	v6 =	vsub.f32 v53, v6;
	v28 =	vmul.f32 v28, v0;
	v15 =	vld [tilespmem:s25+$0xE000]  }
0x24a: {  	vm3 =	veq.s32 v17, $0x0;
	v7 =	vadd.f32 v7, v10;
	v14 =	vsub.f32 v42, v18;
	v42 =	vld [tilespmem:s25+$0xE080]  }
0x24b: {  	v5 =	vsel vm3, $0x3F800000, v1;
	v29 =	vsub.f32 v29, v39;
	v28 =	vsub.f32 $1.500000000e+00, v28;
	v4 =	vld [tilespmem:s25+$0xD080]  }
0x24c: {  	v6 =	vmul.f32 v6, v6;
	v25 =	vsub.f32 v44, v25;
	v27 =	vsub.f32 v27, v60;
	v3 =	vld [tilespmem:$0x1FD60]  }
0x24d: {  	v9 =	vmul.f32 v9, v9;
	v28 =	vmul.f32 v28, v0;
	v41 =	vsub.f32 v2, v41;
	v2 =	vld [tilespmem:$0x1FD50]  }
0x24e: {  	v0 =	vld [tilespmem:s25+$0x8880];
	v25 =	vmul.f32 v25, v25;
	v12 =	vsub.f32 v12, v15;
	v15 =	vmul.f32 v27, v27  }
0x24f: {  	v51 =	vld [tilespmem:s25+$0xB900];
	v18 =	vsel vm10, $0x3F800000, v1;
	v27 =	vmul.f32 v29, v29;
	v28 =	vmul.f32 v28, v59  }
0x250: {  	v33 =	vld [tilespmem:s25+$0xE880];
	v29 =	vsub.f32 v37, v42;
	v8 =	vmul.f32 v8, v8;
	v59 =	vmul.f32 v52, v52  }
0x251: {  	v39 =	vld [tilespmem:s25+$0xE800];
	v52 =	vmul.f32 v57, v57;
	v12 =	vmul.f32 v12, v12;
	v10 =	vadd.f32 v15, v25  }
0x252: {  	v29 =	vmul.f32 v29, v29;
	v4 =	vsub.f32 v48, v4;
	v3 =	vsub.f32 v2, v3;
	v2 =	vld [tilespmem:$0x1FD70]  }
0x253: {  	v60 =	vld [tilespmem:s25+$0x9880];
	v15 =	vmul.f32 v56, v56;
	v0 =	vsub.f32 v0, v13;
	v13 =	vmul.f32 v30, v30  }
0x254: {  	v11 =	vadd.f32 v11, v9;
	v4 =	vmul.f32 v4, v4;
	v44 =	vmul.f32 v45, v45;
	v45 =	vld [tilespmem:s25+$0x9800]  }
0x255: {  	v30 =	vmul.f32 v62, v62;
	v29 =	vadd.f32 v29, v12;
	v0 =	vmul.f32 v0, v0  }
0x256: {  	v34 =	vmul.f32 v34, v34;
	v6 =	vadd.f32 v13, v6;
	v4 =	vadd.f32 v4, v27  }
0x257: {  	v0 =	vadd.f32 v0, v30;
	v30 =	vmul.f32 v49, v49;
	v51 =	vsub.f32 v2, v51  }
0x258: {  	v12 =	vadd.f32 v59, v6;
	v6 =	vmul.f32 v14, v14;
	v3 =	vmul.f32 v3, v3  }
0x259: {  	v45 =	vsub.f32 v45, v39;
	v46 =	vmul.f32 v51, v51;
	v51 =	vsub.f32 v60, v33  }
0x25a: {  	v14 =	vadd.f32 v30, v4;
	v41 =	vmul.f32 v41, v41;
	v3 =	vadd.f32 v3, v40  }
0x25b: {  	v25 =	vadd.f32 v43, v11;
	v9 =	vmul.f32 v45, v45;
	v13 =	vmul.f32 v51, v51  }
0x25c: {  	v53 =	vmax.f32 v14, $1.000000000e-30;
	v41 =	vadd.f32 v41, v44;
	v16 =	vadd.f32 v34, v3  }
0x25d: {  	v3 =	vmul.f32 v38, v38;
	v27 =	vadd.f32 v46, v7;
	v37 =	vadd.f32 v13, v9  }
0x25e: {  	v34 =	vmul.f32 $5.000000000e-01, v53;
	v9 =	vadd.f32 v8, v41;
	v13 =	vadd.f32 v15, v10  }
0x25f: {  	v15 =	vadd.f32 v52, v0;
	v10 =	vadd.f32 v3, v29;
	v3 =	vmax.f32 v25, $1.000000000e-30  }
0x260: {  	v4 =	vmax.f32 v27, $1.000000000e-30;
	v29 =	vmax.f32 v12, $1.000000000e-30;
	v59 =	vshra.s32 v3, $0x1  }
0x261: {  	v43 =	vmul.f32 $5.000000000e-01, v3;
	v3 =	vshra.s32 v4, $0x1;
	v48 =	vmul.f32 $5.000000000e-01, v4  }
0x262: {  	v4 =	vshra.s32 v29, $0x1;
	v11 =	vadd.f32 v6, v37;
	v0 =	vmax.f32 v9, $1.000000000e-30  }
0x263: {  	v6 =	vmax.f32 v16, $1.000000000e-30;
	v30 =	vmax.f32 v13, $1.000000000e-30;
	v54 =	vmax.f32 v15, $1.000000000e-30  }
0x264: {  	v56 =	vmax.f32 v10, $1.000000000e-30;
	v37 =	vmul.f32 $5.000000000e-01, v29;
	v29 =	vshra.s32 v53, $0x1  }
0x265: {  	v44 =	vsub.s32 $0x5F3759DF, v59;
	v3 =	vsub.s32 $0x5F3759DF, v3;
	v4 =	vsub.s32 $0x5F3759DF, v4  }
0x266: {  	v58 =	vshra.s32 v0, $0x1;
	v46 =	vmul.f32 $5.000000000e-01, v0;
	v0 =	vshra.s32 v6, $0x1  }
0x267: {  	v49 =	vmul.f32 $5.000000000e-01, v6;
	v6 =	vshra.s32 v30, $0x1;
	v41 =	vmul.f32 $5.000000000e-01, v30  }
0x268: {  	v60 =	vshra.s32 v54, $0x1;
	v38 =	vmul.f32 $5.000000000e-01, v54;
	v62 =	vshra.s32 v56, $0x1  }
0x269: {  	v40 =	vmul.f32 $5.000000000e-01, v56;
	v52 =	vmul.f32 v44, v43;
	v29 =	vsub.s32 $0x5F3759DF, v29  }
0x26a: {  	v54 =	vmul.f32 v3, v48;
	v57 =	vmax.f32 v11, $1.000000000e-30;
	v42 =	vsub.s32 $0x5F3759DF, v58  }
0x26b: {  	v0 =	vsub.s32 $0x5F3759DF, v0;
	v6 =	vsub.s32 $0x5F3759DF, v6;
	v56 =	vmul.f32 v4, v37  }
0x26c: {  	v47 =	vsub.s32 $0x5F3759DF, v60;
	v58 =	vmul.f32 v29, v34;
	v30 =	vmul.f32 $5.000000000e-01, v57  }
0x26d: {  	v51 =	vsub.s32 $0x5F3759DF, v62;
	v45 =	vmul.f32 v42, v46;
	v53 =	vmul.f32 v0, v49  }
0x26e: {  	v39 =	vshra.s32 v57, $0x1;
	v57 =	vmul.f32 v6, v41;
	v59 =	vmul.f32 v47, v38  }
0x26f: {  	v2 =	vadd.f32 v5, v19;
	v33 =	vmul.f32 v51, v40;
	v52 =	vmul.f32 v44, v52  }
0x270: {  	v5 =	vmul.f32 v3, v54;
	v39 =	vsub.s32 $0x5F3759DF, v39;
	v19 =	vmul.f32 v4, v56  }
0x271: {  	v50 =	vadd.f32 v50, v28;
	v56 =	vmul.f32 v29, v58;
	v28 =	vmul.f32 v39, v30  }
0x272: {  	[tilespmem:$0x1FD80] =	vst v2;
	v2 =	vadd.f32 v55, v20;
	v45 =	vmul.f32 v42, v45;
	v53 =	vmul.f32 v0, v53  }
0x273: {  	v54 =	vmul.f32 v6, v57;
	v52 =	vsub.f32 $1.500000000e+00, v52;
	v5 =	vsub.f32 $1.500000000e+00, v5  }
0x274: {  	v57 =	vmul.f32 v47, v59;
	v19 =	vsub.f32 $1.500000000e+00, v19;
	v56 =	vsub.f32 $1.500000000e+00, v56  }
0x275: {  	v33 =	vmul.f32 v51, v33;
	v45 =	vsub.f32 $1.500000000e+00, v45;
	v53 =	vsub.f32 $1.500000000e+00, v53  }
0x276: {  	v54 =	vsub.f32 $1.500000000e+00, v54;
	v28 =	vmul.f32 v39, v28;
	v44 =	vmul.f32 v44, v52  }
0x277: {  	v60 =	vsub.f32 $1.500000000e+00, v57;
	v5 =	vmul.f32 v3, v5;
	v4 =	vmul.f32 v4, v19  }
0x278: {  	s29 =	simm.s32 $0x0;
	v3 =	vsub.f32 $1.500000000e+00, v33;
	v45 =	vmul.f32 v42, v45;
	v0 =	vmul.f32 v0, v53  }
0x279: {  	s25 =	sand.u32 $0x3FFFFC00, s29;
	[tilespmem:$0x1FD90] =	vst v2;
	v2 =	vadd.f32 v18, v21;
	v6 =	vmul.f32 v6, v54;
	v54 =	vmul.f32 v29, v56  }
0x27a: {  	s28 =	sor.u32 s24, s25;
	v29 =	vsub.f32 $1.500000000e+00, v28;
	v52 =	vmul.f32 v47, v60;
	v51 =	vmul.f32 v51, v3  }
0x27b: {  	s26 =	simm.s32 $0x13600;
	v19 =	vld [tilespmem:s28+$0x11000];
	v3 =	vmul.f32 v44, v43;
	v53 =	vadd.f32 v50, v26;
	v50 =	vmul.f32 v4, v37  }
0x27c: {  	s31 =	simm.s32 $0x40;
	s24 =	simm.s32 $0x10;
	v7 =	vsel vm11, $0x3F800000, v1;
	v42 =	vld [tilespmem:s26+$0x0];
	v33 =	vmul.f32 v45, v46;
	v55 =	vmul.f32 v39, v29  }
0x27d: {  	s25 =	sand.u32 $0xFFFFFE00, s31;
	[tilespmem:$0x1FDA0] =	vst v2;
	v2 =	vadd.f32 v7, v22;
	s26 =	sand.u32 $0x70, s24;
	v28 =	vld [tilespmem:s28+$0x11080];
	v21 =	vmul.f32 v0, v49;
	v29 =	vmul.f32 v3, v44  }
0x27e: {  	v62 =	vsel vm8, $0x3F800000, v1;
	v47 =	vld [tilespmem:s28+$0x10000];
	s25 =	sor.u32 s26, s25;
	v39 =	vmul.f32 v5, v48;
	v57 =	vmul.f32 v6, v41  }
0x27f: {  	[tilespmem:$0x1FDB0] =	vst v2;
	v2 =	vadd.f32 v62, v23;
	v26 =	vld [tilespmem:s25+$0xF100];
	v62 =	vmul.f32 v52, v38;
	v20 =	vmul.f32 v33, v45  }
0x280: {  	v18 =	vld [tilespmem:s25+$0xA900];
	v60 =	vmul.f32 v21, v0;
	v29 =	vsub.f32 $1.500000000e+00, v29;
	v7 =	vmul.f32 v39, v5  }
0x281: {  	v33 =	vld [tilespmem:s25+$0xA100];
	v39 =	vmul.f32 v54, v34;
	v62 =	vmul.f32 v62, v52;
	vm6 =	veq.s32 v42, $0x0  }
0x282: {  	v22 =	vld [tilespmem:s25+$0xF000];
	vm7 =	veq.s32 v42, $0x1;
	vm12 =	veq.s32 v42, $0x3;
	v56 =	vsub.f32 $1.500000000e+00, v20  }
0x283: {  	v23 =	vld [tilespmem:s25+$0xA080];
	v58 =	vmul.f32 v29, v44;
	v44 =	vmul.f32 v50, v4;
	v7 =	vsub.f32 $1.500000000e+00, v7  }
0x284: {  	v8 =	vld [tilespmem:s25+$0xF800];
	vm1 =	veq.s32 v42, $0x4;
	v50 =	vmul.f32 v55, v30;
	v56 =	vmul.f32 v56, v45  }
0x285: {  	v3 =	vld [tilespmem:s25+$0x9900];
	v45 =	vsub.f32 $1.500000000e+00, v60;
	v60 =	vmul.f32 v57, v6;
	v5 =	vmul.f32 v7, v5  }
0x286: {  	v21 =	vld [tilespmem:s25+$0xA000];
	v7 =	vsub.f32 $1.500000000e+00, v44;
	v50 =	vmul.f32 v50, v55;
	v26 =	vsub.f32 v33, v26  }
0x287: {  	v20 =	vld [tilespmem:s25+$0xF900];
	v0 =	vmul.f32 v45, v0;
	v59 =	vsub.f32 $1.500000000e+00, v60;
	v60 =	vmul.f32 v39, v54  }
0x288: {  	vm13 =	veq.s32 v42, $0x5;
	v29 =	vld [tilespmem:s25+$0xF080];
	v17 =	vmul.f32 v7, v4;
	v26 =	vmul.f32 v26, v26  }
0x289: {  	v44 =	vld [tilespmem:s25+$0xA880];
	v57 =	vmul.f32 v59, v6;
	v6 =	vnsel vm4, $0x0, v53;
	v7 =	vsub.f32 $1.500000000e+00, v60  }
0x28a: {  	v39 =	vld [tilespmem:s25+$0xA800];
	v60 =	vsub.f32 $1.500000000e+00, v62;
	v62 =	vmul.f32 v56, v46;
	v49 =	vmul.f32 v0, v49  }
0x28b: {  	[tilespmem:$0x1FDC0] =	vst v2;
	v45 =	vld [tilespmem:s25+$0x6100];
	v37 =	vmul.f32 v17, v37;
	v2 =	vadd.f32 v6, v24;
	v6 =	vmul.f32 v51, v40  }
0x28c: {  	vm14 =	veq.s32 v42, $0x6;
	v4 =	vld [tilespmem:s25+$0xD900];
	v59 =	vmul.f32 v7, v54;
	v60 =	vmul.f32 v60, v52  }
0x28d: {  	vm15 =	veq.s32 v42, $0x7;
	v46 =	vld [tilespmem:s25+$0x6900];
	v54 =	vmul.f32 v62, v56;
	v49 =	vmul.f32 v49, v0  }
0x28e: {  	v62 =	vsub.f32 $1.500000000e+00, v50;
	v41 =	vmul.f32 v57, v41;
	[tilespmem:$0x1FDD0] =	vst v2;
	v2 =	vld [tilespmem:$0x1FDE0];
	v52 =	vmul.f32 v6, v51  }
0x28f: {  	v24 =	vld [tilespmem:s25+$0xF880];
	v7 =	vnsel vm3, $0x0, v53;
	v37 =	vmul.f32 v37, v17;
	v38 =	vmul.f32 v60, v38  }
0x290: {  	v50 =	vld [tilespmem:s25+$0xC100];
	v8 =	vsub.f32 v39, v8;
	v55 =	vmul.f32 v62, v55;
	v52 =	vsub.f32 $1.500000000e+00, v52  }
0x291: {  	v39 =	vld [tilespmem:s25+$0x8880];
	v34 =	vmul.f32 v59, v34;
	v37 =	vsub.f32 $1.500000000e+00, v37;
	v38 =	vmul.f32 v38, v60  }
0x292: {  	v51 =	vmul.f32 v52, v51;
	v52 =	vsub.f32 $1.500000000e+00, v54;
	v54 =	vsub.f32 $1.500000000e+00, v49;
	v49 =	vld [tilespmem:s25+$0x7900]  }
0x293: {  	s28 =	sadd.s32 $0x10000, s28;
	v6 =	vnsel vm2, $0x0, v53;
	v17 =	vmul.f32 v37, v17;
	v2 =	vadd.f32 v7, v2;
	v7 =	vld [tilespmem:s25+$0xB100]  }
0x294: {  	v30 =	vmul.f32 v55, v30;
	v34 =	vmul.f32 v34, v59;
	v37 =	vsub.f32 $1.500000000e+00, v38;
	v38 =	vld [tilespmem:s28+$0x80]  }
0x295: {  	v8 =	vmul.f32 v8, v8;
	v24 =	vsub.f32 v44, v24;
	v12 =	vmul.f32 v17, v12;
	v17 =	vld [tilespmem:s28+$0x300]  }
0x296: {  	v30 =	vmul.f32 v30, v55;
	v34 =	vsub.f32 $1.500000000e+00, v34;
	v56 =	vmul.f32 v52, v56;
	v52 =	vld [tilespmem:s25+$0x8100]  }
0x297: {  	v54 =	vmul.f32 v54, v0;
	v40 =	vmul.f32 v51, v40;
	[tilespmem:$0x1FDF0] =	vst v2;
	v2 =	vadd.f32 v6, v32;
	v6 =	vld [tilespmem:s25+$0xB900]  }
0x298: {  	v0 =	vnsel vm10, $0x0, v53;
	v32 =	vmul.f32 v58, v43;
	v43 =	vmul.f32 v5, v48;
	v48 =	vld [tilespmem:s25+$0x7100]  }
0x299: {  	v24 =	vmul.f32 v24, v24;
	v0 =	vadd.f32 v0, v31;
	v31 =	vld [tilespmem:s25+$0xD100];
	v34 =	vmul.f32 v34, v59  }
0x29a: {  	v30 =	vsub.f32 $1.500000000e+00, v30;
	v37 =	vmul.f32 v37, v60;
	v59 =	vld [tilespmem:s28+$0x180];
	v40 =	vmul.f32 v40, v51  }
0x29b: {  	v60 =	vnsel vm9, $0x0, v53;
	v9 =	vmul.f32 v56, v9;
	v16 =	vmul.f32 v54, v16;
	[tilespmem:$0x1FE00] =	vst v2;
	v2 =	vld [tilespmem:$0x1FE40]  }
0x29c: {  	v8 =	vadd.f32 v24, v8;
	v32 =	vmul.f32 v32, v58;
	v14 =	vmul.f32 v34, v14;
	v34 =	vld [tilespmem:s25+$0x6080]  }
0x29d: {  	[tilespmem:$0x1FE10] =	vst v0;
	v0 =	vnsel vm11, $0x0, v53;
	v30 =	vmul.f32 v30, v55;
	v15 =	vmul.f32 v37, v15;
	v37 =	vld [tilespmem:s25+$0x8800]  }
0x29e: {  	v43 =	vmul.f32 v43, v5;
	v0 =	vadd.f32 v0, v61;
	v62 =	vsub.f32 $1.500000000e+00, v32;
	v32 =	vld [tilespmem:s25+$0xC900]  }
0x29f: {  	vm11 =	veq.s32 v42, $0x2;
	v61 =	vnsel vm8, $0x0, v53;
	v11 =	vmul.f32 v30, v11;
	v30 =	vld [tilespmem:s25+$0x6000]  }
0x2a0: {  	v40 =	vsub.f32 $1.500000000e+00, v40;
	v9 =	vmul.f32 v9, v19;
	[tilespmem:$0x1FE20] =	vst v0;
	v0 =	vadd.f32 v61, v36;
	v61 =	vld [tilespmem:s25+$0xE100]  }
0x2a1: {  	v16 =	vmul.f32 v16, v28;
	v43 =	vsub.f32 $1.500000000e+00, v43;
	v36 =	vmul.f32 v41, v57;
	v41 =	vld [tilespmem:s28+$0x100]  }
0x2a2: {  	v19 =	vsel vm6, $0x3F800000, v1;
	v7 =	vsub.f32 v45, v7;
	v40 =	vmul.f32 v40, v51;
	v51 =	vld [tilespmem:s28+$0x200]  }
0x2a3: {  	v28 =	vsel vm13, $0x3F800000, v1;
	v9 =	vadd.f32 v16, v9;
	v43 =	vmul.f32 v43, v5;
	v5 =	vld [tilespmem:s25+$0x8900]  }
0x2a4: {  	v16 =	vsel vm11, $0x3F800000, v1;
	v6 =	vsub.f32 v46, v6;
	v7 =	vmul.f32 v7, v7;
	[tilespmem:$0x1FE30] =	vst v0;
	v0 =	vld [tilespmem:s25+$0xE900]  }
0x2a5: {  	v58 =	vmul.f32 v62, v58;
	v2 =	vadd.f32 v60, v2;
	v60 =	vnsel vm5, $0x0, v53;
	v53 =	vld [tilespmem:s28+$0x280]  }
0x2a6: {  	v36 =	vsub.f32 $1.500000000e+00, v36;
	v10 =	vmul.f32 v40, v10;
	v40 =	vld [tilespmem:s25+$0xB080];
	v6 =	vmul.f32 v6, v6  }
0x2a7: {  	v31 =	vsub.f32 v52, v31;
	v25 =	vmul.f32 v58, v25;
	v27 =	vmul.f32 v43, v27;
	v58 =	vld [tilespmem:s28+$0x380]  }
0x2a8: {  	v36 =	vmul.f32 v36, v57;
	[tilespmem:$0x1FE50] =	vst v2;
	v2 =	vadd.f32 v60, v35;
	v10 =	vmul.f32 v10, v17;
	v17 =	vld [tilespmem:s25+$0x6800]  }
0x2a9: {  	v35 =	vimm.f32 $0.0e+00;
	v25 =	vmul.f32 v25, v47;
	v27 =	vmul.f32 v27, v38;
	v47 =	vld [tilespmem:s25+$0xB000]  }
0x2aa: {  	v32 =	vsub.f32 v49, v32;
	v12 =	vmul.f32 v12, v41;
	v41 =	vld [tilespmem:s25+$0xB800];
	v13 =	vmul.f32 v36, v13  }
0x2ab: {  	v14 =	vmul.f32 v14, v51;
	v54 =	vadd.f32 v16, v35;
	[tilespmem:$0x1FE60] =	vst v2;
	v2 =	vld [tilespmem:$0x1FE70];
	v38 =	vsub.f32 v5, v4  }
0x2ac: {  	v62 =	vld [tilespmem:s25+$0x9100];
	v15 =	vmul.f32 v15, v53;
	v25 =	vadd.f32 v27, v25;
	v13 =	vmul.f32 v13, v59  }
0x2ad: {  	v4 =	vld [tilespmem:s25+$0xD800];
	v0 =	vsub.f32 v3, v0;
	v34 =	vsub.f32 v34, v40;
	v11 =	vmul.f32 v11, v58  }
0x2ae: {  	v57 =	vsel vm9, $0x3F800000, v1;
	v40 =	vld [tilespmem:s25+$0xD880];
	v14 =	vadd.f32 v15, v14;
	v12 =	vadd.f32 v13, v12  }
0x2af: {  	v42 =	vld [tilespmem:s25+$0x9880];
	v60 =	vsel vm5, $0x3F800000, v1;
	v10 =	vadd.f32 v11, v10;
	v30 =	vsub.f32 v30, v47  }
0x2b0: {  	v59 =	vsel vm14, $0x3F800000, v1;
	v13 =	vld [tilespmem:s25+$0x6880];
	v41 =	vsub.f32 v17, v41;
	v2 =	vadd.f32 v57, v2  }
0x2b1: {  	v16 =	vsel vm1, $0x3F800000, v1;
	v11 =	vld [tilespmem:s25+$0xB880];
	v57 =	vadd.f32 v59, v35;
	v59 =	vsub.f32 v62, v61  }
0x2b2: {  	v43 =	vld [tilespmem:s25+$0xE880];
	v34 =	vmul.f32 v34, v34;
	v12 =	vadd.f32 v12, v25;
	v10 =	vadd.f32 v10, v14  }
0x2b3: {  	v15 =	vld [tilespmem:s25+$0x7000];
	v0 =	vmul.f32 v0, v0;
	v33 =	vsub.f32 v37, v4;
	v47 =	vsub.f32 v39, v40  }
0x2b4: {  	v14 =	vld [tilespmem:s25+$0xC000];
	[tilespmem:$0x1FE80] =	vst v2;
	v2 =	vadd.f32 v60, v63;
	v10 =	vadd.f32 v10, v12;
	v12 =	vsel vm7, $0x3F800000, v1  }
0x2b5: {  	v36 =	vld [tilespmem:s25+$0x8080];
	v37 =	vimm.f32 $0.0e+00;
	v60 =	vadd.f32 v16, v35;
	v56 =	vadd.f32 v12, v35  }
0x2b6: {  	v27 =	vld [tilespmem:s25+$0xC800];
	v11 =	vsub.f32 v13, v11;
	v9 =	vadd.f32 v9, v10;
	v10 =	vsel vm12, $0x3F800000, v1  }
0x2b7: {  	v30 =	vmul.f32 v30, v30;
	[tilespmem:$0x1FE90] =	vst v2;
	v2 =	vld [tilespmem:$0x1FEA0];
	v58 =	vadd.f32 v10, v35;
	v10 =	vsub.f32 v18, v20  }
0x2b8: {  	v63 =	vsel vm4, $0x3F800000, v1;
	v12 =	vld [tilespmem:s25+$0x7800];
	v20 =	vsub.f32 v21, v22;
	v22 =	vsub.f32 v23, v29  }
0x2b9: {  	v18 =	vld [tilespmem:s25+$0x7880];
	v14 =	vsub.f32 v15, v14;
	v11 =	vmul.f32 v11, v11;
	v16 =	vnsel vm15, $0x0, v9  }
0x2ba: {  	v21 =	vld [tilespmem:s25+$0xC880];
	v5 =	vnsel vm6, $0x0, v9;
	v17 =	vnsel vm11, $0x0, v9;
	v3 =	vnsel vm12, $0x0, v9  }
0x2bb: {  	v23 =	vld [tilespmem:s25+$0x8000];
	v4 =	vnsel vm1, $0x0, v9;
	v51 =	vnsel vm13, $0x0, v9;
	v53 =	vnsel vm14, $0x0, v9  }
0x2bc: {  	v29 =	vld [tilespmem:s25+$0xD000];
	v52 =	vadd.f32 v16, v35;
	v16 =	vnsel vm7, $0x0, v9;
	v10 =	vmul.f32 v10, v10  }
0x2bd: {  	v25 =	vld [tilespmem:s25+$0x7080];
	v20 =	vmul.f32 v20, v20;
	v39 =	vadd.f32 v17, v35;
	v2 =	vadd.f32 v63, v2  }
0x2be: {  	v13 =	vld [tilespmem:s25+$0x9000];
	v22 =	vmul.f32 v22, v22;
	v63 =	vsub.f32 v48, v50;
	v12 =	vsub.f32 v12, v27  }
0x2bf: {  	v14 =	vmul.f32 v14, v14;
	v40 =	vadd.f32 v16, v35;
	[tilespmem:$0x1FEB0] =	vst v2;
	v2 =	vadd.f32 v19, v35;
	v19 =	vld [tilespmem:s25+$0xC080]  }
0x2c0: {  	v27 =	vld [tilespmem:s25+$0x9800];
	v50 =	vmul.f32 v41, v41;
	v20 =	vadd.f32 v22, v20;
	v22 =	vadd.f32 v34, v30  }
0x2c1: {  	v48 =	vimm.f32 $0.0e+00;
	v18 =	vsub.f32 v18, v21;
	v23 =	vsub.f32 v23, v29;
	v29 =	vld [tilespmem:s25+$0xE800]  }
0x2c2: {  	v12 =	vmul.f32 v12, v12;
	v11 =	vadd.f32 v11, v50;
	[tilespmem:$0x1FEC0] =	vst v2;
	v2 =	vadd.f32 v28, v35;
	v28 =	vld [tilespmem:s25+$0xD080]  }
0x2c3: {  	v21 =	vld [tilespmem:s25+$0xE080];
	v41 =	vadd.f32 v26, v20;
	v61 =	vadd.f32 v7, v22;
	v18 =	vmul.f32 v18, v18  }
0x2c4: {  	v44 =	vmul.f32 v63, v63;
	v62 =	vadd.f32 v6, v11;
	v15 =	vsub.f32 v25, v19;
	v19 =	vld [tilespmem:s25+$0xE000]  }
0x2c5: {  	v6 =	vmul.f32 v59, v59;
	v12 =	vadd.f32 v18, v12;
	v18 =	vmul.f32 v32, v32;
	v25 =	vld [tilespmem:s25+$0x9080]  }
0x2c6: {  	v27 =	vsub.f32 v27, v29;
	v29 =	vsub.f32 v42, v43;
	v15 =	vmul.f32 v15, v15  }
0x2c7: {  	v7 =	vmax.f32 v62, $1.000000000e-30;
	v55 =	vadd.f32 v18, v12;
	v28 =	vsub.f32 v36, v28  }
0x2c8: {  	v24 =	vmul.f32 v27, v27;
	v36 =	vadd.f32 v5, v35;
	v14 =	vadd.f32 v15, v14  }
0x2c9: {  	v15 =	vmul.f32 v29, v29;
	v13 =	vsub.f32 v13, v19;
	v19 =	vmul.f32 v23, v23  }
0x2ca: {  	v21 =	vsub.f32 v25, v21;
	v23 =	vmul.f32 v28, v28;
	v25 =	vmul.f32 v33, v33  }
0x2cb: {  	v28 =	vmul.f32 v47, v47;
	v15 =	vadd.f32 v15, v24;
	v46 =	vadd.f32 v44, v14  }
0x2cc: {  	v44 =	vsel vm15, $0x3F800000, v1;
	v13 =	vmul.f32 v13, v13;
	v21 =	vmul.f32 v21, v21  }
0x2cd: {  	v19 =	vadd.f32 v23, v19;
	v23 =	vadd.f32 v28, v25;
	v25 =	vmul.f32 v31, v31  }
0x2ce: {  	v42 =	vadd.f32 v0, v15;
	v0 =	vmax.f32 v41, $1.000000000e-30;
	v9 =	vmax.f32 v46, $1.000000000e-30  }
0x2cf: {  	v13 =	vadd.f32 v21, v13;
	v21 =	vmul.f32 v38, v38;
	v38 =	vadd.f32 v10, v8  }
0x2d0: {  	v59 =	vadd.f32 v25, v19;
	v10 =	vmax.f32 v55, $1.000000000e-30;
	v19 =	vshra.s32 v0, $0x1  }
0x2d1: {  	v14 =	vmul.f32 $5.000000000e-01, v0;
	v22 =	vshra.s32 v9, $0x1;
	v9 =	vmul.f32 $5.000000000e-01, v9  }
0x2d2: {  	v18 =	vmax.f32 v42, $1.000000000e-30;
	v63 =	vmul.f32 $5.000000000e-01, v10;
	v19 =	vsub.s32 $0x5F3759DF, v19  }
0x2d3: {  	v45 =	vadd.f32 v21, v23;
	v43 =	vadd.f32 v6, v13;
	v6 =	vmax.f32 v61, $1.000000000e-30  }
0x2d4: {  	v8 =	vmax.f32 v38, $1.000000000e-30;
	v11 =	vmax.f32 v59, $1.000000000e-30;
	v21 =	vshra.s32 v7, $0x1  }
0x2d5: {  	v7 =	vmul.f32 $5.000000000e-01, v7;
	v23 =	vshra.s32 v10, $0x1;
	v29 =	vshra.s32 v18, $0x1  }
0x2d6: {  	v0 =	vshra.s32 v8, $0x1;
	v20 =	vshra.s32 v6, $0x1;
	v6 =	vmul.f32 $5.000000000e-01, v6  }
0x2d7: {  	v15 =	vmul.f32 $5.000000000e-01, v8;
	v24 =	vshra.s32 v11, $0x1;
	v47 =	vmul.f32 $5.000000000e-01, v11  }
0x2d8: {  	v12 =	vmax.f32 v45, $1.000000000e-30;
	v13 =	vmax.f32 v43, $1.000000000e-30;
	v25 =	vsub.s32 $0x5F3759DF, v0  }
0x2d9: {  	v0 =	vmul.f32 v19, v14;
	v26 =	vshra.s32 v12, $0x1;
	v11 =	vmul.f32 $5.000000000e-01, v12  }
0x2da: {  	v27 =	vmul.f32 v25, v15;
	v28 =	vshra.s32 v13, $0x1;
	v13 =	vmul.f32 $5.000000000e-01, v13  }
0x2db: {  	v12 =	vmul.f32 $5.000000000e-01, v18;
	v18 =	vsub.s32 $0x5F3759DF, v23;
	v0 =	vmul.f32 v19, v0  }
0x2dc: {  	v23 =	vsub.s32 $0x5F3759DF, v28;
	v28 =	vmul.f32 v18, v63;
	v27 =	vmul.f32 v25, v27  }
0x2dd: {  	v20 =	vsub.s32 $0x5F3759DF, v20;
	v49 =	vmul.f32 v23, v13;
	v30 =	vsub.f32 $1.500000000e+00, v0  }
0x2de: {  	v0 =	vsub.s32 $0x5F3759DF, v22;
	v28 =	vmul.f32 v18, v28;
	v22 =	vsub.f32 $1.500000000e+00, v27  }
0x2df: {  	v21 =	vsub.s32 $0x5F3759DF, v21;
	v27 =	vmul.f32 v20, v6;
	v32 =	vmul.f32 v23, v49  }
0x2e0: {  	v30 =	vmul.f32 v19, v30;
	v19 =	vsub.s32 $0x5F3759DF, v24;
	v31 =	vmul.f32 v25, v22  }
0x2e1: {  	v22 =	vsub.s32 $0x5F3759DF, v26;
	v26 =	vmul.f32 v20, v27;
	v27 =	vmul.f32 v0, v9  }
0x2e2: {  	v24 =	vsub.s32 $0x5F3759DF, v29;
	v25 =	vmul.f32 v21, v7;
	v29 =	vmul.f32 v22, v11  }
0x2e3: {  	v49 =	vimm.f32 $0.0e+00;
	v5 =	vmul.f32 v0, v27;
	v27 =	vmul.f32 v19, v47  }
0x2e4: {  	v50 =	vmul.f32 v24, v12;
	v25 =	vmul.f32 v21, v25;
	v16 =	vsub.f32 $1.500000000e+00, v26  }
0x2e5: {  	s29 =	simm.s32 $0x80;
	v26 =	vsub.f32 $1.500000000e+00, v28;
	v29 =	vmul.f32 v22, v29;
	v17 =	vmul.f32 v19, v27  }
0x2e6: {  	s31 =	sand.u32 $0x3FFFFC00, s29;
	s25 =	simm.s32 $0x13610;
	v28 =	vmul.f32 v24, v50;
	v27 =	vsub.f32 $1.500000000e+00, v25;
	v25 =	vsub.f32 $1.500000000e+00, v5  }
0x2e7: {  	s30 =	sor.u32 s26, s31;
	s26 =	simm.s32 $0x2;
	[tilespmem:$0x1FED0] =	vst v2;
	v50 =	vimm.f32 $0.0e+00;
	v5 =	vld [tilespmem:s25+$0x0];
	v29 =	vsub.f32 $1.500000000e+00, v29;
	v17 =	vsub.f32 $1.500000000e+00, v17  }
.LBB3_6:
0x2e8: {  	s29 =	sshll.u32 s26, $0x6;
	s24 =	sadd.s32 $0x10, s24  }
0x2e9: {  	s28 =	sand.u32 $0x70, s24;
	s29 =	sand.u32 $0xFFFFFE00, s29  }
0x2ea: {  	s29 =	sor.u32 s28, s29  }
0x2eb: {  	v35 =	vadd.f32 v3, v35;
	v3 =	vld [tilespmem:s29+$0xA100];
	_ =	sdelay $0x4  }
0x2ec: {  	[tilespmem:$0x1FBD0] =	vst v3;
	v3 =	vld [tilespmem:s29+$0xF100];
	_ =	sdelay $0x4  }
0x2ed: {  	[tilespmem:$0x1FBE0] =	vst v3;
	v3 =	vld [tilespmem:s29+$0xA900];
	_ =	sdelay $0x2  }
0x2ee: {  	v1 =	vld [tilespmem:s30+$0x11000]  }
0x2ef: {  	v2 =	vld [tilespmem:s30+$0x11080]  }
0x2f0: {  	v34 =	vmul.f32 v21, v27;
	v21 =	vsub.f32 $1.500000000e+00, v28;
	[tilespmem:$0x1FBF0] =	vst v3;
	v3 =	vld [tilespmem:s29+$0xF900]  }
0x2f1: {  	[tilespmem:$0x1FB90] =	vst v41;
	v33 =	vmul.f32 v20, v16  }
0x2f2: {  	[tilespmem:$0x1FCA0] =	vst v36;
	v0 =	vmul.f32 v0, v25;
	v36 =	vmul.f32 v24, v21  }
0x2f3: {  	v20 =	vsub.f32 $1.500000000e+00, v32;
	v24 =	vmul.f32 v31, v15;
	v25 =	vmul.f32 v33, v6;
	[tilespmem:$0x1FBB0] =	vst v1  }
0x2f4: {  	v27 =	vmul.f32 v0, v9;
	v37 =	vadd.f32 v4, v37;
	v1 =	vmul.f32 v18, v26;
	[tilespmem:$0x1FBC0] =	vst v2  }
0x2f5: {  	vm4 =	veq.s32 v5, $0x0;
	v2 =	vmul.f32 v19, v17;
	v17 =	vmovc v51;
	v51 =	vmul.f32 v22, v29;
	[tilespmem:$0x1FC00] =	vst v3;
	v3 =	vld [tilespmem:s29+$0xA000]  }
0x2f6: {  	[tilespmem:$0x1FCC0] =	vst v39;
	vm0 =	veq.s32 v5, $0x1;
	v26 =	vmul.f32 v34, v7;
	v39 =	vmul.f32 v36, v12  }
0x2f7: {  	v28 =	vld [tilespmem:s30+$0x10000];
	vm3 =	veq.s32 v5, $0x3;
	v41 =	vmul.f32 v24, v31;
	[tilespmem:$0x1FCE0] =	vst v35;
	v35 =	vmul.f32 v23, v20  }
0x2f8: {  	v4 =	vld [tilespmem:s29+$0xA880];
	v48 =	vadd.f32 v53, v48;
	v23 =	vmul.f32 v30, v14;
	v20 =	vmovc v55;
	v55 =	vmul.f32 v27, v0  }
0x2f9: {  	vm10 =	veq.s32 v5, $0x4;
	v53 =	vld [tilespmem:s29+$0x9100];
	v18 =	vmovc v54;
	[tilespmem:$0x1FCB0] =	vst v37;
	v29 =	vmul.f32 v1, v63;
	v32 =	vmul.f32 v2, v47  }
0x2fa: {  	v49 =	vadd.f32 v17, v49;
	v37 =	vmul.f32 v51, v11;
	v54 =	vmul.f32 v26, v34;
	[tilespmem:$0x1FC10] =	vst v3;
	v3 =	vld [tilespmem:s29+$0xF000]  }
0x2fb: {  	[tilespmem:$0x1FBA0] =	vst v38;
	v24 =	vld [tilespmem:s29+$0x6100];
	v41 =	vsub.f32 $1.500000000e+00, v41;
	v39 =	vmul.f32 v39, v36;
	v38 =	vmul.f32 v35, v13  }
0x2fc: {  	[tilespmem:$0x1FC80] =	vst v40;
	v22 =	vmovc v43;
	v27 =	vld [tilespmem:s29+$0xB900];
	v40 =	vmul.f32 v23, v30;
	v55 =	vsub.f32 $1.500000000e+00, v55;
	v43 =	vmul.f32 v29, v1  }
0x2fd: {  	v17 =	vld [tilespmem:s29+$0xD900];
	v32 =	vmul.f32 v32, v2;
	v37 =	vmul.f32 v37, v51;
	v54 =	vsub.f32 $1.500000000e+00, v54  }
0x2fe: {  	v26 =	vld [tilespmem:s29+$0xF880];
	v41 =	vmul.f32 v41, v31;
	v23 =	vmovc v42;
	v42 =	vmul.f32 v25, v33;
	v40 =	vsub.f32 $1.500000000e+00, v40  }
0x2ff: {  	v16 =	vmovc v45;
	v38 =	vmul.f32 v38, v35;
	v45 =	vmul.f32 v55, v0;
	v43 =	vsub.f32 $1.500000000e+00, v43;
	[tilespmem:$0x1FC20] =	vst v3;
	v3 =	vld [tilespmem:s29+$0xA080]  }
0x300: {  	v19 =	vmovc v44;
	[tilespmem:$0x1FC60] =	vst v4;
	v4 =	vld [tilespmem:s29+$0x6900];
	v44 =	vsub.f32 $1.500000000e+00, v32;
	v54 =	vmul.f32 v54, v34;
	v15 =	vmul.f32 v41, v15  }
0x301: {  	v29 =	vld [tilespmem:s29+$0x7100];
	v37 =	vsub.f32 $1.500000000e+00, v37;
	v40 =	vmul.f32 v40, v30;
	v55 =	vmul.f32 v45, v9  }
0x302: {  	v31 =	vld [tilespmem:s29+$0x8100];
	v42 =	vsub.f32 $1.500000000e+00, v42;
	v1 =	vmul.f32 v43, v1;
	v2 =	vmul.f32 v44, v2  }
0x303: {  	v25 =	vld [tilespmem:s29+$0xF800];
	v0 =	vsub.f32 $1.500000000e+00, v38;
	v37 =	vmul.f32 v37, v51;
	v51 =	vmul.f32 v54, v7  }
0x304: {  	v44 =	vsub.f32 $1.500000000e+00, v39;
	v15 =	vmul.f32 v15, v41;
	v42 =	vmul.f32 v42, v33;
	[tilespmem:$0x1FC30] =	vst v3;
	v3 =	vld [tilespmem:s29+$0xF080]  }
0x305: {  	vm15 =	veq.s32 v5, $0x6;
	v34 =	vld [tilespmem:s29+$0xC100];
	v35 =	vmul.f32 v0, v35;
	v0 =	vmul.f32 v40, v14  }
0x306: {  	v10 =	vmovc v46;
	v21 =	vmovc v59;
	v59 =	vimm.f32 $0.0e+00;
	v32 =	vld [tilespmem:s29+$0xC900];
	v55 =	vmul.f32 v55, v45;
	v36 =	vmul.f32 v44, v36  }
0x307: {  	[tilespmem:$0x1FC90] =	vst v48;
	v30 =	vld [tilespmem:s29+$0xB100];
	v39 =	vsel vm0, $0x3F800000, v59;
	v46 =	vmul.f32 v1, v63;
	v63 =	vmovc v52;
	v52 =	vmul.f32 v2, v47  }
0x308: {  	v9 =	vld [tilespmem:s29+$0x8900];
	[tilespmem:$0x1FC70] =	vst v4;
	v4 =	vmovc v62;
	v62 =	vmov v60;
	v47 =	vmul.f32 v37, v11;
	v51 =	vmul.f32 v51, v54  }
0x309: {  	v60 =	vmovc v56;
	v48 =	vsub.f32 $1.500000000e+00, v15;
	v43 =	vmul.f32 v42, v6;
	v56 =	vmul.f32 v35, v13;
	[tilespmem:$0x1FC40] =	vst v3;
	v3 =	vld [tilespmem:s29+$0xA800]  }
0x30a: {  	v11 =	vmovc v61;
	v61 =	vmovc v58;
	v6 =	vsel vm15, $0x3F800000, v59;
	v0 =	vmul.f32 v0, v40;
	v58 =	vmul.f32 v36, v12;
	v12 =	vld [tilespmem:$0x1FEC0]  }
0x30b: {  	[tilespmem:$0x1FCD0] =	vst v49;
	v33 =	vld [tilespmem:s29+$0x7900];
	v49 =	vsub.f32 $1.500000000e+00, v55;
	v47 =	vmul.f32 v47, v37;
	v51 =	vsub.f32 $1.500000000e+00, v51  }
0x30c: {  	v14 =	vld [tilespmem:s29+$0xD100];
	v41 =	vmul.f32 v48, v41;
	v57 =	vadd.f32 v6, v57;
	v43 =	vmul.f32 v43, v42  }
0x30d: {  	v15 =	vld [tilespmem:s29+$0xE900];
	v24 =	vsub.f32 v24, v30;
	v56 =	vmul.f32 v56, v35;
	v45 =	vmul.f32 v49, v45  }
0x30e: {  	v13 =	vld [tilespmem:s29+$0x9900];
	v58 =	vmul.f32 v58, v36;
	v47 =	vsub.f32 $1.500000000e+00, v47;
	[tilespmem:$0x1FC50] =	vst v3;
	v3 =	vsel vm4, $0x3F800000, v59  }
0x30f: {  	v6 =	vld [tilespmem:$0x1FB90];
	v43 =	vsub.f32 $1.500000000e+00, v43;
	v12 =	vadd.f32 v3, v12;
	v3 =	vmul.f32 v46, v1  }
0x310: {  	s30 =	sadd.s32 $0x10000, s30;
	v30 =	vld [tilespmem:s29+$0x8800];
	v48 =	vmul.f32 v51, v54;
	v51 =	vsub.f32 $1.500000000e+00, v56;
	v56 =	vadd.f32 v39, v60  }
0x311: {  	v49 =	vld [tilespmem:s30+$0x180];
	v37 =	vmul.f32 v47, v37;
	v42 =	vmul.f32 v43, v42;
	v3 =	vsub.f32 $1.500000000e+00, v3  }
0x312: {  	v39 =	vld [tilespmem:s30+$0x200];
	v35 =	vmul.f32 v51, v35;
	v46 =	vmul.f32 v52, v2;
	v52 =	vsub.f32 $1.500000000e+00, v0  }
0x313: {  	v43 =	vld [tilespmem:s30+$0x80];
	v51 =	vmul.f32 v48, v4;
	v1 =	vmul.f32 v3, v1;
	v3 =	vsub.f32 $1.500000000e+00, v58  }
0x314: {  	v4 =	vmul.f32 v37, v16;
	v46 =	vsub.f32 $1.500000000e+00, v46;
	v40 =	vmul.f32 v52, v40;
	v52 =	vld [tilespmem:s30+$0x100]  }
0x315: {  	v8 =	vsel vm10, $0x3F800000, v59;
	v3 =	vmul.f32 v3, v36;
	v36 =	vmul.f32 v42, v11;
	v42 =	vld [tilespmem:s30+$0x280]  }
0x316: {  	v44 =	vsel vm3, $0x3F800000, v59;
	v2 =	vmul.f32 v46, v2;
	v40 =	vmul.f32 v40, v6;
	v6 =	vld [tilespmem:$0x1FBA0]  }
0x317: {  	v37 =	vld [tilespmem:s30+$0x380];
	v35 =	vmul.f32 v35, v22;
	v58 =	vadd.f32 v44, v61;
	v44 =	vmul.f32 v45, v10  }
0x318: {  	v60 =	vadd.f32 v8, v62;
	v62 =	vmul.f32 v51, v43;
	v45 =	vld [tilespmem:s30+$0x300];
	v2 =	vmul.f32 v2, v21  }
0x319: {  	vm2 =	veq.s32 v5, $0x2;
	v8 =	vld [tilespmem:s29+$0xD800];
	v1 =	vmul.f32 v1, v20;
	v61 =	vmul.f32 v44, v52  }
0x31a: {  	vm14 =	veq.s32 v5, $0x5;
	v16 =	vld [tilespmem:$0x1FED0];
	v2 =	vmul.f32 v2, v39;
	v4 =	vmul.f32 v4, v42  }
0x31b: {  	v38 =	vsel vm2, $0x3F800000, v59;
	v3 =	vmul.f32 v3, v23;
	v41 =	vmul.f32 v41, v6;
	v6 =	vld [tilespmem:$0x1FBC0]  }
0x31c: {  	v28 =	vmul.f32 v36, v28;
	v1 =	vmul.f32 v1, v49;
	v2 =	vadd.f32 v4, v2;
	v4 =	vld [tilespmem:$0x1FBB0]  }
0x31d: {  	v55 =	vld [tilespmem:s29+$0x6000];
	v54 =	vadd.f32 v38, v18;
	v35 =	vmul.f32 v35, v45;
	v3 =	vmul.f32 v3, v37  }
0x31e: {  	v7 =	vsel vm14, $0x3F800000, v59;
	v38 =	vld [tilespmem:s29+$0x6800];
	v28 =	vadd.f32 v62, v28;
	v1 =	vadd.f32 v1, v61  }
0x31f: {  	v18 =	vld [tilespmem:s29+$0xC080];
	v16 =	vadd.f32 v7, v16;
	v3 =	vadd.f32 v3, v35  }
0x320: {  	v47 =	vld [tilespmem:s29+$0xB080];
	v8 =	vsub.f32 v30, v8;
	v1 =	vadd.f32 v1, v28  }
0x321: {  	v30 =	vld [tilespmem:s29+$0xE880];
	[tilespmem:$0x1FED0] =	vst v16;
	v16 =	vmul.f32 v41, v6;
	v2 =	vadd.f32 v3, v2;
	v4 =	vmul.f32 v40, v4  }
0x322: {  	v43 =	vld [tilespmem:s29+$0x8000];
	v7 =	vsub.f32 v31, v14  }
0x323: {  	v14 =	vld [tilespmem:s29+$0x8880];
	v1 =	vadd.f32 v2, v1;
	v3 =	vadd.f32 v16, v4  }
0x324: {  	v4 =	vld [tilespmem:$0x1FBE0]  }
0x325: {  	v1 =	vadd.f32 v3, v1;
	v3 =	vld [tilespmem:$0x1FBD0]  }
0x326: {  	vm1 =	veq.s32 v5, $0x7;
	v5 =	vld [tilespmem:$0x1FC20]  }
0x327: {  	v0 =	vld [tilespmem:s29+$0xB000]  }
0x328: {  	[tilespmem:$0x1FEC0] =	vst v12;
	v12 =	vld [tilespmem:s29+$0xE100]  }
0x329: {  	v11 =	vld [tilespmem:s29+$0xD880]  }
0x32a: {  	v45 =	vsub.f32 v3, v4;
	v3 =	vld [tilespmem:$0x1FBF0]  }
0x32b: {  	v4 =	vld [tilespmem:$0x1FC00]  }
0x32c: {  	v44 =	vld [tilespmem:s29+$0xB800]  }
0x32d: {  	v10 =	vsub.f32 v53, v12;
	v12 =	vsub.f32 v13, v15;
	v15 =	vld [tilespmem:s29+$0x9000]  }
0x32e: {  	v39 =	vld [tilespmem:s29+$0x6880]  }
0x32f: {  	v36 =	vld [tilespmem:s29+$0x7000]  }
0x330: {  	v50 =	vadd.f32 v19, v50;
	v19 =	vsub.f32 v3, v4;
	v4 =	vld [tilespmem:$0x1FC10]  }
0x331: {  	v37 =	vld [tilespmem:s29+$0xB880]  }
0x332: {  	v62 =	vld [tilespmem:s29+$0xC000]  }
0x333: {  	v61 =	vld [tilespmem:s29+$0xD000];
	v3 =	vnsel vm1, $0x0, v1  }
0x334: {  	v52 =	vadd.f32 v3, v63;
	v3 =	vld [tilespmem:$0x1FC30]  }
0x335: {  	v20 =	vsub.f32 v4, v5;
	v4 =	vld [tilespmem:$0x1FC40]  }
0x336: {  	v29 =	vsub.f32 v29, v34;
	v28 =	vld [tilespmem:s29+$0x7800]  }
0x337: {  	v6 =	vsub.f32 v33, v32;
	v32 =	vsub.f32 v36, v62;
	v62 =	vld [tilespmem:s29+$0xE000]  }
0x338: {  	v9 =	vsub.f32 v9, v17;
	v2 =	vld [tilespmem:s29+$0xC800]  }
0x339: {  	v29 =	vmul.f32 v29, v29;
	v24 =	vmul.f32 v24, v24;
	v40 =	vld [tilespmem:s29+$0x7080]  }
0x33a: {  	v9 =	vmul.f32 v9, v9;
	v0 =	vsub.f32 v55, v0;
	v22 =	vsub.f32 v3, v4;
	v3 =	vld [tilespmem:$0x1FC50]  }
0x33b: {  	v8 =	vmul.f32 v8, v8;
	v7 =	vmul.f32 v7, v7;
	v46 =	vld [tilespmem:s29+$0x6080];
	v11 =	vsub.f32 v14, v11  }
0x33c: {  	v55 =	vld [tilespmem:s29+$0x9800];
	v0 =	vmul.f32 v0, v0;
	v13 =	vsub.f32 v38, v44;
	v44 =	vsel vm1, $0x3F800000, v59  }
0x33d: {  	v11 =	vmul.f32 v11, v11;
	v31 =	vsub.f32 v39, v37;
	v2 =	vsub.f32 v28, v2;
	v28 =	vld [tilespmem:s29+$0xE080]  }
0x33e: {  	v13 =	vmul.f32 v13, v13;
	v59 =	vsub.f32 v43, v61;
	v15 =	vsub.f32 v15, v62;
	v63 =	vld [tilespmem:s29+$0x9080]  }
0x33f: {  	v31 =	vmul.f32 v31, v31;
	v18 =	vsub.f32 v40, v18;
	v23 =	vsub.f32 v3, v25;
	v3 =	vld [tilespmem:$0x1FC60]  }
0x340: {  	v21 =	vld [tilespmem:s29+$0x8080];
	v8 =	vadd.f32 v11, v8;
	v32 =	vmul.f32 v32, v32;
	v62 =	vmul.f32 v59, v59  }
0x341: {  	v15 =	vmul.f32 v15, v15;
	v16 =	vnsel vm0, $0x0, v1;
	v14 =	vmul.f32 v18, v18;
	v25 =	vld [tilespmem:s29+$0xD080]  }
0x342: {  	v61 =	vld [tilespmem:s29+$0xE800];
	v49 =	vnsel vm2, $0x0, v1;
	v51 =	vnsel vm14, $0x0, v1;
	v53 =	vnsel vm15, $0x0, v1  }
0x343: {  	v42 =	vld [tilespmem:s29+$0xC880];
	v2 =	vmul.f32 v2, v2;
	v14 =	vadd.f32 v14, v32;
	v28 =	vsub.f32 v63, v28  }
0x344: {  	v19 =	vmul.f32 v19, v19;
	v20 =	vmul.f32 v20, v20;
	v26 =	vsub.f32 v3, v26;
	v3 =	vld [tilespmem:$0x1FC70]  }
0x345: {  	v41 =	vld [tilespmem:s29+$0x7880];
	v5 =	vnsel vm4, $0x0, v1;
	v28 =	vmul.f32 v28, v28;
	v22 =	vmul.f32 v22, v22  }
0x346: {  	v23 =	vmul.f32 v23, v23;
	v21 =	vsub.f32 v21, v25;
	v25 =	vld [tilespmem:s29+$0x9880];
	v26 =	vmul.f32 v26, v26  }
0x347: {  	v63 =	vsub.f32 v55, v61;
	v4 =	vnsel vm10, $0x0, v1;
	v11 =	vadd.f32 v28, v15  }
0x348: {  	v20 =	vadd.f32 v22, v20;
	v21 =	vmul.f32 v21, v21;
	v22 =	vadd.f32 v26, v23  }
0x349: {  	v27 =	vsub.f32 v3, v27;
	v3 =	vnsel vm3, $0x0, v1;
	v1 =	vsub.f32 v46, v47  }
0x34a: {  	v21 =	vadd.f32 v21, v62;
	v46 =	vmul.f32 v45, v45;
	v47 =	vsub.f32 v41, v42  }
0x34b: {  	v25 =	vsub.f32 v25, v30;
	v38 =	vadd.f32 v19, v22;
	v1 =	vmul.f32 v1, v1  }
0x34c: {  	v18 =	vmul.f32 v47, v47;
	v41 =	vadd.f32 v46, v20;
	v46 =	vadd.f32 v29, v14  }
0x34d: {  	v6 =	vmul.f32 v6, v6;
	v0 =	vadd.f32 v1, v0;
	v1 =	vadd.f32 v31, v13  }
0x34e: {  	v13 =	vmul.f32 v63, v63;
	v2 =	vadd.f32 v18, v2;
	v18 =	vmul.f32 v25, v25  }
0x34f: {  	v45 =	vadd.f32 v9, v8;
	v59 =	vadd.f32 v7, v21;
	v27 =	vmul.f32 v27, v27  }
0x350: {  	v7 =	vmax.f32 v38, $1.000000000e-30;
	v8 =	vmax.f32 v46, $1.000000000e-30;
	v13 =	vadd.f32 v18, v13  }
0x351: {  	v15 =	vmul.f32 $5.000000000e-01, v7;
	v61 =	vadd.f32 v24, v0;
	v62 =	vadd.f32 v27, v1  }
0x352: {  	v0 =	vmul.f32 v10, v10;
	v1 =	vmul.f32 v12, v12;
	v12 =	vmax.f32 v45, $1.000000000e-30  }
0x353: {  	v9 =	vmul.f32 $5.000000000e-01, v8;
	v55 =	vadd.f32 v6, v2;
	v24 =	vshra.s32 v12, $0x1  }
0x354: {  	v43 =	vadd.f32 v0, v11;
	v42 =	vadd.f32 v1, v13;
	v0 =	vmax.f32 v41, $1.000000000e-30  }
0x355: {  	v1 =	vmax.f32 v61, $1.000000000e-30;
	v2 =	vmax.f32 v62, $1.000000000e-30;
	v10 =	vmax.f32 v55, $1.000000000e-30  }
0x356: {  	v11 =	vmax.f32 v59, $1.000000000e-30;
	v19 =	vshra.s32 v0, $0x1;
	v14 =	vmul.f32 $5.000000000e-01, v0  }
0x357: {  	v0 =	vshra.s32 v7, $0x1;
	v20 =	vshra.s32 v1, $0x1;
	v6 =	vmul.f32 $5.000000000e-01, v1  }
0x358: {  	v1 =	vshra.s32 v2, $0x1;
	v7 =	vmul.f32 $5.000000000e-01, v2;
	v2 =	vshra.s32 v8, $0x1  }
0x359: {  	v22 =	vshra.s32 v10, $0x1;
	v63 =	vmul.f32 $5.000000000e-01, v10;
	v23 =	vshra.s32 v11, $0x1  }
0x35a: {  	v47 =	vmul.f32 $5.000000000e-01, v11;
	v11 =	vmul.f32 $5.000000000e-01, v12;
	v13 =	vmax.f32 v43, $1.000000000e-30  }
0x35b: {  	v18 =	vmax.f32 v42, $1.000000000e-30;
	v30 =	vsub.s32 $0x5F3759DF, v19;
	v20 =	vsub.s32 $0x5F3759DF, v20  }
0x35c: {  	v21 =	vsub.s32 $0x5F3759DF, v1;
	v1 =	vsub.s32 $0x5F3759DF, v0;
	v0 =	vsub.s32 $0x5F3759DF, v2  }
0x35d: {  	v19 =	vsub.s32 $0x5F3759DF, v23;
	v25 =	vshra.s32 v13, $0x1;
	v13 =	vmul.f32 $5.000000000e-01, v13  }
0x35e: {  	v39 =	vld [tilespmem:$0x1FCC0];
	v26 =	vshra.s32 v18, $0x1;
	v12 =	vmul.f32 $5.000000000e-01, v18;
	v2 =	vmul.f32 v30, v14  }
0x35f: {  	v36 =	vld [tilespmem:$0x1FCA0];
	v18 =	vsub.s32 $0x5F3759DF, v22;
	v27 =	vmul.f32 v20, v6;
	v28 =	vmul.f32 v1, v15  }
0x360: {  	v40 =	vld [tilespmem:$0x1FC80];
	v29 =	vmul.f32 v21, v7;
	v31 =	vmul.f32 v0, v9;
	v22 =	vsub.s32 $0x5F3759DF, v24  }
0x361: {  	v33 =	vmul.f32 v19, v47;
	v32 =	vmul.f32 v18, v63;
	v23 =	vsub.s32 $0x5F3759DF, v25  }
0x362: {  	v25 =	vmul.f32 v22, v11;
	v24 =	vsub.s32 $0x5F3759DF, v26;
	v34 =	vmul.f32 v23, v13  }
0x363: {  	v39 =	vadd.f32 v49, v39;
	v35 =	vmul.f32 v24, v12;
	v2 =	vmul.f32 v30, v2  }
0x364: {  	v36 =	vadd.f32 v5, v36;
	v5 =	vmul.f32 v20, v27;
	v26 =	vmul.f32 v1, v28  }
0x365: {  	p0 =	sne.s32 s26, $0x1F;
	v40 =	vadd.f32 v16, v40;
	v27 =	vmul.f32 v21, v29;
	v28 =	vmul.f32 v0, v31  }
.Ltmp2:
0x366: {  	v48 =	vld [tilespmem:$0x1FC90];
	v29 =	vmul.f32 v19, v33;
	v17 =	vmul.f32 v18, v32;
	v2 =	vsub.f32 $1.500000000e+00, v2;
	(pc) =	sbr.rel @p0 .LBB3_6-.Ltmp2, $4  }
0x367: {  	v37 =	vld [tilespmem:$0x1FCB0];
	v31 =	vmul.f32 v22, v25;
	v16 =	vsub.f32 $1.500000000e+00, v5;
	v33 =	vsub.f32 $1.500000000e+00, v26  }
0x368: {  	s31 =	sshll.u32 s26, $0x7;
	v49 =	vld [tilespmem:$0x1FCD0];
	v27 =	vsub.f32 $1.500000000e+00, v27;
	v25 =	vsub.f32 $1.500000000e+00, v28;
	v32 =	vmul.f32 v23, v34  }
0x369: {  	s25 =	sadd.s32 $0x10, s25;
	s29 =	sand.u32 $0x3FFFFC00, s31;
	v28 =	vmul.f32 v24, v35;
	v35 =	vld [tilespmem:$0x1FCE0];
	v26 =	vsub.f32 $1.500000000e+00, v17;
	v17 =	vsub.f32 $1.500000000e+00, v29  }
0x36a: {  	s26 =	sadd.s32 $0x1, s26;
	s30 =	sor.u32 s28, s29;
	v5 =	vld [tilespmem:s25+$0x0];
	v29 =	vsub.f32 $1.500000000e+00, v31;
	v30 =	vmul.f32 v30, v2;
	v31 =	vmul.f32 v1, v33  }
0x36b: {  	v1 =	vmul.f32 v20, v16  }
0x36c: {  	v2 =	vmul.f32 v21, v27;
	v16 =	vsub.f32 $1.500000000e+00, v32;
	v0 =	vmul.f32 v0, v25  }
0x36d: {  	v18 =	vmul.f32 v18, v26;
	v20 =	vsub.f32 $1.500000000e+00, v28;
	v19 =	vmul.f32 v19, v17  }
0x36e: {  	v21 =	vmul.f32 v22, v29;
	v17 =	vmul.f32 v31, v15  }
0x36f: {  	v22 =	vmul.f32 v23, v16;
	v20 =	vmul.f32 v24, v20  }
0x370: {  	v16 =	vmul.f32 v30, v14;
	v23 =	vmul.f32 v1, v6  }
0x371: {  	v24 =	vmul.f32 v2, v7;
	v25 =	vmul.f32 v0, v9  }
0x372: {  	v26 =	vmul.f32 v18, v63;
	v27 =	vmul.f32 v19, v47  }
0x373: {  	v28 =	vmul.f32 v21, v11;
	v33 =	vmul.f32 v17, v31  }
0x374: {  	v29 =	vmul.f32 v22, v13;
	v32 =	vmul.f32 v20, v12  }
0x375: {  	v16 =	vmul.f32 v16, v30;
	v23 =	vmul.f32 v23, v1  }
0x376: {  	v24 =	vmul.f32 v24, v2;
	v25 =	vmul.f32 v25, v0  }
0x377: {  	v26 =	vmul.f32 v26, v18;
	v27 =	vmul.f32 v27, v19  }
0x378: {  	v28 =	vmul.f32 v28, v21;
	v33 =	vsub.f32 $1.500000000e+00, v33;
	v34 =	vsub.f32 $1.500000000e+00, v16  }
0x379: {  	v23 =	vsub.f32 $1.500000000e+00, v23;
	v29 =	vmul.f32 v29, v22;
	v24 =	vsub.f32 $1.500000000e+00, v24  }
0x37a: {  	v25 =	vsub.f32 $1.500000000e+00, v25;
	v32 =	vmul.f32 v32, v20;
	v31 =	vmul.f32 v33, v31  }
0x37b: {  	v26 =	vsub.f32 $1.500000000e+00, v26;
	v30 =	vmul.f32 v34, v30;
	v1 =	vmul.f32 v23, v1  }
0x37c: {  	v17 =	vld [tilespmem:s30+$0x11080];
	v27 =	vsub.f32 $1.500000000e+00, v27;
	v2 =	vmul.f32 v24, v2;
	v0 =	vmul.f32 v25, v0  }
0x37d: {  	s24 =	sadd.s32 $0x10000, s30;
	v16 =	vld [tilespmem:s30+$0x11000];
	v18 =	vmul.f32 v26, v18;
	v26 =	vsub.f32 $1.500000000e+00, v28;
	v29 =	vsub.f32 $1.500000000e+00, v29  }
0x37e: {  	v33 =	vld [tilespmem:s24+$0x80];
	v19 =	vmul.f32 v27, v19;
	v27 =	vsub.f32 $1.500000000e+00, v32;
	v15 =	vmul.f32 v31, v15  }
0x37f: {  	v34 =	vld [tilespmem:s30+$0x10000];
	v14 =	vmul.f32 v30, v14;
	v21 =	vmul.f32 v26, v21  }
0x380: {  	v23 =	vld [tilespmem:s24+$0x100];
	v22 =	vmul.f32 v29, v22;
	v20 =	vmul.f32 v27, v20  }
0x381: {  	v24 =	vld [tilespmem:s24+$0x180];
	v6 =	vmul.f32 v1, v6;
	v7 =	vmul.f32 v2, v7  }
0x382: {  	v25 =	vld [tilespmem:s24+$0x200];
	v9 =	vmul.f32 v0, v9;
	v8 =	vmul.f32 v18, v63  }
0x383: {  	v28 =	vld [tilespmem:s24+$0x280];
	v10 =	vmul.f32 v19, v47;
	v15 =	vmul.f32 v15, v31  }
0x384: {  	v32 =	vld [tilespmem:s24+$0x300];
	v14 =	vmul.f32 v14, v30;
	v11 =	vmul.f32 v21, v11  }
0x385: {  	v26 =	vld [tilespmem:s24+$0x380];
	_ =	swait.ge [sflag:s0], $0x800;
	v13 =	vmul.f32 v22, v13;
	v6 =	vmul.f32 v6, v1  }
0x386: {  	vm6 =	veq.s32 v5, $0x0;
	[sflag:s0] =	ssyncset.done $0x0;
	v12 =	vmul.f32 v20, v12;
	v7 =	vmul.f32 v7, v2  }
0x387: {  	vm5 =	veq.s32 v5, $0x1;
	[sflag:s0] =	ssyncadd.s32 $0xFFFFF800;
	v9 =	vmul.f32 v9, v0;
	v8 =	vmul.f32 v8, v18  }
0x388: {  	v10 =	vmul.f32 v10, v19;
	v15 =	vsub.f32 $1.500000000e+00, v15;
	_ =	swait.ge [sflag:s0], $0x800;
	v14 =	vsub.f32 $1.500000000e+00, v14  }
0x389: {  	[sflag:s0] =	ssyncset.done $0x0;
	v6 =	vsub.f32 $1.500000000e+00, v6;
	v11 =	vmul.f32 v11, v21;
	v7 =	vsub.f32 $1.500000000e+00, v7  }
0x38a: {  	v9 =	vsub.f32 $1.500000000e+00, v9;
	v13 =	vmul.f32 v13, v22;
	v12 =	vmul.f32 v12, v20;
	[sflag:s0] =	ssyncadd.s32 $0xFFFFF800  }
0x38b: {  	s31 =	simm.s32 $0x0;
	v8 =	vsub.f32 $1.500000000e+00, v8;
	v15 =	vmul.f32 v15, v31;
	v14 =	vmul.f32 v14, v30;
	_ =	swait.ge [sflag:s0], $0x200  }
0x38c: {  	s25 =	sand.u32 $0x70, s31;
	s24 =	sand.u32 $0x600, s31;
	v10 =	vsub.f32 $1.500000000e+00, v10;
	v1 =	vmul.f32 v6, v1;
	v2 =	vmul.f32 v7, v2;
	[sflag:s0] =	ssyncset.done $0x0  }
0x38d: {  	s24 =	sor.u32 s25, s24;
	v11 =	vsub.f32 $1.500000000e+00, v11;
	v0 =	vmul.f32 v9, v0;
	v13 =	vsub.f32 $1.500000000e+00, v13;
	[sflag:s0] =	ssyncadd.s32 $0xFFFFFE00  }
0x38e: {  	v8 =	vmul.f32 v8, v18;
	v12 =	vsub.f32 $1.500000000e+00, v12;
	v10 =	vmul.f32 v10, v19;
	v6 =	vld [tilespmem:s24+$0x12880]  }
0x38f: {  	vm3 =	veq.s32 v5, $0x2;
	v11 =	vmul.f32 v11, v21;
	v13 =	vmul.f32 v13, v22;
	v7 =	vld [tilespmem:s24+$0x12000]  }
0x390: {  	vm4 =	veq.s32 v5, $0x3;
	v12 =	vmul.f32 v12, v20;
	v1 =	vmul.f32 v1, v61;
	v9 =	vld [tilespmem:s24+$0x12800]  }
0x391: {  	vm0 =	veq.s32 v5, $0x4;
	v2 =	vmul.f32 v2, v62;
	v0 =	vmul.f32 v0, v46;
	v18 =	vld [tilespmem:s24+$0x12080]  }
0x392: {  	v20 =	vadd.f32 v3, v35;
	v3 =	vmul.f32 v8, v55;
	v10 =	vmul.f32 v10, v59;
	v19 =	vld [tilespmem:s24+$0x12100]  }
0x393: {  	vm2 =	veq.s32 v5, $0x5;
	v8 =	vld [tilespmem:s24+$0x12900];
	v12 =	vmul.f32 v12, v42;
	v1 =	vmul.f32 v1, v34  }
0x394: {  	vm1 =	veq.s32 v5, $0x6;
	v2 =	vmul.f32 v2, v33;
	v0 =	vmul.f32 v0, v23  }
0x395: {  	vm7 =	veq.s32 v5, $0x7;
	v3 =	vmul.f32 v3, v24;
	v10 =	vmul.f32 v10, v25  }
0x396: {  	v12 =	vmul.f32 v12, v26;
	v7 =	vsub.f32 v7, v9;
	v6 =	vsub.f32 v18, v6  }
0x397: {  	v9 =	vadd.f32 v4, v37;
	v4 =	vmul.f32 v11, v45;
	v11 =	vmul.f32 v13, v43  }
0x398: {  	v8 =	vsub.f32 v19, v8;
	v7 =	vmul.f32 v7, v7;
	v6 =	vmul.f32 v6, v6  }
0x399: {  	v21 =	vadd.f32 v53, v48;
	v4 =	vmul.f32 v4, v28;
	v11 =	vmul.f32 v11, v32  }
0x39a: {  	v0 =	vadd.f32 v3, v0;
	v6 =	vadd.f32 v6, v7;
	v7 =	vmul.f32 v8, v8  }
0x39b: {  	v3 =	vmul.f32 v15, v38;
	v4 =	vadd.f32 v4, v10;
	v10 =	vadd.f32 v12, v11;
	v11 =	vld [tilespmem:$0x1FEC0]  }
0x39c: {  	v35 =	vimm.f32 $0.0e+00;
	v1 =	vadd.f32 v2, v1;
	v6 =	vadd.f32 v7, v6  }
0x39d: {  	s26 =	simm.s32 $0x40;
	s25 =	simm.s32 $0x10;
	v14 =	vmul.f32 v14, v41;
	v13 =	vsel vm3, $0x3F800000, v35;
	v3 =	vmul.f32 v3, v17  }
0x39e: {  	s24 =	sand.u32 $0x70, s25;
	s25 =	sand.u32 $0x600, s26;
	v0 =	vadd.f32 v0, v1;
	v8 =	vsel vm6, $0x3F800000, v35;
	v22 =	vmax.f32 v6, $1.000000000e-30  }
0x39f: {  	s24 =	sor.u32 s24, s25;
	v1 =	vadd.f32 v10, v4;
	v23 =	vshra.s32 v22, $0x1;
	v22 =	vmul.f32 $5.000000000e-01, v22  }
0x3a0: {  	v5 =	vld [tilespmem:s24+$0x12900];
	v48 =	vadd.f32 v8, v11;
	v8 =	vmul.f32 v14, v16;
	v23 =	vsub.s32 $0x5F3759DF, v23  }
0x3a1: {  	v38 =	vadd.f32 v13, v54;
	v13 =	vld [tilespmem:s24+$0x12100];
	v2 =	vmul.f32 v23, v22  }
0x3a2: {  	v7 =	vsel vm5, $0x3F800000, v35;
	v10 =	vld [tilespmem:s24+$0x12880];
	v0 =	vadd.f32 v1, v0;
	v3 =	vadd.f32 v3, v8  }
0x3a3: {  	v43 =	vadd.f32 v7, v56;
	v7 =	vld [tilespmem:s24+$0x12000];
	v2 =	vmul.f32 v23, v2  }
0x3a4: {  	v0 =	vadd.f32 v3, v0;
	v3 =	vld [tilespmem:$0x1FED0]  }
0x3a5: {  	v1 =	vld [tilespmem:s24+$0x12800];
	v2 =	vsub.f32 $1.500000000e+00, v2  }
0x3a6: {  	v15 =	vadd.f32 v44, v50;
	v18 =	vadd.f32 v51, v49;
	v19 =	vsel vm4, $0x3F800000, v35;
	v8 =	vld [tilespmem:s24+$0x12080]  }
0x3a7: {  	v37 =	vadd.f32 v19, v58;
	v12 =	vsel vm1, $0x3F800000, v35;
	v2 =	vmul.f32 v23, v2  }
0x3a8: {  	v12 =	vadd.f32 v12, v57;
	v4 =	vsel vm0, $0x3F800000, v35;
	v11 =	vsel vm2, $0x3F800000, v35  }
0x3a9: {  	s30 =	simm.s32 $0x20;
	v5 =	vsub.f32 v13, v5;
	s24 =	simm.s32 $0x80;
	v3 =	vadd.f32 v11, v3;
	v11 =	vmul.f32 v2, v22  }
0x3aa: {  	s25 =	sand.u32 $0x70, s30;
	v45 =	vimm.f32 $0.0e+00;
	v4 =	vadd.f32 v4, v60;
	s26 =	sand.u32 $0x600, s24;
	v1 =	vsub.f32 v7, v1  }
0x3ab: {  	v5 =	vmul.f32 v5, v5;
	s25 =	sor.u32 s25, s26;
	v7 =	vsub.f32 v8, v10;
	v11 =	vmul.f32 v11, v2  }
0x3ac: {  	[tilespmem:$0x1FB80] =	vst v12;
	v24 =	vld [tilespmem:s25+$0x12100];
	v12 =	vnsel vm7, $0x0, v0;
	v14 =	vnsel vm6, $0x0, v0;
	v1 =	vmul.f32 v1, v1  }
0x3ad: {  	v26 =	vld [tilespmem:s25+$0x12900];
	v16 =	vnsel vm0, $0x0, v0;
	v7 =	vmul.f32 v7, v7;
	v11 =	vsub.f32 $1.500000000e+00, v11  }
0x3ae: {  	s29 =	simm.s32 $0x0;
	v19 =	vnsel vm2, $0x0, v0;
	v42 =	vadd.f32 v12, v52;
	v8 =	vnsel vm3, $0x0, v0  }
0x3af: {  	v13 =	vadd.f32 v8, v39;
	v8 =	vld [tilespmem:s29+$0x13800];
	v1 =	vadd.f32 v7, v1;
	v2 =	vmul.f32 v11, v2  }
0x3b0: {  	v12 =	vnsel vm5, $0x0, v0;
	v10 =	vnsel vm4, $0x0, v0;
	v44 =	vadd.f32 v14, v36  }
0x3b1: {  	v14 =	vadd.f32 v12, v40;
	v17 =	vadd.f32 v5, v1;
	v7 =	vmul.f32 v2, v22  }
0x3b2: {  	v0 =	vnsel vm1, $0x0, v0;
	v12 =	vadd.f32 v10, v20;
	v24 =	vsub.f32 v24, v26  }
0x3b3: {  	v1 =	vmul.f32 v7, v2;
	v7 =	vadd.f32 v0, v21;
	v0 =	vmax.f32 v17, $1.000000000e-30  }
0x3b4: {  	vm4 =	veq.s32 v8, $0x2;
	v5 =	vshra.s32 v0, $0x1;
	v0 =	vmul.f32 $5.000000000e-01, v0  }
0x3b5: {  	vm0 =	veq.s32 v8, $0x7;
	vm5 =	veq.s32 v8, $0x1;
	v5 =	vsub.s32 $0x5F3759DF, v5  }
0x3b6: {  	vm1 =	veq.s32 v8, $0x3;
	v1 =	vsub.f32 $1.500000000e+00, v1;
	v10 =	vmul.f32 v5, v0  }
0x3b7: {  	vm6 =	veq.s32 v8, $0x4;
	vm2 =	veq.s32 v8, $0x6;
	vm3 =	veq.s32 v8, $0x5  }
0x3b8: {  	v25 =	vsel vm6, $0x3F800000, v35;
	v1 =	vmul.f32 v1, v2;
	v2 =	vmul.f32 v5, v10  }
0x3b9: {  	v23 =	vld [tilespmem:s25+$0x12080];
	v11 =	vadd.f32 v16, v9;
	v9 =	vadd.f32 v19, v18;
	v22 =	vsel vm7, $0x3F800000, v35  }
0x3ba: {  	v36 =	vadd.f32 v22, v15;
	v15 =	vld [tilespmem:s25+$0x12800];
	v18 =	vmul.f32 v1, v6;
	v2 =	vsub.f32 $1.500000000e+00, v2  }
0x3bb: {  	v28 =	vsel vm3, $0x3F800000, v35;
	v41 =	vadd.f32 v25, v45;
	vm7 =	veq.s32 v8, $0x0;
	v1 =	vld [tilespmem:s25+$0x12880]  }
0x3bc: {  	v6 =	vld [tilespmem:s25+$0x12000];
	v10 =	vnsel vm6, $0x0, v18;
	v16 =	vnsel vm7, $0x0, v18;
	v2 =	vmul.f32 v5, v2  }
0x3bd: {  	v19 =	vnsel vm5, $0x0, v18;
	v20 =	vnsel vm4, $0x0, v18;
	v21 =	vadd.f32 v16, v45  }
0x3be: {  	v16 =	vadd.f32 v10, v45;
	v10 =	vnsel vm2, $0x0, v18;
	v27 =	vmul.f32 v2, v0  }
0x3bf: {  	v22 =	vadd.f32 v19, v45;
	v47 =	vadd.f32 v10, v45;
	v10 =	vnsel vm0, $0x0, v18  }
0x3c0: {  	v20 =	vadd.f32 v20, v45;
	v46 =	vadd.f32 v10, v45;
	v10 =	vmul.f32 v27, v2  }
0x3c1: {  	s31 =	simm.s32 $0x10;
	v5 =	vnsel vm1, $0x0, v18;
	v6 =	vsub.f32 v6, v15;
	v1 =	vsub.f32 v23, v1  }
0x3c2: {  	v25 =	vld [tilespmem:s31+$0x13800];
	v8 =	vsel vm5, $0x3F800000, v35;
	v19 =	vadd.f32 v5, v45;
	v10 =	vsub.f32 $1.500000000e+00, v10  }
0x3c3: {  	v5 =	vadd.f32 v28, v45;
	v26 =	vmul.f32 v6, v6;
	v1 =	vmul.f32 v1, v1  }
0x3c4: {  	v15 =	vsel vm7, $0x3F800000, v35;
	v23 =	vsel vm4, $0x3F800000, v35;
	v2 =	vmul.f32 v10, v2  }
0x3c5: {  	v1 =	vadd.f32 v1, v26;
	v10 =	vadd.f32 v8, v45;
	v8 =	vmul.f32 v24, v24  }
0x3c6: {  	v6 =	vadd.f32 v23, v45;
	v24 =	vsel vm1, $0x3F800000, v35;
	v0 =	vmul.f32 v2, v0  }
0x3c7: {  	vm4 =	veq.s32 v25, $0x1;
	v23 =	vadd.f32 v8, v1;
	v8 =	vadd.f32 v24, v45  }
0x3c8: {  	v1 =	vsel vm2, $0x3F800000, v35;
	v24 =	vmul.f32 v0, v2;
	v0 =	vsel vm0, $0x3F800000, v35  }
0x3c9: {  	v39 =	vadd.f32 v1, v45;
	v1 =	vmax.f32 v23, $1.000000000e-30;
	v40 =	vadd.f32 v0, v45  }
0x3ca: {  	v26 =	vshra.s32 v1, $0x1;
	v0 =	vmul.f32 $5.000000000e-01, v1;
	v1 =	vsub.f32 $1.500000000e+00, v24  }
0x3cb: {  	v15 =	vadd.f32 v15, v45;
	vm2 =	veq.s32 v25, $0x2;
	v24 =	vsub.s32 $0x5F3759DF, v26  }
0x3cc: {  	s28 =	simm.s32 $0x30;
	s25 =	simm.s32 $0xC0;
	vm0 =	veq.s32 v25, $0x7;
	v27 =	vmul.f32 v24, v0;
	v26 =	vmul.f32 v1, v2  }
.LBB3_8:
0x3cd: {  	s26 =	smov.u32 s28  }
0x3ce: {  	s29 =	sand.u32 $0x70, s28;
	s30 =	sand.u32 $0x600, s25;
	vm5 =	veq.s32 v25, $0x3;
	vm7 =	veq.s32 v25, $0x4;
	vm1 =	veq.s32 v25, $0x6;
	s26 =	sadd.s32 $0x10, s28  }
0x3cf: {  	p0 =	sne.s32 s28, $0x1F0;
	v2 =	vnsel vm3, $0x0, v18;
	s29 =	sor.u32 s29, s30;
	v1 =	vmul.f32 v24, v27;
	v18 =	vmul.f32 v26, v17;
	v17 =	vmovc v23  }
0x3d0: {  	vm6 =	veq.s32 v25, $0x0;
	vm3 =	veq.s32 v25, $0x5;
	v45 =	vadd.f32 v2, v45;
	v23 =	vld [tilespmem:s29+$0x12880]  }
0x3d1: {  	v25 =	vsel vm4, $0x3F800000, v35;
	v1 =	vsub.f32 $1.500000000e+00, v1;
	v26 =	vnsel vm7, $0x0, v18;
	v2 =	vld [tilespmem:s29+$0x12000]  }
0x3d2: {  	v28 =	vnsel vm6, $0x0, v18;
	v29 =	vnsel vm4, $0x0, v18;
	v30 =	vnsel vm2, $0x0, v18;
	v27 =	vld [tilespmem:s29+$0x12800]  }
0x3d3: {  	v21 =	vadd.f32 v28, v21;
	v1 =	vmul.f32 v24, v1;
	v24 =	vnsel vm5, $0x0, v18;
	v31 =	vld [tilespmem:s29+$0x12080]  }
0x3d4: {  	v32 =	vnsel vm1, $0x0, v18;
	v16 =	vadd.f32 v26, v16;
	v26 =	vsel vm7, $0x3F800000, v35;
	v28 =	vld [tilespmem:s29+$0x12100]  }
0x3d5: {  	v47 =	vadd.f32 v32, v47;
	v32 =	vnsel vm0, $0x0, v18;
	v34 =	vmul.f32 v1, v0;
	v33 =	vld [tilespmem:s29+$0x12900]  }
0x3d6: {  	v22 =	vadd.f32 v29, v22;
	v29 =	vsel vm3, $0x3F800000, v35;
	v46 =	vadd.f32 v32, v46  }
0x3d7: {  	v20 =	vadd.f32 v30, v20;
	v2 =	vsub.f32 v2, v27;
	v27 =	vmul.f32 v34, v1  }
0x3d8: {  	v30 =	vsel vm6, $0x3F800000, v35;
	v19 =	vadd.f32 v24, v19;
	v23 =	vsub.f32 v31, v23  }
0x3d9: {  	v5 =	vadd.f32 v29, v5;
	v24 =	vsub.f32 $1.500000000e+00, v27;
	v27 =	vsel vm2, $0x3F800000, v35  }
0x3da: {  	v2 =	vmul.f32 v2, v2;
	v28 =	vsub.f32 v28, v33;
	v23 =	vmul.f32 v23, v23  }
0x3db: {  	v10 =	vadd.f32 v25, v10;
	v6 =	vadd.f32 v27, v6;
	v1 =	vmul.f32 v24, v1  }
0x3dc: {  	s28 =	sshra.s32 s24, $0x2;
	s24 =	smov.u32 s25;
	v41 =	vadd.f32 v26, v41;
	v2 =	vadd.f32 v23, v2;
	v23 =	vmul.f32 v28, v28  }
0x3dd: {  	v15 =	vadd.f32 v30, v15;
	v24 =	vsel vm5, $0x3F800000, v35;
	v25 =	vld [tilespmem:s28+$0x13800];
	v0 =	vmul.f32 v1, v0  }
0x3de: {  	v8 =	vadd.f32 v24, v8;
	v23 =	vadd.f32 v23, v2;
	v2 =	vsel vm1, $0x3F800000, v35  }
.Ltmp3:
0x3df: {  	v24 =	vmul.f32 v0, v1;
	v39 =	vadd.f32 v2, v39;
	v0 =	vsel vm0, $0x3F800000, v35;
	(pc) =	sbr.rel @p0 .LBB3_8-.Ltmp3, $4  }
0x3e0: {  	v2 =	vmax.f32 v23, $1.000000000e-30;
	v40 =	vadd.f32 v0, v40  }
0x3e1: {  	v26 =	vshra.s32 v2, $0x1;
	v0 =	vmul.f32 $5.000000000e-01, v2;
	v2 =	vsub.f32 $1.500000000e+00, v24  }
0x3e2: {  	v24 =	vsub.s32 $0x5F3759DF, v26;
	vm2 =	veq.s32 v25, $0x2;
	vm0 =	veq.s32 v25, $0x7  }
0x3e3: {  	s25 =	sadd.s32 $0x40, s25;
	s28 =	smov.u32 s26;
	vm4 =	veq.s32 v25, $0x1;
	v27 =	vmul.f32 v24, v0;
	v26 =	vmul.f32 v2, v1  }
0x3e4: {  	_ = 	snop  }
0x3e5: {  	v1 =	vmul.f32 v24, v27;
	_ =	sdelay $0x1  }
0x3e6: {  	v1 =	vsub.f32 $1.500000000e+00, v1;
	_ =	sdelay $0x1  }
0x3e7: {  	v1 =	vmul.f32 v24, v1;
	_ =	sdelay $0x1  }
0x3e8: {  	v2 =	vmul.f32 v1, v0;
	_ =	sdelay $0x1  }
0x3e9: {  	v2 =	vmul.f32 v2, v1;
	_ =	sdelay $0x1  }
0x3ea: {  	v34 =	vld [tilespmem:$0x1FEF0];
	v2 =	vsub.f32 $1.500000000e+00, v2  }
0x3eb: {  	v49 =	vld [tilespmem:$0x1FDF0]  }
0x3ec: {  	v1 =	vmul.f32 v2, v1;
	v2 =	vld [tilespmem:$0x1FF00];
	_ =	sdelay $0x2  }
0x3ed: {  	(xrf2) =	vadd.scan.msk.f32 $0xffff, v34  }
0x3ee: {  	(xrf2) =	vadd.scan.msk.f32 $0xffff, v49  }
0x3ef: {  	(xrf2) =	vadd.scan.msk.f32 $0xffff, v2;
	v2 =	vld [tilespmem:$0x1FE00];
	_ =	sdelay $0x4  }
0x3f0: {  	(xrf2) =	vadd.scan.msk.f32 $0xffff, v2;
	v2 =	vld [tilespmem:$0x1FF10];
	_ =	sdelay $0x4  }
0x3f1: {  	(xrf2) =	vadd.scan.msk.f32 $0xffff, v2;
	v2 =	vld [tilespmem:$0x1FE10];
	_ =	sdelay $0x4  }
0x3f2: {  	(xrf2) =	vadd.scan.msk.f32 $0xffff, v2;
	v2 =	vld [tilespmem:$0x1FF20];
	_ =	sdelay $0x1  }
0x3f3: {  	v0 =	vmul.f32 v1, v0;
	_ =	sdelay $0x1  }
0x3f4: {  	v0 =	vmul.f32 v0, v1  }
0x3f5: {  	(xrf2) =	vadd.scan.msk.f32 $0xffff, v2;
	v2 =	vld [tilespmem:$0x1FE20]  }
0x3f6: {  	v50 =	vld [tilespmem:$0x1FF30];
	v0 =	vsub.f32 $1.500000000e+00, v0  }
0x3f7: {  	v51 =	vld [tilespmem:$0x1FE30]  }
0x3f8: {  	v0 =	vmul.f32 v0, v1;
	v1 =	vld [tilespmem:$0x1FF40];
	_ =	sdelay $0x1  }
0x3f9: {  	(xrf2) =	vadd.scan.msk.f32 $0xffff, v2  }
0x3fa: {  	(xrf2) =	vadd.scan.msk.f32 $0xffff, v50  }
0x3fb: {  	v52 =	vld [tilespmem:$0x1FF50];
	(xrf2) =	vadd.scan.msk.f32 $0xffff, v51  }
0x3fc: {  	v32, _, _ =	vpop (xrf2);
	(xrf2) =	vadd.scan.msk.f32 $0xffff, v1;
	v1 =	vld [tilespmem:$0x1FE50]  }
0x3fd: {  	s24 =	sshra.s32 s24, $0x2;
	v53 =	vld [tilespmem:$0x1FE60]  }
0x3fe: {  	v2 =	vld [tilespmem:s24+$0x13800]  }
0x3ff: {  	v56 =	vld [tilespmem:$0x1FEE0]  }
0x400: {  	v57 =	vld [tilespmem:$0x1FDD0];
	v26 =	vmul.f32 v26, v17  }
0x401: {  	vm11 =	veq.s32 v25, $0x0;
	v33, _, _ =	vpop (xrf2);
	(xrf2) =	vadd.scan.msk.f32 $0xffff, v1  }
0x402: {  	vm5 =	veq.s32 v25, $0x3;
	v0 =	vmul.f32 v0, v23;
	v34, _, _ =	vpop (xrf2);
	v1 =	vnsel vm11, $0x0, v26;
	(xrf2) =	vadd.scan.msk.f32 $0xffff, v52  }
0x403: {  	vm7 =	veq.s32 v25, $0x4;
	v29, _, _ =	vpop (xrf2);
	vm12 =	veq.s32 v2, $0x0;
	v1 =	vadd.f32 v1, v21;
	(xrf2) =	vadd.scan.msk.f32 $0xffff, v53  }
0x404: {  	v18 =	vnsel vm3, $0x0, v18;
	v54 =	vnsel vm4, $0x0, v26;
	v27, _, _ =	vpop (xrf2);
	v55 =	vnsel vm12, $0x0, v0;
	(xrf2) =	vadd.scan.msk.f32 $0xffff, v56  }
0x405: {  	v17 =	vadd.f32 v54, v22;
	v23, _, _ =	vpop (xrf2);
	vm9 =	veq.s32 v2, $0x1;
	v1 =	vadd.f32 v55, v1;
	(xrf2) =	vadd.scan.msk.f32 $0xffff, v57  }
0x406: {  	vm1 =	veq.s32 v25, $0x5;
	v58 =	vnsel vm2, $0x0, v26;
	v24, _, _ =	vpop (xrf2);
	v59 =	vnsel vm9, $0x0, v0;
	(xrf2) =	vadd.scan.msk.f32 $0xffff, v44  }
0x407: {  	vm8 =	veq.s32 v2, $0x2;
	v28 =	vadd.f32 v59, v17;
	v21 =	vadd.f32 v58, v20;
	v22, _, _ =	vpop (xrf2);
	(xrf2) =	vadd.scan.msk.f32 $0xffff, v1  }
0x408: {  	vm13 =	veq.s32 v25, $0x6;
	v60 =	vnsel vm8, $0x0, v0;
	v20, _, _ =	vpop (xrf2);
	v1 =	vnsel vm5, $0x0, v26;
	(xrf2) =	vadd.scan.msk.f32 $0xffff, v14  }
0x409: {  	vm6 =	veq.s32 v2, $0x3;
	v61 =	vadd.f32 v60, v21;
	v17, _, _ =	vpop (xrf2);
	v1 =	vadd.f32 v1, v19;
	(xrf2) =	vadd.scan.msk.f32 $0xffff, v28  }
0x40a: {  	v62 =	vadd.f32 v18, v45;
	v63 =	vnsel vm7, $0x0, v26;
	v44 =	vnsel vm6, $0x0, v0;
	v18, _, _ =	vpop (xrf2);
	(xrf2) =	vadd.scan.msk.f32 $0xffff, v13  }
0x40b: {  	v45 =	vadd.f32 v63, v16;
	vm15 =	veq.s32 v2, $0x4;
	v1 =	vadd.f32 v44, v1;
	v16, _, _ =	vpop (xrf2);
	(xrf2) =	vadd.scan.msk.f32 $0xffff, v61  }
0x40c: {  	v49 =	vnsel vm1, $0x0, v26;
	vm10 =	veq.s32 v2, $0x5;
	v50 =	vnsel vm15, $0x0, v0;
	v14, _, _ =	vpop (xrf2);
	(xrf2) =	vadd.scan.msk.f32 $0xffff, v12  }
0x40d: {  	v51 =	vadd.f32 v50, v45;
	v19 =	vadd.f32 v49, v62;
	v12, _, _ =	vpop (xrf2);
	(xrf2) =	vadd.scan.msk.f32 $0xffff, v1;
	v1 =	vnsel vm13, $0x0, v26  }
0x40e: {  	vm14 =	veq.s32 v2, $0x6;
	v52 =	vnsel vm10, $0x0, v0;
	v13, _, _ =	vpop (xrf2);
	(xrf2) =	vadd.scan.msk.f32 $0xffff, v11;
	v1 =	vadd.f32 v1, v47  }
0x40f: {  	v54 =	vnsel vm14, $0x0, v0;
	v19 =	vadd.f32 v52, v19;
	v11, _, _ =	vpop (xrf2);
	(xrf2) =	vadd.scan.msk.f32 $0xffff, v51  }
0x410: {  	v53 =	vnsel vm0, $0x0, v26;
	v49, _, _ =	vpop (xrf2);
	(xrf2) =	vadd.scan.msk.f32 $0xffff, v9;
	v1 =	vadd.f32 v54, v1  }
0x411: {  	vm3 =	veq.s32 v2, $0x7;
	v55 =	vadd.f32 v53, v46;
	v2, _, _ =	vpop (xrf2);
	(xrf2) =	vadd.scan.msk.f32 $0xffff, v19  }
0x412: {  	v0 =	vnsel vm3, $0x0, v0;
	v50, _, _ =	vpop (xrf2);
	(xrf2) =	vadd.scan.msk.f32 $0xffff, v7  }
0x413: {  	v0 =	vadd.f32 v0, v55;
	v51, _, _ =	vpop (xrf2);
	(xrf2) =	vadd.scan.msk.f32 $0xffff, v1  }
0x414: {  	v1, _, _ =	vpop (xrf2);
	(xrf2) =	vadd.scan.msk.f32 $0xffff, v42  }
0x415: {  	v52, _, _ =	vpop (xrf2);
	(xrf2) =	vadd.scan.msk.f32 $0xffff, v0;
	v0 =	vld [tilespmem:$0x1FF60];
	_ =	sdelay $0x4  }
0x416: {  	v46, _, _ =	vpop (xrf2);
	(xrf2) =	vadd.scan.msk.f32 $0xffff, v0;
	v0 =	vld [tilespmem:$0x1FD80];
	_ =	sdelay $0x4  }
0x417: {  	v42, _, _ =	vpop (xrf2);
	(xrf2) =	vadd.scan.msk.f32 $0xffff, v0;
	v0 =	vld [tilespmem:$0x1FF70];
	_ =	sdelay $0x4  }
0x418: {  	v30, _, _ =	vpop (xrf2);
	(xrf2) =	vadd.scan.msk.f32 $0xffff, v0;
	v0 =	vld [tilespmem:$0x1FD90];
	_ =	sdelay $0x4  }
0x419: {  	v28, _, _ =	vpop (xrf2);
	(xrf2) =	vadd.scan.msk.f32 $0xffff, v0;
	v0 =	vld [tilespmem:$0x1FF80];
	_ =	sdelay $0x4  }
0x41a: {  	v26, _, _ =	vpop (xrf2);
	(xrf2) =	vadd.scan.msk.f32 $0xffff, v0;
	v0 =	vld [tilespmem:$0x1FDA0];
	_ =	sdelay $0x4  }
0x41b: {  	v25, _, _ =	vpop (xrf2);
	(xrf2) =	vadd.scan.msk.f32 $0xffff, v0;
	v0 =	vld [tilespmem:$0x1FF90];
	_ =	sdelay $0x4  }
0x41c: {  	v21, _, _ =	vpop (xrf2);
	(xrf2) =	vadd.scan.msk.f32 $0xffff, v0;
	v0 =	vld [tilespmem:$0x1FDB0];
	_ =	sdelay $0x4  }
0x41d: {  	v19, _, _ =	vpop (xrf2);
	(xrf2) =	vadd.scan.msk.f32 $0xffff, v0;
	v0 =	vld [tilespmem:$0x1FFA0];
	_ =	sdelay $0x4  }
0x41e: {  	v9, _, _ =	vpop (xrf2);
	(xrf2) =	vadd.scan.msk.f32 $0xffff, v0;
	v0 =	vld [tilespmem:$0x1FDC0]  }
0x41f: {  	v31 =	vld [tilespmem:$0x1FFB0]  }
0x420: {  	v56 =	vld [tilespmem:$0x1FE80]  }
0x421: {  	v58 =	vld [tilespmem:$0x1FFC0]  }
0x422: {  	v59 =	vld [tilespmem:$0x1FE90]  }
0x423: {  	v61 =	vld [tilespmem:$0x1FFD0];
	v7, _, _ =	vpop (xrf2);
	(xrf2) =	vadd.scan.msk.f32 $0xffff, v0  }
0x424: {  	v62 =	vld [tilespmem:$0x1FEB0];
	v0, _, _ =	vpop (xrf2);
	(xrf2) =	vadd.scan.msk.f32 $0xffff, v31  }
0x425: {  	v53, _, _ =	vpop (xrf2);
	(xrf2) =	vadd.scan.msk.f32 $0xffff, v56  }
0x426: {  	v57 =	vsel vm11, $0x3F800000, v35;
	v54, _, _ =	vpop (xrf2);
	(xrf2) =	vadd.scan.msk.f32 $0xffff, v58  }
0x427: {  	v15 =	vadd.f32 v57, v15;
	v55, _, _ =	vpop (xrf2);
	(xrf2) =	vadd.scan.msk.f32 $0xffff, v59  }
0x428: {  	v60 =	vsel vm12, $0x3F800000, v35;
	v56, _, _ =	vpop (xrf2);
	(xrf2) =	vadd.scan.msk.f32 $0xffff, v61  }
0x429: {  	v15 =	vadd.f32 v60, v15;
	v57, _, _ =	vpop (xrf2);
	(xrf2) =	vadd.scan.msk.f32 $0xffff, v62  }
0x42a: {  	v32 =	vbroadcast v32, $0xF;
	v58, _, _ =	vpop (xrf2);
	(xrf2) =	vadd.scan.msk.f32 $0xffff, v48  }
0x42b: {  	v63 =	vsel vm4, $0x3F800000, v35;
	v33 =	vbroadcast v33, $0xF;
	v34 =	vbroadcast v34, $0xF;
	v48, _, _ =	vpop (xrf2);
	(xrf2) =	vadd.scan.msk.f32 $0xffff, v15  }
0x42c: {  	v10 =	vadd.f32 v63, v10;
	v29 =	vbroadcast v29, $0xF;
	v27 =	vbroadcast v27, $0xF;
	v59, _, _ =	vpop (xrf2)  }
0x42d: {  	v23 =	vbroadcast v23, $0xF;
	v24 =	vbroadcast v24, $0xF;
	v31 =	vsel vm9, $0x3F800000, v35;
	v47, _, _ =	vpop (xrf2)  }
0x42e: {  	v60 =	vsel vm7, $0x3F800000, v35;
	v10 =	vadd.f32 v31, v10;
	v61 =	vsel vm2, $0x3F800000, v35;
	v44, _, _ =	vpop (xrf2)  }
0x42f: {  	v6 =	vadd.f32 v61, v6;
	v45, _, _ =	vpop (xrf2);
	(xrf2) =	vadd.scan.msk.f32 $0xffff, v43;
	v43 =	vsel vm1, $0x3F800000, v35;
	v35 =	vimm.f32 $0.0e+00  }
0x430: {  	v22 =	vbroadcast v22, $0xF;
	vm11 =	vcmask $0x2720;
	v62 =	vsel vm5, $0x3F800000, v35;
	v31, _, _ =	vpop (xrf2)  }
0x431: {  	v20 =	vbroadcast v20, $0xF;
	v15, _, _ =	vpop (xrf2);
	v8 =	vadd.f32 v62, v8;
	v62 =	vimm.f32 $0.0e+00  }
0x432: {  	v16 =	vbroadcast v16, $0xF;
	v49 =	vbroadcast v49, $0xF;
	(xrf2) =	vadd.scan.msk.f32 $0xffff, v10;
	v10, _, _ =	vpop (xrf2);
	v61 =	vsel vm8, $0x3F800000, v62  }
0x433: {  	v2 =	vbroadcast v2, $0xF;
	v52 =	vbroadcast v52, $0xF;
	v61 =	vadd.f32 v61, v6;
	v6, _, _ =	vpop (xrf2)  }
0x434: {  	v0 =	vbroadcast v0, $0xF;
	vm9 =	vcmask $0x700;
	vm5 =	vmmov $0x1;
	(xrf2) =	vadd.scan.msk.f32 $0xffff, v38;
	v38, _, _ =	vpop (xrf2)  }
0x435: {  	v55 =	vbroadcast v55, $0xF;
	v32 =	vsel vm5, v32, v33;
	v33 =	vbroadcast v53, $0xF;
	v53, _, _ =	vpop (xrf2);
	[tilespmem:$0x1FB70] =	vst v1  }
0x436: {  	vm12 =	vmor vm9, vm11;
	v58 =	vbroadcast v58, $0xF;
	v44 =	vbroadcast v44, $0xF;
	v1 =	vld [tilespmem:$0x1FFE0]  }
0x437: {  	v63 =	vsel vm13, $0x3F800000, v35;
	v35 =	vsel vm0, $0x3F800000, v35;
	v5 =	vadd.f32 v43, v5  }
0x438: {  	vm13 =	vcmask $0xB00;
	v2 =	vsel vm5, v49, v2;
	v49 =	vbroadcast v54, $0xF  }
0x439: {  	v43 =	vadd.f32 v63, v39;
	v39 =	vbroadcast v28, $0xF;
	vm8 =	vcmask $0x2320  }
0x43a: {  	v0 =	vsel vm5, v0, v33;
	v33 =	vbroadcast v50, $0xF;
	vm0 =	vmor vm9, vm8  }
0x43b: {  	vm8 =	vcmask $0x2B20;
	v10 =	vbroadcast v10, $0xF;
	vm7 =	vnez.u8 v1  }
0x43c: {  	vm9 =	vmor vm13, vm8;
	v1 =	vld [tilespmem:$0x1FB70];
	v54, _, _ =	vpop (xrf2);
	v32 =	vsel vm7, v32, v34;
	v34 =	vbroadcast v38, $0xF  }
0x43d: {  	v38 =	vbroadcast v53, $0xF;
	v53 =	vsel vm6, $0x3F800000, v62;
	v50 =	vbroadcast v54, $0xF  }
0x43e: {  	v2 =	vsel vm7, v2, v33;
	v0 =	vsel vm7, v0, v49;
	v49 =	vadd.f32 v35, v40  }
0x43f: {  	v33 =	vbroadcast v30, $0xF;
	v29 =	vsel vm0, v32, v29;
	v0 =	vsel vm0, v0, v55  }
0x440: {  	(xrf2) =	vadd.scan.msk.f32 $0xffff, v61;
	v55 =	vadd.f32 v60, v41;
	v8 =	vadd.f32 v53, v8;
	v60 =	vbroadcast v56, $0xF  }
0x441: {  	v41 =	vsel vm15, $0x3F800000, v62;
	vm15 =	vmor vm13, vm11;
	v53 =	vbroadcast v57, $0xF  }
0x442: {  	v61, _, _ =	vpop (xrf2);
	v56 =	vbroadcast v46, $0xF;
	v46 =	vbroadcast v25, $0xF;
	v34 =	vsel vm5, v34, v38  }
0x443: {  	v38 =	vbroadcast v51, $0xF;
	v51 =	vbroadcast v61, $0xF;
	v61, _, _ =	vpop (xrf2);
	v27 =	vsel vm12, v29, v27  }
0x444: {  	(xrf2) =	vadd.scan.msk.f32 $0xffff, v37;
	v54 =	vsel vm7, v34, v50;
	v37 =	vbroadcast v61, $0xF;
	v0 =	vsel vm12, v0, v60  }
0x445: {  	v50 =	vadd.f32 v41, v55;
	v23 =	vsel vm15, v27, v23;
	v60 =	vbroadcast v42, $0xF  }
0x446: {  	v55 =	vsel vm14, $0x3F800000, v62;
	v61 =	vbroadcast v48, $0xF;
	v34 =	vbroadcast v59, $0xF  }
0x447: {  	(xrf2) =	vadd.scan.msk.f32 $0xffff, v8;
	vm14 =	vcmask $0x1300;
	v41 =	vbroadcast v47, $0xF;
	v42 =	vbroadcast v14, $0xF  }
0x448: {  	v47 =	vbroadcast v45, $0xF;
	v2 =	vsel vm0, v2, v38;
	v32 =	vsel vm0, v54, v51  }
0x449: {  	v1 =	vbroadcast v1, $0xF;
	v51 =	vsel vm10, $0x3F800000, v62;
	vm10 =	vcmask $0xF00  }
0x44a: {  	v23 =	vsel vm9, v23, v24;
	v0 =	vsel vm15, v0, v53;
	vm11 =	vmor vm10, vm8;
	v54, _, _ =	vpop (xrf2);
	(xrf2) =	vadd.scan.msk.f32 $0xffff, v4  }
0x44b: {  	v5 =	vadd.f32 v51, v5;
	v0 =	vsel vm9, v0, v58;
	vm8 =	vcmask $0x3320  }
0x44c: {  	v51 =	vbroadcast v12, $0xF;
	v58 =	vbroadcast v19, $0xF;
	v1 =	vsel vm12, v2, v1  }
0x44d: {  	v2 =	vsel vm12, v32, v37;
	v22 =	vsel vm11, v23, v22;
	vm12 =	vcmask $0x2F20  }
0x44e: {  	v0 =	vsel vm11, v0, v61;
	v32 =	vbroadcast v18, $0xF;
	v37 =	vsel vm3, $0x3F800000, v62;
	v57, _, _ =	vpop (xrf2);
	(xrf2) =	vadd.scan.msk.f32 $0xffff, v50  }
0x44f: {  	v38 =	vld [tilespmem:$0x1FB80];
	vm0 =	vmor vm14, vm8;
	v61 =	vbroadcast v15, $0xF;
	v1 =	vsel vm15, v1, v52  }
0x450: {  	vm13 =	vmor vm10, vm12;
	v52 =	vbroadcast v13, $0xF;
	v35 =	vbroadcast v54, $0xF  }
0x451: {  	v1 =	vsel vm9, v1, v56;
	v20 =	vsel vm13, v22, v20;
	v0 =	vsel vm13, v0, v34;
	v63, _, _ =	vpop (xrf2);
	(xrf2) =	vadd.scan.msk.f32 $0xffff, v3  }
0x452: {  	v4 =	vadd.f32 v55, v43;
	v43 =	vbroadcast v26, $0xF;
	v55 =	vbroadcast v31, $0xF  }
0x453: {  	v1 =	vsel vm11, v1, v60;
	v60 =	vbroadcast v9, $0xF;
	v27 =	vbroadcast v57, $0xF;
	(xrf2) =	vadd.scan.msk.f32 $0xffff, v5  }
0x454: {  	v1 =	vsel vm13, v1, v33;
	v54 =	vbroadcast v21, $0xF;
	v2 =	vsel vm15, v2, v35;
	v35, _, _ =	vpop (xrf2);
	(xrf2) =	vadd.scan.msk.f32 $0xffff, v38  }
0x455: {  	v57 =	vld [tilespmem:$0x1FFF0];
	vm15 =	vmor vm14, vm12;
	v2 =	vsel vm9, v2, v27;
	v3 =	vbroadcast v17, $0xF;
	(xrf2) =	vadd.scan.msk.f32 $0xffff, v4  }
0x456: {  	vm9 =	vcmask $0x1700;
	v1 =	vsel vm15, v1, v39;
	v0 =	vsel vm15, v0, v41  }
0x457: {  	v29 =	vbroadcast v63, $0xF;
	vm10 =	vmor vm9, vm8;
	v5 =	vadd.f32 v37, v49  }
0x458: {  	v1 =	vsel vm0, v1, v43;
	v0 =	vsel vm0, v0, v44;
	v3 =	vsel vm15, v20, v3;
	v40, _, _ =	vpop (xrf2);
	(xrf2) =	vadd.scan.msk.f32 $0xffff, v36  }
0x459: {  	v1 =	vsel vm10, v1, v46;
	v0 =	vsel vm10, v0, v47;
	v2 =	vsel vm11, v2, v29  }
0x45a: {  	v3 =	vsel vm0, v3, v32;
	vm11 =	vcmask $0x3720;
	vm14 =	vnez.u8 v57  }
0x45b: {  	v3 =	vsel vm10, v3, v16;
	vm12 =	vmor vm9, vm11;
	v22 =	vbroadcast v35, $0xF;
	v48, _, _ =	vpop (xrf2);
	(xrf2) =	vadd.scan.msk.f32 $0xffff, v5  }
0x45c: {  	v3 =	vsel vm12, v3, v42;
	v1 =	vsel vm12, v1, v54;
	v18 =	vbroadcast v40, $0xF  }
0x45d: {  	v0 =	vsel vm12, v0, v55;
	v2 =	vsel vm13, v2, v22;
	v49 =	vbroadcast v48, $0xF;
	v50, _, _ =	vpop (xrf2)  }
0x45e: {  	vm13 =	vcmask $0x1B00;
	v2 =	vsel vm15, v2, v18;
	v4 =	vbroadcast v50, $0xF;
	v53, _, _ =	vpop (xrf2)  }
0x45f: {  	vm15 =	vmmov $0x7fff;
	v2 =	vsel vm0, v2, v49;
	v56 =	vbroadcast v53, $0xF;
	v59, _, _ =	vpop (xrf2)  }
0x460: {  	[tilespmem:$0x13A40] =	vst v62;
	vm0 =	vmor vm13, vm11;
	v2 =	vsel vm10, v2, v4;
	v5 =	vbroadcast v59, $0xF  }
0x461: {  	[tilespmem:$0x13A50] =	vst v62;
	v3 =	vsel vm0, v3, v51;
	v1 =	vsel vm0, v1, v58;
	v2 =	vsel vm12, v2, v56  }
0x462: {  	[tilespmem:$0x13A60] =	vst v62;
	v0 =	vsel vm0, v0, v61;
	v3 =	vsel vm14, v3, v52;
	v63, _, _ =	vpop (xrf2);
	v2 =	vsel vm0, v2, v5  }
0x463: {  	[tilespmem:$0x13A70] =	vst v62;
	v1 =	vsel vm14, v1, v60;
	v3 =	vsel vm15, v3, v11;
	v4 =	vbroadcast v63, $0xF  }
0x464: {  	v0 =	vsel vm14, v0, v10;
	v1 =	vsel vm15, v1, v7;
	[tilespmem:$0x13A00] =	vst v3  }
0x465: {  	s23 =	sadd.s32 $0x1, s23;
	v0 =	vsel vm15, v0, v6;
	[tilespmem:$0x13A10] =	vst v1;
	v1 =	vsel vm14, v2, v4;
	v2, _, _ =	vpop (xrf2)  }
0x466: {  	p0 =	sne.s32 s23, s17;
	[tilespmem:$0x13A20] =	vst v0;
	v1 =	vsel vm15, v1, v2  }
.Ltmp4:
0x467: {  	[tilespmem:$0x13A30] =	vst v1;
	(pc) =	sbr.rel @p0 .LBB3_1-.Ltmp4, $4  }
0x468: {  	[hbm4b:s16+s2] =	stream.linear.scatter [tilespmem:s1], [sflag:$0x2], $0x80, $0x38;
	[tilespmem:$0x13A80] =	vst v63  }
0x469: {  	_ =	swait.ge [sflag:s22], $0x80  }
0x46a: {  	[sflag:s22] =	ssyncset.done $0x0  }
0x46b: {  	v2 =	vimm.s32 $0xFFFFFF81;
	v1 =	vlaneseq.u32;
	[sflag:s22] =	ssyncadd.s32 $0xFFFFFF80  }
0x46c: {  	_ =	sfence.sel $0x180000  }
0x46d: {  	[bflag:$0x0] =	sbarrier.arrive $0xFFFF  }
0x46e: {  	_ =	strace $0x90000047  }
0x46f: {  	s0 =	stileid.u32;
	[bflag:$0x2] =	sbarrier.arrive $0xFFFF  }
0x470: {  	p0 =	sne.s32 s0, $0x0;
	s0 =	rddreg [dreg:$0xe]  }
0x471: {  	s0 =	sadd.s32 @!p0 $0x100000, s0  }
0x472: {  	[sflag:s0] =	ssyncadd.tile.s32 @!p0 $0x1;
	_ =	shalt  }
.Lfunc_end3:
_tile_overlayer_lowered:
.L_overlay_start_3:
0x473: {  	(tag) =	ssettag $0x3  }
0x474: {  	s0 =	rddreg [dreg:$0x0];
	s2 =	stileid.u32  }
0x475: {  	s1 =	rddreg [dreg:$0x1];
	p0 =	sne.s32 s2, $0x0  }
0x476: {  	s3 =	rddreg [dreg:$0x2];
	[bflag:$0x3] =	sbarrier.arrive $0xFFFF;
	s2 =	simm.s32 @!p0 $0x1C02  }
0x477: {  	[timem:s3], [sflag:s2] =	dma.local @!p0 [hbm:s0], s1  }
0x478: {  	s0 =	simm.s32 @!p0 $0x2  }
0x479: {  	_ =	swait.ge @!p0 [sflag:s0], s1  }
0x47a: {  	s1 =	ssub.s32 @!p0 $0x0, s1;
	[sflag:s0] =	ssyncset.done @!p0 $0x0  }
0x47b: {  	[sflag:s0] =	ssyncadd.s32 @!p0 s1  }
0x47c: {  	[bflag:$0x3] =	sbarrier.arrive $0xFFFF  }
0x47d: {  	_ =	shalt  }

</sc_bundles>
